<compile_context>
chip_gen: v7x
topology: tpu7x:2x2x1
jax: 0.10.2.dev20260603
libtpu: 0.0.44.dev20260713+nightly
codegen_flags: <defaults>
</compile_context>

<pallas_src>
import jax
import jax.numpy as jnp
from jax import lax
from jax.experimental import pallas as pl
from jax.experimental.pallas import tpu as pltpu
from jax.experimental.pallas import tpu_sc as plsc

_NUM_FIELDS = 26
_EMBED_DIM = 16
_BATCH = 16384
_FIELD_SIZE = 100000
_TOTAL = _NUM_FIELDS * _FIELD_SIZE

_NC = 2
_NS = 16
_NW = _NC * _NS
_SPW = _BATCH // _NW
_CHUNK = 128
_NCHUNKS = _SPW // _CHUNK
_ROWS = _CHUNK * _NUM_FIELDS


def _fm_body(x_hbm, emb_hbm, lin_hbm, out_hbm,
             x_v, idx_v, idx2_v, rows_v, lin_v, out_v, sem_e, sem_l):
  wid = lax.axis_index("s") * _NC + lax.axis_index("c")
  lane = lax.iota(jnp.int32, 16)
  off_lo = lane * _FIELD_SIZE
  off_hi = (lane + 10) * _FIELD_SIZE

  def chunk_body(c, _):
    base = wid * _SPW + c * _CHUNK
    pltpu.sync_copy(x_hbm.at[pl.ds(base, _CHUNK)], x_v)

    def idx_body(i, _):
      lo = x_v[i, pl.ds(0, 16)] + off_lo
      hi = x_v[i, pl.ds(10, 16)] + off_hi
      idx_v[pl.ds(i * _NUM_FIELDS, 16)] = lo
      idx_v[pl.ds(i * _NUM_FIELDS + 10, 16)] = hi
      idx2_v[pl.ds(i * _NUM_FIELDS, 16)] = lo >> 4
      idx2_v[pl.ds(i * _NUM_FIELDS + 10, 16)] = hi >> 4
      return _
    lax.fori_loop(0, _CHUNK, idx_body, None)

    cp_e = pltpu.make_async_copy(emb_hbm.at[idx_v], rows_v, sem_e)
    cp_l = pltpu.make_async_copy(lin_hbm.at[idx2_v], lin_v, sem_l)
    cp_e.start()
    cp_l.start()
    cp_e.wait()
    cp_l.wait()

    def group_body(g, _):
      rowb = lane * _NUM_FIELDS + g * (16 * _NUM_FIELDS)
      acc = jnp.zeros((16,), jnp.float32)
      for f in range(_NUM_FIELDS):
        gidx = plsc.load_gather(idx_v, [rowb + f])
        acc = acc + plsc.load_gather(lin_v, [rowb + f, gidx & 15])
      total = jnp.zeros((16,), jnp.float32)
      for d in range(_EMBED_DIM):
        dsplat = jnp.full((16,), d, jnp.int32)
        v = plsc.load_gather(rows_v, [rowb, dsplat])
        s = v
        ss = v * v
        for f in range(1, _NUM_FIELDS):
          v = plsc.load_gather(rows_v, [rowb + f, dsplat])
          s = s + v
          ss = ss + v * v
        total = total + (s * s - ss)
      out_v[pl.ds(g * 16, 16)] = 0.5 * total + acc
      return _
    lax.fori_loop(0, _CHUNK // 16, group_body, None)

    pltpu.sync_copy(out_v, out_hbm.at[pl.ds(base, _CHUNK)])
    return _

  lax.fori_loop(0, _NCHUNKS, chunk_body, None)


@jax.jit
def _fm(x, emb_table, lin16):
  mesh = plsc.VectorSubcoreMesh(core_axis_name="c", subcore_axis_name="s",
                                num_cores=_NC, num_subcores=_NS)
  f = pl.kernel(
      _fm_body,
      out_type=jax.ShapeDtypeStruct((_BATCH,), jnp.float32),
      mesh=mesh,
      compiler_params=pltpu.CompilerParams(needs_layout_passes=False,
                                           use_tc_tiling_on_sc=False),
      scratch_types=[
          pltpu.VMEM((_CHUNK, _NUM_FIELDS), jnp.int32),
          pltpu.VMEM((_ROWS,), jnp.int32),
          pltpu.VMEM((_ROWS,), jnp.int32),
          pltpu.VMEM((_ROWS, _EMBED_DIM), jnp.float32),
          pltpu.VMEM((_ROWS, 16), jnp.float32),
          pltpu.VMEM((_CHUNK,), jnp.float32),
          pltpu.SemaphoreType.DMA,
          pltpu.SemaphoreType.DMA,
      ],
  )
  return f(x, emb_table, lin16)


def kernel(x, emb_table, lin_weight, bias):
  return _fm(x, emb_table, lin_weight.reshape(_TOTAL // 16, 16)) + bias[0]

# --- scband reference (transcript-rebuilt; emitter-appended) ---
"""Pipeline reference for scband-fm-33363305956008 (READ-ONLY COPY).

The authoritative reference and input builder live on the scoring server;
editing this copy changes nothing except your own understanding.
"""

import jax, jax.numpy as jnp
import numpy as np

FIELD_DIMS = [100000] * 26
EMBED_DIM = 16
BATCH = 16384
NUM_FIELDS = len(FIELD_DIMS)
TOTAL = int(np.sum(FIELD_DIMS))
OFFSETS = np.concatenate(([0], np.cumsum(FIELD_DIMS)[:-1])).astype(np.int32)


def setup_inputs(seed: int = 0) -> dict:
    key = jax.random.key(seed)
    k1, k2, k3 = jax.random.split(key, 3)
    x = jax.random.randint(k1, (BATCH, NUM_FIELDS), 0, 100000, dtype=jnp.int32)
    emb_table = jax.random.normal(k2, (TOTAL, EMBED_DIM), dtype=jnp.float32) * 0.01
    lin_weight = jax.random.normal(k3, (TOTAL, 1), dtype=jnp.float32) * 0.01
    bias = jnp.zeros((1,), dtype=jnp.float32)
    return {"x": x, "emb_table": emb_table, "lin_weight": lin_weight, "bias": bias}


def reference(x, emb_table, lin_weight, bias):
    offsets = jnp.asarray(OFFSETS, dtype=x.dtype)
    idx = x + offsets[None, :]  # [B, F], global row indices into shared tables
    # FeaturesLinear: sum of per-feature scalar weights + bias -> [B, 1]
    y_linear = jnp.sum(jnp.take(lin_weight, idx, axis=0), axis=1) + bias
    # FeaturesEmbedding: gather dense embeddings -> [B, F, D]
    embed_x = jnp.take(emb_table, idx, axis=0)
    # PairwiseInteraction: 0.5 * sum_d((sum_f v)^2 - sum_f v^2) -> [B, 1]
    square_of_sum = jnp.sum(embed_x, axis=1) ** 2  # [B, D]
    sum_of_square = jnp.sum(embed_x ** 2, axis=1)  # [B, D]
    y_interaction = 0.5 * jnp.sum(square_of_sum - sum_of_square, axis=1, keepdims=True)
    y = y_linear + y_interaction  # [B, 1]
    return jnp.squeeze(y, axis=1)  # [B]

if __name__ == "__main__":
    import jax
    _d = setup_inputs()
    print(jax.jit(kernel)(*tuple(_d.values())))

</pallas_src>

<mosaic_0001>
#map = affine_map<(d0, d1) -> (0, 0)>
#map1 = affine_map<(d0, d1) -> (0)>
module attributes {stable_mosaic.version = 14 : i64} {
  func.func @_fm_body(%arg0: i32, %arg1: i32, %arg2: memref<16384x26xi32, #tpu.memory_space<hbm>>, %arg3: memref<2600000x16xf32, #tpu.memory_space<hbm>>, %arg4: memref<162500x16xf32, #tpu.memory_space<hbm>>, %arg5: memref<16384xf32, #tpu.memory_space<hbm>>, %arg6: memref<128x26xi32, #tpu.memory_space<vmem>>, %arg7: memref<3328xi32, #tpu.memory_space<vmem>>, %arg8: memref<3328xi32, #tpu.memory_space<vmem>>, %arg9: memref<3328x16xf32, #tpu.memory_space<vmem>>, %arg10: memref<3328x16xf32, #tpu.memory_space<vmem>>, %arg11: memref<128xf32, #tpu.memory_space<vmem>>, %arg12: memref<!tpu.dma_semaphore, #tpu.memory_space<semaphore_mem>>, %arg13: memref<!tpu.dma_semaphore, #tpu.memory_space<semaphore_mem>>) attributes {dimension_semantics = [#tpu.dimension_semantics<core_parallel>, #tpu.dimension_semantics<subcore_parallel>], iteration_bounds = array<i64: 2, 16>, scalar_prefetch = 0 : i64, scratch_operands = 8 : i64, tpu.core_type = #tpu.core_type<sc_vector_subcore>, window_params = [{transform_indices = #map}, {transform_indices = #map}, {transform_indices = #map}, {transform_indices = #map1}]} {
    %mul3A = arith.constant 2 : i32
    %mul3A_0 = arith.muli %arg1, %mul3A : i32
    %add3A = arith.addi %mul3A_0, %arg0 : i32
    %iota3A = tpu.iota {dimensions = array<i32: 0>} : vector<16xi32>
    %mul3A_1 = arith.constant 100000 : i32
    %mul3A_2 = vector.broadcast %mul3A_1 : i32 to vector<16xi32>
    %mul3A_3 = arith.muli %iota3A, %mul3A_2 : vector<16xi32>
    %add3A_4 = arith.constant 10 : i32
    %add3A_5 = vector.broadcast %add3A_4 : i32 to vector<16xi32>
    %add3A_6 = arith.addi %iota3A, %add3A_5 : vector<16xi32>
    %mul3A_7 = arith.constant 100000 : i32
    %mul3A_8 = vector.broadcast %mul3A_7 : i32 to vector<16xi32>
    %mul3A_9 = arith.muli %add3A_6, %mul3A_8 : vector<16xi32>
    %scan3A = arith.constant 0 : i32
    %scan3A_10 = arith.constant 4 : i32
    %scan3A_11 = arith.addi %scan3A, %scan3A_10 : i32
    %scan3A_12 = arith.constant 1 : i32
    scf.for %scan3A_14 = %scan3A to %scan3A_11 step %scan3A_12  : i32 {
      %mul3A_15 = arith.constant 512 : i32
      %mul3A_16 = arith.muli %add3A, %mul3A_15 : i32
      %mul3A_17 = arith.constant 128 : i32
      %mul3A_18 = arith.muli %scan3A_14, %mul3A_17 : i32
      %add3A_19 = arith.addi %mul3A_16, %mul3A_18 : i32
      "tpu.region"() ({
        %run_scoped3A = tpu.sem_alloc : memref<!tpu.dma_semaphore, #tpu.memory_space<semaphore_mem>>
        %dma_start3A_40 = arith.constant 0 : i32
        %dma_start3A_41 = tpu.memref_slice %arg2[%add3A_19, %dma_start3A_40] : memref<16384x26xi32, #tpu.memory_space<hbm>> -> memref<128x26xi32, #tpu.memory_space<hbm>>
        %dma_start3A_42 = arith.constant 0 : i32
        %dma_start3A_43 = tpu.memref_slice %arg2[%add3A_19, %dma_start3A_42] : memref<16384x26xi32, #tpu.memory_space<hbm>> -> memref<128x26xi32, #tpu.memory_space<hbm>>
        tpu.enqueue_dma source(%dma_start3A_43 : memref<128x26xi32, #tpu.memory_space<hbm>>) target(%arg6 : memref<128x26xi32, #tpu.memory_space<vmem>>) target_semaphore(%run_scoped3A : memref<!tpu.dma_semaphore, #tpu.memory_space<semaphore_mem>>)
        %dma_wait3A_44 = arith.constant 0 : i32
        %dma_wait3A_45 = tpu.memref_slice %arg2[%add3A_19, %dma_wait3A_44] : memref<16384x26xi32, #tpu.memory_space<hbm>> -> memref<128x26xi32, #tpu.memory_space<hbm>>
        %dma_wait3A_46 = arith.constant 0 : i32
        %dma_wait3A_47 = tpu.memref_slice %arg2[%add3A_19, %dma_wait3A_46] : memref<16384x26xi32, #tpu.memory_space<hbm>> -> memref<128x26xi32, #tpu.memory_space<hbm>>
        tpu.wait_dma2 semaphore(%run_scoped3A : memref<!tpu.dma_semaphore, #tpu.memory_space<semaphore_mem>>) src(%dma_wait3A_47 : memref<128x26xi32, #tpu.memory_space<hbm>>) dst(%arg6 : memref<128x26xi32, #tpu.memory_space<vmem>>)
        tpu.yield
      }) : () -> ()
      %scan3A_20 = arith.constant 0 : i32
      %scan3A_21 = arith.constant 128 : i32
      %scan3A_22 = arith.addi %scan3A_20, %scan3A_21 : i32
      %scan3A_23 = arith.constant 1 : i32
      scf.for %scan3A_40 = %scan3A_20 to %scan3A_22 step %scan3A_23  : i32 {
        %get3A = arith.index_cast %scan3A_40 : i32 to index
        %get3A_41 = arith.constant 0 : index
        %get3A_42 = tpu.vector_load %arg6[%get3A, %get3A_41] {strides = array<i32>} : memref<128x26xi32, #tpu.memory_space<vmem>>, vector<16xi32>,
        %add3A_43 = arith.addi %get3A_42, %mul3A_3 : vector<16xi32>
        %get3A_44 = arith.index_cast %scan3A_40 : i32 to index
        %get3A_45 = arith.constant 10 : index
        %get3A_46 = tpu.vector_load %arg6[%get3A_44, %get3A_45] {strides = array<i32>} : memref<128x26xi32, #tpu.memory_space<vmem>>, vector<16xi32>,
        %add3A_47 = arith.addi %get3A_46, %mul3A_9 : vector<16xi32>
        %mul3A_48 = arith.constant 26 : i32
        %mul3A_49 = arith.muli %scan3A_40, %mul3A_48 : i32
        %swap3A = arith.index_cast %mul3A_49 : i32 to index
        %swap3A_50 = tpu.vector_load %arg7[%swap3A] {strides = array<i32>} : memref<3328xi32, #tpu.memory_space<vmem>>, vector<16xi32>,
        tpu.vector_store %arg7[%swap3A], %add3A_43 {strides = array<i32>} : memref<3328xi32, #tpu.memory_space<vmem>>, vector<16xi32>,
        %mul3A_51 = arith.constant 26 : i32
        %mul3A_52 = arith.muli %scan3A_40, %mul3A_51 : i32
        %add3A_53 = arith.constant 10 : i32
        %add3A_54 = arith.addi %mul3A_52, %add3A_53 : i32
        %swap3A_55 = arith.index_cast %add3A_54 : i32 to index
        %swap3A_56 = tpu.vector_load %arg7[%swap3A_55] {strides = array<i32>} : memref<3328xi32, #tpu.memory_space<vmem>>, vector<16xi32>,
        tpu.vector_store %arg7[%swap3A_55], %add3A_47 {strides = array<i32>} : memref<3328xi32, #tpu.memory_space<vmem>>, vector<16xi32>,
        %shift_right_arithmetic3A = arith.constant 4 : i32
        %shift_right_arithmetic3A_57 = vector.broadcast %shift_right_arithmetic3A : i32 to vector<16xi32>
        %shift_right_arithmetic3A_58 = arith.shrsi %add3A_43, %shift_right_arithmetic3A_57 : vector<16xi32>
        %mul3A_59 = arith.constant 26 : i32
        %mul3A_60 = arith.muli %scan3A_40, %mul3A_59 : i32
        %swap3A_61 = arith.index_cast %mul3A_60 : i32 to index
        %swap3A_62 = tpu.vector_load %arg8[%swap3A_61] {strides = array<i32>} : memref<3328xi32, #tpu.memory_space<vmem>>, vector<16xi32>,
        tpu.vector_store %arg8[%swap3A_61], %shift_right_arithmetic3A_58 {strides = array<i32>} : memref<3328xi32, #tpu.memory_space<vmem>>, vector<16xi32>,
        %shift_right_arithmetic3A_63 = arith.constant 4 : i32
        %shift_right_arithmetic3A_64 = vector.broadcast %shift_right_arithmetic3A_63 : i32 to vector<16xi32>
        %shift_right_arithmetic3A_65 = arith.shrsi %add3A_47, %shift_right_arithmetic3A_64 : vector<16xi32>
        %mul3A_66 = arith.constant 26 : i32
        %mul3A_67 = arith.muli %scan3A_40, %mul3A_66 : i32
        %add3A_68 = arith.constant 10 : i32
        %add3A_69 = arith.addi %mul3A_67, %add3A_68 : i32
        %swap3A_70 = arith.index_cast %add3A_69 : i32 to index
        %swap3A_71 = tpu.vector_load %arg8[%swap3A_70] {strides = array<i32>} : memref<3328xi32, #tpu.memory_space<vmem>>, vector<16xi32>,
        tpu.vector_store %arg8[%swap3A_70], %shift_right_arithmetic3A_65 {strides = array<i32>} : memref<3328xi32, #tpu.memory_space<vmem>>, vector<16xi32>,
      }
      %scan3A_24 = arith.constant 128 : i32
      %dma_start3A = arith.constant 0 : i32
      %dma_start3A_25 = arith.constant 0 : i32
      %dma_start3A_26 = tpu.memref_slice %arg3[%dma_start3A, %dma_start3A_25] : memref<2600000x16xf32, #tpu.memory_space<hbm>> -> memref<2600000x16xf32, #tpu.memory_space<hbm>>
      tpu.enqueue_indirect_dma source(%dma_start3A_26 : memref<2600000x16xf32, #tpu.memory_space<hbm>>) target(%arg9 : memref<3328x16xf32, #tpu.memory_space<vmem>>) offsets(%arg7 : memref<3328xi32, #tpu.memory_space<vmem>>) semaphore(%arg12 : memref<!tpu.dma_semaphore, #tpu.memory_space<semaphore_mem>>)
      %dma_start3A_27 = arith.constant 0 : i32
      %dma_start3A_28 = arith.constant 0 : i32
      %dma_start3A_29 = tpu.memref_slice %arg4[%dma_start3A_27, %dma_start3A_28] : memref<162500x16xf32, #tpu.memory_space<hbm>> -> memref<162500x16xf32, #tpu.memory_space<hbm>>
      tpu.enqueue_indirect_dma source(%dma_start3A_29 : memref<162500x16xf32, #tpu.memory_space<hbm>>) target(%arg10 : memref<3328x16xf32, #tpu.memory_space<vmem>>) offsets(%arg8 : memref<3328xi32, #tpu.memory_space<vmem>>) semaphore(%arg13 : memref<!tpu.dma_semaphore, #tpu.memory_space<semaphore_mem>>)
      %dma_wait3A = arith.constant 0 : i32
      %dma_wait3A_30 = arith.constant 0 : i32
      %dma_wait3A_31 = tpu.memref_slice %arg3[%dma_wait3A, %dma_wait3A_30] : memref<2600000x16xf32, #tpu.memory_space<hbm>> -> memref<2600000x16xf32, #tpu.memory_space<hbm>>
      tpu.wait_indirect_dma semaphore(%arg12 : memref<!tpu.dma_semaphore, #tpu.memory_space<semaphore_mem>>) src(%dma_wait3A_31 : memref<2600000x16xf32, #tpu.memory_space<hbm>>) dst(%arg9 : memref<3328x16xf32, #tpu.memory_space<vmem>>)
      %dma_wait3A_32 = arith.constant 0 : i32
      %dma_wait3A_33 = arith.constant 0 : i32
      %dma_wait3A_34 = tpu.memref_slice %arg4[%dma_wait3A_32, %dma_wait3A_33] : memref<162500x16xf32, #tpu.memory_space<hbm>> -> memref<162500x16xf32, #tpu.memory_space<hbm>>
      tpu.wait_indirect_dma semaphore(%arg13 : memref<!tpu.dma_semaphore, #tpu.memory_space<semaphore_mem>>) src(%dma_wait3A_34 : memref<162500x16xf32, #tpu.memory_space<hbm>>) dst(%arg10 : memref<3328x16xf32, #tpu.memory_space<vmem>>)
      %scan3A_35 = arith.constant 0 : i32
      %scan3A_36 = arith.constant 8 : i32
      %scan3A_37 = arith.addi %scan3A_35, %scan3A_36 : i32
      %scan3A_38 = arith.constant 1 : i32
      scf.for %scan3A_40 = %scan3A_35 to %scan3A_37 step %scan3A_38  : i32 {
        %mul3A_41 = arith.constant 26 : i32
        %mul3A_42 = vector.broadcast %mul3A_41 : i32 to vector<16xi32>
        %mul3A_43 = arith.muli %iota3A, %mul3A_42 : vector<16xi32>
        %mul3A_44 = arith.constant 416 : i32
        %mul3A_45 = arith.muli %scan3A_40, %mul3A_44 : i32
        %add3A_46 = vector.broadcast %mul3A_45 : i32 to vector<16xi32>
        %add3A_47 = arith.addi %mul3A_43, %add3A_46 : vector<16xi32>
        %broadcast_in_dim3A = arith.constant 0.000000e+00 : f32
        %broadcast_in_dim3A_48 = vector.broadcast %broadcast_in_dim3A : f32 to vector<16xf32>
        %add3A_49 = arith.constant 0 : i32
        %add3A_50 = vector.broadcast %add3A_49 : i32 to vector<16xi32>
        %add3A_51 = arith.addi %add3A_47, %add3A_50 : vector<16xi32>
        %gather3A = tpu.vector_load_idx %arg7[%add3A_51] : memref<3328xi32, #tpu.memory_space<vmem>>[vector<16xi32>], vector<16xi32>,
        %add3A_52 = arith.constant 0 : i32
        %add3A_53 = vector.broadcast %add3A_52 : i32 to vector<16xi32>
        %add3A_54 = arith.addi %add3A_47, %add3A_53 : vector<16xi32>
        %and3A = arith.constant 15 : i32
        %and3A_55 = vector.broadcast %and3A : i32 to vector<16xi32>
        %and3A_56 = arith.andi %gather3A, %and3A_55 : vector<16xi32>
        %gather3A_57 = tpu.vector_load_idx %arg10[%add3A_54, %and3A_56] : memref<3328x16xf32, #tpu.memory_space<vmem>>[vector<16xi32>, vector<16xi32>], vector<16xf32>,
        %add3A_58 = arith.addf %broadcast_in_dim3A_48, %gather3A_57 : vector<16xf32>
        %add3A_59 = arith.constant 1 : i32
        %add3A_60 = vector.broadcast %add3A_59 : i32 to vector<16xi32>
        %add3A_61 = arith.addi %add3A_47, %add3A_60 : vector<16xi32>
        %gather3A_62 = tpu.vector_load_idx %arg7[%add3A_61] : memref<3328xi32, #tpu.memory_space<vmem>>[vector<16xi32>], vector<16xi32>,
        %add3A_63 = arith.constant 1 : i32
        %add3A_64 = vector.broadcast %add3A_63 : i32 to vector<16xi32>
        %add3A_65 = arith.addi %add3A_47, %add3A_64 : vector<16xi32>
        %and3A_66 = arith.constant 15 : i32
        %and3A_67 = vector.broadcast %and3A_66 : i32 to vector<16xi32>
        %and3A_68 = arith.andi %gather3A_62, %and3A_67 : vector<16xi32>
        %gather3A_69 = tpu.vector_load_idx %arg10[%add3A_65, %and3A_68] : memref<3328x16xf32, #tpu.memory_space<vmem>>[vector<16xi32>, vector<16xi32>], vector<16xf32>,
        %add3A_70 = arith.addf %add3A_58, %gather3A_69 : vector<16xf32>
        %add3A_71 = arith.constant 2 : i32
        %add3A_72 = vector.broadcast %add3A_71 : i32 to vector<16xi32>
        %add3A_73 = arith.addi %add3A_47, %add3A_72 : vector<16xi32>
        %gather3A_74 = tpu.vector_load_idx %arg7[%add3A_73] : memref<3328xi32, #tpu.memory_space<vmem>>[vector<16xi32>], vector<16xi32>,
        %add3A_75 = arith.constant 2 : i32
        %add3A_76 = vector.broadcast %add3A_75 : i32 to vector<16xi32>
        %add3A_77 = arith.addi %add3A_47, %add3A_76 : vector<16xi32>
        %and3A_78 = arith.constant 15 : i32
        %and3A_79 = vector.broadcast %and3A_78 : i32 to vector<16xi32>
        %and3A_80 = arith.andi %gather3A_74, %and3A_79 : vector<16xi32>
        %gather3A_81 = tpu.vector_load_idx %arg10[%add3A_77, %and3A_80] : memref<3328x16xf32, #tpu.memory_space<vmem>>[vector<16xi32>, vector<16xi32>], vector<16xf32>,
        %add3A_82 = arith.addf %add3A_70, %gather3A_81 : vector<16xf32>
        %add3A_83 = arith.constant 3 : i32
        %add3A_84 = vector.broadcast %add3A_83 : i32 to vector<16xi32>
        %add3A_85 = arith.addi %add3A_47, %add3A_84 : vector<16xi32>
        %gather3A_86 = tpu.vector_load_idx %arg7[%add3A_85] : memref<3328xi32, #tpu.memory_space<vmem>>[vector<16xi32>], vector<16xi32>,
        %add3A_87 = arith.constant 3 : i32
        %add3A_88 = vector.broadcast %add3A_87 : i32 to vector<16xi32>
        %add3A_89 = arith.addi %add3A_47, %add3A_88 : vector<16xi32>
        %and3A_90 = arith.constant 15 : i32
        %and3A_91 = vector.broadcast %and3A_90 : i32 to vector<16xi32>
        %and3A_92 = arith.andi %gather3A_86, %and3A_91 : vector<16xi32>
        %gather3A_93 = tpu.vector_load_idx %arg10[%add3A_89, %and3A_92] : memref<3328x16xf32, #tpu.memory_space<vmem>>[vector<16xi32>, vector<16xi32>], vector<16xf32>,
        %add3A_94 = arith.addf %add3A_82, %gather3A_93 : vector<16xf32>
        %add3A_95 = arith.constant 4 : i32
        %add3A_96 = vector.broadcast %add3A_95 : i32 to vector<16xi32>
        %add3A_97 = arith.addi %add3A_47, %add3A_96 : vector<16xi32>
        %gather3A_98 = tpu.vector_load_idx %arg7[%add3A_97] : memref<3328xi32, #tpu.memory_space<vmem>>[vector<16xi32>], vector<16xi32>,
        %add3A_99 = arith.constant 4 : i32
        %add3A_100 = vector.broadcast %add3A_99 : i32 to vector<16xi32>
        %add3A_101 = arith.addi %add3A_47, %add3A_100 : vector<16xi32>
        %and3A_102 = arith.constant 15 : i32
        %and3A_103 = vector.broadcast %and3A_102 : i32 to vector<16xi32>
        %and3A_104 = arith.andi %gather3A_98, %and3A_103 : vector<16xi32>
        %gather3A_105 = tpu.vector_load_idx %arg10[%add3A_101, %and3A_104] : memref<3328x16xf32, #tpu.memory_space<vmem>>[vector<16xi32>, vector<16xi32>], vector<16xf32>,
        %add3A_106 = arith.addf %add3A_94, %gather3A_105 : vector<16xf32>
        %add3A_107 = arith.constant 5 : i32
        %add3A_108 = vector.broadcast %add3A_107 : i32 to vector<16xi32>
        %add3A_109 = arith.addi %add3A_47, %add3A_108 : vector<16xi32>
        %gather3A_110 = tpu.vector_load_idx %arg7[%add3A_109] : memref<3328xi32, #tpu.memory_space<vmem>>[vector<16xi32>], vector<16xi32>,
        %add3A_111 = arith.constant 5 : i32
        %add3A_112 = vector.broadcast %add3A_111 : i32 to vector<16xi32>
        %add3A_113 = arith.addi %add3A_47, %add3A_112 : vector<16xi32>
        %and3A_114 = arith.constant 15 : i32
        %and3A_115 = vector.broadcast %and3A_114 : i32 to vector<16xi32>
        %and3A_116 = arith.andi %gather3A_110, %and3A_115 : vector<16xi32>
        %gather3A_117 = tpu.vector_load_idx %arg10[%add3A_113, %and3A_116] : memref<3328x16xf32, #tpu.memory_space<vmem>>[vector<16xi32>, vector<16xi32>], vector<16xf32>,
        %add3A_118 = arith.addf %add3A_106, %gather3A_117 : vector<16xf32>
        %add3A_119 = arith.constant 6 : i32
        %add3A_120 = vector.broadcast %add3A_119 : i32 to vector<16xi32>
        %add3A_121 = arith.addi %add3A_47, %add3A_120 : vector<16xi32>
        %gather3A_122 = tpu.vector_load_idx %arg7[%add3A_121] : memref<3328xi32, #tpu.memory_space<vmem>>[vector<16xi32>], vector<16xi32>,
        %add3A_123 = arith.constant 6 : i32
        %add3A_124 = vector.broadcast %add3A_123 : i32 to vector<16xi32>
        %add3A_125 = arith.addi %add3A_47, %add3A_124 : vector<16xi32>
        %and3A_126 = arith.constant 15 : i32
        %and3A_127 = vector.broadcast %and3A_126 : i32 to vector<16xi32>
        %and3A_128 = arith.andi %gather3A_122, %and3A_127 : vector<16xi32>
        %gather3A_129 = tpu.vector_load_idx %arg10[%add3A_125, %and3A_128] : memref<3328x16xf32, #tpu.memory_space<vmem>>[vector<16xi32>, vector<16xi32>], vector<16xf32>,
        %add3A_130 = arith.addf %add3A_118, %gather3A_129 : vector<16xf32>
        %add3A_131 = arith.constant 7 : i32
        %add3A_132 = vector.broadcast %add3A_131 : i32 to vector<16xi32>
        %add3A_133 = arith.addi %add3A_47, %add3A_132 : vector<16xi32>
        %gather3A_134 = tpu.vector_load_idx %arg7[%add3A_133] : memref<3328xi32, #tpu.memory_space<vmem>>[vector<16xi32>], vector<16xi32>,
        %add3A_135 = arith.constant 7 : i32
        %add3A_136 = vector.broadcast %add3A_135 : i32 to vector<16xi32>
        %add3A_137 = arith.addi %add3A_47, %add3A_136 : vector<16xi32>
        %and3A_138 = arith.constant 15 : i32
        %and3A_139 = vector.broadcast %and3A_138 : i32 to vector<16xi32>
        %and3A_140 = arith.andi %gather3A_134, %and3A_139 : vector<16xi32>
        %gather3A_141 = tpu.vector_load_idx %arg10[%add3A_137, %and3A_140] : memref<3328x16xf32, #tpu.memory_space<vmem>>[vector<16xi32>, vector<16xi32>], vector<16xf32>,
        %add3A_142 = arith.addf %add3A_130, %gather3A_141 : vector<16xf32>
        %add3A_143 = arith.constant 8 : i32
        %add3A_144 = vector.broadcast %add3A_143 : i32 to vector<16xi32>
        %add3A_145 = arith.addi %add3A_47, %add3A_144 : vector<16xi32>
        %gather3A_146 = tpu.vector_load_idx %arg7[%add3A_145] : memref<3328xi32, #tpu.memory_space<vmem>>[vector<16xi32>], vector<16xi32>,
        %add3A_147 = arith.constant 8 : i32
        %add3A_148 = vector.broadcast %add3A_147 : i32 to vector<16xi32>
        %add3A_149 = arith.addi %add3A_47, %add3A_148 : vector<16xi32>
        %and3A_150 = arith.constant 15 : i32
        %and3A_151 = vector.broadcast %and3A_150 : i32 to vector<16xi32>
        %and3A_152 = arith.andi %gather3A_146, %and3A_151 : vector<16xi32>
        %gather3A_153 = tpu.vector_load_idx %arg10[%add3A_149, %and3A_152] : memref<3328x16xf32, #tpu.memory_space<vmem>>[vector<16xi32>, vector<16xi32>], vector<16xf32>,
        %add3A_154 = arith.addf %add3A_142, %gather3A_153 : vector<16xf32>
        %add3A_155 = arith.constant 9 : i32
        %add3A_156 = vector.broadcast %add3A_155 : i32 to vector<16xi32>
        %add3A_157 = arith.addi %add3A_47, %add3A_156 : vector<16xi32>
        %gather3A_158 = tpu.vector_load_idx %arg7[%add3A_157] : memref<3328xi32, #tpu.memory_space<vmem>>[vector<16xi32>], vector<16xi32>,
        %add3A_159 = arith.constant 9 : i32
        %add3A_160 = vector.broadcast %add3A_159 : i32 to vector<16xi32>
        %add3A_161 = arith.addi %add3A_47, %add3A_160 : vector<16xi32>
        %and3A_162 = arith.constant 15 : i32
        %and3A_163 = vector.broadcast %and3A_162 : i32 to vector<16xi32>
        %and3A_164 = arith.andi %gather3A_158, %and3A_163 : vector<16xi32>
        %gather3A_165 = tpu.vector_load_idx %arg10[%add3A_161, %and3A_164] : memref<3328x16xf32, #tpu.memory_space<vmem>>[vector<16xi32>, vector<16xi32>], vector<16xf32>,
        %add3A_166 = arith.addf %add3A_154, %gather3A_165 : vector<16xf32>
        %add3A_167 = arith.constant 10 : i32
        %add3A_168 = vector.broadcast %add3A_167 : i32 to vector<16xi32>
        %add3A_169 = arith.addi %add3A_47, %add3A_168 : vector<16xi32>
        %gather3A_170 = tpu.vector_load_idx %arg7[%add3A_169] : memref<3328xi32, #tpu.memory_space<vmem>>[vector<16xi32>], vector<16xi32>,
        %add3A_171 = arith.constant 10 : i32
        %add3A_172 = vector.broadcast %add3A_171 : i32 to vector<16xi32>
        %add3A_173 = arith.addi %add3A_47, %add3A_172 : vector<16xi32>
        %and3A_174 = arith.constant 15 : i32
        %and3A_175 = vector.broadcast %and3A_174 : i32 to vector<16xi32>
        %and3A_176 = arith.andi %gather3A_170, %and3A_175 : vector<16xi32>
        %gather3A_177 = tpu.vector_load_idx %arg10[%add3A_173, %and3A_176] : memref<3328x16xf32, #tpu.memory_space<vmem>>[vector<16xi32>, vector<16xi32>], vector<16xf32>,
        %add3A_178 = arith.addf %add3A_166, %gather3A_177 : vector<16xf32>
        %add3A_179 = arith.constant 11 : i32
        %add3A_180 = vector.broadcast %add3A_179 : i32 to vector<16xi32>
        %add3A_181 = arith.addi %add3A_47, %add3A_180 : vector<16xi32>
        %gather3A_182 = tpu.vector_load_idx %arg7[%add3A_181] : memref<3328xi32, #tpu.memory_space<vmem>>[vector<16xi32>], vector<16xi32>,
        %add3A_183 = arith.constant 11 : i32
        %add3A_184 = vector.broadcast %add3A_183 : i32 to vector<16xi32>
        %add3A_185 = arith.addi %add3A_47, %add3A_184 : vector<16xi32>
        %and3A_186 = arith.constant 15 : i32
        %and3A_187 = vector.broadcast %and3A_186 : i32 to vector<16xi32>
        %and3A_188 = arith.andi %gather3A_182, %and3A_187 : vector<16xi32>
        %gather3A_189 = tpu.vector_load_idx %arg10[%add3A_185, %and3A_188] : memref<3328x16xf32, #tpu.memory_space<vmem>>[vector<16xi32>, vector<16xi32>], vector<16xf32>,
        %add3A_190 = arith.addf %add3A_178, %gather3A_189 : vector<16xf32>
        %add3A_191 = arith.constant 12 : i32
        %add3A_192 = vector.broadcast %add3A_191 : i32 to vector<16xi32>
        %add3A_193 = arith.addi %add3A_47, %add3A_192 : vector<16xi32>
        %gather3A_194 = tpu.vector_load_idx %arg7[%add3A_193] : memref<3328xi32, #tpu.memory_space<vmem>>[vector<16xi32>], vector<16xi32>,
        %add3A_195 = arith.constant 12 : i32
        %add3A_196 = vector.broadcast %add3A_195 : i32 to vector<16xi32>
        %add3A_197 = arith.addi %add3A_47, %add3A_196 : vector<16xi32>
        %and3A_198 = arith.constant 15 : i32
        %and3A_199 = vector.broadcast %and3A_198 : i32 to vector<16xi32>
        %and3A_200 = arith.andi %gather3A_194, %and3A_199 : vector<16xi32>
        %gather3A_201 = tpu.vector_load_idx %arg10[%add3A_197, %and3A_200] : memref<3328x16xf32, #tpu.memory_space<vmem>>[vector<16xi32>, vector<16xi32>], vector<16xf32>,
        %add3A_202 = arith.addf %add3A_190, %gather3A_201 : vector<16xf32>
        %add3A_203 = arith.constant 13 : i32
        %add3A_204 = vector.broadcast %add3A_203 : i32 to vector<16xi32>
        %add3A_205 = arith.addi %add3A_47, %add3A_204 : vector<16xi32>
        %gather3A_206 = tpu.vector_load_idx %arg7[%add3A_205] : memref<3328xi32, #tpu.memory_space<vmem>>[vector<16xi32>], vector<16xi32>,
        %add3A_207 = arith.constant 13 : i32
        %add3A_208 = vector.broadcast %add3A_207 : i32 to vector<16xi32>
        %add3A_209 = arith.addi %add3A_47, %add3A_208 : vector<16xi32>
        %and3A_210 = arith.constant 15 : i32
        %and3A_211 = vector.broadcast %and3A_210 : i32 to vector<16xi32>
        %and3A_212 = arith.andi %gather3A_206, %and3A_211 : vector<16xi32>
        %gather3A_213 = tpu.vector_load_idx %arg10[%add3A_209, %and3A_212] : memref<3328x16xf32, #tpu.memory_space<vmem>>[vector<16xi32>, vector<16xi32>], vector<16xf32>,
        %add3A_214 = arith.addf %add3A_202, %gather3A_213 : vector<16xf32>
        %add3A_215 = arith.constant 14 : i32
        %add3A_216 = vector.broadcast %add3A_215 : i32 to vector<16xi32>
        %add3A_217 = arith.addi %add3A_47, %add3A_216 : vector<16xi32>
        %gather3A_218 = tpu.vector_load_idx %arg7[%add3A_217] : memref<3328xi32, #tpu.memory_space<vmem>>[vector<16xi32>], vector<16xi32>,
        %add3A_219 = arith.constant 14 : i32
        %add3A_220 = vector.broadcast %add3A_219 : i32 to vector<16xi32>
        %add3A_221 = arith.addi %add3A_47, %add3A_220 : vector<16xi32>
        %and3A_222 = arith.constant 15 : i32
        %and3A_223 = vector.broadcast %and3A_222 : i32 to vector<16xi32>
        %and3A_224 = arith.andi %gather3A_218, %and3A_223 : vector<16xi32>
        %gather3A_225 = tpu.vector_load_idx %arg10[%add3A_221, %and3A_224] : memref<3328x16xf32, #tpu.memory_space<vmem>>[vector<16xi32>, vector<16xi32>], vector<16xf32>,
        %add3A_226 = arith.addf %add3A_214, %gather3A_225 : vector<16xf32>
        %add3A_227 = arith.constant 15 : i32
        %add3A_228 = vector.broadcast %add3A_227 : i32 to vector<16xi32>
        %add3A_229 = arith.addi %add3A_47, %add3A_228 : vector<16xi32>
        %gather3A_230 = tpu.vector_load_idx %arg7[%add3A_229] : memref<3328xi32, #tpu.memory_space<vmem>>[vector<16xi32>], vector<16xi32>,
        %add3A_231 = arith.constant 15 : i32
        %add3A_232 = vector.broadcast %add3A_231 : i32 to vector<16xi32>
        %add3A_233 = arith.addi %add3A_47, %add3A_232 : vector<16xi32>
        %and3A_234 = arith.constant 15 : i32
        %and3A_235 = vector.broadcast %and3A_234 : i32 to vector<16xi32>
        %and3A_236 = arith.andi %gather3A_230, %and3A_235 : vector<16xi32>
        %gather3A_237 = tpu.vector_load_idx %arg10[%add3A_233, %and3A_236] : memref<3328x16xf32, #tpu.memory_space<vmem>>[vector<16xi32>, vector<16xi32>], vector<16xf32>,
        %add3A_238 = arith.addf %add3A_226, %gather3A_237 : vector<16xf32>
        %add3A_239 = arith.constant 16 : i32
        %add3A_240 = vector.broadcast %add3A_239 : i32 to vector<16xi32>
        %add3A_241 = arith.addi %add3A_47, %add3A_240 : vector<16xi32>
        %gather3A_242 = tpu.vector_load_idx %arg7[%add3A_241] : memref<3328xi32, #tpu.memory_space<vmem>>[vector<16xi32>], vector<16xi32>,
        %add3A_243 = arith.constant 16 : i32
        %add3A_244 = vector.broadcast %add3A_243 : i32 to vector<16xi32>
        %add3A_245 = arith.addi %add3A_47, %add3A_244 : vector<16xi32>
        %and3A_246 = arith.constant 15 : i32
        %and3A_247 = vector.broadcast %and3A_246 : i32 to vector<16xi32>
        %and3A_248 = arith.andi %gather3A_242, %and3A_247 : vector<16xi32>
        %gather3A_249 = tpu.vector_load_idx %arg10[%add3A_245, %and3A_248] : memref<3328x16xf32, #tpu.memory_space<vmem>>[vector<16xi32>, vector<16xi32>], vector<16xf32>,
        %add3A_250 = arith.addf %add3A_238, %gather3A_249 : vector<16xf32>
        %add3A_251 = arith.constant 17 : i32
        %add3A_252 = vector.broadcast %add3A_251 : i32 to vector<16xi32>
        %add3A_253 = arith.addi %add3A_47, %add3A_252 : vector<16xi32>
        %gather3A_254 = tpu.vector_load_idx %arg7[%add3A_253] : memref<3328xi32, #tpu.memory_space<vmem>>[vector<16xi32>], vector<16xi32>,
        %add3A_255 = arith.constant 17 : i32
        %add3A_256 = vector.broadcast %add3A_255 : i32 to vector<16xi32>
        %add3A_257 = arith.addi %add3A_47, %add3A_256 : vector<16xi32>
        %and3A_258 = arith.constant 15 : i32
        %and3A_259 = vector.broadcast %and3A_258 : i32 to vector<16xi32>
        %and3A_260 = arith.andi %gather3A_254, %and3A_259 : vector<16xi32>
        %gather3A_261 = tpu.vector_load_idx %arg10[%add3A_257, %and3A_260] : memref<3328x16xf32, #tpu.memory_space<vmem>>[vector<16xi32>, vector<16xi32>], vector<16xf32>,
        %add3A_262 = arith.addf %add3A_250, %gather3A_261 : vector<16xf32>
        %add3A_263 = arith.constant 18 : i32
        %add3A_264 = vector.broadcast %add3A_263 : i32 to vector<16xi32>
        %add3A_265 = arith.addi %add3A_47, %add3A_264 : vector<16xi32>
        %gather3A_266 = tpu.vector_load_idx %arg7[%add3A_265] : memref<3328xi32, #tpu.memory_space<vmem>>[vector<16xi32>], vector<16xi32>,
        %add3A_267 = arith.constant 18 : i32
        %add3A_268 = vector.broadcast %add3A_267 : i32 to vector<16xi32>
        %add3A_269 = arith.addi %add3A_47, %add3A_268 : vector<16xi32>
        %and3A_270 = arith.constant 15 : i32
        %and3A_271 = vector.broadcast %and3A_270 : i32 to vector<16xi32>
        %and3A_272 = arith.andi %gather3A_266, %and3A_271 : vector<16xi32>
        %gather3A_273 = tpu.vector_load_idx %arg10[%add3A_269, %and3A_272] : memref<3328x16xf32, #tpu.memory_space<vmem>>[vector<16xi32>, vector<16xi32>], vector<16xf32>,
        %add3A_274 = arith.addf %add3A_262, %gather3A_273 : vector<16xf32>
        %add3A_275 = arith.constant 19 : i32
        %add3A_276 = vector.broadcast %add3A_275 : i32 to vector<16xi32>
        %add3A_277 = arith.addi %add3A_47, %add3A_276 : vector<16xi32>
        %gather3A_278 = tpu.vector_load_idx %arg7[%add3A_277] : memref<3328xi32, #tpu.memory_space<vmem>>[vector<16xi32>], vector<16xi32>,
        %add3A_279 = arith.constant 19 : i32
        %add3A_280 = vector.broadcast %add3A_279 : i32 to vector<16xi32>
        %add3A_281 = arith.addi %add3A_47, %add3A_280 : vector<16xi32>
        %and3A_282 = arith.constant 15 : i32
        %and3A_283 = vector.broadcast %and3A_282 : i32 to vector<16xi32>
        %and3A_284 = arith.andi %gather3A_278, %and3A_283 : vector<16xi32>
        %gather3A_285 = tpu.vector_load_idx %arg10[%add3A_281, %and3A_284] : memref<3328x16xf32, #tpu.memory_space<vmem>>[vector<16xi32>, vector<16xi32>], vector<16xf32>,
        %add3A_286 = arith.addf %add3A_274, %gather3A_285 : vector<16xf32>
        %add3A_287 = arith.constant 20 : i32
        %add3A_288 = vector.broadcast %add3A_287 : i32 to vector<16xi32>
        %add3A_289 = arith.addi %add3A_47, %add3A_288 : vector<16xi32>
        %gather3A_290 = tpu.vector_load_idx %arg7[%add3A_289] : memref<3328xi32, #tpu.memory_space<vmem>>[vector<16xi32>], vector<16xi32>,
        %add3A_291 = arith.constant 20 : i32
        %add3A_292 = vector.broadcast %add3A_291 : i32 to vector<16xi32>
        %add3A_293 = arith.addi %add3A_47, %add3A_292 : vector<16xi32>
        %and3A_294 = arith.constant 15 : i32
        %and3A_295 = vector.broadcast %and3A_294 : i32 to vector<16xi32>
        %and3A_296 = arith.andi %gather3A_290, %and3A_295 : vector<16xi32>
        %gather3A_297 = tpu.vector_load_idx %arg10[%add3A_293, %and3A_296] : memref<3328x16xf32, #tpu.memory_space<vmem>>[vector<16xi32>, vector<16xi32>], vector<16xf32>,
        %add3A_298 = arith.addf %add3A_286, %gather3A_297 : vector<16xf32>
        %add3A_299 = arith.constant 21 : i32
        %add3A_300 = vector.broadcast %add3A_299 : i32 to vector<16xi32>
        %add3A_301 = arith.addi %add3A_47, %add3A_300 : vector<16xi32>
        %gather3A_302 = tpu.vector_load_idx %arg7[%add3A_301] : memref<3328xi32, #tpu.memory_space<vmem>>[vector<16xi32>], vector<16xi32>,
        %add3A_303 = arith.constant 21 : i32
        %add3A_304 = vector.broadcast %add3A_303 : i32 to vector<16xi32>
        %add3A_305 = arith.addi %add3A_47, %add3A_304 : vector<16xi32>
        %and3A_306 = arith.constant 15 : i32
        %and3A_307 = vector.broadcast %and3A_306 : i32 to vector<16xi32>
        %and3A_308 = arith.andi %gather3A_302, %and3A_307 : vector<16xi32>
        %gather3A_309 = tpu.vector_load_idx %arg10[%add3A_305, %and3A_308] : memref<3328x16xf32, #tpu.memory_space<vmem>>[vector<16xi32>, vector<16xi32>], vector<16xf32>,
        %add3A_310 = arith.addf %add3A_298, %gather3A_309 : vector<16xf32>
        %add3A_311 = arith.constant 22 : i32
        %add3A_312 = vector.broadcast %add3A_311 : i32 to vector<16xi32>
        %add3A_313 = arith.addi %add3A_47, %add3A_312 : vector<16xi32>
        %gather3A_314 = tpu.vector_load_idx %arg7[%add3A_313] : memref<3328xi32, #tpu.memory_space<vmem>>[vector<16xi32>], vector<16xi32>,
        %add3A_315 = arith.constant 22 : i32
        %add3A_316 = vector.broadcast %add3A_315 : i32 to vector<16xi32>
        %add3A_317 = arith.addi %add3A_47, %add3A_316 : vector<16xi32>
        %and3A_318 = arith.constant 15 : i32
        %and3A_319 = vector.broadcast %and3A_318 : i32 to vector<16xi32>
        %and3A_320 = arith.andi %gather3A_314, %and3A_319 : vector<16xi32>
        %gather3A_321 = tpu.vector_load_idx %arg10[%add3A_317, %and3A_320] : memref<3328x16xf32, #tpu.memory_space<vmem>>[vector<16xi32>, vector<16xi32>], vector<16xf32>,
        %add3A_322 = arith.addf %add3A_310, %gather3A_321 : vector<16xf32>
        %add3A_323 = arith.constant 23 : i32
        %add3A_324 = vector.broadcast %add3A_323 : i32 to vector<16xi32>
        %add3A_325 = arith.addi %add3A_47, %add3A_324 : vector<16xi32>
        %gather3A_326 = tpu.vector_load_idx %arg7[%add3A_325] : memref<3328xi32, #tpu.memory_space<vmem>>[vector<16xi32>], vector<16xi32>,
        %add3A_327 = arith.constant 23 : i32
        %add3A_328 = vector.broadcast %add3A_327 : i32 to vector<16xi32>
        %add3A_329 = arith.addi %add3A_47, %add3A_328 : vector<16xi32>
        %and3A_330 = arith.constant 15 : i32
        %and3A_331 = vector.broadcast %and3A_330 : i32 to vector<16xi32>
        %and3A_332 = arith.andi %gather3A_326, %and3A_331 : vector<16xi32>
        %gather3A_333 = tpu.vector_load_idx %arg10[%add3A_329, %and3A_332] : memref<3328x16xf32, #tpu.memory_space<vmem>>[vector<16xi32>, vector<16xi32>], vector<16xf32>,
        %add3A_334 = arith.addf %add3A_322, %gather3A_333 : vector<16xf32>
        %add3A_335 = arith.constant 24 : i32
        %add3A_336 = vector.broadcast %add3A_335 : i32 to vector<16xi32>
        %add3A_337 = arith.addi %add3A_47, %add3A_336 : vector<16xi32>
        %gather3A_338 = tpu.vector_load_idx %arg7[%add3A_337] : memref<3328xi32, #tpu.memory_space<vmem>>[vector<16xi32>], vector<16xi32>,
        %add3A_339 = arith.constant 24 : i32
        %add3A_340 = vector.broadcast %add3A_339 : i32 to vector<16xi32>
        %add3A_341 = arith.addi %add3A_47, %add3A_340 : vector<16xi32>
        %and3A_342 = arith.constant 15 : i32
        %and3A_343 = vector.broadcast %and3A_342 : i32 to vector<16xi32>
        %and3A_344 = arith.andi %gather3A_338, %and3A_343 : vector<16xi32>
        %gather3A_345 = tpu.vector_load_idx %arg10[%add3A_341, %and3A_344] : memref<3328x16xf32, #tpu.memory_space<vmem>>[vector<16xi32>, vector<16xi32>], vector<16xf32>,
        %add3A_346 = arith.addf %add3A_334, %gather3A_345 : vector<16xf32>
        %add3A_347 = arith.constant 25 : i32
        %add3A_348 = vector.broadcast %add3A_347 : i32 to vector<16xi32>
        %add3A_349 = arith.addi %add3A_47, %add3A_348 : vector<16xi32>
        %gather3A_350 = tpu.vector_load_idx %arg7[%add3A_349] : memref<3328xi32, #tpu.memory_space<vmem>>[vector<16xi32>], vector<16xi32>,
        %add3A_351 = arith.constant 25 : i32
        %add3A_352 = vector.broadcast %add3A_351 : i32 to vector<16xi32>
        %add3A_353 = arith.addi %add3A_47, %add3A_352 : vector<16xi32>
        %and3A_354 = arith.constant 15 : i32
        %and3A_355 = vector.broadcast %and3A_354 : i32 to vector<16xi32>
        %and3A_356 = arith.andi %gather3A_350, %and3A_355 : vector<16xi32>
        %gather3A_357 = tpu.vector_load_idx %arg10[%add3A_353, %and3A_356] : memref<3328x16xf32, #tpu.memory_space<vmem>>[vector<16xi32>, vector<16xi32>], vector<16xf32>,
        %add3A_358 = arith.addf %add3A_346, %gather3A_357 : vector<16xf32>
        %broadcast_in_dim3A_359 = arith.constant 0.000000e+00 : f32
        %broadcast_in_dim3A_360 = vector.broadcast %broadcast_in_dim3A_359 : f32 to vector<16xf32>
        %broadcast_in_dim3A_361 = arith.constant 0 : i32
        %broadcast_in_dim3A_362 = vector.broadcast %broadcast_in_dim3A_361 : i32 to vector<16xi32>
        %gather3A_363 = tpu.vector_load_idx %arg9[%add3A_47, %broadcast_in_dim3A_362] : memref<3328x16xf32, #tpu.memory_space<vmem>>[vector<16xi32>, vector<16xi32>], vector<16xf32>,
        %mul3A_364 = arith.mulf %gather3A_363, %gather3A_363 : vector<16xf32>
        %add3A_365 = arith.constant 1 : i32
        %add3A_366 = vector.broadcast %add3A_365 : i32 to vector<16xi32>
        %add3A_367 = arith.addi %add3A_47, %add3A_366 : vector<16xi32>
        %gather3A_368 = tpu.vector_load_idx %arg9[%add3A_367, %broadcast_in_dim3A_362] : memref<3328x16xf32, #tpu.memory_space<vmem>>[vector<16xi32>, vector<16xi32>], vector<16xf32>,
        %add3A_369 = arith.addf %gather3A_363, %gather3A_368 : vector<16xf32>
        %mul3A_370 = arith.mulf %gather3A_368, %gather3A_368 : vector<16xf32>
        %add3A_371 = arith.addf %mul3A_364, %mul3A_370 : vector<16xf32>
        %add3A_372 = arith.constant 2 : i32
        %add3A_373 = vector.broadcast %add3A_372 : i32 to vector<16xi32>
        %add3A_374 = arith.addi %add3A_47, %add3A_373 : vector<16xi32>
        %gather3A_375 = tpu.vector_load_idx %arg9[%add3A_374, %broadcast_in_dim3A_362] : memref<3328x16xf32, #tpu.memory_space<vmem>>[vector<16xi32>, vector<16xi32>], vector<16xf32>,
        %add3A_376 = arith.addf %add3A_369, %gather3A_375 : vector<16xf32>
        %mul3A_377 = arith.mulf %gather3A_375, %gather3A_375 : vector<16xf32>
        %add3A_378 = arith.addf %add3A_371, %mul3A_377 : vector<16xf32>
        %add3A_379 = arith.constant 3 : i32
        %add3A_380 = vector.broadcast %add3A_379 : i32 to vector<16xi32>
        %add3A_381 = arith.addi %add3A_47, %add3A_380 : vector<16xi32>
        %gather3A_382 = tpu.vector_load_idx %arg9[%add3A_381, %broadcast_in_dim3A_362] : memref<3328x16xf32, #tpu.memory_space<vmem>>[vector<16xi32>, vector<16xi32>], vector<16xf32>,
        %add3A_383 = arith.addf %add3A_376, %gather3A_382 : vector<16xf32>
        %mul3A_384 = arith.mulf %gather3A_382, %gather3A_382 : vector<16xf32>
        %add3A_385 = arith.addf %add3A_378, %mul3A_384 : vector<16xf32>
        %add3A_386 = arith.constant 4 : i32
        %add3A_387 = vector.broadcast %add3A_386 : i32 to vector<16xi32>
        %add3A_388 = arith.addi %add3A_47, %add3A_387 : vector<16xi32>
        %gather3A_389 = tpu.vector_load_idx %arg9[%add3A_388, %broadcast_in_dim3A_362] : memref<3328x16xf32, #tpu.memory_space<vmem>>[vector<16xi32>, vector<16xi32>], vector<16xf32>,
        %add3A_390 = arith.addf %add3A_383, %gather3A_389 : vector<16xf32>
        %mul3A_391 = arith.mulf %gather3A_389, %gather3A_389 : vector<16xf32>
        %add3A_392 = arith.addf %add3A_385, %mul3A_391 : vector<16xf32>
        %add3A_393 = arith.constant 5 : i32
        %add3A_394 = vector.broadcast %add3A_393 : i32 to vector<16xi32>
        %add3A_395 = arith.addi %add3A_47, %add3A_394 : vector<16xi32>
        %gather3A_396 = tpu.vector_load_idx %arg9[%add3A_395, %broadcast_in_dim3A_362] : memref<3328x16xf32, #tpu.memory_space<vmem>>[vector<16xi32>, vector<16xi32>], vector<16xf32>,
        %add3A_397 = arith.addf %add3A_390, %gather3A_396 : vector<16xf32>
        %mul3A_398 = arith.mulf %gather3A_396, %gather3A_396 : vector<16xf32>
        %add3A_399 = arith.addf %add3A_392, %mul3A_398 : vector<16xf32>
        %add3A_400 = arith.constant 6 : i32
        %add3A_401 = vector.broadcast %add3A_400 : i32 to vector<16xi32>
        %add3A_402 = arith.addi %add3A_47, %add3A_401 : vector<16xi32>
        %gather3A_403 = tpu.vector_load_idx %arg9[%add3A_402, %broadcast_in_dim3A_362] : memref<3328x16xf32, #tpu.memory_space<vmem>>[vector<16xi32>, vector<16xi32>], vector<16xf32>,
        %add3A_404 = arith.addf %add3A_397, %gather3A_403 : vector<16xf32>
        %mul3A_405 = arith.mulf %gather3A_403, %gather3A_403 : vector<16xf32>
        %add3A_406 = arith.addf %add3A_399, %mul3A_405 : vector<16xf32>
        %add3A_407 = arith.constant 7 : i32
        %add3A_408 = vector.broadcast %add3A_407 : i32 to vector<16xi32>
        %add3A_409 = arith.addi %add3A_47, %add3A_408 : vector<16xi32>
        %gather3A_410 = tpu.vector_load_idx %arg9[%add3A_409, %broadcast_in_dim3A_362] : memref<3328x16xf32, #tpu.memory_space<vmem>>[vector<16xi32>, vector<16xi32>], vector<16xf32>,
        %add3A_411 = arith.addf %add3A_404, %gather3A_410 : vector<16xf32>
        %mul3A_412 = arith.mulf %gather3A_410, %gather3A_410 : vector<16xf32>
        %add3A_413 = arith.addf %add3A_406, %mul3A_412 : vector<16xf32>
        %add3A_414 = arith.constant 8 : i32
        %add3A_415 = vector.broadcast %add3A_414 : i32 to vector<16xi32>
        %add3A_416 = arith.addi %add3A_47, %add3A_415 : vector<16xi32>
        %gather3A_417 = tpu.vector_load_idx %arg9[%add3A_416, %broadcast_in_dim3A_362] : memref<3328x16xf32, #tpu.memory_space<vmem>>[vector<16xi32>, vector<16xi32>], vector<16xf32>,
        %add3A_418 = arith.addf %add3A_411, %gather3A_417 : vector<16xf32>
        %mul3A_419 = arith.mulf %gather3A_417, %gather3A_417 : vector<16xf32>
        %add3A_420 = arith.addf %add3A_413, %mul3A_419 : vector<16xf32>
        %add3A_421 = arith.constant 9 : i32
        %add3A_422 = vector.broadcast %add3A_421 : i32 to vector<16xi32>
        %add3A_423 = arith.addi %add3A_47, %add3A_422 : vector<16xi32>
        %gather3A_424 = tpu.vector_load_idx %arg9[%add3A_423, %broadcast_in_dim3A_362] : memref<3328x16xf32, #tpu.memory_space<vmem>>[vector<16xi32>, vector<16xi32>], vector<16xf32>,
        %add3A_425 = arith.addf %add3A_418, %gather3A_424 : vector<16xf32>
        %mul3A_426 = arith.mulf %gather3A_424, %gather3A_424 : vector<16xf32>
        %add3A_427 = arith.addf %add3A_420, %mul3A_426 : vector<16xf32>
        %add3A_428 = arith.constant 10 : i32
        %add3A_429 = vector.broadcast %add3A_428 : i32 to vector<16xi32>
        %add3A_430 = arith.addi %add3A_47, %add3A_429 : vector<16xi32>
        %gather3A_431 = tpu.vector_load_idx %arg9[%add3A_430, %broadcast_in_dim3A_362] : memref<3328x16xf32, #tpu.memory_space<vmem>>[vector<16xi32>, vector<16xi32>], vector<16xf32>,
        %add3A_432 = arith.addf %add3A_425, %gather3A_431 : vector<16xf32>
        %mul3A_433 = arith.mulf %gather3A_431, %gather3A_431 : vector<16xf32>
        %add3A_434 = arith.addf %add3A_427, %mul3A_433 : vector<16xf32>
        %add3A_435 = arith.constant 11 : i32
        %add3A_436 = vector.broadcast %add3A_435 : i32 to vector<16xi32>
        %add3A_437 = arith.addi %add3A_47, %add3A_436 : vector<16xi32>
        %gather3A_438 = tpu.vector_load_idx %arg9[%add3A_437, %broadcast_in_dim3A_362] : memref<3328x16xf32, #tpu.memory_space<vmem>>[vector<16xi32>, vector<16xi32>], vector<16xf32>,
        %add3A_439 = arith.addf %add3A_432, %gather3A_438 : vector<16xf32>
        %mul3A_440 = arith.mulf %gather3A_438, %gather3A_438 : vector<16xf32>
        %add3A_441 = arith.addf %add3A_434, %mul3A_440 : vector<16xf32>
        %add3A_442 = arith.constant 12 : i32
        %add3A_443 = vector.broadcast %add3A_442 : i32 to vector<16xi32>
        %add3A_444 = arith.addi %add3A_47, %add3A_443 : vector<16xi32>
        %gather3A_445 = tpu.vector_load_idx %arg9[%add3A_444, %broadcast_in_dim3A_362] : memref<3328x16xf32, #tpu.memory_space<vmem>>[vector<16xi32>, vector<16xi32>], vector<16xf32>,
        %add3A_446 = arith.addf %add3A_439, %gather3A_445 : vector<16xf32>
        %mul3A_447 = arith.mulf %gather3A_445, %gather3A_445 : vector<16xf32>
        %add3A_448 = arith.addf %add3A_441, %mul3A_447 : vector<16xf32>
        %add3A_449 = arith.constant 13 : i32
        %add3A_450 = vector.broadcast %add3A_449 : i32 to vector<16xi32>
        %add3A_451 = arith.addi %add3A_47, %add3A_450 : vector<16xi32>
        %gather3A_452 = tpu.vector_load_idx %arg9[%add3A_451, %broadcast_in_dim3A_362] : memref<3328x16xf32, #tpu.memory_space<vmem>>[vector<16xi32>, vector<16xi32>], vector<16xf32>,
        %add3A_453 = arith.addf %add3A_446, %gather3A_452 : vector<16xf32>
        %mul3A_454 = arith.mulf %gather3A_452, %gather3A_452 : vector<16xf32>
        %add3A_455 = arith.addf %add3A_448, %mul3A_454 : vector<16xf32>
        %add3A_456 = arith.constant 14 : i32
        %add3A_457 = vector.broadcast %add3A_456 : i32 to vector<16xi32>
        %add3A_458 = arith.addi %add3A_47, %add3A_457 : vector<16xi32>
        %gather3A_459 = tpu.vector_load_idx %arg9[%add3A_458, %broadcast_in_dim3A_362] : memref<3328x16xf32, #tpu.memory_space<vmem>>[vector<16xi32>, vector<16xi32>], vector<16xf32>,
        %add3A_460 = arith.addf %add3A_453, %gather3A_459 : vector<16xf32>
        %mul3A_461 = arith.mulf %gather3A_459, %gather3A_459 : vector<16xf32>
        %add3A_462 = arith.addf %add3A_455, %mul3A_461 : vector<16xf32>
        %add3A_463 = arith.constant 15 : i32
        %add3A_464 = vector.broadcast %add3A_463 : i32 to vector<16xi32>
        %add3A_465 = arith.addi %add3A_47, %add3A_464 : vector<16xi32>
        %gather3A_466 = tpu.vector_load_idx %arg9[%add3A_465, %broadcast_in_dim3A_362] : memref<3328x16xf32, #tpu.memory_space<vmem>>[vector<16xi32>, vector<16xi32>], vector<16xf32>,
        %add3A_467 = arith.addf %add3A_460, %gather3A_466 : vector<16xf32>
        %mul3A_468 = arith.mulf %gather3A_466, %gather3A_466 : vector<16xf32>
        %add3A_469 = arith.addf %add3A_462, %mul3A_468 : vector<16xf32>
        %add3A_470 = arith.constant 16 : i32
        %add3A_471 = vector.broadcast %add3A_470 : i32 to vector<16xi32>
        %add3A_472 = arith.addi %add3A_47, %add3A_471 : vector<16xi32>
        %gather3A_473 = tpu.vector_load_idx %arg9[%add3A_472, %broadcast_in_dim3A_362] : memref<3328x16xf32, #tpu.memory_space<vmem>>[vector<16xi32>, vector<16xi32>], vector<16xf32>,
        %add3A_474 = arith.addf %add3A_467, %gather3A_473 : vector<16xf32>
        %mul3A_475 = arith.mulf %gather3A_473, %gather3A_473 : vector<16xf32>
        %add3A_476 = arith.addf %add3A_469, %mul3A_475 : vector<16xf32>
        %add3A_477 = arith.constant 17 : i32
        %add3A_478 = vector.broadcast %add3A_477 : i32 to vector<16xi32>
        %add3A_479 = arith.addi %add3A_47, %add3A_478 : vector<16xi32>
        %gather3A_480 = tpu.vector_load_idx %arg9[%add3A_479, %broadcast_in_dim3A_362] : memref<3328x16xf32, #tpu.memory_space<vmem>>[vector<16xi32>, vector<16xi32>], vector<16xf32>,
        %add3A_481 = arith.addf %add3A_474, %gather3A_480 : vector<16xf32>
        %mul3A_482 = arith.mulf %gather3A_480, %gather3A_480 : vector<16xf32>
        %add3A_483 = arith.addf %add3A_476, %mul3A_482 : vector<16xf32>
        %add3A_484 = arith.constant 18 : i32
        %add3A_485 = vector.broadcast %add3A_484 : i32 to vector<16xi32>
        %add3A_486 = arith.addi %add3A_47, %add3A_485 : vector<16xi32>
        %gather3A_487 = tpu.vector_load_idx %arg9[%add3A_486, %broadcast_in_dim3A_362] : memref<3328x16xf32, #tpu.memory_space<vmem>>[vector<16xi32>, vector<16xi32>], vector<16xf32>,
        %add3A_488 = arith.addf %add3A_481, %gather3A_487 : vector<16xf32>
        %mul3A_489 = arith.mulf %gather3A_487, %gather3A_487 : vector<16xf32>
        %add3A_490 = arith.addf %add3A_483, %mul3A_489 : vector<16xf32>
        %add3A_491 = arith.constant 19 : i32
        %add3A_492 = vector.broadcast %add3A_491 : i32 to vector<16xi32>
        %add3A_493 = arith.addi %add3A_47, %add3A_492 : vector<16xi32>
        %gather3A_494 = tpu.vector_load_idx %arg9[%add3A_493, %broadcast_in_dim3A_362] : memref<3328x16xf32, #tpu.memory_space<vmem>>[vector<16xi32>, vector<16xi32>], vector<16xf32>,
        %add3A_495 = arith.addf %add3A_488, %gather3A_494 : vector<16xf32>
        %mul3A_496 = arith.mulf %gather3A_494, %gather3A_494 : vector<16xf32>
        %add3A_497 = arith.addf %add3A_490, %mul3A_496 : vector<16xf32>
        %add3A_498 = arith.constant 20 : i32
        %add3A_499 = vector.broadcast %add3A_498 : i32 to vector<16xi32>
        %add3A_500 = arith.addi %add3A_47, %add3A_499 : vector<16xi32>
        %gather3A_501 = tpu.vector_load_idx %arg9[%add3A_500, %broadcast_in_dim3A_362] : memref<3328x16xf32, #tpu.memory_space<vmem>>[vector<16xi32>, vector<16xi32>], vector<16xf32>,
        %add3A_502 = arith.addf %add3A_495, %gather3A_501 : vector<16xf32>
        %mul3A_503 = arith.mulf %gather3A_501, %gather3A_501 : vector<16xf32>
        %add3A_504 = arith.addf %add3A_497, %mul3A_503 : vector<16xf32>
        %add3A_505 = arith.constant 21 : i32
        %add3A_506 = vector.broadcast %add3A_505 : i32 to vector<16xi32>
        %add3A_507 = arith.addi %add3A_47, %add3A_506 : vector<16xi32>
        %gather3A_508 = tpu.vector_load_idx %arg9[%add3A_507, %broadcast_in_dim3A_362] : memref<3328x16xf32, #tpu.memory_space<vmem>>[vector<16xi32>, vector<16xi32>], vector<16xf32>,
        %add3A_509 = arith.addf %add3A_502, %gather3A_508 : vector<16xf32>
        %mul3A_510 = arith.mulf %gather3A_508, %gather3A_508 : vector<16xf32>
        %add3A_511 = arith.addf %add3A_504, %mul3A_510 : vector<16xf32>
        %add3A_512 = arith.constant 22 : i32
        %add3A_513 = vector.broadcast %add3A_512 : i32 to vector<16xi32>
        %add3A_514 = arith.addi %add3A_47, %add3A_513 : vector<16xi32>
        %gather3A_515 = tpu.vector_load_idx %arg9[%add3A_514, %broadcast_in_dim3A_362] : memref<3328x16xf32, #tpu.memory_space<vmem>>[vector<16xi32>, vector<16xi32>], vector<16xf32>,
        %add3A_516 = arith.addf %add3A_509, %gather3A_515 : vector<16xf32>
        %mul3A_517 = arith.mulf %gather3A_515, %gather3A_515 : vector<16xf32>
        %add3A_518 = arith.addf %add3A_511, %mul3A_517 : vector<16xf32>
        %add3A_519 = arith.constant 23 : i32
        %add3A_520 = vector.broadcast %add3A_519 : i32 to vector<16xi32>
        %add3A_521 = arith.addi %add3A_47, %add3A_520 : vector<16xi32>
        %gather3A_522 = tpu.vector_load_idx %arg9[%add3A_521, %broadcast_in_dim3A_362] : memref<3328x16xf32, #tpu.memory_space<vmem>>[vector<16xi32>, vector<16xi32>], vector<16xf32>,
        %add3A_523 = arith.addf %add3A_516, %gather3A_522 : vector<16xf32>
        %mul3A_524 = arith.mulf %gather3A_522, %gather3A_522 : vector<16xf32>
        %add3A_525 = arith.addf %add3A_518, %mul3A_524 : vector<16xf32>
        %add3A_526 = arith.constant 24 : i32
        %add3A_527 = vector.broadcast %add3A_526 : i32 to vector<16xi32>
        %add3A_528 = arith.addi %add3A_47, %add3A_527 : vector<16xi32>
        %gather3A_529 = tpu.vector_load_idx %arg9[%add3A_528, %broadcast_in_dim3A_362] : memref<3328x16xf32, #tpu.memory_space<vmem>>[vector<16xi32>, vector<16xi32>], vector<16xf32>,
        %add3A_530 = arith.addf %add3A_523, %gather3A_529 : vector<16xf32>
        %mul3A_531 = arith.mulf %gather3A_529, %gather3A_529 : vector<16xf32>
        %add3A_532 = arith.addf %add3A_525, %mul3A_531 : vector<16xf32>
        %add3A_533 = arith.constant 25 : i32
        %add3A_534 = vector.broadcast %add3A_533 : i32 to vector<16xi32>
        %add3A_535 = arith.addi %add3A_47, %add3A_534 : vector<16xi32>
        %gather3A_536 = tpu.vector_load_idx %arg9[%add3A_535, %broadcast_in_dim3A_362] : memref<3328x16xf32, #tpu.memory_space<vmem>>[vector<16xi32>, vector<16xi32>], vector<16xf32>,
        %add3A_537 = arith.addf %add3A_530, %gather3A_536 : vector<16xf32>
        %mul3A_538 = arith.mulf %gather3A_536, %gather3A_536 : vector<16xf32>
        %add3A_539 = arith.addf %add3A_532, %mul3A_538 : vector<16xf32>
        %mul3A_540 = arith.mulf %add3A_537, %add3A_537 : vector<16xf32>
        %sub3A = arith.subf %mul3A_540, %add3A_539 : vector<16xf32>
        %add3A_541 = arith.addf %broadcast_in_dim3A_360, %sub3A : vector<16xf32>
        %broadcast_in_dim3A_542 = arith.constant 1 : i32
        %broadcast_in_dim3A_543 = vector.broadcast %broadcast_in_dim3A_542 : i32 to vector<16xi32>
        %gather3A_544 = tpu.vector_load_idx %arg9[%add3A_47, %broadcast_in_dim3A_543] : memref<3328x16xf32, #tpu.memory_space<vmem>>[vector<16xi32>, vector<16xi32>], vector<16xf32>,
        %mul3A_545 = arith.mulf %gather3A_544, %gather3A_544 : vector<16xf32>
        %add3A_546 = arith.constant 1 : i32
        %add3A_547 = vector.broadcast %add3A_546 : i32 to vector<16xi32>
        %add3A_548 = arith.addi %add3A_47, %add3A_547 : vector<16xi32>
        %gather3A_549 = tpu.vector_load_idx %arg9[%add3A_548, %broadcast_in_dim3A_543] : memref<3328x16xf32, #tpu.memory_space<vmem>>[vector<16xi32>, vector<16xi32>], vector<16xf32>,
        %add3A_550 = arith.addf %gather3A_544, %gather3A_549 : vector<16xf32>
        %mul3A_551 = arith.mulf %gather3A_549, %gather3A_549 : vector<16xf32>
        %add3A_552 = arith.addf %mul3A_545, %mul3A_551 : vector<16xf32>
        %add3A_553 = arith.constant 2 : i32
        %add3A_554 = vector.broadcast %add3A_553 : i32 to vector<16xi32>
        %add3A_555 = arith.addi %add3A_47, %add3A_554 : vector<16xi32>
        %gather3A_556 = tpu.vector_load_idx %arg9[%add3A_555, %broadcast_in_dim3A_543] : memref<3328x16xf32, #tpu.memory_space<vmem>>[vector<16xi32>, vector<16xi32>], vector<16xf32>,
        %add3A_557 = arith.addf %add3A_550, %gather3A_556 : vector<16xf32>
        %mul3A_558 = arith.mulf %gather3A_556, %gather3A_556 : vector<16xf32>
        %add3A_559 = arith.addf %add3A_552, %mul3A_558 : vector<16xf32>
        %add3A_560 = arith.constant 3 : i32
        %add3A_561 = vector.broadcast %add3A_560 : i32 to vector<16xi32>
        %add3A_562 = arith.addi %add3A_47, %add3A_561 : vector<16xi32>
        %gather3A_563 = tpu.vector_load_idx %arg9[%add3A_562, %broadcast_in_dim3A_543] : memref<3328x16xf32, #tpu.memory_space<vmem>>[vector<16xi32>, vector<16xi32>], vector<16xf32>,
        %add3A_564 = arith.addf %add3A_557, %gather3A_563 : vector<16xf32>
        %mul3A_565 = arith.mulf %gather3A_563, %gather3A_563 : vector<16xf32>
        %add3A_566 = arith.addf %add3A_559, %mul3A_565 : vector<16xf32>
        %add3A_567 = arith.constant 4 : i32
        %add3A_568 = vector.broadcast %add3A_567 : i32 to vector<16xi32>
        %add3A_569 = arith.addi %add3A_47, %add3A_568 : vector<16xi32>
        %gather3A_570 = tpu.vector_load_idx %arg9[%add3A_569, %broadcast_in_dim3A_543] : memref<3328x16xf32, #tpu.memory_space<vmem>>[vector<16xi32>, vector<16xi32>], vector<16xf32>,
        %add3A_571 = arith.addf %add3A_564, %gather3A_570 : vector<16xf32>
        %mul3A_572 = arith.mulf %gather3A_570, %gather3A_570 : vector<16xf32>
        %add3A_573 = arith.addf %add3A_566, %mul3A_572 : vector<16xf32>
        %add3A_574 = arith.constant 5 : i32
        %add3A_575 = vector.broadcast %add3A_574 : i32 to vector<16xi32>
        %add3A_576 = arith.addi %add3A_47, %add3A_575 : vector<16xi32>
        %gather3A_577 = tpu.vector_load_idx %arg9[%add3A_576, %broadcast_in_dim3A_543] : memref<3328x16xf32, #tpu.memory_space<vmem>>[vector<16xi32>, vector<16xi32>], vector<16xf32>,
        %add3A_578 = arith.addf %add3A_571, %gather3A_577 : vector<16xf32>
        %mul3A_579 = arith.mulf %gather3A_577, %gather3A_577 : vector<16xf32>
        %add3A_580 = arith.addf %add3A_573, %mul3A_579 : vector<16xf32>
        %add3A_581 = arith.constant 6 : i32
        %add3A_582 = vector.broadcast %add3A_581 : i32 to vector<16xi32>
        %add3A_583 = arith.addi %add3A_47, %add3A_582 : vector<16xi32>
        %gather3A_584 = tpu.vector_load_idx %arg9[%add3A_583, %broadcast_in_dim3A_543] : memref<3328x16xf32, #tpu.memory_space<vmem>>[vector<16xi32>, vector<16xi32>], vector<16xf32>,
        %add3A_585 = arith.addf %add3A_578, %gather3A_584 : vector<16xf32>
        %mul3A_586 = arith.mulf %gather3A_584, %gather3A_584 : vector<16xf32>
        %add3A_587 = arith.addf %add3A_580, %mul3A_586 : vector<16xf32>
        %add3A_588 = arith.constant 7 : i32
        %add3A_589 = vector.broadcast %add3A_588 : i32 to vector<16xi32>
        %add3A_590 = arith.addi %add3A_47, %add3A_589 : vector<16xi32>
        %gather3A_591 = tpu.vector_load_idx %arg9[%add3A_590, %broadcast_in_dim3A_543] : memref<3328x16xf32, #tpu.memory_space<vmem>>[vector<16xi32>, vector<16xi32>], vector<16xf32>,
        %add3A_592 = arith.addf %add3A_585, %gather3A_591 : vector<16xf32>
        %mul3A_593 = arith.mulf %gather3A_591, %gather3A_591 : vector<16xf32>
        %add3A_594 = arith.addf %add3A_587, %mul3A_593 : vector<16xf32>
        %add3A_595 = arith.constant 8 : i32
        %add3A_596 = vector.broadcast %add3A_595 : i32 to vector<16xi32>
        %add3A_597 = arith.addi %add3A_47, %add3A_596 : vector<16xi32>
        %gather3A_598 = tpu.vector_load_idx %arg9[%add3A_597, %broadcast_in_dim3A_543] : memref<3328x16xf32, #tpu.memory_space<vmem>>[vector<16xi32>, vector<16xi32>], vector<16xf32>,
        %add3A_599 = arith.addf %add3A_592, %gather3A_598 : vector<16xf32>
        %mul3A_600 = arith.mulf %gather3A_598, %gather3A_598 : vector<16xf32>
        %add3A_601 = arith.addf %add3A_594, %mul3A_600 : vector<16xf32>
        %add3A_602 = arith.constant 9 : i32
        %add3A_603 = vector.broadcast %add3A_602 : i32 to vector<16xi32>
        %add3A_604 = arith.addi %add3A_47, %add3A_603 : vector<16xi32>
        %gather3A_605 = tpu.vector_load_idx %arg9[%add3A_604, %broadcast_in_dim3A_543] : memref<3328x16xf32, #tpu.memory_space<vmem>>[vector<16xi32>, vector<16xi32>], vector<16xf32>,
        %add3A_606 = arith.addf %add3A_599, %gather3A_605 : vector<16xf32>
        %mul3A_607 = arith.mulf %gather3A_605, %gather3A_605 : vector<16xf32>
        %add3A_608 = arith.addf %add3A_601, %mul3A_607 : vector<16xf32>
        %add3A_609 = arith.constant 10 : i32
        %add3A_610 = vector.broadcast %add3A_609 : i32 to vector<16xi32>
        %add3A_611 = arith.addi %add3A_47, %add3A_610 : vector<16xi32>
        %gather3A_612 = tpu.vector_load_idx %arg9[%add3A_611, %broadcast_in_dim3A_543] : memref<3328x16xf32, #tpu.memory_space<vmem>>[vector<16xi32>, vector<16xi32>], vector<16xf32>,
        %add3A_613 = arith.addf %add3A_606, %gather3A_612 : vector<16xf32>
        %mul3A_614 = arith.mulf %gather3A_612, %gather3A_612 : vector<16xf32>
        %add3A_615 = arith.addf %add3A_608, %mul3A_614 : vector<16xf32>
        %add3A_616 = arith.constant 11 : i32
        %add3A_617 = vector.broadcast %add3A_616 : i32 to vector<16xi32>
        %add3A_618 = arith.addi %add3A_47, %add3A_617 : vector<16xi32>
        %gather3A_619 = tpu.vector_load_idx %arg9[%add3A_618, %broadcast_in_dim3A_543] : memref<3328x16xf32, #tpu.memory_space<vmem>>[vector<16xi32>, vector<16xi32>], vector<16xf32>,
        %add3A_620 = arith.addf %add3A_613, %gather3A_619 : vector<16xf32>
        %mul3A_621 = arith.mulf %gather3A_619, %gather3A_619 : vector<16xf32>
        %add3A_622 = arith.addf %add3A_615, %mul3A_621 : vector<16xf32>
        %add3A_623 = arith.constant 12 : i32
        %add3A_624 = vector.broadcast %add3A_623 : i32 to vector<16xi32>
        %add3A_625 = arith.addi %add3A_47, %add3A_624 : vector<16xi32>
        %gather3A_626 = tpu.vector_load_idx %arg9[%add3A_625, %broadcast_in_dim3A_543] : memref<3328x16xf32, #tpu.memory_space<vmem>>[vector<16xi32>, vector<16xi32>], vector<16xf32>,
        %add3A_627 = arith.addf %add3A_620, %gather3A_626 : vector<16xf32>
        %mul3A_628 = arith.mulf %gather3A_626, %gather3A_626 : vector<16xf32>
        %add3A_629 = arith.addf %add3A_622, %mul3A_628 : vector<16xf32>
        %add3A_630 = arith.constant 13 : i32
        %add3A_631 = vector.broadcast %add3A_630 : i32 to vector<16xi32>
        %add3A_632 = arith.addi %add3A_47, %add3A_631 : vector<16xi32>
        %gather3A_633 = tpu.vector_load_idx %arg9[%add3A_632, %broadcast_in_dim3A_543] : memref<3328x16xf32, #tpu.memory_space<vmem>>[vector<16xi32>, vector<16xi32>], vector<16xf32>,
        %add3A_634 = arith.addf %add3A_627, %gather3A_633 : vector<16xf32>
        %mul3A_635 = arith.mulf %gather3A_633, %gather3A_633 : vector<16xf32>
        %add3A_636 = arith.addf %add3A_629, %mul3A_635 : vector<16xf32>
        %add3A_637 = arith.constant 14 : i32
        %add3A_638 = vector.broadcast %add3A_637 : i32 to vector<16xi32>
        %add3A_639 = arith.addi %add3A_47, %add3A_638 : vector<16xi32>
        %gather3A_640 = tpu.vector_load_idx %arg9[%add3A_639, %broadcast_in_dim3A_543] : memref<3328x16xf32, #tpu.memory_space<vmem>>[vector<16xi32>, vector<16xi32>], vector<16xf32>,
        %add3A_641 = arith.addf %add3A_634, %gather3A_640 : vector<16xf32>
        %mul3A_642 = arith.mulf %gather3A_640, %gather3A_640 : vector<16xf32>
        %add3A_643 = arith.addf %add3A_636, %mul3A_642 : vector<16xf32>
        %add3A_644 = arith.constant 15 : i32
        %add3A_645 = vector.broadcast %add3A_644 : i32 to vector<16xi32>
        %add3A_646 = arith.addi %add3A_47, %add3A_645 : vector<16xi32>
        %gather3A_647 = tpu.vector_load_idx %arg9[%add3A_646, %broadcast_in_dim3A_543] : memref<3328x16xf32, #tpu.memory_space<vmem>>[vector<16xi32>, vector<16xi32>], vector<16xf32>,
        %add3A_648 = arith.addf %add3A_641, %gather3A_647 : vector<16xf32>
        %mul3A_649 = arith.mulf %gather3A_647, %gather3A_647 : vector<16xf32>
        %add3A_650 = arith.addf %add3A_643, %mul3A_649 : vector<16xf32>
        %add3A_651 = arith.constant 16 : i32
        %add3A_652 = vector.broadcast %add3A_651 : i32 to vector<16xi32>
        %add3A_653 = arith.addi %add3A_47, %add3A_652 : vector<16xi32>
        %gather3A_654 = tpu.vector_load_idx %arg9[%add3A_653, %broadcast_in_dim3A_543] : memref<3328x16xf32, #tpu.memory_space<vmem>>[vector<16xi32>, vector<16xi32>], vector<16xf32>,
        %add3A_655 = arith.addf %add3A_648, %gather3A_654 : vector<16xf32>
        %mul3A_656 = arith.mulf %gather3A_654, %gather3A_654 : vector<16xf32>
        %add3A_657 = arith.addf %add3A_650, %mul3A_656 : vector<16xf32>
        %add3A_658 = arith.constant 17 : i32
        %add3A_659 = vector.broadcast %add3A_658 : i32 to vector<16xi32>
        %add3A_660 = arith.addi %add3A_47, %add3A_659 : vector<16xi32>
        %gather3A_661 = tpu.vector_load_idx %arg9[%add3A_660, %broadcast_in_dim3A_543] : memref<3328x16xf32, #tpu.memory_space<vmem>>[vector<16xi32>, vector<16xi32>], vector<16xf32>,
        %add3A_662 = arith.addf %add3A_655, %gather3A_661 : vector<16xf32>
        %mul3A_663 = arith.mulf %gather3A_661, %gather3A_661 : vector<16xf32>
        %add3A_664 = arith.addf %add3A_657, %mul3A_663 : vector<16xf32>
        %add3A_665 = arith.constant 18 : i32
        %add3A_666 = vector.broadcast %add3A_665 : i32 to vector<16xi32>
        %add3A_667 = arith.addi %add3A_47, %add3A_666 : vector<16xi32>
        %gather3A_668 = tpu.vector_load_idx %arg9[%add3A_667, %broadcast_in_dim3A_543] : memref<3328x16xf32, #tpu.memory_space<vmem>>[vector<16xi32>, vector<16xi32>], vector<16xf32>,
        %add3A_669 = arith.addf %add3A_662, %gather3A_668 : vector<16xf32>
        %mul3A_670 = arith.mulf %gather3A_668, %gather3A_668 : vector<16xf32>
        %add3A_671 = arith.addf %add3A_664, %mul3A_670 : vector<16xf32>
        %add3A_672 = arith.constant 19 : i32
        %add3A_673 = vector.broadcast %add3A_672 : i32 to vector<16xi32>
        %add3A_674 = arith.addi %add3A_47, %add3A_673 : vector<16xi32>
        %gather3A_675 = tpu.vector_load_idx %arg9[%add3A_674, %broadcast_in_dim3A_543] : memref<3328x16xf32, #tpu.memory_space<vmem>>[vector<16xi32>, vector<16xi32>], vector<16xf32>,
        %add3A_676 = arith.addf %add3A_669, %gather3A_675 : vector<16xf32>
        %mul3A_677 = arith.mulf %gather3A_675, %gather3A_675 : vector<16xf32>
        %add3A_678 = arith.addf %add3A_671, %mul3A_677 : vector<16xf32>
        %add3A_679 = arith.constant 20 : i32
        %add3A_680 = vector.broadcast %add3A_679 : i32 to vector<16xi32>
        %add3A_681 = arith.addi %add3A_47, %add3A_680 : vector<16xi32>
        %gather3A_682 = tpu.vector_load_idx %arg9[%add3A_681, %broadcast_in_dim3A_543] : memref<3328x16xf32, #tpu.memory_space<vmem>>[vector<16xi32>, vector<16xi32>], vector<16xf32>,
        %add3A_683 = arith.addf %add3A_676, %gather3A_682 : vector<16xf32>
        %mul3A_684 = arith.mulf %gather3A_682, %gather3A_682 : vector<16xf32>
        %add3A_685 = arith.addf %add3A_678, %mul3A_684 : vector<16xf32>
        %add3A_686 = arith.constant 21 : i32
        %add3A_687 = vector.broadcast %add3A_686 : i32 to vector<16xi32>
        %add3A_688 = arith.addi %add3A_47, %add3A_687 : vector<16xi32>
        %gather3A_689 = tpu.vector_load_idx %arg9[%add3A_688, %broadcast_in_dim3A_543] : memref<3328x16xf32, #tpu.memory_space<vmem>>[vector<16xi32>, vector<16xi32>], vector<16xf32>,
        %add3A_690 = arith.addf %add3A_683, %gather3A_689 : vector<16xf32>
        %mul3A_691 = arith.mulf %gather3A_689, %gather3A_689 : vector<16xf32>
        %add3A_692 = arith.addf %add3A_685, %mul3A_691 : vector<16xf32>
        %add3A_693 = arith.constant 22 : i32
        %add3A_694 = vector.broadcast %add3A_693 : i32 to vector<16xi32>
        %add3A_695 = arith.addi %add3A_47, %add3A_694 : vector<16xi32>
        %gather3A_696 = tpu.vector_load_idx %arg9[%add3A_695, %broadcast_in_dim3A_543] : memref<3328x16xf32, #tpu.memory_space<vmem>>[vector<16xi32>, vector<16xi32>], vector<16xf32>,
        %add3A_697 = arith.addf %add3A_690, %gather3A_696 : vector<16xf32>
        %mul3A_698 = arith.mulf %gather3A_696, %gather3A_696 : vector<16xf32>
        %add3A_699 = arith.addf %add3A_692, %mul3A_698 : vector<16xf32>
        %add3A_700 = arith.constant 23 : i32
        %add3A_701 = vector.broadcast %add3A_700 : i32 to vector<16xi32>
        %add3A_702 = arith.addi %add3A_47, %add3A_701 : vector<16xi32>
        %gather3A_703 = tpu.vector_load_idx %arg9[%add3A_702, %broadcast_in_dim3A_543] : memref<3328x16xf32, #tpu.memory_space<vmem>>[vector<16xi32>, vector<16xi32>], vector<16xf32>,
        %add3A_704 = arith.addf %add3A_697, %gather3A_703 : vector<16xf32>
        %mul3A_705 = arith.mulf %gather3A_703, %gather3A_703 : vector<16xf32>
        %add3A_706 = arith.addf %add3A_699, %mul3A_705 : vector<16xf32>
        %add3A_707 = arith.constant 24 : i32
        %add3A_708 = vector.broadcast %add3A_707 : i32 to vector<16xi32>
        %add3A_709 = arith.addi %add3A_47, %add3A_708 : vector<16xi32>
        %gather3A_710 = tpu.vector_load_idx %arg9[%add3A_709, %broadcast_in_dim3A_543] : memref<3328x16xf32, #tpu.memory_space<vmem>>[vector<16xi32>, vector<16xi32>], vector<16xf32>,
        %add3A_711 = arith.addf %add3A_704, %gather3A_710 : vector<16xf32>
        %mul3A_712 = arith.mulf %gather3A_710, %gather3A_710 : vector<16xf32>
        %add3A_713 = arith.addf %add3A_706, %mul3A_712 : vector<16xf32>
        %add3A_714 = arith.constant 25 : i32
        %add3A_715 = vector.broadcast %add3A_714 : i32 to vector<16xi32>
        %add3A_716 = arith.addi %add3A_47, %add3A_715 : vector<16xi32>
        %gather3A_717 = tpu.vector_load_idx %arg9[%add3A_716, %broadcast_in_dim3A_543] : memref<3328x16xf32, #tpu.memory_space<vmem>>[vector<16xi32>, vector<16xi32>], vector<16xf32>,
        %add3A_718 = arith.addf %add3A_711, %gather3A_717 : vector<16xf32>
        %mul3A_719 = arith.mulf %gather3A_717, %gather3A_717 : vector<16xf32>
        %add3A_720 = arith.addf %add3A_713, %mul3A_719 : vector<16xf32>
        %mul3A_721 = arith.mulf %add3A_718, %add3A_718 : vector<16xf32>
        %sub3A_722 = arith.subf %mul3A_721, %add3A_720 : vector<16xf32>
        %add3A_723 = arith.addf %add3A_541, %sub3A_722 : vector<16xf32>
        %broadcast_in_dim3A_724 = arith.constant 2 : i32
        %broadcast_in_dim3A_725 = vector.broadcast %broadcast_in_dim3A_724 : i32 to vector<16xi32>
        %gather3A_726 = tpu.vector_load_idx %arg9[%add3A_47, %broadcast_in_dim3A_725] : memref<3328x16xf32, #tpu.memory_space<vmem>>[vector<16xi32>, vector<16xi32>], vector<16xf32>,
        %mul3A_727 = arith.mulf %gather3A_726, %gather3A_726 : vector<16xf32>
        %add3A_728 = arith.constant 1 : i32
        %add3A_729 = vector.broadcast %add3A_728 : i32 to vector<16xi32>
        %add3A_730 = arith.addi %add3A_47, %add3A_729 : vector<16xi32>
        %gather3A_731 = tpu.vector_load_idx %arg9[%add3A_730, %broadcast_in_dim3A_725] : memref<3328x16xf32, #tpu.memory_space<vmem>>[vector<16xi32>, vector<16xi32>], vector<16xf32>,
        %add3A_732 = arith.addf %gather3A_726, %gather3A_731 : vector<16xf32>
        %mul3A_733 = arith.mulf %gather3A_731, %gather3A_731 : vector<16xf32>
        %add3A_734 = arith.addf %mul3A_727, %mul3A_733 : vector<16xf32>
        %add3A_735 = arith.constant 2 : i32
        %add3A_736 = vector.broadcast %add3A_735 : i32 to vector<16xi32>
        %add3A_737 = arith.addi %add3A_47, %add3A_736 : vector<16xi32>
        %gather3A_738 = tpu.vector_load_idx %arg9[%add3A_737, %broadcast_in_dim3A_725] : memref<3328x16xf32, #tpu.memory_space<vmem>>[vector<16xi32>, vector<16xi32>], vector<16xf32>,
        %add3A_739 = arith.addf %add3A_732, %gather3A_738 : vector<16xf32>
        %mul3A_740 = arith.mulf %gather3A_738, %gather3A_738 : vector<16xf32>
        %add3A_741 = arith.addf %add3A_734, %mul3A_740 : vector<16xf32>
        %add3A_742 = arith.constant 3 : i32
        %add3A_743 = vector.broadcast %add3A_742 : i32 to vector<16xi32>
        %add3A_744 = arith.addi %add3A_47, %add3A_743 : vector<16xi32>
        %gather3A_745 = tpu.vector_load_idx %arg9[%add3A_744, %broadcast_in_dim3A_725] : memref<3328x16xf32, #tpu.memory_space<vmem>>[vector<16xi32>, vector<16xi32>], vector<16xf32>,
        %add3A_746 = arith.addf %add3A_739, %gather3A_745 : vector<16xf32>
        %mul3A_747 = arith.mulf %gather3A_745, %gather3A_745 : vector<16xf32>
        %add3A_748 = arith.addf %add3A_741, %mul3A_747 : vector<16xf32>
        %add3A_749 = arith.constant 4 : i32
        %add3A_750 = vector.broadcast %add3A_749 : i32 to vector<16xi32>
        %add3A_751 = arith.addi %add3A_47, %add3A_750 : vector<16xi32>
        %gather3A_752 = tpu.vector_load_idx %arg9[%add3A_751, %broadcast_in_dim3A_725] : memref<3328x16xf32, #tpu.memory_space<vmem>>[vector<16xi32>, vector<16xi32>], vector<16xf32>,
        %add3A_753 = arith.addf %add3A_746, %gather3A_752 : vector<16xf32>
        %mul3A_754 = arith.mulf %gather3A_752, %gather3A_752 : vector<16xf32>
        %add3A_755 = arith.addf %add3A_748, %mul3A_754 : vector<16xf32>
        %add3A_756 = arith.constant 5 : i32
        %add3A_757 = vector.broadcast %add3A_756 : i32 to vector<16xi32>
        %add3A_758 = arith.addi %add3A_47, %add3A_757 : vector<16xi32>
        %gather3A_759 = tpu.vector_load_idx %arg9[%add3A_758, %broadcast_in_dim3A_725] : memref<3328x16xf32, #tpu.memory_space<vmem>>[vector<16xi32>, vector<16xi32>], vector<16xf32>,
        %add3A_760 = arith.addf %add3A_753, %gather3A_759 : vector<16xf32>
        %mul3A_761 = arith.mulf %gather3A_759, %gather3A_759 : vector<16xf32>
        %add3A_762 = arith.addf %add3A_755, %mul3A_761 : vector<16xf32>
        %add3A_763 = arith.constant 6 : i32
        %add3A_764 = vector.broadcast %add3A_763 : i32 to vector<16xi32>
        %add3A_765 = arith.addi %add3A_47, %add3A_764 : vector<16xi32>
        %gather3A_766 = tpu.vector_load_idx %arg9[%add3A_765, %broadcast_in_dim3A_725] : memref<3328x16xf32, #tpu.memory_space<vmem>>[vector<16xi32>, vector<16xi32>], vector<16xf32>,
        %add3A_767 = arith.addf %add3A_760, %gather3A_766 : vector<16xf32>
        %mul3A_768 = arith.mulf %gather3A_766, %gather3A_766 : vector<16xf32>
        %add3A_769 = arith.addf %add3A_762, %mul3A_768 : vector<16xf32>
        %add3A_770 = arith.constant 7 : i32
        %add3A_771 = vector.broadcast %add3A_770 : i32 to vector<16xi32>
        %add3A_772 = arith.addi %add3A_47, %add3A_771 : vector<16xi32>
        %gather3A_773 = tpu.vector_load_idx %arg9[%add3A_772, %broadcast_in_dim3A_725] : memref<3328x16xf32, #tpu.memory_space<vmem>>[vector<16xi32>, vector<16xi32>], vector<16xf32>,
        %add3A_774 = arith.addf %add3A_767, %gather3A_773 : vector<16xf32>
        %mul3A_775 = arith.mulf %gather3A_773, %gather3A_773 : vector<16xf32>
        %add3A_776 = arith.addf %add3A_769, %mul3A_775 : vector<16xf32>
        %add3A_777 = arith.constant 8 : i32
        %add3A_778 = vector.broadcast %add3A_777 : i32 to vector<16xi32>
        %add3A_779 = arith.addi %add3A_47, %add3A_778 : vector<16xi32>
        %gather3A_780 = tpu.vector_load_idx %arg9[%add3A_779, %broadcast_in_dim3A_725] : memref<3328x16xf32, #tpu.memory_space<vmem>>[vector<16xi32>, vector<16xi32>], vector<16xf32>,
        %add3A_781 = arith.addf %add3A_774, %gather3A_780 : vector<16xf32>
        %mul3A_782 = arith.mulf %gather3A_780, %gather3A_780 : vector<16xf32>
        %add3A_783 = arith.addf %add3A_776, %mul3A_782 : vector<16xf32>
        %add3A_784 = arith.constant 9 : i32
        %add3A_785 = vector.broadcast %add3A_784 : i32 to vector<16xi32>
        %add3A_786 = arith.addi %add3A_47, %add3A_785 : vector<16xi32>
        %gather3A_787 = tpu.vector_load_idx %arg9[%add3A_786, %broadcast_in_dim3A_725] : memref<3328x16xf32, #tpu.memory_space<vmem>>[vector<16xi32>, vector<16xi32>], vector<16xf32>,
        %add3A_788 = arith.addf %add3A_781, %gather3A_787 : vector<16xf32>
        %mul3A_789 = arith.mulf %gather3A_787, %gather3A_787 : vector<16xf32>
        %add3A_790 = arith.addf %add3A_783, %mul3A_789 : vector<16xf32>
        %add3A_791 = arith.constant 10 : i32
        %add3A_792 = vector.broadcast %add3A_791 : i32 to vector<16xi32>
        %add3A_793 = arith.addi %add3A_47, %add3A_792 : vector<16xi32>
        %gather3A_794 = tpu.vector_load_idx %arg9[%add3A_793, %broadcast_in_dim3A_725] : memref<3328x16xf32, #tpu.memory_space<vmem>>[vector<16xi32>, vector<16xi32>], vector<16xf32>,
        %add3A_795 = arith.addf %add3A_788, %gather3A_794 : vector<16xf32>
        %mul3A_796 = arith.mulf %gather3A_794, %gather3A_794 : vector<16xf32>
        %add3A_797 = arith.addf %add3A_790, %mul3A_796 : vector<16xf32>
        %add3A_798 = arith.constant 11 : i32
        %add3A_799 = vector.broadcast %add3A_798 : i32 to vector<16xi32>
        %add3A_800 = arith.addi %add3A_47, %add3A_799 : vector<16xi32>
        %gather3A_801 = tpu.vector_load_idx %arg9[%add3A_800, %broadcast_in_dim3A_725] : memref<3328x16xf32, #tpu.memory_space<vmem>>[vector<16xi32>, vector<16xi32>], vector<16xf32>,
        %add3A_802 = arith.addf %add3A_795, %gather3A_801 : vector<16xf32>
        %mul3A_803 = arith.mulf %gather3A_801, %gather3A_801 : vector<16xf32>
        %add3A_804 = arith.addf %add3A_797, %mul3A_803 : vector<16xf32>
        %add3A_805 = arith.constant 12 : i32
        %add3A_806 = vector.broadcast %add3A_805 : i32 to vector<16xi32>
        %add3A_807 = arith.addi %add3A_47, %add3A_806 : vector<16xi32>
        %gather3A_808 = tpu.vector_load_idx %arg9[%add3A_807, %broadcast_in_dim3A_725] : memref<3328x16xf32, #tpu.memory_space<vmem>>[vector<16xi32>, vector<16xi32>], vector<16xf32>,
        %add3A_809 = arith.addf %add3A_802, %gather3A_808 : vector<16xf32>
        %mul3A_810 = arith.mulf %gather3A_808, %gather3A_808 : vector<16xf32>
        %add3A_811 = arith.addf %add3A_804, %mul3A_810 : vector<16xf32>
        %add3A_812 = arith.constant 13 : i32
        %add3A_813 = vector.broadcast %add3A_812 : i32 to vector<16xi32>
        %add3A_814 = arith.addi %add3A_47, %add3A_813 : vector<16xi32>
        %gather3A_815 = tpu.vector_load_idx %arg9[%add3A_814, %broadcast_in_dim3A_725] : memref<3328x16xf32, #tpu.memory_space<vmem>>[vector<16xi32>, vector<16xi32>], vector<16xf32>,
        %add3A_816 = arith.addf %add3A_809, %gather3A_815 : vector<16xf32>
        %mul3A_817 = arith.mulf %gather3A_815, %gather3A_815 : vector<16xf32>
        %add3A_818 = arith.addf %add3A_811, %mul3A_817 : vector<16xf32>
        %add3A_819 = arith.constant 14 : i32
        %add3A_820 = vector.broadcast %add3A_819 : i32 to vector<16xi32>
        %add3A_821 = arith.addi %add3A_47, %add3A_820 : vector<16xi32>
        %gather3A_822 = tpu.vector_load_idx %arg9[%add3A_821, %broadcast_in_dim3A_725] : memref<3328x16xf32, #tpu.memory_space<vmem>>[vector<16xi32>, vector<16xi32>], vector<16xf32>,
        %add3A_823 = arith.addf %add3A_816, %gather3A_822 : vector<16xf32>
        %mul3A_824 = arith.mulf %gather3A_822, %gather3A_822 : vector<16xf32>
        %add3A_825 = arith.addf %add3A_818, %mul3A_824 : vector<16xf32>
        %add3A_826 = arith.constant 15 : i32
        %add3A_827 = vector.broadcast %add3A_826 : i32 to vector<16xi32>
        %add3A_828 = arith.addi %add3A_47, %add3A_827 : vector<16xi32>
        %gather3A_829 = tpu.vector_load_idx %arg9[%add3A_828, %broadcast_in_dim3A_725] : memref<3328x16xf32, #tpu.memory_space<vmem>>[vector<16xi32>, vector<16xi32>], vector<16xf32>,
        %add3A_830 = arith.addf %add3A_823, %gather3A_829 : vector<16xf32>
        %mul3A_831 = arith.mulf %gather3A_829, %gather3A_829 : vector<16xf32>
        %add3A_832 = arith.addf %add3A_825, %mul3A_831 : vector<16xf32>
        %add3A_833 = arith.constant 16 : i32
        %add3A_834 = vector.broadcast %add3A_833 : i32 to vector<16xi32>
        %add3A_835 = arith.addi %add3A_47, %add3A_834 : vector<16xi32>
        %gather3A_836 = tpu.vector_load_idx %arg9[%add3A_835, %broadcast_in_dim3A_725] : memref<3328x16xf32, #tpu.memory_space<vmem>>[vector<16xi32>, vector<16xi32>], vector<16xf32>,
        %add3A_837 = arith.addf %add3A_830, %gather3A_836 : vector<16xf32>
        %mul3A_838 = arith.mulf %gather3A_836, %gather3A_836 : vector<16xf32>
        %add3A_839 = arith.addf %add3A_832, %mul3A_838 : vector<16xf32>
        %add3A_840 = arith.constant 17 : i32
        %add3A_841 = vector.broadcast %add3A_840 : i32 to vector<16xi32>
        %add3A_842 = arith.addi %add3A_47, %add3A_841 : vector<16xi32>
        %gather3A_843 = tpu.vector_load_idx %arg9[%add3A_842, %broadcast_in_dim3A_725] : memref<3328x16xf32, #tpu.memory_space<vmem>>[vector<16xi32>, vector<16xi32>], vector<16xf32>,
        %add3A_844 = arith.addf %add3A_837, %gather3A_843 : vector<16xf32>
        %mul3A_845 = arith.mulf %gather3A_843, %gather3A_843 : vector<16xf32>
        %add3A_846 = arith.addf %add3A_839, %mul3A_845 : vector<16xf32>
        %add3A_847 = arith.constant 18 : i32
        %add3A_848 = vector.broadcast %add3A_847 : i32 to vector<16xi32>
        %add3A_849 = arith.addi %add3A_47, %add3A_848 : vector<16xi32>
        %gather3A_850 = tpu.vector_load_idx %arg9[%add3A_849, %broadcast_in_dim3A_725] : memref<3328x16xf32, #tpu.memory_space<vmem>>[vector<16xi32>, vector<16xi32>], vector<16xf32>,
        %add3A_851 = arith.addf %add3A_844, %gather3A_850 : vector<16xf32>
        %mul3A_852 = arith.mulf %gather3A_850, %gather3A_850 : vector<16xf32>
        %add3A_853 = arith.addf %add3A_846, %mul3A_852 : vector<16xf32>
        %add3A_854 = arith.constant 19 : i32
        %add3A_855 = vector.broadcast %add3A_854 : i32 to vector<16xi32>
        %add3A_856 = arith.addi %add3A_47, %add3A_855 : vector<16xi32>
        %gather3A_857 = tpu.vector_load_idx %arg9[%add3A_856, %broadcast_in_dim3A_725] : memref<3328x16xf32, #tpu.memory_space<vmem>>[vector<16xi32>, vector<16xi32>], vector<16xf32>,
        %add3A_858 = arith.addf %add3A_851, %gather3A_857 : vector<16xf32>
        %mul3A_859 = arith.mulf %gather3A_857, %gather3A_857 : vector<16xf32>
        %add3A_860 = arith.addf %add3A_853, %mul3A_859 : vector<16xf32>
        %add3A_861 = arith.constant 20 : i32
        %add3A_862 = vector.broadcast %add3A_861 : i32 to vector<16xi32>
        %add3A_863 = arith.addi %add3A_47, %add3A_862 : vector<16xi32>
        %gather3A_864 = tpu.vector_load_idx %arg9[%add3A_863, %broadcast_in_dim3A_725] : memref<3328x16xf32, #tpu.memory_space<vmem>>[vector<16xi32>, vector<16xi32>], vector<16xf32>,
        %add3A_865 = arith.addf %add3A_858, %gather3A_864 : vector<16xf32>
        %mul3A_866 = arith.mulf %gather3A_864, %gather3A_864 : vector<16xf32>
        %add3A_867 = arith.addf %add3A_860, %mul3A_866 : vector<16xf32>
        %add3A_868 = arith.constant 21 : i32
        %add3A_869 = vector.broadcast %add3A_868 : i32 to vector<16xi32>
        %add3A_870 = arith.addi %add3A_47, %add3A_869 : vector<16xi32>
        %gather3A_871 = tpu.vector_load_idx %arg9[%add3A_870, %broadcast_in_dim3A_725] : memref<3328x16xf32, #tpu.memory_space<vmem>>[vector<16xi32>, vector<16xi32>], vector<16xf32>,
        %add3A_872 = arith.addf %add3A_865, %gather3A_871 : vector<16xf32>
        %mul3A_873 = arith.mulf %gather3A_871, %gather3A_871 : vector<16xf32>
        %add3A_874 = arith.addf %add3A_867, %mul3A_873 : vector<16xf32>
        %add3A_875 = arith.constant 22 : i32
        %add3A_876 = vector.broadcast %add3A_875 : i32 to vector<16xi32>
        %add3A_877 = arith.addi %add3A_47, %add3A_876 : vector<16xi32>
        %gather3A_878 = tpu.vector_load_idx %arg9[%add3A_877, %broadcast_in_dim3A_725] : memref<3328x16xf32, #tpu.memory_space<vmem>>[vector<16xi32>, vector<16xi32>], vector<16xf32>,
        %add3A_879 = arith.addf %add3A_872, %gather3A_878 : vector<16xf32>
        %mul3A_880 = arith.mulf %gather3A_878, %gather3A_878 : vector<16xf32>
        %add3A_881 = arith.addf %add3A_874, %mul3A_880 : vector<16xf32>
        %add3A_882 = arith.constant 23 : i32
        %add3A_883 = vector.broadcast %add3A_882 : i32 to vector<16xi32>
        %add3A_884 = arith.addi %add3A_47, %add3A_883 : vector<16xi32>
        %gather3A_885 = tpu.vector_load_idx %arg9[%add3A_884, %broadcast_in_dim3A_725] : memref<3328x16xf32, #tpu.memory_space<vmem>>[vector<16xi32>, vector<16xi32>], vector<16xf32>,
        %add3A_886 = arith.addf %add3A_879, %gather3A_885 : vector<16xf32>
        %mul3A_887 = arith.mulf %gather3A_885, %gather3A_885 : vector<16xf32>
        %add3A_888 = arith.addf %add3A_881, %mul3A_887 : vector<16xf32>
        %add3A_889 = arith.constant 24 : i32
        %add3A_890 = vector.broadcast %add3A_889 : i32 to vector<16xi32>
        %add3A_891 = arith.addi %add3A_47, %add3A_890 : vector<16xi32>
        %gather3A_892 = tpu.vector_load_idx %arg9[%add3A_891, %broadcast_in_dim3A_725] : memref<3328x16xf32, #tpu.memory_space<vmem>>[vector<16xi32>, vector<16xi32>], vector<16xf32>,
        %add3A_893 = arith.addf %add3A_886, %gather3A_892 : vector<16xf32>
        %mul3A_894 = arith.mulf %gather3A_892, %gather3A_892 : vector<16xf32>
        %add3A_895 = arith.addf %add3A_888, %mul3A_894 : vector<16xf32>
        %add3A_896 = arith.constant 25 : i32
        %add3A_897 = vector.broadcast %add3A_896 : i32 to vector<16xi32>
        %add3A_898 = arith.addi %add3A_47, %add3A_897 : vector<16xi32>
        %gather3A_899 = tpu.vector_load_idx %arg9[%add3A_898, %broadcast_in_dim3A_725] : memref<3328x16xf32, #tpu.memory_space<vmem>>[vector<16xi32>, vector<16xi32>], vector<16xf32>,
        %add3A_900 = arith.addf %add3A_893, %gather3A_899 : vector<16xf32>
        %mul3A_901 = arith.mulf %gather3A_899, %gather3A_899 : vector<16xf32>
        %add3A_902 = arith.addf %add3A_895, %mul3A_901 : vector<16xf32>
        %mul3A_903 = arith.mulf %add3A_900, %add3A_900 : vector<16xf32>
        %sub3A_904 = arith.subf %mul3A_903, %add3A_902 : vector<16xf32>
        %add3A_905 = arith.addf %add3A_723, %sub3A_904 : vector<16xf32>
        %broadcast_in_dim3A_906 = arith.constant 3 : i32
        %broadcast_in_dim3A_907 = vector.broadcast %broadcast_in_dim3A_906 : i32 to vector<16xi32>
        %gather3A_908 = tpu.vector_load_idx %arg9[%add3A_47, %broadcast_in_dim3A_907] : memref<3328x16xf32, #tpu.memory_space<vmem>>[vector<16xi32>, vector<16xi32>], vector<16xf32>,
        %mul3A_909 = arith.mulf %gather3A_908, %gather3A_908 : vector<16xf32>
        %add3A_910 = arith.constant 1 : i32
        %add3A_911 = vector.broadcast %add3A_910 : i32 to vector<16xi32>
        %add3A_912 = arith.addi %add3A_47, %add3A_911 : vector<16xi32>
        %gather3A_913 = tpu.vector_load_idx %arg9[%add3A_912, %broadcast_in_dim3A_907] : memref<3328x16xf32, #tpu.memory_space<vmem>>[vector<16xi32>, vector<16xi32>], vector<16xf32>,
        %add3A_914 = arith.addf %gather3A_908, %gather3A_913 : vector<16xf32>
        %mul3A_915 = arith.mulf %gather3A_913, %gather3A_913 : vector<16xf32>
        %add3A_916 = arith.addf %mul3A_909, %mul3A_915 : vector<16xf32>
        %add3A_917 = arith.constant 2 : i32
        %add3A_918 = vector.broadcast %add3A_917 : i32 to vector<16xi32>
        %add3A_919 = arith.addi %add3A_47, %add3A_918 : vector<16xi32>
        %gather3A_920 = tpu.vector_load_idx %arg9[%add3A_919, %broadcast_in_dim3A_907] : memref<3328x16xf32, #tpu.memory_space<vmem>>[vector<16xi32>, vector<16xi32>], vector<16xf32>,
        %add3A_921 = arith.addf %add3A_914, %gather3A_920 : vector<16xf32>
        %mul3A_922 = arith.mulf %gather3A_920, %gather3A_920 : vector<16xf32>
        %add3A_923 = arith.addf %add3A_916, %mul3A_922 : vector<16xf32>
        %add3A_924 = arith.constant 3 : i32
        %add3A_925 = vector.broadcast %add3A_924 : i32 to vector<16xi32>
        %add3A_926 = arith.addi %add3A_47, %add3A_925 : vector<16xi32>
        %gather3A_927 = tpu.vector_load_idx %arg9[%add3A_926, %broadcast_in_dim3A_907] : memref<3328x16xf32, #tpu.memory_space<vmem>>[vector<16xi32>, vector<16xi32>], vector<16xf32>,
        %add3A_928 = arith.addf %add3A_921, %gather3A_927 : vector<16xf32>
        %mul3A_929 = arith.mulf %gather3A_927, %gather3A_927 : vector<16xf32>
        %add3A_930 = arith.addf %add3A_923, %mul3A_929 : vector<16xf32>
        %add3A_931 = arith.constant 4 : i32
        %add3A_932 = vector.broadcast %add3A_931 : i32 to vector<16xi32>
        %add3A_933 = arith.addi %add3A_47, %add3A_932 : vector<16xi32>
        %gather3A_934 = tpu.vector_load_idx %arg9[%add3A_933, %broadcast_in_dim3A_907] : memref<3328x16xf32, #tpu.memory_space<vmem>>[vector<16xi32>, vector<16xi32>], vector<16xf32>,
        %add3A_935 = arith.addf %add3A_928, %gather3A_934 : vector<16xf32>
        %mul3A_936 = arith.mulf %gather3A_934, %gather3A_934 : vector<16xf32>
        %add3A_937 = arith.addf %add3A_930, %mul3A_936 : vector<16xf32>
        %add3A_938 = arith.constant 5 : i32
        %add3A_939 = vector.broadcast %add3A_938 : i32 to vector<16xi32>
        %add3A_940 = arith.addi %add3A_47, %add3A_939 : vector<16xi32>
        %gather3A_941 = tpu.vector_load_idx %arg9[%add3A_940, %broadcast_in_dim3A_907] : memref<3328x16xf32, #tpu.memory_space<vmem>>[vector<16xi32>, vector<16xi32>], vector<16xf32>,
        %add3A_942 = arith.addf %add3A_935, %gather3A_941 : vector<16xf32>
        %mul3A_943 = arith.mulf %gather3A_941, %gather3A_941 : vector<16xf32>
        %add3A_944 = arith.addf %add3A_937, %mul3A_943 : vector<16xf32>
        %add3A_945 = arith.constant 6 : i32
        %add3A_946 = vector.broadcast %add3A_945 : i32 to vector<16xi32>
        %add3A_947 = arith.addi %add3A_47, %add3A_946 : vector<16xi32>
        %gather3A_948 = tpu.vector_load_idx %arg9[%add3A_947, %broadcast_in_dim3A_907] : memref<3328x16xf32, #tpu.memory_space<vmem>>[vector<16xi32>, vector<16xi32>], vector<16xf32>,
        %add3A_949 = arith.addf %add3A_942, %gather3A_948 : vector<16xf32>
        %mul3A_950 = arith.mulf %gather3A_948, %gather3A_948 : vector<16xf32>
        %add3A_951 = arith.addf %add3A_944, %mul3A_950 : vector<16xf32>
        %add3A_952 = arith.constant 7 : i32
        %add3A_953 = vector.broadcast %add3A_952 : i32 to vector<16xi32>
        %add3A_954 = arith.addi %add3A_47, %add3A_953 : vector<16xi32>
        %gather3A_955 = tpu.vector_load_idx %arg9[%add3A_954, %broadcast_in_dim3A_907] : memref<3328x16xf32, #tpu.memory_space<vmem>>[vector<16xi32>, vector<16xi32>], vector<16xf32>,
        %add3A_956 = arith.addf %add3A_949, %gather3A_955 : vector<16xf32>
        %mul3A_957 = arith.mulf %gather3A_955, %gather3A_955 : vector<16xf32>
        %add3A_958 = arith.addf %add3A_951, %mul3A_957 : vector<16xf32>
        %add3A_959 = arith.constant 8 : i32
        %add3A_960 = vector.broadcast %add3A_959 : i32 to vector<16xi32>
        %add3A_961 = arith.addi %add3A_47, %add3A_960 : vector<16xi32>
        %gather3A_962 = tpu.vector_load_idx %arg9[%add3A_961, %broadcast_in_dim3A_907] : memref<3328x16xf32, #tpu.memory_space<vmem>>[vector<16xi32>, vector<16xi32>], vector<16xf32>,
        %add3A_963 = arith.addf %add3A_956, %gather3A_962 : vector<16xf32>
        %mul3A_964 = arith.mulf %gather3A_962, %gather3A_962 : vector<16xf32>
        %add3A_965 = arith.addf %add3A_958, %mul3A_964 : vector<16xf32>
        %add3A_966 = arith.constant 9 : i32
        %add3A_967 = vector.broadcast %add3A_966 : i32 to vector<16xi32>
        %add3A_968 = arith.addi %add3A_47, %add3A_967 : vector<16xi32>
        %gather3A_969 = tpu.vector_load_idx %arg9[%add3A_968, %broadcast_in_dim3A_907] : memref<3328x16xf32, #tpu.memory_space<vmem>>[vector<16xi32>, vector<16xi32>], vector<16xf32>,
        %add3A_970 = arith.addf %add3A_963, %gather3A_969 : vector<16xf32>
        %mul3A_971 = arith.mulf %gather3A_969, %gather3A_969 : vector<16xf32>
        %add3A_972 = arith.addf %add3A_965, %mul3A_971 : vector<16xf32>
        %add3A_973 = arith.constant 10 : i32
        %add3A_974 = vector.broadcast %add3A_973 : i32 to vector<16xi32>
        %add3A_975 = arith.addi %add3A_47, %add3A_974 : vector<16xi32>
        %gather3A_976 = tpu.vector_load_idx %arg9[%add3A_975, %broadcast_in_dim3A_907] : memref<3328x16xf32, #tpu.memory_space<vmem>>[vector<16xi32>, vector<16xi32>], vector<16xf32>,
        %add3A_977 = arith.addf %add3A_970, %gather3A_976 : vector<16xf32>
        %mul3A_978 = arith.mulf %gather3A_976, %gather3A_976 : vector<16xf32>
        %add3A_979 = arith.addf %add3A_972, %mul3A_978 : vector<16xf32>
        %add3A_980 = arith.constant 11 : i32
        %add3A_981 = vector.broadcast %add3A_980 : i32 to vector<16xi32>
        %add3A_982 = arith.addi %add3A_47, %add3A_981 : vector<16xi32>
        %gather3A_983 = tpu.vector_load_idx %arg9[%add3A_982, %broadcast_in_dim3A_907] : memref<3328x16xf32, #tpu.memory_space<vmem>>[vector<16xi32>, vector<16xi32>], vector<16xf32>,
        %add3A_984 = arith.addf %add3A_977, %gather3A_983 : vector<16xf32>
        %mul3A_985 = arith.mulf %gather3A_983, %gather3A_983 : vector<16xf32>
        %add3A_986 = arith.addf %add3A_979, %mul3A_985 : vector<16xf32>
        %add3A_987 = arith.constant 12 : i32
        %add3A_988 = vector.broadcast %add3A_987 : i32 to vector<16xi32>
        %add3A_989 = arith.addi %add3A_47, %add3A_988 : vector<16xi32>
        %gather3A_990 = tpu.vector_load_idx %arg9[%add3A_989, %broadcast_in_dim3A_907] : memref<3328x16xf32, #tpu.memory_space<vmem>>[vector<16xi32>, vector<16xi32>], vector<16xf32>,
        %add3A_991 = arith.addf %add3A_984, %gather3A_990 : vector<16xf32>
        %mul3A_992 = arith.mulf %gather3A_990, %gather3A_990 : vector<16xf32>
        %add3A_993 = arith.addf %add3A_986, %mul3A_992 : vector<16xf32>
        %add3A_994 = arith.constant 13 : i32
        %add3A_995 = vector.broadcast %add3A_994 : i32 to vector<16xi32>
        %add3A_996 = arith.addi %add3A_47, %add3A_995 : vector<16xi32>
        %gather3A_997 = tpu.vector_load_idx %arg9[%add3A_996, %broadcast_in_dim3A_907] : memref<3328x16xf32, #tpu.memory_space<vmem>>[vector<16xi32>, vector<16xi32>], vector<16xf32>,
        %add3A_998 = arith.addf %add3A_991, %gather3A_997 : vector<16xf32>
        %mul3A_999 = arith.mulf %gather3A_997, %gather3A_997 : vector<16xf32>
        %add3A_1000 = arith.addf %add3A_993, %mul3A_999 : vector<16xf32>
        %add3A_1001 = arith.constant 14 : i32
        %add3A_1002 = vector.broadcast %add3A_1001 : i32 to vector<16xi32>
        %add3A_1003 = arith.addi %add3A_47, %add3A_1002 : vector<16xi32>
        %gather3A_1004 = tpu.vector_load_idx %arg9[%add3A_1003, %broadcast_in_dim3A_907] : memref<3328x16xf32, #tpu.memory_space<vmem>>[vector<16xi32>, vector<16xi32>], vector<16xf32>,
        %add3A_1005 = arith.addf %add3A_998, %gather3A_1004 : vector<16xf32>
        %mul3A_1006 = arith.mulf %gather3A_1004, %gather3A_1004 : vector<16xf32>
        %add3A_1007 = arith.addf %add3A_1000, %mul3A_1006 : vector<16xf32>
        %add3A_1008 = arith.constant 15 : i32
        %add3A_1009 = vector.broadcast %add3A_1008 : i32 to vector<16xi32>
        %add3A_1010 = arith.addi %add3A_47, %add3A_1009 : vector<16xi32>
        %gather3A_1011 = tpu.vector_load_idx %arg9[%add3A_1010, %broadcast_in_dim3A_907] : memref<3328x16xf32, #tpu.memory_space<vmem>>[vector<16xi32>, vector<16xi32>], vector<16xf32>,
        %add3A_1012 = arith.addf %add3A_1005, %gather3A_1011 : vector<16xf32>
        %mul3A_1013 = arith.mulf %gather3A_1011, %gather3A_1011 : vector<16xf32>
        %add3A_1014 = arith.addf %add3A_1007, %mul3A_1013 : vector<16xf32>
        %add3A_1015 = arith.constant 16 : i32
        %add3A_1016 = vector.broadcast %add3A_1015 : i32 to vector<16xi32>
        %add3A_1017 = arith.addi %add3A_47, %add3A_1016 : vector<16xi32>
        %gather3A_1018 = tpu.vector_load_idx %arg9[%add3A_1017, %broadcast_in_dim3A_907] : memref<3328x16xf32, #tpu.memory_space<vmem>>[vector<16xi32>, vector<16xi32>], vector<16xf32>,
        %add3A_1019 = arith.addf %add3A_1012, %gather3A_1018 : vector<16xf32>
        %mul3A_1020 = arith.mulf %gather3A_1018, %gather3A_1018 : vector<16xf32>
        %add3A_1021 = arith.addf %add3A_1014, %mul3A_1020 : vector<16xf32>
        %add3A_1022 = arith.constant 17 : i32
        %add3A_1023 = vector.broadcast %add3A_1022 : i32 to vector<16xi32>
        %add3A_1024 = arith.addi %add3A_47, %add3A_1023 : vector<16xi32>
        %gather3A_1025 = tpu.vector_load_idx %arg9[%add3A_1024, %broadcast_in_dim3A_907] : memref<3328x16xf32, #tpu.memory_space<vmem>>[vector<16xi32>, vector<16xi32>], vector<16xf32>,
        %add3A_1026 = arith.addf %add3A_1019, %gather3A_1025 : vector<16xf32>
        %mul3A_1027 = arith.mulf %gather3A_1025, %gather3A_1025 : vector<16xf32>
        %add3A_1028 = arith.addf %add3A_1021, %mul3A_1027 : vector<16xf32>
        %add3A_1029 = arith.constant 18 : i32
        %add3A_1030 = vector.broadcast %add3A_1029 : i32 to vector<16xi32>
        %add3A_1031 = arith.addi %add3A_47, %add3A_1030 : vector<16xi32>
        %gather3A_1032 = tpu.vector_load_idx %arg9[%add3A_1031, %broadcast_in_dim3A_907] : memref<3328x16xf32, #tpu.memory_space<vmem>>[vector<16xi32>, vector<16xi32>], vector<16xf32>,
        %add3A_1033 = arith.addf %add3A_1026, %gather3A_1032 : vector<16xf32>
        %mul3A_1034 = arith.mulf %gather3A_1032, %gather3A_1032 : vector<16xf32>
        %add3A_1035 = arith.addf %add3A_1028, %mul3A_1034 : vector<16xf32>
        %add3A_1036 = arith.constant 19 : i32
        %add3A_1037 = vector.broadcast %add3A_1036 : i32 to vector<16xi32>
        %add3A_1038 = arith.addi %add3A_47, %add3A_1037 : vector<16xi32>
        %gather3A_1039 = tpu.vector_load_idx %arg9[%add3A_1038, %broadcast_in_dim3A_907] : memref<3328x16xf32, #tpu.memory_space<vmem>>[vector<16xi32>, vector<16xi32>], vector<16xf32>,
        %add3A_1040 = arith.addf %add3A_1033, %gather3A_1039 : vector<16xf32>
        %mul3A_1041 = arith.mulf %gather3A_1039, %gather3A_1039 : vector<16xf32>
        %add3A_1042 = arith.addf %add3A_1035, %mul3A_1041 : vector<16xf32>
        %add3A_1043 = arith.constant 20 : i32
        %add3A_1044 = vector.broadcast %add3A_1043 : i32 to vector<16xi32>
        %add3A_1045 = arith.addi %add3A_47, %add3A_1044 : vector<16xi32>
        %gather3A_1046 = tpu.vector_load_idx %arg9[%add3A_1045, %broadcast_in_dim3A_907] : memref<3328x16xf32, #tpu.memory_space<vmem>>[vector<16xi32>, vector<16xi32>], vector<16xf32>,
        %add3A_1047 = arith.addf %add3A_1040, %gather3A_1046 : vector<16xf32>
        %mul3A_1048 = arith.mulf %gather3A_1046, %gather3A_1046 : vector<16xf32>
        %add3A_1049 = arith.addf %add3A_1042, %mul3A_1048 : vector<16xf32>
        %add3A_1050 = arith.constant 21 : i32
        %add3A_1051 = vector.broadcast %add3A_1050 : i32 to vector<16xi32>
        %add3A_1052 = arith.addi %add3A_47, %add3A_1051 : vector<16xi32>
        %gather3A_1053 = tpu.vector_load_idx %arg9[%add3A_1052, %broadcast_in_dim3A_907] : memref<3328x16xf32, #tpu.memory_space<vmem>>[vector<16xi32>, vector<16xi32>], vector<16xf32>,
        %add3A_1054 = arith.addf %add3A_1047, %gather3A_1053 : vector<16xf32>
        %mul3A_1055 = arith.mulf %gather3A_1053, %gather3A_1053 : vector<16xf32>
        %add3A_1056 = arith.addf %add3A_1049, %mul3A_1055 : vector<16xf32>
        %add3A_1057 = arith.constant 22 : i32
        %add3A_1058 = vector.broadcast %add3A_1057 : i32 to vector<16xi32>
        %add3A_1059 = arith.addi %add3A_47, %add3A_1058 : vector<16xi32>
        %gather3A_1060 = tpu.vector_load_idx %arg9[%add3A_1059, %broadcast_in_dim3A_907] : memref<3328x16xf32, #tpu.memory_space<vmem>>[vector<16xi32>, vector<16xi32>], vector<16xf32>,
        %add3A_1061 = arith.addf %add3A_1054, %gather3A_1060 : vector<16xf32>
        %mul3A_1062 = arith.mulf %gather3A_1060, %gather3A_1060 : vector<16xf32>
        %add3A_1063 = arith.addf %add3A_1056, %mul3A_1062 : vector<16xf32>
        %add3A_1064 = arith.constant 23 : i32
        %add3A_1065 = vector.broadcast %add3A_1064 : i32 to vector<16xi32>
        %add3A_1066 = arith.addi %add3A_47, %add3A_1065 : vector<16xi32>
        %gather3A_1067 = tpu.vector_load_idx %arg9[%add3A_1066, %broadcast_in_dim3A_907] : memref<3328x16xf32, #tpu.memory_space<vmem>>[vector<16xi32>, vector<16xi32>], vector<16xf32>,
        %add3A_1068 = arith.addf %add3A_1061, %gather3A_1067 : vector<16xf32>
        %mul3A_1069 = arith.mulf %gather3A_1067, %gather3A_1067 : vector<16xf32>
        %add3A_1070 = arith.addf %add3A_1063, %mul3A_1069 : vector<16xf32>
        %add3A_1071 = arith.constant 24 : i32
        %add3A_1072 = vector.broadcast %add3A_1071 : i32 to vector<16xi32>
        %add3A_1073 = arith.addi %add3A_47, %add3A_1072 : vector<16xi32>
        %gather3A_1074 = tpu.vector_load_idx %arg9[%add3A_1073, %broadcast_in_dim3A_907] : memref<3328x16xf32, #tpu.memory_space<vmem>>[vector<16xi32>, vector<16xi32>], vector<16xf32>,
        %add3A_1075 = arith.addf %add3A_1068, %gather3A_1074 : vector<16xf32>
        %mul3A_1076 = arith.mulf %gather3A_1074, %gather3A_1074 : vector<16xf32>
        %add3A_1077 = arith.addf %add3A_1070, %mul3A_1076 : vector<16xf32>
        %add3A_1078 = arith.constant 25 : i32
        %add3A_1079 = vector.broadcast %add3A_1078 : i32 to vector<16xi32>
        %add3A_1080 = arith.addi %add3A_47, %add3A_1079 : vector<16xi32>
        %gather3A_1081 = tpu.vector_load_idx %arg9[%add3A_1080, %broadcast_in_dim3A_907] : memref<3328x16xf32, #tpu.memory_space<vmem>>[vector<16xi32>, vector<16xi32>], vector<16xf32>,
        %add3A_1082 = arith.addf %add3A_1075, %gather3A_1081 : vector<16xf32>
        %mul3A_1083 = arith.mulf %gather3A_1081, %gather3A_1081 : vector<16xf32>
        %add3A_1084 = arith.addf %add3A_1077, %mul3A_1083 : vector<16xf32>
        %mul3A_1085 = arith.mulf %add3A_1082, %add3A_1082 : vector<16xf32>
        %sub3A_1086 = arith.subf %mul3A_1085, %add3A_1084 : vector<16xf32>
        %add3A_1087 = arith.addf %add3A_905, %sub3A_1086 : vector<16xf32>
        %broadcast_in_dim3A_1088 = arith.constant 4 : i32
        %broadcast_in_dim3A_1089 = vector.broadcast %broadcast_in_dim3A_1088 : i32 to vector<16xi32>
        %gather3A_1090 = tpu.vector_load_idx %arg9[%add3A_47, %broadcast_in_dim3A_1089] : memref<3328x16xf32, #tpu.memory_space<vmem>>[vector<16xi32>, vector<16xi32>], vector<16xf32>,
        %mul3A_1091 = arith.mulf %gather3A_1090, %gather3A_1090 : vector<16xf32>
        %add3A_1092 = arith.constant 1 : i32
        %add3A_1093 = vector.broadcast %add3A_1092 : i32 to vector<16xi32>
        %add3A_1094 = arith.addi %add3A_47, %add3A_1093 : vector<16xi32>
        %gather3A_1095 = tpu.vector_load_idx %arg9[%add3A_1094, %broadcast_in_dim3A_1089] : memref<3328x16xf32, #tpu.memory_space<vmem>>[vector<16xi32>, vector<16xi32>], vector<16xf32>,
        %add3A_1096 = arith.addf %gather3A_1090, %gather3A_1095 : vector<16xf32>
        %mul3A_1097 = arith.mulf %gather3A_1095, %gather3A_1095 : vector<16xf32>
        %add3A_1098 = arith.addf %mul3A_1091, %mul3A_1097 : vector<16xf32>
        %add3A_1099 = arith.constant 2 : i32
        %add3A_1100 = vector.broadcast %add3A_1099 : i32 to vector<16xi32>
        %add3A_1101 = arith.addi %add3A_47, %add3A_1100 : vector<16xi32>
        %gather3A_1102 = tpu.vector_load_idx %arg9[%add3A_1101, %broadcast_in_dim3A_1089] : memref<3328x16xf32, #tpu.memory_space<vmem>>[vector<16xi32>, vector<16xi32>], vector<16xf32>,
        %add3A_1103 = arith.addf %add3A_1096, %gather3A_1102 : vector<16xf32>
        %mul3A_1104 = arith.mulf %gather3A_1102, %gather3A_1102 : vector<16xf32>
        %add3A_1105 = arith.addf %add3A_1098, %mul3A_1104 : vector<16xf32>
        %add3A_1106 = arith.constant 3 : i32
        %add3A_1107 = vector.broadcast %add3A_1106 : i32 to vector<16xi32>
        %add3A_1108 = arith.addi %add3A_47, %add3A_1107 : vector<16xi32>
        %gather3A_1109 = tpu.vector_load_idx %arg9[%add3A_1108, %broadcast_in_dim3A_1089] : memref<3328x16xf32, #tpu.memory_space<vmem>>[vector<16xi32>, vector<16xi32>], vector<16xf32>,
        %add3A_1110 = arith.addf %add3A_1103, %gather3A_1109 : vector<16xf32>
        %mul3A_1111 = arith.mulf %gather3A_1109, %gather3A_1109 : vector<16xf32>
        %add3A_1112 = arith.addf %add3A_1105, %mul3A_1111 : vector<16xf32>
        %add3A_1113 = arith.constant 4 : i32
        %add3A_1114 = vector.broadcast %add3A_1113 : i32 to vector<16xi32>
        %add3A_1115 = arith.addi %add3A_47, %add3A_1114 : vector<16xi32>
        %gather3A_1116 = tpu.vector_load_idx %arg9[%add3A_1115, %broadcast_in_dim3A_1089] : memref<3328x16xf32, #tpu.memory_space<vmem>>[vector<16xi32>, vector<16xi32>], vector<16xf32>,
        %add3A_1117 = arith.addf %add3A_1110, %gather3A_1116 : vector<16xf32>
        %mul3A_1118 = arith.mulf %gather3A_1116, %gather3A_1116 : vector<16xf32>
        %add3A_1119 = arith.addf %add3A_1112, %mul3A_1118 : vector<16xf32>
        %add3A_1120 = arith.constant 5 : i32
        %add3A_1121 = vector.broadcast %add3A_1120 : i32 to vector<16xi32>
        %add3A_1122 = arith.addi %add3A_47, %add3A_1121 : vector<16xi32>
        %gather3A_1123 = tpu.vector_load_idx %arg9[%add3A_1122, %broadcast_in_dim3A_1089] : memref<3328x16xf32, #tpu.memory_space<vmem>>[vector<16xi32>, vector<16xi32>], vector<16xf32>,
        %add3A_1124 = arith.addf %add3A_1117, %gather3A_1123 : vector<16xf32>
        %mul3A_1125 = arith.mulf %gather3A_1123, %gather3A_1123 : vector<16xf32>
        %add3A_1126 = arith.addf %add3A_1119, %mul3A_1125 : vector<16xf32>
        %add3A_1127 = arith.constant 6 : i32
        %add3A_1128 = vector.broadcast %add3A_1127 : i32 to vector<16xi32>
        %add3A_1129 = arith.addi %add3A_47, %add3A_1128 : vector<16xi32>
        %gather3A_1130 = tpu.vector_load_idx %arg9[%add3A_1129, %broadcast_in_dim3A_1089] : memref<3328x16xf32, #tpu.memory_space<vmem>>[vector<16xi32>, vector<16xi32>], vector<16xf32>,
        %add3A_1131 = arith.addf %add3A_1124, %gather3A_1130 : vector<16xf32>
        %mul3A_1132 = arith.mulf %gather3A_1130, %gather3A_1130 : vector<16xf32>
        %add3A_1133 = arith.addf %add3A_1126, %mul3A_1132 : vector<16xf32>
        %add3A_1134 = arith.constant 7 : i32
        %add3A_1135 = vector.broadcast %add3A_1134 : i32 to vector<16xi32>
        %add3A_1136 = arith.addi %add3A_47, %add3A_1135 : vector<16xi32>
        %gather3A_1137 = tpu.vector_load_idx %arg9[%add3A_1136, %broadcast_in_dim3A_1089] : memref<3328x16xf32, #tpu.memory_space<vmem>>[vector<16xi32>, vector<16xi32>], vector<16xf32>,
        %add3A_1138 = arith.addf %add3A_1131, %gather3A_1137 : vector<16xf32>
        %mul3A_1139 = arith.mulf %gather3A_1137, %gather3A_1137 : vector<16xf32>
        %add3A_1140 = arith.addf %add3A_1133, %mul3A_1139 : vector<16xf32>
        %add3A_1141 = arith.constant 8 : i32
        %add3A_1142 = vector.broadcast %add3A_1141 : i32 to vector<16xi32>
        %add3A_1143 = arith.addi %add3A_47, %add3A_1142 : vector<16xi32>
        %gather3A_1144 = tpu.vector_load_idx %arg9[%add3A_1143, %broadcast_in_dim3A_1089] : memref<3328x16xf32, #tpu.memory_space<vmem>>[vector<16xi32>, vector<16xi32>], vector<16xf32>,
        %add3A_1145 = arith.addf %add3A_1138, %gather3A_1144 : vector<16xf32>
        %mul3A_1146 = arith.mulf %gather3A_1144, %gather3A_1144 : vector<16xf32>
        %add3A_1147 = arith.addf %add3A_1140, %mul3A_1146 : vector<16xf32>
        %add3A_1148 = arith.constant 9 : i32
        %add3A_1149 = vector.broadcast %add3A_1148 : i32 to vector<16xi32>
        %add3A_1150 = arith.addi %add3A_47, %add3A_1149 : vector<16xi32>
        %gather3A_1151 = tpu.vector_load_idx %arg9[%add3A_1150, %broadcast_in_dim3A_1089] : memref<3328x16xf32, #tpu.memory_space<vmem>>[vector<16xi32>, vector<16xi32>], vector<16xf32>,
        %add3A_1152 = arith.addf %add3A_1145, %gather3A_1151 : vector<16xf32>
        %mul3A_1153 = arith.mulf %gather3A_1151, %gather3A_1151 : vector<16xf32>
        %add3A_1154 = arith.addf %add3A_1147, %mul3A_1153 : vector<16xf32>
        %add3A_1155 = arith.constant 10 : i32
        %add3A_1156 = vector.broadcast %add3A_1155 : i32 to vector<16xi32>
        %add3A_1157 = arith.addi %add3A_47, %add3A_1156 : vector<16xi32>
        %gather3A_1158 = tpu.vector_load_idx %arg9[%add3A_1157, %broadcast_in_dim3A_1089] : memref<3328x16xf32, #tpu.memory_space<vmem>>[vector<16xi32>, vector<16xi32>], vector<16xf32>,
        %add3A_1159 = arith.addf %add3A_1152, %gather3A_1158 : vector<16xf32>
        %mul3A_1160 = arith.mulf %gather3A_1158, %gather3A_1158 : vector<16xf32>
        %add3A_1161 = arith.addf %add3A_1154, %mul3A_1160 : vector<16xf32>
        %add3A_1162 = arith.constant 11 : i32
        %add3A_1163 = vector.broadcast %add3A_1162 : i32 to vector<16xi32>
        %add3A_1164 = arith.addi %add3A_47, %add3A_1163 : vector<16xi32>
        %gather3A_1165 = tpu.vector_load_idx %arg9[%add3A_1164, %broadcast_in_dim3A_1089] : memref<3328x16xf32, #tpu.memory_space<vmem>>[vector<16xi32>, vector<16xi32>], vector<16xf32>,
        %add3A_1166 = arith.addf %add3A_1159, %gather3A_1165 : vector<16xf32>
        %mul3A_1167 = arith.mulf %gather3A_1165, %gather3A_1165 : vector<16xf32>
        %add3A_1168 = arith.addf %add3A_1161, %mul3A_1167 : vector<16xf32>
        %add3A_1169 = arith.constant 12 : i32
        %add3A_1170 = vector.broadcast %add3A_1169 : i32 to vector<16xi32>
        %add3A_1171 = arith.addi %add3A_47, %add3A_1170 : vector<16xi32>
        %gather3A_1172 = tpu.vector_load_idx %arg9[%add3A_1171, %broadcast_in_dim3A_1089] : memref<3328x16xf32, #tpu.memory_space<vmem>>[vector<16xi32>, vector<16xi32>], vector<16xf32>,
        %add3A_1173 = arith.addf %add3A_1166, %gather3A_1172 : vector<16xf32>
        %mul3A_1174 = arith.mulf %gather3A_1172, %gather3A_1172 : vector<16xf32>
        %add3A_1175 = arith.addf %add3A_1168, %mul3A_1174 : vector<16xf32>
        %add3A_1176 = arith.constant 13 : i32
        %add3A_1177 = vector.broadcast %add3A_1176 : i32 to vector<16xi32>
        %add3A_1178 = arith.addi %add3A_47, %add3A_1177 : vector<16xi32>
        %gather3A_1179 = tpu.vector_load_idx %arg9[%add3A_1178, %broadcast_in_dim3A_1089] : memref<3328x16xf32, #tpu.memory_space<vmem>>[vector<16xi32>, vector<16xi32>], vector<16xf32>,
        %add3A_1180 = arith.addf %add3A_1173, %gather3A_1179 : vector<16xf32>
        %mul3A_1181 = arith.mulf %gather3A_1179, %gather3A_1179 : vector<16xf32>
        %add3A_1182 = arith.addf %add3A_1175, %mul3A_1181 : vector<16xf32>
        %add3A_1183 = arith.constant 14 : i32
        %add3A_1184 = vector.broadcast %add3A_1183 : i32 to vector<16xi32>
        %add3A_1185 = arith.addi %add3A_47, %add3A_1184 : vector<16xi32>
        %gather3A_1186 = tpu.vector_load_idx %arg9[%add3A_1185, %broadcast_in_dim3A_1089] : memref<3328x16xf32, #tpu.memory_space<vmem>>[vector<16xi32>, vector<16xi32>], vector<16xf32>,
        %add3A_1187 = arith.addf %add3A_1180, %gather3A_1186 : vector<16xf32>
        %mul3A_1188 = arith.mulf %gather3A_1186, %gather3A_1186 : vector<16xf32>
        %add3A_1189 = arith.addf %add3A_1182, %mul3A_1188 : vector<16xf32>
        %add3A_1190 = arith.constant 15 : i32
        %add3A_1191 = vector.broadcast %add3A_1190 : i32 to vector<16xi32>
        %add3A_1192 = arith.addi %add3A_47, %add3A_1191 : vector<16xi32>
        %gather3A_1193 = tpu.vector_load_idx %arg9[%add3A_1192, %broadcast_in_dim3A_1089] : memref<3328x16xf32, #tpu.memory_space<vmem>>[vector<16xi32>, vector<16xi32>], vector<16xf32>,
        %add3A_1194 = arith.addf %add3A_1187, %gather3A_1193 : vector<16xf32>
        %mul3A_1195 = arith.mulf %gather3A_1193, %gather3A_1193 : vector<16xf32>
        %add3A_1196 = arith.addf %add3A_1189, %mul3A_1195 : vector<16xf32>
        %add3A_1197 = arith.constant 16 : i32
        %add3A_1198 = vector.broadcast %add3A_1197 : i32 to vector<16xi32>
        %add3A_1199 = arith.addi %add3A_47, %add3A_1198 : vector<16xi32>
        %gather3A_1200 = tpu.vector_load_idx %arg9[%add3A_1199, %broadcast_in_dim3A_1089] : memref<3328x16xf32, #tpu.memory_space<vmem>>[vector<16xi32>, vector<16xi32>], vector<16xf32>,
        %add3A_1201 = arith.addf %add3A_1194, %gather3A_1200 : vector<16xf32>
        %mul3A_1202 = arith.mulf %gather3A_1200, %gather3A_1200 : vector<16xf32>
        %add3A_1203 = arith.addf %add3A_1196, %mul3A_1202 : vector<16xf32>
        %add3A_1204 = arith.constant 17 : i32
        %add3A_1205 = vector.broadcast %add3A_1204 : i32 to vector<16xi32>
        %add3A_1206 = arith.addi %add3A_47, %add3A_1205 : vector<16xi32>
        %gather3A_1207 = tpu.vector_load_idx %arg9[%add3A_1206, %broadcast_in_dim3A_1089] : memref<3328x16xf32, #tpu.memory_space<vmem>>[vector<16xi32>, vector<16xi32>], vector<16xf32>,
        %add3A_1208 = arith.addf %add3A_1201, %gather3A_1207 : vector<16xf32>
        %mul3A_1209 = arith.mulf %gather3A_1207, %gather3A_1207 : vector<16xf32>
        %add3A_1210 = arith.addf %add3A_1203, %mul3A_1209 : vector<16xf32>
        %add3A_1211 = arith.constant 18 : i32
        %add3A_1212 = vector.broadcast %add3A_1211 : i32 to vector<16xi32>
        %add3A_1213 = arith.addi %add3A_47, %add3A_1212 : vector<16xi32>
        %gather3A_1214 = tpu.vector_load_idx %arg9[%add3A_1213, %broadcast_in_dim3A_1089] : memref<3328x16xf32, #tpu.memory_space<vmem>>[vector<16xi32>, vector<16xi32>], vector<16xf32>,
        %add3A_1215 = arith.addf %add3A_1208, %gather3A_1214 : vector<16xf32>
        %mul3A_1216 = arith.mulf %gather3A_1214, %gather3A_1214 : vector<16xf32>
        %add3A_1217 = arith.addf %add3A_1210, %mul3A_1216 : vector<16xf32>
        %add3A_1218 = arith.constant 19 : i32
        %add3A_1219 = vector.broadcast %add3A_1218 : i32 to vector<16xi32>
        %add3A_1220 = arith.addi %add3A_47, %add3A_1219 : vector<16xi32>
        %gather3A_1221 = tpu.vector_load_idx %arg9[%add3A_1220, %broadcast_in_dim3A_1089] : memref<3328x16xf32, #tpu.memory_space<vmem>>[vector<16xi32>, vector<16xi32>], vector<16xf32>,
        %add3A_1222 = arith.addf %add3A_1215, %gather3A_1221 : vector<16xf32>
        %mul3A_1223 = arith.mulf %gather3A_1221, %gather3A_1221 : vector<16xf32>
        %add3A_1224 = arith.addf %add3A_1217, %mul3A_1223 : vector<16xf32>
        %add3A_1225 = arith.constant 20 : i32
        %add3A_1226 = vector.broadcast %add3A_1225 : i32 to vector<16xi32>
        %add3A_1227 = arith.addi %add3A_47, %add3A_1226 : vector<16xi32>
        %gather3A_1228 = tpu.vector_load_idx %arg9[%add3A_1227, %broadcast_in_dim3A_1089] : memref<3328x16xf32, #tpu.memory_space<vmem>>[vector<16xi32>, vector<16xi32>], vector<16xf32>,
        %add3A_1229 = arith.addf %add3A_1222, %gather3A_1228 : vector<16xf32>
        %mul3A_1230 = arith.mulf %gather3A_1228, %gather3A_1228 : vector<16xf32>
        %add3A_1231 = arith.addf %add3A_1224, %mul3A_1230 : vector<16xf32>
        %add3A_1232 = arith.constant 21 : i32
        %add3A_1233 = vector.broadcast %add3A_1232 : i32 to vector<16xi32>
        %add3A_1234 = arith.addi %add3A_47, %add3A_1233 : vector<16xi32>
        %gather3A_1235 = tpu.vector_load_idx %arg9[%add3A_1234, %broadcast_in_dim3A_1089] : memref<3328x16xf32, #tpu.memory_space<vmem>>[vector<16xi32>, vector<16xi32>], vector<16xf32>,
        %add3A_1236 = arith.addf %add3A_1229, %gather3A_1235 : vector<16xf32>
        %mul3A_1237 = arith.mulf %gather3A_1235, %gather3A_1235 : vector<16xf32>
        %add3A_1238 = arith.addf %add3A_1231, %mul3A_1237 : vector<16xf32>
        %add3A_1239 = arith.constant 22 : i32
        %add3A_1240 = vector.broadcast %add3A_1239 : i32 to vector<16xi32>
        %add3A_1241 = arith.addi %add3A_47, %add3A_1240 : vector<16xi32>
        %gather3A_1242 = tpu.vector_load_idx %arg9[%add3A_1241, %broadcast_in_dim3A_1089] : memref<3328x16xf32, #tpu.memory_space<vmem>>[vector<16xi32>, vector<16xi32>], vector<16xf32>,
        %add3A_1243 = arith.addf %add3A_1236, %gather3A_1242 : vector<16xf32>
        %mul3A_1244 = arith.mulf %gather3A_1242, %gather3A_1242 : vector<16xf32>
        %add3A_1245 = arith.addf %add3A_1238, %mul3A_1244 : vector<16xf32>
        %add3A_1246 = arith.constant 23 : i32
        %add3A_1247 = vector.broadcast %add3A_1246 : i32 to vector<16xi32>
        %add3A_1248 = arith.addi %add3A_47, %add3A_1247 : vector<16xi32>
        %gather3A_1249 = tpu.vector_load_idx %arg9[%add3A_1248, %broadcast_in_dim3A_1089] : memref<3328x16xf32, #tpu.memory_space<vmem>>[vector<16xi32>, vector<16xi32>], vector<16xf32>,
        %add3A_1250 = arith.addf %add3A_1243, %gather3A_1249 : vector<16xf32>
        %mul3A_1251 = arith.mulf %gather3A_1249, %gather3A_1249 : vector<16xf32>
        %add3A_1252 = arith.addf %add3A_1245, %mul3A_1251 : vector<16xf32>
        %add3A_1253 = arith.constant 24 : i32
        %add3A_1254 = vector.broadcast %add3A_1253 : i32 to vector<16xi32>
        %add3A_1255 = arith.addi %add3A_47, %add3A_1254 : vector<16xi32>
        %gather3A_1256 = tpu.vector_load_idx %arg9[%add3A_1255, %broadcast_in_dim3A_1089] : memref<3328x16xf32, #tpu.memory_space<vmem>>[vector<16xi32>, vector<16xi32>], vector<16xf32>,
        %add3A_1257 = arith.addf %add3A_1250, %gather3A_1256 : vector<16xf32>
        %mul3A_1258 = arith.mulf %gather3A_1256, %gather3A_1256 : vector<16xf32>
        %add3A_1259 = arith.addf %add3A_1252, %mul3A_1258 : vector<16xf32>
        %add3A_1260 = arith.constant 25 : i32
        %add3A_1261 = vector.broadcast %add3A_1260 : i32 to vector<16xi32>
        %add3A_1262 = arith.addi %add3A_47, %add3A_1261 : vector<16xi32>
        %gather3A_1263 = tpu.vector_load_idx %arg9[%add3A_1262, %broadcast_in_dim3A_1089] : memref<3328x16xf32, #tpu.memory_space<vmem>>[vector<16xi32>, vector<16xi32>], vector<16xf32>,
        %add3A_1264 = arith.addf %add3A_1257, %gather3A_1263 : vector<16xf32>
        %mul3A_1265 = arith.mulf %gather3A_1263, %gather3A_1263 : vector<16xf32>
        %add3A_1266 = arith.addf %add3A_1259, %mul3A_1265 : vector<16xf32>
        %mul3A_1267 = arith.mulf %add3A_1264, %add3A_1264 : vector<16xf32>
        %sub3A_1268 = arith.subf %mul3A_1267, %add3A_1266 : vector<16xf32>
        %add3A_1269 = arith.addf %add3A_1087, %sub3A_1268 : vector<16xf32>
        %broadcast_in_dim3A_1270 = arith.constant 5 : i32
        %broadcast_in_dim3A_1271 = vector.broadcast %broadcast_in_dim3A_1270 : i32 to vector<16xi32>
        %gather3A_1272 = tpu.vector_load_idx %arg9[%add3A_47, %broadcast_in_dim3A_1271] : memref<3328x16xf32, #tpu.memory_space<vmem>>[vector<16xi32>, vector<16xi32>], vector<16xf32>,
        %mul3A_1273 = arith.mulf %gather3A_1272, %gather3A_1272 : vector<16xf32>
        %add3A_1274 = arith.constant 1 : i32
        %add3A_1275 = vector.broadcast %add3A_1274 : i32 to vector<16xi32>
        %add3A_1276 = arith.addi %add3A_47, %add3A_1275 : vector<16xi32>
        %gather3A_1277 = tpu.vector_load_idx %arg9[%add3A_1276, %broadcast_in_dim3A_1271] : memref<3328x16xf32, #tpu.memory_space<vmem>>[vector<16xi32>, vector<16xi32>], vector<16xf32>,
        %add3A_1278 = arith.addf %gather3A_1272, %gather3A_1277 : vector<16xf32>
        %mul3A_1279 = arith.mulf %gather3A_1277, %gather3A_1277 : vector<16xf32>
        %add3A_1280 = arith.addf %mul3A_1273, %mul3A_1279 : vector<16xf32>
        %add3A_1281 = arith.constant 2 : i32
        %add3A_1282 = vector.broadcast %add3A_1281 : i32 to vector<16xi32>
        %add3A_1283 = arith.addi %add3A_47, %add3A_1282 : vector<16xi32>
        %gather3A_1284 = tpu.vector_load_idx %arg9[%add3A_1283, %broadcast_in_dim3A_1271] : memref<3328x16xf32, #tpu.memory_space<vmem>>[vector<16xi32>, vector<16xi32>], vector<16xf32>,
        %add3A_1285 = arith.addf %add3A_1278, %gather3A_1284 : vector<16xf32>
        %mul3A_1286 = arith.mulf %gather3A_1284, %gather3A_1284 : vector<16xf32>
        %add3A_1287 = arith.addf %add3A_1280, %mul3A_1286 : vector<16xf32>
        %add3A_1288 = arith.constant 3 : i32
        %add3A_1289 = vector.broadcast %add3A_1288 : i32 to vector<16xi32>
        %add3A_1290 = arith.addi %add3A_47, %add3A_1289 : vector<16xi32>
        %gather3A_1291 = tpu.vector_load_idx %arg9[%add3A_1290, %broadcast_in_dim3A_1271] : memref<3328x16xf32, #tpu.memory_space<vmem>>[vector<16xi32>, vector<16xi32>], vector<16xf32>,
        %add3A_1292 = arith.addf %add3A_1285, %gather3A_1291 : vector<16xf32>
        %mul3A_1293 = arith.mulf %gather3A_1291, %gather3A_1291 : vector<16xf32>
        %add3A_1294 = arith.addf %add3A_1287, %mul3A_1293 : vector<16xf32>
        %add3A_1295 = arith.constant 4 : i32
        %add3A_1296 = vector.broadcast %add3A_1295 : i32 to vector<16xi32>
        %add3A_1297 = arith.addi %add3A_47, %add3A_1296 : vector<16xi32>
        %gather3A_1298 = tpu.vector_load_idx %arg9[%add3A_1297, %broadcast_in_dim3A_1271] : memref<3328x16xf32, #tpu.memory_space<vmem>>[vector<16xi32>, vector<16xi32>], vector<16xf32>,
        %add3A_1299 = arith.addf %add3A_1292, %gather3A_1298 : vector<16xf32>
        %mul3A_1300 = arith.mulf %gather3A_1298, %gather3A_1298 : vector<16xf32>
        %add3A_1301 = arith.addf %add3A_1294, %mul3A_1300 : vector<16xf32>
        %add3A_1302 = arith.constant 5 : i32
        %add3A_1303 = vector.broadcast %add3A_1302 : i32 to vector<16xi32>
        %add3A_1304 = arith.addi %add3A_47, %add3A_1303 : vector<16xi32>
        %gather3A_1305 = tpu.vector_load_idx %arg9[%add3A_1304, %broadcast_in_dim3A_1271] : memref<3328x16xf32, #tpu.memory_space<vmem>>[vector<16xi32>, vector<16xi32>], vector<16xf32>,
        %add3A_1306 = arith.addf %add3A_1299, %gather3A_1305 : vector<16xf32>
        %mul3A_1307 = arith.mulf %gather3A_1305, %gather3A_1305 : vector<16xf32>
        %add3A_1308 = arith.addf %add3A_1301, %mul3A_1307 : vector<16xf32>
        %add3A_1309 = arith.constant 6 : i32
        %add3A_1310 = vector.broadcast %add3A_1309 : i32 to vector<16xi32>
        %add3A_1311 = arith.addi %add3A_47, %add3A_1310 : vector<16xi32>
        %gather3A_1312 = tpu.vector_load_idx %arg9[%add3A_1311, %broadcast_in_dim3A_1271] : memref<3328x16xf32, #tpu.memory_space<vmem>>[vector<16xi32>, vector<16xi32>], vector<16xf32>,
        %add3A_1313 = arith.addf %add3A_1306, %gather3A_1312 : vector<16xf32>
        %mul3A_1314 = arith.mulf %gather3A_1312, %gather3A_1312 : vector<16xf32>
        %add3A_1315 = arith.addf %add3A_1308, %mul3A_1314 : vector<16xf32>
        %add3A_1316 = arith.constant 7 : i32
        %add3A_1317 = vector.broadcast %add3A_1316 : i32 to vector<16xi32>
        %add3A_1318 = arith.addi %add3A_47, %add3A_1317 : vector<16xi32>
        %gather3A_1319 = tpu.vector_load_idx %arg9[%add3A_1318, %broadcast_in_dim3A_1271] : memref<3328x16xf32, #tpu.memory_space<vmem>>[vector<16xi32>, vector<16xi32>], vector<16xf32>,
        %add3A_1320 = arith.addf %add3A_1313, %gather3A_1319 : vector<16xf32>
        %mul3A_1321 = arith.mulf %gather3A_1319, %gather3A_1319 : vector<16xf32>
        %add3A_1322 = arith.addf %add3A_1315, %mul3A_1321 : vector<16xf32>
        %add3A_1323 = arith.constant 8 : i32
        %add3A_1324 = vector.broadcast %add3A_1323 : i32 to vector<16xi32>
        %add3A_1325 = arith.addi %add3A_47, %add3A_1324 : vector<16xi32>
        %gather3A_1326 = tpu.vector_load_idx %arg9[%add3A_1325, %broadcast_in_dim3A_1271] : memref<3328x16xf32, #tpu.memory_space<vmem>>[vector<16xi32>, vector<16xi32>], vector<16xf32>,
        %add3A_1327 = arith.addf %add3A_1320, %gather3A_1326 : vector<16xf32>
        %mul3A_1328 = arith.mulf %gather3A_1326, %gather3A_1326 : vector<16xf32>
        %add3A_1329 = arith.addf %add3A_1322, %mul3A_1328 : vector<16xf32>
        %add3A_1330 = arith.constant 9 : i32
        %add3A_1331 = vector.broadcast %add3A_1330 : i32 to vector<16xi32>
        %add3A_1332 = arith.addi %add3A_47, %add3A_1331 : vector<16xi32>
        %gather3A_1333 = tpu.vector_load_idx %arg9[%add3A_1332, %broadcast_in_dim3A_1271] : memref<3328x16xf32, #tpu.memory_space<vmem>>[vector<16xi32>, vector<16xi32>], vector<16xf32>,
        %add3A_1334 = arith.addf %add3A_1327, %gather3A_1333 : vector<16xf32>
        %mul3A_1335 = arith.mulf %gather3A_1333, %gather3A_1333 : vector<16xf32>
        %add3A_1336 = arith.addf %add3A_1329, %mul3A_1335 : vector<16xf32>
        %add3A_1337 = arith.constant 10 : i32
        %add3A_1338 = vector.broadcast %add3A_1337 : i32 to vector<16xi32>
        %add3A_1339 = arith.addi %add3A_47, %add3A_1338 : vector<16xi32>
        %gather3A_1340 = tpu.vector_load_idx %arg9[%add3A_1339, %broadcast_in_dim3A_1271] : memref<3328x16xf32, #tpu.memory_space<vmem>>[vector<16xi32>, vector<16xi32>], vector<16xf32>,
        %add3A_1341 = arith.addf %add3A_1334, %gather3A_1340 : vector<16xf32>
        %mul3A_1342 = arith.mulf %gather3A_1340, %gather3A_1340 : vector<16xf32>
        %add3A_1343 = arith.addf %add3A_1336, %mul3A_1342 : vector<16xf32>
        %add3A_1344 = arith.constant 11 : i32
        %add3A_1345 = vector.broadcast %add3A_1344 : i32 to vector<16xi32>
        %add3A_1346 = arith.addi %add3A_47, %add3A_1345 : vector<16xi32>
        %gather3A_1347 = tpu.vector_load_idx %arg9[%add3A_1346, %broadcast_in_dim3A_1271] : memref<3328x16xf32, #tpu.memory_space<vmem>>[vector<16xi32>, vector<16xi32>], vector<16xf32>,
        %add3A_1348 = arith.addf %add3A_1341, %gather3A_1347 : vector<16xf32>
        %mul3A_1349 = arith.mulf %gather3A_1347, %gather3A_1347 : vector<16xf32>
        %add3A_1350 = arith.addf %add3A_1343, %mul3A_1349 : vector<16xf32>
        %add3A_1351 = arith.constant 12 : i32
        %add3A_1352 = vector.broadcast %add3A_1351 : i32 to vector<16xi32>
        %add3A_1353 = arith.addi %add3A_47, %add3A_1352 : vector<16xi32>
        %gather3A_1354 = tpu.vector_load_idx %arg9[%add3A_1353, %broadcast_in_dim3A_1271] : memref<3328x16xf32, #tpu.memory_space<vmem>>[vector<16xi32>, vector<16xi32>], vector<16xf32>,
        %add3A_1355 = arith.addf %add3A_1348, %gather3A_1354 : vector<16xf32>
        %mul3A_1356 = arith.mulf %gather3A_1354, %gather3A_1354 : vector<16xf32>
        %add3A_1357 = arith.addf %add3A_1350, %mul3A_1356 : vector<16xf32>
        %add3A_1358 = arith.constant 13 : i32
        %add3A_1359 = vector.broadcast %add3A_1358 : i32 to vector<16xi32>
        %add3A_1360 = arith.addi %add3A_47, %add3A_1359 : vector<16xi32>
        %gather3A_1361 = tpu.vector_load_idx %arg9[%add3A_1360, %broadcast_in_dim3A_1271] : memref<3328x16xf32, #tpu.memory_space<vmem>>[vector<16xi32>, vector<16xi32>], vector<16xf32>,
        %add3A_1362 = arith.addf %add3A_1355, %gather3A_1361 : vector<16xf32>
        %mul3A_1363 = arith.mulf %gather3A_1361, %gather3A_1361 : vector<16xf32>
        %add3A_1364 = arith.addf %add3A_1357, %mul3A_1363 : vector<16xf32>
        %add3A_1365 = arith.constant 14 : i32
        %add3A_1366 = vector.broadcast %add3A_1365 : i32 to vector<16xi32>
        %add3A_1367 = arith.addi %add3A_47, %add3A_1366 : vector<16xi32>
        %gather3A_1368 = tpu.vector_load_idx %arg9[%add3A_1367, %broadcast_in_dim3A_1271] : memref<3328x16xf32, #tpu.memory_space<vmem>>[vector<16xi32>, vector<16xi32>], vector<16xf32>,
        %add3A_1369 = arith.addf %add3A_1362, %gather3A_1368 : vector<16xf32>
        %mul3A_1370 = arith.mulf %gather3A_1368, %gather3A_1368 : vector<16xf32>
        %add3A_1371 = arith.addf %add3A_1364, %mul3A_1370 : vector<16xf32>
        %add3A_1372 = arith.constant 15 : i32
        %add3A_1373 = vector.broadcast %add3A_1372 : i32 to vector<16xi32>
        %add3A_1374 = arith.addi %add3A_47, %add3A_1373 : vector<16xi32>
        %gather3A_1375 = tpu.vector_load_idx %arg9[%add3A_1374, %broadcast_in_dim3A_1271] : memref<3328x16xf32, #tpu.memory_space<vmem>>[vector<16xi32>, vector<16xi32>], vector<16xf32>,
        %add3A_1376 = arith.addf %add3A_1369, %gather3A_1375 : vector<16xf32>
        %mul3A_1377 = arith.mulf %gather3A_1375, %gather3A_1375 : vector<16xf32>
        %add3A_1378 = arith.addf %add3A_1371, %mul3A_1377 : vector<16xf32>
        %add3A_1379 = arith.constant 16 : i32
        %add3A_1380 = vector.broadcast %add3A_1379 : i32 to vector<16xi32>
        %add3A_1381 = arith.addi %add3A_47, %add3A_1380 : vector<16xi32>
        %gather3A_1382 = tpu.vector_load_idx %arg9[%add3A_1381, %broadcast_in_dim3A_1271] : memref<3328x16xf32, #tpu.memory_space<vmem>>[vector<16xi32>, vector<16xi32>], vector<16xf32>,
        %add3A_1383 = arith.addf %add3A_1376, %gather3A_1382 : vector<16xf32>
        %mul3A_1384 = arith.mulf %gather3A_1382, %gather3A_1382 : vector<16xf32>
        %add3A_1385 = arith.addf %add3A_1378, %mul3A_1384 : vector<16xf32>
        %add3A_1386 = arith.constant 17 : i32
        %add3A_1387 = vector.broadcast %add3A_1386 : i32 to vector<16xi32>
        %add3A_1388 = arith.addi %add3A_47, %add3A_1387 : vector<16xi32>
        %gather3A_1389 = tpu.vector_load_idx %arg9[%add3A_1388, %broadcast_in_dim3A_1271] : memref<3328x16xf32, #tpu.memory_space<vmem>>[vector<16xi32>, vector<16xi32>], vector<16xf32>,
        %add3A_1390 = arith.addf %add3A_1383, %gather3A_1389 : vector<16xf32>
        %mul3A_1391 = arith.mulf %gather3A_1389, %gather3A_1389 : vector<16xf32>
        %add3A_1392 = arith.addf %add3A_1385, %mul3A_1391 : vector<16xf32>
        %add3A_1393 = arith.constant 18 : i32
        %add3A_1394 = vector.broadcast %add3A_1393 : i32 to vector<16xi32>
        %add3A_1395 = arith.addi %add3A_47, %add3A_1394 : vector<16xi32>
        %gather3A_1396 = tpu.vector_load_idx %arg9[%add3A_1395, %broadcast_in_dim3A_1271] : memref<3328x16xf32, #tpu.memory_space<vmem>>[vector<16xi32>, vector<16xi32>], vector<16xf32>,
        %add3A_1397 = arith.addf %add3A_1390, %gather3A_1396 : vector<16xf32>
        %mul3A_1398 = arith.mulf %gather3A_1396, %gather3A_1396 : vector<16xf32>
        %add3A_1399 = arith.addf %add3A_1392, %mul3A_1398 : vector<16xf32>
        %add3A_1400 = arith.constant 19 : i32
        %add3A_1401 = vector.broadcast %add3A_1400 : i32 to vector<16xi32>
        %add3A_1402 = arith.addi %add3A_47, %add3A_1401 : vector<16xi32>
        %gather3A_1403 = tpu.vector_load_idx %arg9[%add3A_1402, %broadcast_in_dim3A_1271] : memref<3328x16xf32, #tpu.memory_space<vmem>>[vector<16xi32>, vector<16xi32>], vector<16xf32>,
        %add3A_1404 = arith.addf %add3A_1397, %gather3A_1403 : vector<16xf32>
        %mul3A_1405 = arith.mulf %gather3A_1403, %gather3A_1403 : vector<16xf32>
        %add3A_1406 = arith.addf %add3A_1399, %mul3A_1405 : vector<16xf32>
        %add3A_1407 = arith.constant 20 : i32
        %add3A_1408 = vector.broadcast %add3A_1407 : i32 to vector<16xi32>
        %add3A_1409 = arith.addi %add3A_47, %add3A_1408 : vector<16xi32>
        %gather3A_1410 = tpu.vector_load_idx %arg9[%add3A_1409, %broadcast_in_dim3A_1271] : memref<3328x16xf32, #tpu.memory_space<vmem>>[vector<16xi32>, vector<16xi32>], vector<16xf32>,
        %add3A_1411 = arith.addf %add3A_1404, %gather3A_1410 : vector<16xf32>
        %mul3A_1412 = arith.mulf %gather3A_1410, %gather3A_1410 : vector<16xf32>
        %add3A_1413 = arith.addf %add3A_1406, %mul3A_1412 : vector<16xf32>
        %add3A_1414 = arith.constant 21 : i32
        %add3A_1415 = vector.broadcast %add3A_1414 : i32 to vector<16xi32>
        %add3A_1416 = arith.addi %add3A_47, %add3A_1415 : vector<16xi32>
        %gather3A_1417 = tpu.vector_load_idx %arg9[%add3A_1416, %broadcast_in_dim3A_1271] : memref<3328x16xf32, #tpu.memory_space<vmem>>[vector<16xi32>, vector<16xi32>], vector<16xf32>,
        %add3A_1418 = arith.addf %add3A_1411, %gather3A_1417 : vector<16xf32>
        %mul3A_1419 = arith.mulf %gather3A_1417, %gather3A_1417 : vector<16xf32>
        %add3A_1420 = arith.addf %add3A_1413, %mul3A_1419 : vector<16xf32>
        %add3A_1421 = arith.constant 22 : i32
        %add3A_1422 = vector.broadcast %add3A_1421 : i32 to vector<16xi32>
        %add3A_1423 = arith.addi %add3A_47, %add3A_1422 : vector<16xi32>
        %gather3A_1424 = tpu.vector_load_idx %arg9[%add3A_1423, %broadcast_in_dim3A_1271] : memref<3328x16xf32, #tpu.memory_space<vmem>>[vector<16xi32>, vector<16xi32>], vector<16xf32>,
        %add3A_1425 = arith.addf %add3A_1418, %gather3A_1424 : vector<16xf32>
        %mul3A_1426 = arith.mulf %gather3A_1424, %gather3A_1424 : vector<16xf32>
        %add3A_1427 = arith.addf %add3A_1420, %mul3A_1426 : vector<16xf32>
        %add3A_1428 = arith.constant 23 : i32
        %add3A_1429 = vector.broadcast %add3A_1428 : i32 to vector<16xi32>
        %add3A_1430 = arith.addi %add3A_47, %add3A_1429 : vector<16xi32>
        %gather3A_1431 = tpu.vector_load_idx %arg9[%add3A_1430, %broadcast_in_dim3A_1271] : memref<3328x16xf32, #tpu.memory_space<vmem>>[vector<16xi32>, vector<16xi32>], vector<16xf32>,
        %add3A_1432 = arith.addf %add3A_1425, %gather3A_1431 : vector<16xf32>
        %mul3A_1433 = arith.mulf %gather3A_1431, %gather3A_1431 : vector<16xf32>
        %add3A_1434 = arith.addf %add3A_1427, %mul3A_1433 : vector<16xf32>
        %add3A_1435 = arith.constant 24 : i32
        %add3A_1436 = vector.broadcast %add3A_1435 : i32 to vector<16xi32>
        %add3A_1437 = arith.addi %add3A_47, %add3A_1436 : vector<16xi32>
        %gather3A_1438 = tpu.vector_load_idx %arg9[%add3A_1437, %broadcast_in_dim3A_1271] : memref<3328x16xf32, #tpu.memory_space<vmem>>[vector<16xi32>, vector<16xi32>], vector<16xf32>,
        %add3A_1439 = arith.addf %add3A_1432, %gather3A_1438 : vector<16xf32>
        %mul3A_1440 = arith.mulf %gather3A_1438, %gather3A_1438 : vector<16xf32>
        %add3A_1441 = arith.addf %add3A_1434, %mul3A_1440 : vector<16xf32>
        %add3A_1442 = arith.constant 25 : i32
        %add3A_1443 = vector.broadcast %add3A_1442 : i32 to vector<16xi32>
        %add3A_1444 = arith.addi %add3A_47, %add3A_1443 : vector<16xi32>
        %gather3A_1445 = tpu.vector_load_idx %arg9[%add3A_1444, %broadcast_in_dim3A_1271] : memref<3328x16xf32, #tpu.memory_space<vmem>>[vector<16xi32>, vector<16xi32>], vector<16xf32>,
        %add3A_1446 = arith.addf %add3A_1439, %gather3A_1445 : vector<16xf32>
        %mul3A_1447 = arith.mulf %gather3A_1445, %gather3A_1445 : vector<16xf32>
        %add3A_1448 = arith.addf %add3A_1441, %mul3A_1447 : vector<16xf32>
        %mul3A_1449 = arith.mulf %add3A_1446, %add3A_1446 : vector<16xf32>
        %sub3A_1450 = arith.subf %mul3A_1449, %add3A_1448 : vector<16xf32>
        %add3A_1451 = arith.addf %add3A_1269, %sub3A_1450 : vector<16xf32>
        %broadcast_in_dim3A_1452 = arith.constant 6 : i32
        %broadcast_in_dim3A_1453 = vector.broadcast %broadcast_in_dim3A_1452 : i32 to vector<16xi32>
        %gather3A_1454 = tpu.vector_load_idx %arg9[%add3A_47, %broadcast_in_dim3A_1453] : memref<3328x16xf32, #tpu.memory_space<vmem>>[vector<16xi32>, vector<16xi32>], vector<16xf32>,
        %mul3A_1455 = arith.mulf %gather3A_1454, %gather3A_1454 : vector<16xf32>
        %add3A_1456 = arith.constant 1 : i32
        %add3A_1457 = vector.broadcast %add3A_1456 : i32 to vector<16xi32>
        %add3A_1458 = arith.addi %add3A_47, %add3A_1457 : vector<16xi32>
        %gather3A_1459 = tpu.vector_load_idx %arg9[%add3A_1458, %broadcast_in_dim3A_1453] : memref<3328x16xf32, #tpu.memory_space<vmem>>[vector<16xi32>, vector<16xi32>], vector<16xf32>,
        %add3A_1460 = arith.addf %gather3A_1454, %gather3A_1459 : vector<16xf32>
        %mul3A_1461 = arith.mulf %gather3A_1459, %gather3A_1459 : vector<16xf32>
        %add3A_1462 = arith.addf %mul3A_1455, %mul3A_1461 : vector<16xf32>
        %add3A_1463 = arith.constant 2 : i32
        %add3A_1464 = vector.broadcast %add3A_1463 : i32 to vector<16xi32>
        %add3A_1465 = arith.addi %add3A_47, %add3A_1464 : vector<16xi32>
        %gather3A_1466 = tpu.vector_load_idx %arg9[%add3A_1465, %broadcast_in_dim3A_1453] : memref<3328x16xf32, #tpu.memory_space<vmem>>[vector<16xi32>, vector<16xi32>], vector<16xf32>,
        %add3A_1467 = arith.addf %add3A_1460, %gather3A_1466 : vector<16xf32>
        %mul3A_1468 = arith.mulf %gather3A_1466, %gather3A_1466 : vector<16xf32>
        %add3A_1469 = arith.addf %add3A_1462, %mul3A_1468 : vector<16xf32>
        %add3A_1470 = arith.constant 3 : i32
        %add3A_1471 = vector.broadcast %add3A_1470 : i32 to vector<16xi32>
        %add3A_1472 = arith.addi %add3A_47, %add3A_1471 : vector<16xi32>
        %gather3A_1473 = tpu.vector_load_idx %arg9[%add3A_1472, %broadcast_in_dim3A_1453] : memref<3328x16xf32, #tpu.memory_space<vmem>>[vector<16xi32>, vector<16xi32>], vector<16xf32>,
        %add3A_1474 = arith.addf %add3A_1467, %gather3A_1473 : vector<16xf32>
        %mul3A_1475 = arith.mulf %gather3A_1473, %gather3A_1473 : vector<16xf32>
        %add3A_1476 = arith.addf %add3A_1469, %mul3A_1475 : vector<16xf32>
        %add3A_1477 = arith.constant 4 : i32
        %add3A_1478 = vector.broadcast %add3A_1477 : i32 to vector<16xi32>
        %add3A_1479 = arith.addi %add3A_47, %add3A_1478 : vector<16xi32>
        %gather3A_1480 = tpu.vector_load_idx %arg9[%add3A_1479, %broadcast_in_dim3A_1453] : memref<3328x16xf32, #tpu.memory_space<vmem>>[vector<16xi32>, vector<16xi32>], vector<16xf32>,
        %add3A_1481 = arith.addf %add3A_1474, %gather3A_1480 : vector<16xf32>
        %mul3A_1482 = arith.mulf %gather3A_1480, %gather3A_1480 : vector<16xf32>
        %add3A_1483 = arith.addf %add3A_1476, %mul3A_1482 : vector<16xf32>
        %add3A_1484 = arith.constant 5 : i32
        %add3A_1485 = vector.broadcast %add3A_1484 : i32 to vector<16xi32>
        %add3A_1486 = arith.addi %add3A_47, %add3A_1485 : vector<16xi32>
        %gather3A_1487 = tpu.vector_load_idx %arg9[%add3A_1486, %broadcast_in_dim3A_1453] : memref<3328x16xf32, #tpu.memory_space<vmem>>[vector<16xi32>, vector<16xi32>], vector<16xf32>,
        %add3A_1488 = arith.addf %add3A_1481, %gather3A_1487 : vector<16xf32>
        %mul3A_1489 = arith.mulf %gather3A_1487, %gather3A_1487 : vector<16xf32>
        %add3A_1490 = arith.addf %add3A_1483, %mul3A_1489 : vector<16xf32>
        %add3A_1491 = arith.constant 6 : i32
        %add3A_1492 = vector.broadcast %add3A_1491 : i32 to vector<16xi32>
        %add3A_1493 = arith.addi %add3A_47, %add3A_1492 : vector<16xi32>
        %gather3A_1494 = tpu.vector_load_idx %arg9[%add3A_1493, %broadcast_in_dim3A_1453] : memref<3328x16xf32, #tpu.memory_space<vmem>>[vector<16xi32>, vector<16xi32>], vector<16xf32>,
        %add3A_1495 = arith.addf %add3A_1488, %gather3A_1494 : vector<16xf32>
        %mul3A_1496 = arith.mulf %gather3A_1494, %gather3A_1494 : vector<16xf32>
        %add3A_1497 = arith.addf %add3A_1490, %mul3A_1496 : vector<16xf32>
        %add3A_1498 = arith.constant 7 : i32
        %add3A_1499 = vector.broadcast %add3A_1498 : i32 to vector<16xi32>
        %add3A_1500 = arith.addi %add3A_47, %add3A_1499 : vector<16xi32>
        %gather3A_1501 = tpu.vector_load_idx %arg9[%add3A_1500, %broadcast_in_dim3A_1453] : memref<3328x16xf32, #tpu.memory_space<vmem>>[vector<16xi32>, vector<16xi32>], vector<16xf32>,
        %add3A_1502 = arith.addf %add3A_1495, %gather3A_1501 : vector<16xf32>
        %mul3A_1503 = arith.mulf %gather3A_1501, %gather3A_1501 : vector<16xf32>
        %add3A_1504 = arith.addf %add3A_1497, %mul3A_1503 : vector<16xf32>
        %add3A_1505 = arith.constant 8 : i32
        %add3A_1506 = vector.broadcast %add3A_1505 : i32 to vector<16xi32>
        %add3A_1507 = arith.addi %add3A_47, %add3A_1506 : vector<16xi32>
        %gather3A_1508 = tpu.vector_load_idx %arg9[%add3A_1507, %broadcast_in_dim3A_1453] : memref<3328x16xf32, #tpu.memory_space<vmem>>[vector<16xi32>, vector<16xi32>], vector<16xf32>,
        %add3A_1509 = arith.addf %add3A_1502, %gather3A_1508 : vector<16xf32>
        %mul3A_1510 = arith.mulf %gather3A_1508, %gather3A_1508 : vector<16xf32>
        %add3A_1511 = arith.addf %add3A_1504, %mul3A_1510 : vector<16xf32>
        %add3A_1512 = arith.constant 9 : i32
        %add3A_1513 = vector.broadcast %add3A_1512 : i32 to vector<16xi32>
        %add3A_1514 = arith.addi %add3A_47, %add3A_1513 : vector<16xi32>
        %gather3A_1515 = tpu.vector_load_idx %arg9[%add3A_1514, %broadcast_in_dim3A_1453] : memref<3328x16xf32, #tpu.memory_space<vmem>>[vector<16xi32>, vector<16xi32>], vector<16xf32>,
        %add3A_1516 = arith.addf %add3A_1509, %gather3A_1515 : vector<16xf32>
        %mul3A_1517 = arith.mulf %gather3A_1515, %gather3A_1515 : vector<16xf32>
        %add3A_1518 = arith.addf %add3A_1511, %mul3A_1517 : vector<16xf32>
        %add3A_1519 = arith.constant 10 : i32
        %add3A_1520 = vector.broadcast %add3A_1519 : i32 to vector<16xi32>
        %add3A_1521 = arith.addi %add3A_47, %add3A_1520 : vector<16xi32>
        %gather3A_1522 = tpu.vector_load_idx %arg9[%add3A_1521, %broadcast_in_dim3A_1453] : memref<3328x16xf32, #tpu.memory_space<vmem>>[vector<16xi32>, vector<16xi32>], vector<16xf32>,
        %add3A_1523 = arith.addf %add3A_1516, %gather3A_1522 : vector<16xf32>
        %mul3A_1524 = arith.mulf %gather3A_1522, %gather3A_1522 : vector<16xf32>
        %add3A_1525 = arith.addf %add3A_1518, %mul3A_1524 : vector<16xf32>
        %add3A_1526 = arith.constant 11 : i32
        %add3A_1527 = vector.broadcast %add3A_1526 : i32 to vector<16xi32>
        %add3A_1528 = arith.addi %add3A_47, %add3A_1527 : vector<16xi32>
        %gather3A_1529 = tpu.vector_load_idx %arg9[%add3A_1528, %broadcast_in_dim3A_1453] : memref<3328x16xf32, #tpu.memory_space<vmem>>[vector<16xi32>, vector<16xi32>], vector<16xf32>,
        %add3A_1530 = arith.addf %add3A_1523, %gather3A_1529 : vector<16xf32>
        %mul3A_1531 = arith.mulf %gather3A_1529, %gather3A_1529 : vector<16xf32>
        %add3A_1532 = arith.addf %add3A_1525, %mul3A_1531 : vector<16xf32>
        %add3A_1533 = arith.constant 12 : i32
        %add3A_1534 = vector.broadcast %add3A_1533 : i32 to vector<16xi32>
        %add3A_1535 = arith.addi %add3A_47, %add3A_1534 : vector<16xi32>
        %gather3A_1536 = tpu.vector_load_idx %arg9[%add3A_1535, %broadcast_in_dim3A_1453] : memref<3328x16xf32, #tpu.memory_space<vmem>>[vector<16xi32>, vector<16xi32>], vector<16xf32>,
        %add3A_1537 = arith.addf %add3A_1530, %gather3A_1536 : vector<16xf32>
        %mul3A_1538 = arith.mulf %gather3A_1536, %gather3A_1536 : vector<16xf32>
        %add3A_1539 = arith.addf %add3A_1532, %mul3A_1538 : vector<16xf32>
        %add3A_1540 = arith.constant 13 : i32
        %add3A_1541 = vector.broadcast %add3A_1540 : i32 to vector<16xi32>
        %add3A_1542 = arith.addi %add3A_47, %add3A_1541 : vector<16xi32>
        %gather3A_1543 = tpu.vector_load_idx %arg9[%add3A_1542, %broadcast_in_dim3A_1453] : memref<3328x16xf32, #tpu.memory_space<vmem>>[vector<16xi32>, vector<16xi32>], vector<16xf32>,
        %add3A_1544 = arith.addf %add3A_1537, %gather3A_1543 : vector<16xf32>
        %mul3A_1545 = arith.mulf %gather3A_1543, %gather3A_1543 : vector<16xf32>
        %add3A_1546 = arith.addf %add3A_1539, %mul3A_1545 : vector<16xf32>
        %add3A_1547 = arith.constant 14 : i32
        %add3A_1548 = vector.broadcast %add3A_1547 : i32 to vector<16xi32>
        %add3A_1549 = arith.addi %add3A_47, %add3A_1548 : vector<16xi32>
        %gather3A_1550 = tpu.vector_load_idx %arg9[%add3A_1549, %broadcast_in_dim3A_1453] : memref<3328x16xf32, #tpu.memory_space<vmem>>[vector<16xi32>, vector<16xi32>], vector<16xf32>,
        %add3A_1551 = arith.addf %add3A_1544, %gather3A_1550 : vector<16xf32>
        %mul3A_1552 = arith.mulf %gather3A_1550, %gather3A_1550 : vector<16xf32>
        %add3A_1553 = arith.addf %add3A_1546, %mul3A_1552 : vector<16xf32>
        %add3A_1554 = arith.constant 15 : i32
        %add3A_1555 = vector.broadcast %add3A_1554 : i32 to vector<16xi32>
        %add3A_1556 = arith.addi %add3A_47, %add3A_1555 : vector<16xi32>
        %gather3A_1557 = tpu.vector_load_idx %arg9[%add3A_1556, %broadcast_in_dim3A_1453] : memref<3328x16xf32, #tpu.memory_space<vmem>>[vector<16xi32>, vector<16xi32>], vector<16xf32>,
        %add3A_1558 = arith.addf %add3A_1551, %gather3A_1557 : vector<16xf32>
        %mul3A_1559 = arith.mulf %gather3A_1557, %gather3A_1557 : vector<16xf32>
        %add3A_1560 = arith.addf %add3A_1553, %mul3A_1559 : vector<16xf32>
        %add3A_1561 = arith.constant 16 : i32
        %add3A_1562 = vector.broadcast %add3A_1561 : i32 to vector<16xi32>
        %add3A_1563 = arith.addi %add3A_47, %add3A_1562 : vector<16xi32>
        %gather3A_1564 = tpu.vector_load_idx %arg9[%add3A_1563, %broadcast_in_dim3A_1453] : memref<3328x16xf32, #tpu.memory_space<vmem>>[vector<16xi32>, vector<16xi32>], vector<16xf32>,
        %add3A_1565 = arith.addf %add3A_1558, %gather3A_1564 : vector<16xf32>
        %mul3A_1566 = arith.mulf %gather3A_1564, %gather3A_1564 : vector<16xf32>
        %add3A_1567 = arith.addf %add3A_1560, %mul3A_1566 : vector<16xf32>
        %add3A_1568 = arith.constant 17 : i32
        %add3A_1569 = vector.broadcast %add3A_1568 : i32 to vector<16xi32>
        %add3A_1570 = arith.addi %add3A_47, %add3A_1569 : vector<16xi32>
        %gather3A_1571 = tpu.vector_load_idx %arg9[%add3A_1570, %broadcast_in_dim3A_1453] : memref<3328x16xf32, #tpu.memory_space<vmem>>[vector<16xi32>, vector<16xi32>], vector<16xf32>,
        %add3A_1572 = arith.addf %add3A_1565, %gather3A_1571 : vector<16xf32>
        %mul3A_1573 = arith.mulf %gather3A_1571, %gather3A_1571 : vector<16xf32>
        %add3A_1574 = arith.addf %add3A_1567, %mul3A_1573 : vector<16xf32>
        %add3A_1575 = arith.constant 18 : i32
        %add3A_1576 = vector.broadcast %add3A_1575 : i32 to vector<16xi32>
        %add3A_1577 = arith.addi %add3A_47, %add3A_1576 : vector<16xi32>
        %gather3A_1578 = tpu.vector_load_idx %arg9[%add3A_1577, %broadcast_in_dim3A_1453] : memref<3328x16xf32, #tpu.memory_space<vmem>>[vector<16xi32>, vector<16xi32>], vector<16xf32>,
        %add3A_1579 = arith.addf %add3A_1572, %gather3A_1578 : vector<16xf32>
        %mul3A_1580 = arith.mulf %gather3A_1578, %gather3A_1578 : vector<16xf32>
        %add3A_1581 = arith.addf %add3A_1574, %mul3A_1580 : vector<16xf32>
        %add3A_1582 = arith.constant 19 : i32
        %add3A_1583 = vector.broadcast %add3A_1582 : i32 to vector<16xi32>
        %add3A_1584 = arith.addi %add3A_47, %add3A_1583 : vector<16xi32>
        %gather3A_1585 = tpu.vector_load_idx %arg9[%add3A_1584, %broadcast_in_dim3A_1453] : memref<3328x16xf32, #tpu.memory_space<vmem>>[vector<16xi32>, vector<16xi32>], vector<16xf32>,
        %add3A_1586 = arith.addf %add3A_1579, %gather3A_1585 : vector<16xf32>
        %mul3A_1587 = arith.mulf %gather3A_1585, %gather3A_1585 : vector<16xf32>
        %add3A_1588 = arith.addf %add3A_1581, %mul3A_1587 : vector<16xf32>
        %add3A_1589 = arith.constant 20 : i32
        %add3A_1590 = vector.broadcast %add3A_1589 : i32 to vector<16xi32>
        %add3A_1591 = arith.addi %add3A_47, %add3A_1590 : vector<16xi32>
        %gather3A_1592 = tpu.vector_load_idx %arg9[%add3A_1591, %broadcast_in_dim3A_1453] : memref<3328x16xf32, #tpu.memory_space<vmem>>[vector<16xi32>, vector<16xi32>], vector<16xf32>,
        %add3A_1593 = arith.addf %add3A_1586, %gather3A_1592 : vector<16xf32>
        %mul3A_1594 = arith.mulf %gather3A_1592, %gather3A_1592 : vector<16xf32>
        %add3A_1595 = arith.addf %add3A_1588, %mul3A_1594 : vector<16xf32>
        %add3A_1596 = arith.constant 21 : i32
        %add3A_1597 = vector.broadcast %add3A_1596 : i32 to vector<16xi32>
        %add3A_1598 = arith.addi %add3A_47, %add3A_1597 : vector<16xi32>
        %gather3A_1599 = tpu.vector_load_idx %arg9[%add3A_1598, %broadcast_in_dim3A_1453] : memref<3328x16xf32, #tpu.memory_space<vmem>>[vector<16xi32>, vector<16xi32>], vector<16xf32>,
        %add3A_1600 = arith.addf %add3A_1593, %gather3A_1599 : vector<16xf32>
        %mul3A_1601 = arith.mulf %gather3A_1599, %gather3A_1599 : vector<16xf32>
        %add3A_1602 = arith.addf %add3A_1595, %mul3A_1601 : vector<16xf32>
        %add3A_1603 = arith.constant 22 : i32
        %add3A_1604 = vector.broadcast %add3A_1603 : i32 to vector<16xi32>
        %add3A_1605 = arith.addi %add3A_47, %add3A_1604 : vector<16xi32>
        %gather3A_1606 = tpu.vector_load_idx %arg9[%add3A_1605, %broadcast_in_dim3A_1453] : memref<3328x16xf32, #tpu.memory_space<vmem>>[vector<16xi32>, vector<16xi32>], vector<16xf32>,
        %add3A_1607 = arith.addf %add3A_1600, %gather3A_1606 : vector<16xf32>
        %mul3A_1608 = arith.mulf %gather3A_1606, %gather3A_1606 : vector<16xf32>
        %add3A_1609 = arith.addf %add3A_1602, %mul3A_1608 : vector<16xf32>
        %add3A_1610 = arith.constant 23 : i32
        %add3A_1611 = vector.broadcast %add3A_1610 : i32 to vector<16xi32>
        %add3A_1612 = arith.addi %add3A_47, %add3A_1611 : vector<16xi32>
        %gather3A_1613 = tpu.vector_load_idx %arg9[%add3A_1612, %broadcast_in_dim3A_1453] : memref<3328x16xf32, #tpu.memory_space<vmem>>[vector<16xi32>, vector<16xi32>], vector<16xf32>,
        %add3A_1614 = arith.addf %add3A_1607, %gather3A_1613 : vector<16xf32>
        %mul3A_1615 = arith.mulf %gather3A_1613, %gather3A_1613 : vector<16xf32>
        %add3A_1616 = arith.addf %add3A_1609, %mul3A_1615 : vector<16xf32>
        %add3A_1617 = arith.constant 24 : i32
        %add3A_1618 = vector.broadcast %add3A_1617 : i32 to vector<16xi32>
        %add3A_1619 = arith.addi %add3A_47, %add3A_1618 : vector<16xi32>
        %gather3A_1620 = tpu.vector_load_idx %arg9[%add3A_1619, %broadcast_in_dim3A_1453] : memref<3328x16xf32, #tpu.memory_space<vmem>>[vector<16xi32>, vector<16xi32>], vector<16xf32>,
        %add3A_1621 = arith.addf %add3A_1614, %gather3A_1620 : vector<16xf32>
        %mul3A_1622 = arith.mulf %gather3A_1620, %gather3A_1620 : vector<16xf32>
        %add3A_1623 = arith.addf %add3A_1616, %mul3A_1622 : vector<16xf32>
        %add3A_1624 = arith.constant 25 : i32
        %add3A_1625 = vector.broadcast %add3A_1624 : i32 to vector<16xi32>
        %add3A_1626 = arith.addi %add3A_47, %add3A_1625 : vector<16xi32>
        %gather3A_1627 = tpu.vector_load_idx %arg9[%add3A_1626, %broadcast_in_dim3A_1453] : memref<3328x16xf32, #tpu.memory_space<vmem>>[vector<16xi32>, vector<16xi32>], vector<16xf32>,
        %add3A_1628 = arith.addf %add3A_1621, %gather3A_1627 : vector<16xf32>
        %mul3A_1629 = arith.mulf %gather3A_1627, %gather3A_1627 : vector<16xf32>
        %add3A_1630 = arith.addf %add3A_1623, %mul3A_1629 : vector<16xf32>
        %mul3A_1631 = arith.mulf %add3A_1628, %add3A_1628 : vector<16xf32>
        %sub3A_1632 = arith.subf %mul3A_1631, %add3A_1630 : vector<16xf32>
        %add3A_1633 = arith.addf %add3A_1451, %sub3A_1632 : vector<16xf32>
        %broadcast_in_dim3A_1634 = arith.constant 7 : i32
        %broadcast_in_dim3A_1635 = vector.broadcast %broadcast_in_dim3A_1634 : i32 to vector<16xi32>
        %gather3A_1636 = tpu.vector_load_idx %arg9[%add3A_47, %broadcast_in_dim3A_1635] : memref<3328x16xf32, #tpu.memory_space<vmem>>[vector<16xi32>, vector<16xi32>], vector<16xf32>,
        %mul3A_1637 = arith.mulf %gather3A_1636, %gather3A_1636 : vector<16xf32>
        %add3A_1638 = arith.constant 1 : i32
        %add3A_1639 = vector.broadcast %add3A_1638 : i32 to vector<16xi32>
        %add3A_1640 = arith.addi %add3A_47, %add3A_1639 : vector<16xi32>
        %gather3A_1641 = tpu.vector_load_idx %arg9[%add3A_1640, %broadcast_in_dim3A_1635] : memref<3328x16xf32, #tpu.memory_space<vmem>>[vector<16xi32>, vector<16xi32>], vector<16xf32>,
        %add3A_1642 = arith.addf %gather3A_1636, %gather3A_1641 : vector<16xf32>
        %mul3A_1643 = arith.mulf %gather3A_1641, %gather3A_1641 : vector<16xf32>
        %add3A_1644 = arith.addf %mul3A_1637, %mul3A_1643 : vector<16xf32>
        %add3A_1645 = arith.constant 2 : i32
        %add3A_1646 = vector.broadcast %add3A_1645 : i32 to vector<16xi32>
        %add3A_1647 = arith.addi %add3A_47, %add3A_1646 : vector<16xi32>
        %gather3A_1648 = tpu.vector_load_idx %arg9[%add3A_1647, %broadcast_in_dim3A_1635] : memref<3328x16xf32, #tpu.memory_space<vmem>>[vector<16xi32>, vector<16xi32>], vector<16xf32>,
        %add3A_1649 = arith.addf %add3A_1642, %gather3A_1648 : vector<16xf32>
        %mul3A_1650 = arith.mulf %gather3A_1648, %gather3A_1648 : vector<16xf32>
        %add3A_1651 = arith.addf %add3A_1644, %mul3A_1650 : vector<16xf32>
        %add3A_1652 = arith.constant 3 : i32
        %add3A_1653 = vector.broadcast %add3A_1652 : i32 to vector<16xi32>
        %add3A_1654 = arith.addi %add3A_47, %add3A_1653 : vector<16xi32>
        %gather3A_1655 = tpu.vector_load_idx %arg9[%add3A_1654, %broadcast_in_dim3A_1635] : memref<3328x16xf32, #tpu.memory_space<vmem>>[vector<16xi32>, vector<16xi32>], vector<16xf32>,
        %add3A_1656 = arith.addf %add3A_1649, %gather3A_1655 : vector<16xf32>
        %mul3A_1657 = arith.mulf %gather3A_1655, %gather3A_1655 : vector<16xf32>
        %add3A_1658 = arith.addf %add3A_1651, %mul3A_1657 : vector<16xf32>
        %add3A_1659 = arith.constant 4 : i32
        %add3A_1660 = vector.broadcast %add3A_1659 : i32 to vector<16xi32>
        %add3A_1661 = arith.addi %add3A_47, %add3A_1660 : vector<16xi32>
        %gather3A_1662 = tpu.vector_load_idx %arg9[%add3A_1661, %broadcast_in_dim3A_1635] : memref<3328x16xf32, #tpu.memory_space<vmem>>[vector<16xi32>, vector<16xi32>], vector<16xf32>,
        %add3A_1663 = arith.addf %add3A_1656, %gather3A_1662 : vector<16xf32>
        %mul3A_1664 = arith.mulf %gather3A_1662, %gather3A_1662 : vector<16xf32>
        %add3A_1665 = arith.addf %add3A_1658, %mul3A_1664 : vector<16xf32>
        %add3A_1666 = arith.constant 5 : i32
        %add3A_1667 = vector.broadcast %add3A_1666 : i32 to vector<16xi32>
        %add3A_1668 = arith.addi %add3A_47, %add3A_1667 : vector<16xi32>
        %gather3A_1669 = tpu.vector_load_idx %arg9[%add3A_1668, %broadcast_in_dim3A_1635] : memref<3328x16xf32, #tpu.memory_space<vmem>>[vector<16xi32>, vector<16xi32>], vector<16xf32>,
        %add3A_1670 = arith.addf %add3A_1663, %gather3A_1669 : vector<16xf32>
        %mul3A_1671 = arith.mulf %gather3A_1669, %gather3A_1669 : vector<16xf32>
        %add3A_1672 = arith.addf %add3A_1665, %mul3A_1671 : vector<16xf32>
        %add3A_1673 = arith.constant 6 : i32
        %add3A_1674 = vector.broadcast %add3A_1673 : i32 to vector<16xi32>
        %add3A_1675 = arith.addi %add3A_47, %add3A_1674 : vector<16xi32>
        %gather3A_1676 = tpu.vector_load_idx %arg9[%add3A_1675, %broadcast_in_dim3A_1635] : memref<3328x16xf32, #tpu.memory_space<vmem>>[vector<16xi32>, vector<16xi32>], vector<16xf32>,
        %add3A_1677 = arith.addf %add3A_1670, %gather3A_1676 : vector<16xf32>
        %mul3A_1678 = arith.mulf %gather3A_1676, %gather3A_1676 : vector<16xf32>
        %add3A_1679 = arith.addf %add3A_1672, %mul3A_1678 : vector<16xf32>
        %add3A_1680 = arith.constant 7 : i32
        %add3A_1681 = vector.broadcast %add3A_1680 : i32 to vector<16xi32>
        %add3A_1682 = arith.addi %add3A_47, %add3A_1681 : vector<16xi32>
        %gather3A_1683 = tpu.vector_load_idx %arg9[%add3A_1682, %broadcast_in_dim3A_1635] : memref<3328x16xf32, #tpu.memory_space<vmem>>[vector<16xi32>, vector<16xi32>], vector<16xf32>,
        %add3A_1684 = arith.addf %add3A_1677, %gather3A_1683 : vector<16xf32>
        %mul3A_1685 = arith.mulf %gather3A_1683, %gather3A_1683 : vector<16xf32>
        %add3A_1686 = arith.addf %add3A_1679, %mul3A_1685 : vector<16xf32>
        %add3A_1687 = arith.constant 8 : i32
        %add3A_1688 = vector.broadcast %add3A_1687 : i32 to vector<16xi32>
        %add3A_1689 = arith.addi %add3A_47, %add3A_1688 : vector<16xi32>
        %gather3A_1690 = tpu.vector_load_idx %arg9[%add3A_1689, %broadcast_in_dim3A_1635] : memref<3328x16xf32, #tpu.memory_space<vmem>>[vector<16xi32>, vector<16xi32>], vector<16xf32>,
        %add3A_1691 = arith.addf %add3A_1684, %gather3A_1690 : vector<16xf32>
        %mul3A_1692 = arith.mulf %gather3A_1690, %gather3A_1690 : vector<16xf32>
        %add3A_1693 = arith.addf %add3A_1686, %mul3A_1692 : vector<16xf32>
        %add3A_1694 = arith.constant 9 : i32
        %add3A_1695 = vector.broadcast %add3A_1694 : i32 to vector<16xi32>
        %add3A_1696 = arith.addi %add3A_47, %add3A_1695 : vector<16xi32>
        %gather3A_1697 = tpu.vector_load_idx %arg9[%add3A_1696, %broadcast_in_dim3A_1635] : memref<3328x16xf32, #tpu.memory_space<vmem>>[vector<16xi32>, vector<16xi32>], vector<16xf32>,
        %add3A_1698 = arith.addf %add3A_1691, %gather3A_1697 : vector<16xf32>
        %mul3A_1699 = arith.mulf %gather3A_1697, %gather3A_1697 : vector<16xf32>
        %add3A_1700 = arith.addf %add3A_1693, %mul3A_1699 : vector<16xf32>
        %add3A_1701 = arith.constant 10 : i32
        %add3A_1702 = vector.broadcast %add3A_1701 : i32 to vector<16xi32>
        %add3A_1703 = arith.addi %add3A_47, %add3A_1702 : vector<16xi32>
        %gather3A_1704 = tpu.vector_load_idx %arg9[%add3A_1703, %broadcast_in_dim3A_1635] : memref<3328x16xf32, #tpu.memory_space<vmem>>[vector<16xi32>, vector<16xi32>], vector<16xf32>,
        %add3A_1705 = arith.addf %add3A_1698, %gather3A_1704 : vector<16xf32>
        %mul3A_1706 = arith.mulf %gather3A_1704, %gather3A_1704 : vector<16xf32>
        %add3A_1707 = arith.addf %add3A_1700, %mul3A_1706 : vector<16xf32>
        %add3A_1708 = arith.constant 11 : i32
        %add3A_1709 = vector.broadcast %add3A_1708 : i32 to vector<16xi32>
        %add3A_1710 = arith.addi %add3A_47, %add3A_1709 : vector<16xi32>
        %gather3A_1711 = tpu.vector_load_idx %arg9[%add3A_1710, %broadcast_in_dim3A_1635] : memref<3328x16xf32, #tpu.memory_space<vmem>>[vector<16xi32>, vector<16xi32>], vector<16xf32>,
        %add3A_1712 = arith.addf %add3A_1705, %gather3A_1711 : vector<16xf32>
        %mul3A_1713 = arith.mulf %gather3A_1711, %gather3A_1711 : vector<16xf32>
        %add3A_1714 = arith.addf %add3A_1707, %mul3A_1713 : vector<16xf32>
        %add3A_1715 = arith.constant 12 : i32
        %add3A_1716 = vector.broadcast %add3A_1715 : i32 to vector<16xi32>
        %add3A_1717 = arith.addi %add3A_47, %add3A_1716 : vector<16xi32>
        %gather3A_1718 = tpu.vector_load_idx %arg9[%add3A_1717, %broadcast_in_dim3A_1635] : memref<3328x16xf32, #tpu.memory_space<vmem>>[vector<16xi32>, vector<16xi32>], vector<16xf32>,
        %add3A_1719 = arith.addf %add3A_1712, %gather3A_1718 : vector<16xf32>
        %mul3A_1720 = arith.mulf %gather3A_1718, %gather3A_1718 : vector<16xf32>
        %add3A_1721 = arith.addf %add3A_1714, %mul3A_1720 : vector<16xf32>
        %add3A_1722 = arith.constant 13 : i32
        %add3A_1723 = vector.broadcast %add3A_1722 : i32 to vector<16xi32>
        %add3A_1724 = arith.addi %add3A_47, %add3A_1723 : vector<16xi32>
        %gather3A_1725 = tpu.vector_load_idx %arg9[%add3A_1724, %broadcast_in_dim3A_1635] : memref<3328x16xf32, #tpu.memory_space<vmem>>[vector<16xi32>, vector<16xi32>], vector<16xf32>,
        %add3A_1726 = arith.addf %add3A_1719, %gather3A_1725 : vector<16xf32>
        %mul3A_1727 = arith.mulf %gather3A_1725, %gather3A_1725 : vector<16xf32>
        %add3A_1728 = arith.addf %add3A_1721, %mul3A_1727 : vector<16xf32>
        %add3A_1729 = arith.constant 14 : i32
        %add3A_1730 = vector.broadcast %add3A_1729 : i32 to vector<16xi32>
        %add3A_1731 = arith.addi %add3A_47, %add3A_1730 : vector<16xi32>
        %gather3A_1732 = tpu.vector_load_idx %arg9[%add3A_1731, %broadcast_in_dim3A_1635] : memref<3328x16xf32, #tpu.memory_space<vmem>>[vector<16xi32>, vector<16xi32>], vector<16xf32>,
        %add3A_1733 = arith.addf %add3A_1726, %gather3A_1732 : vector<16xf32>
        %mul3A_1734 = arith.mulf %gather3A_1732, %gather3A_1732 : vector<16xf32>
        %add3A_1735 = arith.addf %add3A_1728, %mul3A_1734 : vector<16xf32>
        %add3A_1736 = arith.constant 15 : i32
        %add3A_1737 = vector.broadcast %add3A_1736 : i32 to vector<16xi32>
        %add3A_1738 = arith.addi %add3A_47, %add3A_1737 : vector<16xi32>
        %gather3A_1739 = tpu.vector_load_idx %arg9[%add3A_1738, %broadcast_in_dim3A_1635] : memref<3328x16xf32, #tpu.memory_space<vmem>>[vector<16xi32>, vector<16xi32>], vector<16xf32>,
        %add3A_1740 = arith.addf %add3A_1733, %gather3A_1739 : vector<16xf32>
        %mul3A_1741 = arith.mulf %gather3A_1739, %gather3A_1739 : vector<16xf32>
        %add3A_1742 = arith.addf %add3A_1735, %mul3A_1741 : vector<16xf32>
        %add3A_1743 = arith.constant 16 : i32
        %add3A_1744 = vector.broadcast %add3A_1743 : i32 to vector<16xi32>
        %add3A_1745 = arith.addi %add3A_47, %add3A_1744 : vector<16xi32>
        %gather3A_1746 = tpu.vector_load_idx %arg9[%add3A_1745, %broadcast_in_dim3A_1635] : memref<3328x16xf32, #tpu.memory_space<vmem>>[vector<16xi32>, vector<16xi32>], vector<16xf32>,
        %add3A_1747 = arith.addf %add3A_1740, %gather3A_1746 : vector<16xf32>
        %mul3A_1748 = arith.mulf %gather3A_1746, %gather3A_1746 : vector<16xf32>
        %add3A_1749 = arith.addf %add3A_1742, %mul3A_1748 : vector<16xf32>
        %add3A_1750 = arith.constant 17 : i32
        %add3A_1751 = vector.broadcast %add3A_1750 : i32 to vector<16xi32>
        %add3A_1752 = arith.addi %add3A_47, %add3A_1751 : vector<16xi32>
        %gather3A_1753 = tpu.vector_load_idx %arg9[%add3A_1752, %broadcast_in_dim3A_1635] : memref<3328x16xf32, #tpu.memory_space<vmem>>[vector<16xi32>, vector<16xi32>], vector<16xf32>,
        %add3A_1754 = arith.addf %add3A_1747, %gather3A_1753 : vector<16xf32>
        %mul3A_1755 = arith.mulf %gather3A_1753, %gather3A_1753 : vector<16xf32>
        %add3A_1756 = arith.addf %add3A_1749, %mul3A_1755 : vector<16xf32>
        %add3A_1757 = arith.constant 18 : i32
        %add3A_1758 = vector.broadcast %add3A_1757 : i32 to vector<16xi32>
        %add3A_1759 = arith.addi %add3A_47, %add3A_1758 : vector<16xi32>
        %gather3A_1760 = tpu.vector_load_idx %arg9[%add3A_1759, %broadcast_in_dim3A_1635] : memref<3328x16xf32, #tpu.memory_space<vmem>>[vector<16xi32>, vector<16xi32>], vector<16xf32>,
        %add3A_1761 = arith.addf %add3A_1754, %gather3A_1760 : vector<16xf32>
        %mul3A_1762 = arith.mulf %gather3A_1760, %gather3A_1760 : vector<16xf32>
        %add3A_1763 = arith.addf %add3A_1756, %mul3A_1762 : vector<16xf32>
        %add3A_1764 = arith.constant 19 : i32
        %add3A_1765 = vector.broadcast %add3A_1764 : i32 to vector<16xi32>
        %add3A_1766 = arith.addi %add3A_47, %add3A_1765 : vector<16xi32>
        %gather3A_1767 = tpu.vector_load_idx %arg9[%add3A_1766, %broadcast_in_dim3A_1635] : memref<3328x16xf32, #tpu.memory_space<vmem>>[vector<16xi32>, vector<16xi32>], vector<16xf32>,
        %add3A_1768 = arith.addf %add3A_1761, %gather3A_1767 : vector<16xf32>
        %mul3A_1769 = arith.mulf %gather3A_1767, %gather3A_1767 : vector<16xf32>
        %add3A_1770 = arith.addf %add3A_1763, %mul3A_1769 : vector<16xf32>
        %add3A_1771 = arith.constant 20 : i32
        %add3A_1772 = vector.broadcast %add3A_1771 : i32 to vector<16xi32>
        %add3A_1773 = arith.addi %add3A_47, %add3A_1772 : vector<16xi32>
        %gather3A_1774 = tpu.vector_load_idx %arg9[%add3A_1773, %broadcast_in_dim3A_1635] : memref<3328x16xf32, #tpu.memory_space<vmem>>[vector<16xi32>, vector<16xi32>], vector<16xf32>,
        %add3A_1775 = arith.addf %add3A_1768, %gather3A_1774 : vector<16xf32>
        %mul3A_1776 = arith.mulf %gather3A_1774, %gather3A_1774 : vector<16xf32>
        %add3A_1777 = arith.addf %add3A_1770, %mul3A_1776 : vector<16xf32>
        %add3A_1778 = arith.constant 21 : i32
        %add3A_1779 = vector.broadcast %add3A_1778 : i32 to vector<16xi32>
        %add3A_1780 = arith.addi %add3A_47, %add3A_1779 : vector<16xi32>
        %gather3A_1781 = tpu.vector_load_idx %arg9[%add3A_1780, %broadcast_in_dim3A_1635] : memref<3328x16xf32, #tpu.memory_space<vmem>>[vector<16xi32>, vector<16xi32>], vector<16xf32>,
        %add3A_1782 = arith.addf %add3A_1775, %gather3A_1781 : vector<16xf32>
        %mul3A_1783 = arith.mulf %gather3A_1781, %gather3A_1781 : vector<16xf32>
        %add3A_1784 = arith.addf %add3A_1777, %mul3A_1783 : vector<16xf32>
        %add3A_1785 = arith.constant 22 : i32
        %add3A_1786 = vector.broadcast %add3A_1785 : i32 to vector<16xi32>
        %add3A_1787 = arith.addi %add3A_47, %add3A_1786 : vector<16xi32>
        %gather3A_1788 = tpu.vector_load_idx %arg9[%add3A_1787, %broadcast_in_dim3A_1635] : memref<3328x16xf32, #tpu.memory_space<vmem>>[vector<16xi32>, vector<16xi32>], vector<16xf32>,
        %add3A_1789 = arith.addf %add3A_1782, %gather3A_1788 : vector<16xf32>
        %mul3A_1790 = arith.mulf %gather3A_1788, %gather3A_1788 : vector<16xf32>
        %add3A_1791 = arith.addf %add3A_1784, %mul3A_1790 : vector<16xf32>
        %add3A_1792 = arith.constant 23 : i32
        %add3A_1793 = vector.broadcast %add3A_1792 : i32 to vector<16xi32>
        %add3A_1794 = arith.addi %add3A_47, %add3A_1793 : vector<16xi32>
        %gather3A_1795 = tpu.vector_load_idx %arg9[%add3A_1794, %broadcast_in_dim3A_1635] : memref<3328x16xf32, #tpu.memory_space<vmem>>[vector<16xi32>, vector<16xi32>], vector<16xf32>,
        %add3A_1796 = arith.addf %add3A_1789, %gather3A_1795 : vector<16xf32>
        %mul3A_1797 = arith.mulf %gather3A_1795, %gather3A_1795 : vector<16xf32>
        %add3A_1798 = arith.addf %add3A_1791, %mul3A_1797 : vector<16xf32>
        %add3A_1799 = arith.constant 24 : i32
        %add3A_1800 = vector.broadcast %add3A_1799 : i32 to vector<16xi32>
        %add3A_1801 = arith.addi %add3A_47, %add3A_1800 : vector<16xi32>
        %gather3A_1802 = tpu.vector_load_idx %arg9[%add3A_1801, %broadcast_in_dim3A_1635] : memref<3328x16xf32, #tpu.memory_space<vmem>>[vector<16xi32>, vector<16xi32>], vector<16xf32>,
        %add3A_1803 = arith.addf %add3A_1796, %gather3A_1802 : vector<16xf32>
        %mul3A_1804 = arith.mulf %gather3A_1802, %gather3A_1802 : vector<16xf32>
        %add3A_1805 = arith.addf %add3A_1798, %mul3A_1804 : vector<16xf32>
        %add3A_1806 = arith.constant 25 : i32
        %add3A_1807 = vector.broadcast %add3A_1806 : i32 to vector<16xi32>
        %add3A_1808 = arith.addi %add3A_47, %add3A_1807 : vector<16xi32>
        %gather3A_1809 = tpu.vector_load_idx %arg9[%add3A_1808, %broadcast_in_dim3A_1635] : memref<3328x16xf32, #tpu.memory_space<vmem>>[vector<16xi32>, vector<16xi32>], vector<16xf32>,
        %add3A_1810 = arith.addf %add3A_1803, %gather3A_1809 : vector<16xf32>
        %mul3A_1811 = arith.mulf %gather3A_1809, %gather3A_1809 : vector<16xf32>
        %add3A_1812 = arith.addf %add3A_1805, %mul3A_1811 : vector<16xf32>
        %mul3A_1813 = arith.mulf %add3A_1810, %add3A_1810 : vector<16xf32>
        %sub3A_1814 = arith.subf %mul3A_1813, %add3A_1812 : vector<16xf32>
        %add3A_1815 = arith.addf %add3A_1633, %sub3A_1814 : vector<16xf32>
        %broadcast_in_dim3A_1816 = arith.constant 8 : i32
        %broadcast_in_dim3A_1817 = vector.broadcast %broadcast_in_dim3A_1816 : i32 to vector<16xi32>
        %gather3A_1818 = tpu.vector_load_idx %arg9[%add3A_47, %broadcast_in_dim3A_1817] : memref<3328x16xf32, #tpu.memory_space<vmem>>[vector<16xi32>, vector<16xi32>], vector<16xf32>,
        %mul3A_1819 = arith.mulf %gather3A_1818, %gather3A_1818 : vector<16xf32>
        %add3A_1820 = arith.constant 1 : i32
        %add3A_1821 = vector.broadcast %add3A_1820 : i32 to vector<16xi32>
        %add3A_1822 = arith.addi %add3A_47, %add3A_1821 : vector<16xi32>
        %gather3A_1823 = tpu.vector_load_idx %arg9[%add3A_1822, %broadcast_in_dim3A_1817] : memref<3328x16xf32, #tpu.memory_space<vmem>>[vector<16xi32>, vector<16xi32>], vector<16xf32>,
        %add3A_1824 = arith.addf %gather3A_1818, %gather3A_1823 : vector<16xf32>
        %mul3A_1825 = arith.mulf %gather3A_1823, %gather3A_1823 : vector<16xf32>
        %add3A_1826 = arith.addf %mul3A_1819, %mul3A_1825 : vector<16xf32>
        %add3A_1827 = arith.constant 2 : i32
        %add3A_1828 = vector.broadcast %add3A_1827 : i32 to vector<16xi32>
        %add3A_1829 = arith.addi %add3A_47, %add3A_1828 : vector<16xi32>
        %gather3A_1830 = tpu.vector_load_idx %arg9[%add3A_1829, %broadcast_in_dim3A_1817] : memref<3328x16xf32, #tpu.memory_space<vmem>>[vector<16xi32>, vector<16xi32>], vector<16xf32>,
        %add3A_1831 = arith.addf %add3A_1824, %gather3A_1830 : vector<16xf32>
        %mul3A_1832 = arith.mulf %gather3A_1830, %gather3A_1830 : vector<16xf32>
        %add3A_1833 = arith.addf %add3A_1826, %mul3A_1832 : vector<16xf32>
        %add3A_1834 = arith.constant 3 : i32
        %add3A_1835 = vector.broadcast %add3A_1834 : i32 to vector<16xi32>
        %add3A_1836 = arith.addi %add3A_47, %add3A_1835 : vector<16xi32>
        %gather3A_1837 = tpu.vector_load_idx %arg9[%add3A_1836, %broadcast_in_dim3A_1817] : memref<3328x16xf32, #tpu.memory_space<vmem>>[vector<16xi32>, vector<16xi32>], vector<16xf32>,
        %add3A_1838 = arith.addf %add3A_1831, %gather3A_1837 : vector<16xf32>
        %mul3A_1839 = arith.mulf %gather3A_1837, %gather3A_1837 : vector<16xf32>
        %add3A_1840 = arith.addf %add3A_1833, %mul3A_1839 : vector<16xf32>
        %add3A_1841 = arith.constant 4 : i32
        %add3A_1842 = vector.broadcast %add3A_1841 : i32 to vector<16xi32>
        %add3A_1843 = arith.addi %add3A_47, %add3A_1842 : vector<16xi32>
        %gather3A_1844 = tpu.vector_load_idx %arg9[%add3A_1843, %broadcast_in_dim3A_1817] : memref<3328x16xf32, #tpu.memory_space<vmem>>[vector<16xi32>, vector<16xi32>], vector<16xf32>,
        %add3A_1845 = arith.addf %add3A_1838, %gather3A_1844 : vector<16xf32>
        %mul3A_1846 = arith.mulf %gather3A_1844, %gather3A_1844 : vector<16xf32>
        %add3A_1847 = arith.addf %add3A_1840, %mul3A_1846 : vector<16xf32>
        %add3A_1848 = arith.constant 5 : i32
        %add3A_1849 = vector.broadcast %add3A_1848 : i32 to vector<16xi32>
        %add3A_1850 = arith.addi %add3A_47, %add3A_1849 : vector<16xi32>
        %gather3A_1851 = tpu.vector_load_idx %arg9[%add3A_1850, %broadcast_in_dim3A_1817] : memref<3328x16xf32, #tpu.memory_space<vmem>>[vector<16xi32>, vector<16xi32>], vector<16xf32>,
        %add3A_1852 = arith.addf %add3A_1845, %gather3A_1851 : vector<16xf32>
        %mul3A_1853 = arith.mulf %gather3A_1851, %gather3A_1851 : vector<16xf32>
        %add3A_1854 = arith.addf %add3A_1847, %mul3A_1853 : vector<16xf32>
        %add3A_1855 = arith.constant 6 : i32
        %add3A_1856 = vector.broadcast %add3A_1855 : i32 to vector<16xi32>
        %add3A_1857 = arith.addi %add3A_47, %add3A_1856 : vector<16xi32>
        %gather3A_1858 = tpu.vector_load_idx %arg9[%add3A_1857, %broadcast_in_dim3A_1817] : memref<3328x16xf32, #tpu.memory_space<vmem>>[vector<16xi32>, vector<16xi32>], vector<16xf32>,
        %add3A_1859 = arith.addf %add3A_1852, %gather3A_1858 : vector<16xf32>
        %mul3A_1860 = arith.mulf %gather3A_1858, %gather3A_1858 : vector<16xf32>
        %add3A_1861 = arith.addf %add3A_1854, %mul3A_1860 : vector<16xf32>
        %add3A_1862 = arith.constant 7 : i32
        %add3A_1863 = vector.broadcast %add3A_1862 : i32 to vector<16xi32>
        %add3A_1864 = arith.addi %add3A_47, %add3A_1863 : vector<16xi32>
        %gather3A_1865 = tpu.vector_load_idx %arg9[%add3A_1864, %broadcast_in_dim3A_1817] : memref<3328x16xf32, #tpu.memory_space<vmem>>[vector<16xi32>, vector<16xi32>], vector<16xf32>,
        %add3A_1866 = arith.addf %add3A_1859, %gather3A_1865 : vector<16xf32>
        %mul3A_1867 = arith.mulf %gather3A_1865, %gather3A_1865 : vector<16xf32>
        %add3A_1868 = arith.addf %add3A_1861, %mul3A_1867 : vector<16xf32>
        %add3A_1869 = arith.constant 8 : i32
        %add3A_1870 = vector.broadcast %add3A_1869 : i32 to vector<16xi32>
        %add3A_1871 = arith.addi %add3A_47, %add3A_1870 : vector<16xi32>
        %gather3A_1872 = tpu.vector_load_idx %arg9[%add3A_1871, %broadcast_in_dim3A_1817] : memref<3328x16xf32, #tpu.memory_space<vmem>>[vector<16xi32>, vector<16xi32>], vector<16xf32>,
        %add3A_1873 = arith.addf %add3A_1866, %gather3A_1872 : vector<16xf32>
        %mul3A_1874 = arith.mulf %gather3A_1872, %gather3A_1872 : vector<16xf32>
        %add3A_1875 = arith.addf %add3A_1868, %mul3A_1874 : vector<16xf32>
        %add3A_1876 = arith.constant 9 : i32
        %add3A_1877 = vector.broadcast %add3A_1876 : i32 to vector<16xi32>
        %add3A_1878 = arith.addi %add3A_47, %add3A_1877 : vector<16xi32>
        %gather3A_1879 = tpu.vector_load_idx %arg9[%add3A_1878, %broadcast_in_dim3A_1817] : memref<3328x16xf32, #tpu.memory_space<vmem>>[vector<16xi32>, vector<16xi32>], vector<16xf32>,
        %add3A_1880 = arith.addf %add3A_1873, %gather3A_1879 : vector<16xf32>
        %mul3A_1881 = arith.mulf %gather3A_1879, %gather3A_1879 : vector<16xf32>
        %add3A_1882 = arith.addf %add3A_1875, %mul3A_1881 : vector<16xf32>
        %add3A_1883 = arith.constant 10 : i32
        %add3A_1884 = vector.broadcast %add3A_1883 : i32 to vector<16xi32>
        %add3A_1885 = arith.addi %add3A_47, %add3A_1884 : vector<16xi32>
        %gather3A_1886 = tpu.vector_load_idx %arg9[%add3A_1885, %broadcast_in_dim3A_1817] : memref<3328x16xf32, #tpu.memory_space<vmem>>[vector<16xi32>, vector<16xi32>], vector<16xf32>,
        %add3A_1887 = arith.addf %add3A_1880, %gather3A_1886 : vector<16xf32>
        %mul3A_1888 = arith.mulf %gather3A_1886, %gather3A_1886 : vector<16xf32>
        %add3A_1889 = arith.addf %add3A_1882, %mul3A_1888 : vector<16xf32>
        %add3A_1890 = arith.constant 11 : i32
        %add3A_1891 = vector.broadcast %add3A_1890 : i32 to vector<16xi32>
        %add3A_1892 = arith.addi %add3A_47, %add3A_1891 : vector<16xi32>
        %gather3A_1893 = tpu.vector_load_idx %arg9[%add3A_1892, %broadcast_in_dim3A_1817] : memref<3328x16xf32, #tpu.memory_space<vmem>>[vector<16xi32>, vector<16xi32>], vector<16xf32>,
        %add3A_1894 = arith.addf %add3A_1887, %gather3A_1893 : vector<16xf32>
        %mul3A_1895 = arith.mulf %gather3A_1893, %gather3A_1893 : vector<16xf32>
        %add3A_1896 = arith.addf %add3A_1889, %mul3A_1895 : vector<16xf32>
        %add3A_1897 = arith.constant 12 : i32
        %add3A_1898 = vector.broadcast %add3A_1897 : i32 to vector<16xi32>
        %add3A_1899 = arith.addi %add3A_47, %add3A_1898 : vector<16xi32>
        %gather3A_1900 = tpu.vector_load_idx %arg9[%add3A_1899, %broadcast_in_dim3A_1817] : memref<3328x16xf32, #tpu.memory_space<vmem>>[vector<16xi32>, vector<16xi32>], vector<16xf32>,
        %add3A_1901 = arith.addf %add3A_1894, %gather3A_1900 : vector<16xf32>
        %mul3A_1902 = arith.mulf %gather3A_1900, %gather3A_1900 : vector<16xf32>
        %add3A_1903 = arith.addf %add3A_1896, %mul3A_1902 : vector<16xf32>
        %add3A_1904 = arith.constant 13 : i32
        %add3A_1905 = vector.broadcast %add3A_1904 : i32 to vector<16xi32>
        %add3A_1906 = arith.addi %add3A_47, %add3A_1905 : vector<16xi32>
        %gather3A_1907 = tpu.vector_load_idx %arg9[%add3A_1906, %broadcast_in_dim3A_1817] : memref<3328x16xf32, #tpu.memory_space<vmem>>[vector<16xi32>, vector<16xi32>], vector<16xf32>,
        %add3A_1908 = arith.addf %add3A_1901, %gather3A_1907 : vector<16xf32>
        %mul3A_1909 = arith.mulf %gather3A_1907, %gather3A_1907 : vector<16xf32>
        %add3A_1910 = arith.addf %add3A_1903, %mul3A_1909 : vector<16xf32>
        %add3A_1911 = arith.constant 14 : i32
        %add3A_1912 = vector.broadcast %add3A_1911 : i32 to vector<16xi32>
        %add3A_1913 = arith.addi %add3A_47, %add3A_1912 : vector<16xi32>
        %gather3A_1914 = tpu.vector_load_idx %arg9[%add3A_1913, %broadcast_in_dim3A_1817] : memref<3328x16xf32, #tpu.memory_space<vmem>>[vector<16xi32>, vector<16xi32>], vector<16xf32>,
        %add3A_1915 = arith.addf %add3A_1908, %gather3A_1914 : vector<16xf32>
        %mul3A_1916 = arith.mulf %gather3A_1914, %gather3A_1914 : vector<16xf32>
        %add3A_1917 = arith.addf %add3A_1910, %mul3A_1916 : vector<16xf32>
        %add3A_1918 = arith.constant 15 : i32
        %add3A_1919 = vector.broadcast %add3A_1918 : i32 to vector<16xi32>
        %add3A_1920 = arith.addi %add3A_47, %add3A_1919 : vector<16xi32>
        %gather3A_1921 = tpu.vector_load_idx %arg9[%add3A_1920, %broadcast_in_dim3A_1817] : memref<3328x16xf32, #tpu.memory_space<vmem>>[vector<16xi32>, vector<16xi32>], vector<16xf32>,
        %add3A_1922 = arith.addf %add3A_1915, %gather3A_1921 : vector<16xf32>
        %mul3A_1923 = arith.mulf %gather3A_1921, %gather3A_1921 : vector<16xf32>
        %add3A_1924 = arith.addf %add3A_1917, %mul3A_1923 : vector<16xf32>
        %add3A_1925 = arith.constant 16 : i32
        %add3A_1926 = vector.broadcast %add3A_1925 : i32 to vector<16xi32>
        %add3A_1927 = arith.addi %add3A_47, %add3A_1926 : vector<16xi32>
        %gather3A_1928 = tpu.vector_load_idx %arg9[%add3A_1927, %broadcast_in_dim3A_1817] : memref<3328x16xf32, #tpu.memory_space<vmem>>[vector<16xi32>, vector<16xi32>], vector<16xf32>,
        %add3A_1929 = arith.addf %add3A_1922, %gather3A_1928 : vector<16xf32>
        %mul3A_1930 = arith.mulf %gather3A_1928, %gather3A_1928 : vector<16xf32>
        %add3A_1931 = arith.addf %add3A_1924, %mul3A_1930 : vector<16xf32>
        %add3A_1932 = arith.constant 17 : i32
        %add3A_1933 = vector.broadcast %add3A_1932 : i32 to vector<16xi32>
        %add3A_1934 = arith.addi %add3A_47, %add3A_1933 : vector<16xi32>
        %gather3A_1935 = tpu.vector_load_idx %arg9[%add3A_1934, %broadcast_in_dim3A_1817] : memref<3328x16xf32, #tpu.memory_space<vmem>>[vector<16xi32>, vector<16xi32>], vector<16xf32>,
        %add3A_1936 = arith.addf %add3A_1929, %gather3A_1935 : vector<16xf32>
        %mul3A_1937 = arith.mulf %gather3A_1935, %gather3A_1935 : vector<16xf32>
        %add3A_1938 = arith.addf %add3A_1931, %mul3A_1937 : vector<16xf32>
        %add3A_1939 = arith.constant 18 : i32
        %add3A_1940 = vector.broadcast %add3A_1939 : i32 to vector<16xi32>
        %add3A_1941 = arith.addi %add3A_47, %add3A_1940 : vector<16xi32>
        %gather3A_1942 = tpu.vector_load_idx %arg9[%add3A_1941, %broadcast_in_dim3A_1817] : memref<3328x16xf32, #tpu.memory_space<vmem>>[vector<16xi32>, vector<16xi32>], vector<16xf32>,
        %add3A_1943 = arith.addf %add3A_1936, %gather3A_1942 : vector<16xf32>
        %mul3A_1944 = arith.mulf %gather3A_1942, %gather3A_1942 : vector<16xf32>
        %add3A_1945 = arith.addf %add3A_1938, %mul3A_1944 : vector<16xf32>
        %add3A_1946 = arith.constant 19 : i32
        %add3A_1947 = vector.broadcast %add3A_1946 : i32 to vector<16xi32>
        %add3A_1948 = arith.addi %add3A_47, %add3A_1947 : vector<16xi32>
        %gather3A_1949 = tpu.vector_load_idx %arg9[%add3A_1948, %broadcast_in_dim3A_1817] : memref<3328x16xf32, #tpu.memory_space<vmem>>[vector<16xi32>, vector<16xi32>], vector<16xf32>,
        %add3A_1950 = arith.addf %add3A_1943, %gather3A_1949 : vector<16xf32>
        %mul3A_1951 = arith.mulf %gather3A_1949, %gather3A_1949 : vector<16xf32>
        %add3A_1952 = arith.addf %add3A_1945, %mul3A_1951 : vector<16xf32>
        %add3A_1953 = arith.constant 20 : i32
        %add3A_1954 = vector.broadcast %add3A_1953 : i32 to vector<16xi32>
        %add3A_1955 = arith.addi %add3A_47, %add3A_1954 : vector<16xi32>
        %gather3A_1956 = tpu.vector_load_idx %arg9[%add3A_1955, %broadcast_in_dim3A_1817] : memref<3328x16xf32, #tpu.memory_space<vmem>>[vector<16xi32>, vector<16xi32>], vector<16xf32>,
        %add3A_1957 = arith.addf %add3A_1950, %gather3A_1956 : vector<16xf32>
        %mul3A_1958 = arith.mulf %gather3A_1956, %gather3A_1956 : vector<16xf32>
        %add3A_1959 = arith.addf %add3A_1952, %mul3A_1958 : vector<16xf32>
        %add3A_1960 = arith.constant 21 : i32
        %add3A_1961 = vector.broadcast %add3A_1960 : i32 to vector<16xi32>
        %add3A_1962 = arith.addi %add3A_47, %add3A_1961 : vector<16xi32>
        %gather3A_1963 = tpu.vector_load_idx %arg9[%add3A_1962, %broadcast_in_dim3A_1817] : memref<3328x16xf32, #tpu.memory_space<vmem>>[vector<16xi32>, vector<16xi32>], vector<16xf32>,
        %add3A_1964 = arith.addf %add3A_1957, %gather3A_1963 : vector<16xf32>
        %mul3A_1965 = arith.mulf %gather3A_1963, %gather3A_1963 : vector<16xf32>
        %add3A_1966 = arith.addf %add3A_1959, %mul3A_1965 : vector<16xf32>
        %add3A_1967 = arith.constant 22 : i32
        %add3A_1968 = vector.broadcast %add3A_1967 : i32 to vector<16xi32>
        %add3A_1969 = arith.addi %add3A_47, %add3A_1968 : vector<16xi32>
        %gather3A_1970 = tpu.vector_load_idx %arg9[%add3A_1969, %broadcast_in_dim3A_1817] : memref<3328x16xf32, #tpu.memory_space<vmem>>[vector<16xi32>, vector<16xi32>], vector<16xf32>,
        %add3A_1971 = arith.addf %add3A_1964, %gather3A_1970 : vector<16xf32>
        %mul3A_1972 = arith.mulf %gather3A_1970, %gather3A_1970 : vector<16xf32>
        %add3A_1973 = arith.addf %add3A_1966, %mul3A_1972 : vector<16xf32>
        %add3A_1974 = arith.constant 23 : i32
        %add3A_1975 = vector.broadcast %add3A_1974 : i32 to vector<16xi32>
        %add3A_1976 = arith.addi %add3A_47, %add3A_1975 : vector<16xi32>
        %gather3A_1977 = tpu.vector_load_idx %arg9[%add3A_1976, %broadcast_in_dim3A_1817] : memref<3328x16xf32, #tpu.memory_space<vmem>>[vector<16xi32>, vector<16xi32>], vector<16xf32>,
        %add3A_1978 = arith.addf %add3A_1971, %gather3A_1977 : vector<16xf32>
        %mul3A_1979 = arith.mulf %gather3A_1977, %gather3A_1977 : vector<16xf32>
        %add3A_1980 = arith.addf %add3A_1973, %mul3A_1979 : vector<16xf32>
        %add3A_1981 = arith.constant 24 : i32
        %add3A_1982 = vector.broadcast %add3A_1981 : i32 to vector<16xi32>
        %add3A_1983 = arith.addi %add3A_47, %add3A_1982 : vector<16xi32>
        %gather3A_1984 = tpu.vector_load_idx %arg9[%add3A_1983, %broadcast_in_dim3A_1817] : memref<3328x16xf32, #tpu.memory_space<vmem>>[vector<16xi32>, vector<16xi32>], vector<16xf32>,
        %add3A_1985 = arith.addf %add3A_1978, %gather3A_1984 : vector<16xf32>
        %mul3A_1986 = arith.mulf %gather3A_1984, %gather3A_1984 : vector<16xf32>
        %add3A_1987 = arith.addf %add3A_1980, %mul3A_1986 : vector<16xf32>
        %add3A_1988 = arith.constant 25 : i32
        %add3A_1989 = vector.broadcast %add3A_1988 : i32 to vector<16xi32>
        %add3A_1990 = arith.addi %add3A_47, %add3A_1989 : vector<16xi32>
        %gather3A_1991 = tpu.vector_load_idx %arg9[%add3A_1990, %broadcast_in_dim3A_1817] : memref<3328x16xf32, #tpu.memory_space<vmem>>[vector<16xi32>, vector<16xi32>], vector<16xf32>,
        %add3A_1992 = arith.addf %add3A_1985, %gather3A_1991 : vector<16xf32>
        %mul3A_1993 = arith.mulf %gather3A_1991, %gather3A_1991 : vector<16xf32>
        %add3A_1994 = arith.addf %add3A_1987, %mul3A_1993 : vector<16xf32>
        %mul3A_1995 = arith.mulf %add3A_1992, %add3A_1992 : vector<16xf32>
        %sub3A_1996 = arith.subf %mul3A_1995, %add3A_1994 : vector<16xf32>
        %add3A_1997 = arith.addf %add3A_1815, %sub3A_1996 : vector<16xf32>
        %broadcast_in_dim3A_1998 = arith.constant 9 : i32
        %broadcast_in_dim3A_1999 = vector.broadcast %broadcast_in_dim3A_1998 : i32 to vector<16xi32>
        %gather3A_2000 = tpu.vector_load_idx %arg9[%add3A_47, %broadcast_in_dim3A_1999] : memref<3328x16xf32, #tpu.memory_space<vmem>>[vector<16xi32>, vector<16xi32>], vector<16xf32>,
        %mul3A_2001 = arith.mulf %gather3A_2000, %gather3A_2000 : vector<16xf32>
        %add3A_2002 = arith.constant 1 : i32
        %add3A_2003 = vector.broadcast %add3A_2002 : i32 to vector<16xi32>
        %add3A_2004 = arith.addi %add3A_47, %add3A_2003 : vector<16xi32>
        %gather3A_2005 = tpu.vector_load_idx %arg9[%add3A_2004, %broadcast_in_dim3A_1999] : memref<3328x16xf32, #tpu.memory_space<vmem>>[vector<16xi32>, vector<16xi32>], vector<16xf32>,
        %add3A_2006 = arith.addf %gather3A_2000, %gather3A_2005 : vector<16xf32>
        %mul3A_2007 = arith.mulf %gather3A_2005, %gather3A_2005 : vector<16xf32>
        %add3A_2008 = arith.addf %mul3A_2001, %mul3A_2007 : vector<16xf32>
        %add3A_2009 = arith.constant 2 : i32
        %add3A_2010 = vector.broadcast %add3A_2009 : i32 to vector<16xi32>
        %add3A_2011 = arith.addi %add3A_47, %add3A_2010 : vector<16xi32>
        %gather3A_2012 = tpu.vector_load_idx %arg9[%add3A_2011, %broadcast_in_dim3A_1999] : memref<3328x16xf32, #tpu.memory_space<vmem>>[vector<16xi32>, vector<16xi32>], vector<16xf32>,
        %add3A_2013 = arith.addf %add3A_2006, %gather3A_2012 : vector<16xf32>
        %mul3A_2014 = arith.mulf %gather3A_2012, %gather3A_2012 : vector<16xf32>
        %add3A_2015 = arith.addf %add3A_2008, %mul3A_2014 : vector<16xf32>
        %add3A_2016 = arith.constant 3 : i32
        %add3A_2017 = vector.broadcast %add3A_2016 : i32 to vector<16xi32>
        %add3A_2018 = arith.addi %add3A_47, %add3A_2017 : vector<16xi32>
        %gather3A_2019 = tpu.vector_load_idx %arg9[%add3A_2018, %broadcast_in_dim3A_1999] : memref<3328x16xf32, #tpu.memory_space<vmem>>[vector<16xi32>, vector<16xi32>], vector<16xf32>,
        %add3A_2020 = arith.addf %add3A_2013, %gather3A_2019 : vector<16xf32>
        %mul3A_2021 = arith.mulf %gather3A_2019, %gather3A_2019 : vector<16xf32>
        %add3A_2022 = arith.addf %add3A_2015, %mul3A_2021 : vector<16xf32>
        %add3A_2023 = arith.constant 4 : i32
        %add3A_2024 = vector.broadcast %add3A_2023 : i32 to vector<16xi32>
        %add3A_2025 = arith.addi %add3A_47, %add3A_2024 : vector<16xi32>
        %gather3A_2026 = tpu.vector_load_idx %arg9[%add3A_2025, %broadcast_in_dim3A_1999] : memref<3328x16xf32, #tpu.memory_space<vmem>>[vector<16xi32>, vector<16xi32>], vector<16xf32>,
        %add3A_2027 = arith.addf %add3A_2020, %gather3A_2026 : vector<16xf32>
        %mul3A_2028 = arith.mulf %gather3A_2026, %gather3A_2026 : vector<16xf32>
        %add3A_2029 = arith.addf %add3A_2022, %mul3A_2028 : vector<16xf32>
        %add3A_2030 = arith.constant 5 : i32
        %add3A_2031 = vector.broadcast %add3A_2030 : i32 to vector<16xi32>
        %add3A_2032 = arith.addi %add3A_47, %add3A_2031 : vector<16xi32>
        %gather3A_2033 = tpu.vector_load_idx %arg9[%add3A_2032, %broadcast_in_dim3A_1999] : memref<3328x16xf32, #tpu.memory_space<vmem>>[vector<16xi32>, vector<16xi32>], vector<16xf32>,
        %add3A_2034 = arith.addf %add3A_2027, %gather3A_2033 : vector<16xf32>
        %mul3A_2035 = arith.mulf %gather3A_2033, %gather3A_2033 : vector<16xf32>
        %add3A_2036 = arith.addf %add3A_2029, %mul3A_2035 : vector<16xf32>
        %add3A_2037 = arith.constant 6 : i32
        %add3A_2038 = vector.broadcast %add3A_2037 : i32 to vector<16xi32>
        %add3A_2039 = arith.addi %add3A_47, %add3A_2038 : vector<16xi32>
        %gather3A_2040 = tpu.vector_load_idx %arg9[%add3A_2039, %broadcast_in_dim3A_1999] : memref<3328x16xf32, #tpu.memory_space<vmem>>[vector<16xi32>, vector<16xi32>], vector<16xf32>,
        %add3A_2041 = arith.addf %add3A_2034, %gather3A_2040 : vector<16xf32>
        %mul3A_2042 = arith.mulf %gather3A_2040, %gather3A_2040 : vector<16xf32>
        %add3A_2043 = arith.addf %add3A_2036, %mul3A_2042 : vector<16xf32>
        %add3A_2044 = arith.constant 7 : i32
        %add3A_2045 = vector.broadcast %add3A_2044 : i32 to vector<16xi32>
        %add3A_2046 = arith.addi %add3A_47, %add3A_2045 : vector<16xi32>
        %gather3A_2047 = tpu.vector_load_idx %arg9[%add3A_2046, %broadcast_in_dim3A_1999] : memref<3328x16xf32, #tpu.memory_space<vmem>>[vector<16xi32>, vector<16xi32>], vector<16xf32>,
        %add3A_2048 = arith.addf %add3A_2041, %gather3A_2047 : vector<16xf32>
        %mul3A_2049 = arith.mulf %gather3A_2047, %gather3A_2047 : vector<16xf32>
        %add3A_2050 = arith.addf %add3A_2043, %mul3A_2049 : vector<16xf32>
        %add3A_2051 = arith.constant 8 : i32
        %add3A_2052 = vector.broadcast %add3A_2051 : i32 to vector<16xi32>
        %add3A_2053 = arith.addi %add3A_47, %add3A_2052 : vector<16xi32>
        %gather3A_2054 = tpu.vector_load_idx %arg9[%add3A_2053, %broadcast_in_dim3A_1999] : memref<3328x16xf32, #tpu.memory_space<vmem>>[vector<16xi32>, vector<16xi32>], vector<16xf32>,
        %add3A_2055 = arith.addf %add3A_2048, %gather3A_2054 : vector<16xf32>
        %mul3A_2056 = arith.mulf %gather3A_2054, %gather3A_2054 : vector<16xf32>
        %add3A_2057 = arith.addf %add3A_2050, %mul3A_2056 : vector<16xf32>
        %add3A_2058 = arith.constant 9 : i32
        %add3A_2059 = vector.broadcast %add3A_2058 : i32 to vector<16xi32>
        %add3A_2060 = arith.addi %add3A_47, %add3A_2059 : vector<16xi32>
        %gather3A_2061 = tpu.vector_load_idx %arg9[%add3A_2060, %broadcast_in_dim3A_1999] : memref<3328x16xf32, #tpu.memory_space<vmem>>[vector<16xi32>, vector<16xi32>], vector<16xf32>,
        %add3A_2062 = arith.addf %add3A_2055, %gather3A_2061 : vector<16xf32>
        %mul3A_2063 = arith.mulf %gather3A_2061, %gather3A_2061 : vector<16xf32>
        %add3A_2064 = arith.addf %add3A_2057, %mul3A_2063 : vector<16xf32>
        %add3A_2065 = arith.constant 10 : i32
        %add3A_2066 = vector.broadcast %add3A_2065 : i32 to vector<16xi32>
        %add3A_2067 = arith.addi %add3A_47, %add3A_2066 : vector<16xi32>
        %gather3A_2068 = tpu.vector_load_idx %arg9[%add3A_2067, %broadcast_in_dim3A_1999] : memref<3328x16xf32, #tpu.memory_space<vmem>>[vector<16xi32>, vector<16xi32>], vector<16xf32>,
        %add3A_2069 = arith.addf %add3A_2062, %gather3A_2068 : vector<16xf32>
        %mul3A_2070 = arith.mulf %gather3A_2068, %gather3A_2068 : vector<16xf32>
        %add3A_2071 = arith.addf %add3A_2064, %mul3A_2070 : vector<16xf32>
        %add3A_2072 = arith.constant 11 : i32
        %add3A_2073 = vector.broadcast %add3A_2072 : i32 to vector<16xi32>
        %add3A_2074 = arith.addi %add3A_47, %add3A_2073 : vector<16xi32>
        %gather3A_2075 = tpu.vector_load_idx %arg9[%add3A_2074, %broadcast_in_dim3A_1999] : memref<3328x16xf32, #tpu.memory_space<vmem>>[vector<16xi32>, vector<16xi32>], vector<16xf32>,
        %add3A_2076 = arith.addf %add3A_2069, %gather3A_2075 : vector<16xf32>
        %mul3A_2077 = arith.mulf %gather3A_2075, %gather3A_2075 : vector<16xf32>
        %add3A_2078 = arith.addf %add3A_2071, %mul3A_2077 : vector<16xf32>
        %add3A_2079 = arith.constant 12 : i32
        %add3A_2080 = vector.broadcast %add3A_2079 : i32 to vector<16xi32>
        %add3A_2081 = arith.addi %add3A_47, %add3A_2080 : vector<16xi32>
        %gather3A_2082 = tpu.vector_load_idx %arg9[%add3A_2081, %broadcast_in_dim3A_1999] : memref<3328x16xf32, #tpu.memory_space<vmem>>[vector<16xi32>, vector<16xi32>], vector<16xf32>,
        %add3A_2083 = arith.addf %add3A_2076, %gather3A_2082 : vector<16xf32>
        %mul3A_2084 = arith.mulf %gather3A_2082, %gather3A_2082 : vector<16xf32>
        %add3A_2085 = arith.addf %add3A_2078, %mul3A_2084 : vector<16xf32>
        %add3A_2086 = arith.constant 13 : i32
        %add3A_2087 = vector.broadcast %add3A_2086 : i32 to vector<16xi32>
        %add3A_2088 = arith.addi %add3A_47, %add3A_2087 : vector<16xi32>
        %gather3A_2089 = tpu.vector_load_idx %arg9[%add3A_2088, %broadcast_in_dim3A_1999] : memref<3328x16xf32, #tpu.memory_space<vmem>>[vector<16xi32>, vector<16xi32>], vector<16xf32>,
        %add3A_2090 = arith.addf %add3A_2083, %gather3A_2089 : vector<16xf32>
        %mul3A_2091 = arith.mulf %gather3A_2089, %gather3A_2089 : vector<16xf32>
        %add3A_2092 = arith.addf %add3A_2085, %mul3A_2091 : vector<16xf32>
        %add3A_2093 = arith.constant 14 : i32
        %add3A_2094 = vector.broadcast %add3A_2093 : i32 to vector<16xi32>
        %add3A_2095 = arith.addi %add3A_47, %add3A_2094 : vector<16xi32>
        %gather3A_2096 = tpu.vector_load_idx %arg9[%add3A_2095, %broadcast_in_dim3A_1999] : memref<3328x16xf32, #tpu.memory_space<vmem>>[vector<16xi32>, vector<16xi32>], vector<16xf32>,
        %add3A_2097 = arith.addf %add3A_2090, %gather3A_2096 : vector<16xf32>
        %mul3A_2098 = arith.mulf %gather3A_2096, %gather3A_2096 : vector<16xf32>
        %add3A_2099 = arith.addf %add3A_2092, %mul3A_2098 : vector<16xf32>
        %add3A_2100 = arith.constant 15 : i32
        %add3A_2101 = vector.broadcast %add3A_2100 : i32 to vector<16xi32>
        %add3A_2102 = arith.addi %add3A_47, %add3A_2101 : vector<16xi32>
        %gather3A_2103 = tpu.vector_load_idx %arg9[%add3A_2102, %broadcast_in_dim3A_1999] : memref<3328x16xf32, #tpu.memory_space<vmem>>[vector<16xi32>, vector<16xi32>], vector<16xf32>,
        %add3A_2104 = arith.addf %add3A_2097, %gather3A_2103 : vector<16xf32>
        %mul3A_2105 = arith.mulf %gather3A_2103, %gather3A_2103 : vector<16xf32>
        %add3A_2106 = arith.addf %add3A_2099, %mul3A_2105 : vector<16xf32>
        %add3A_2107 = arith.constant 16 : i32
        %add3A_2108 = vector.broadcast %add3A_2107 : i32 to vector<16xi32>
        %add3A_2109 = arith.addi %add3A_47, %add3A_2108 : vector<16xi32>
        %gather3A_2110 = tpu.vector_load_idx %arg9[%add3A_2109, %broadcast_in_dim3A_1999] : memref<3328x16xf32, #tpu.memory_space<vmem>>[vector<16xi32>, vector<16xi32>], vector<16xf32>,
        %add3A_2111 = arith.addf %add3A_2104, %gather3A_2110 : vector<16xf32>
        %mul3A_2112 = arith.mulf %gather3A_2110, %gather3A_2110 : vector<16xf32>
        %add3A_2113 = arith.addf %add3A_2106, %mul3A_2112 : vector<16xf32>
        %add3A_2114 = arith.constant 17 : i32
        %add3A_2115 = vector.broadcast %add3A_2114 : i32 to vector<16xi32>
        %add3A_2116 = arith.addi %add3A_47, %add3A_2115 : vector<16xi32>
        %gather3A_2117 = tpu.vector_load_idx %arg9[%add3A_2116, %broadcast_in_dim3A_1999] : memref<3328x16xf32, #tpu.memory_space<vmem>>[vector<16xi32>, vector<16xi32>], vector<16xf32>,
        %add3A_2118 = arith.addf %add3A_2111, %gather3A_2117 : vector<16xf32>
        %mul3A_2119 = arith.mulf %gather3A_2117, %gather3A_2117 : vector<16xf32>
        %add3A_2120 = arith.addf %add3A_2113, %mul3A_2119 : vector<16xf32>
        %add3A_2121 = arith.constant 18 : i32
        %add3A_2122 = vector.broadcast %add3A_2121 : i32 to vector<16xi32>
        %add3A_2123 = arith.addi %add3A_47, %add3A_2122 : vector<16xi32>
        %gather3A_2124 = tpu.vector_load_idx %arg9[%add3A_2123, %broadcast_in_dim3A_1999] : memref<3328x16xf32, #tpu.memory_space<vmem>>[vector<16xi32>, vector<16xi32>], vector<16xf32>,
        %add3A_2125 = arith.addf %add3A_2118, %gather3A_2124 : vector<16xf32>
        %mul3A_2126 = arith.mulf %gather3A_2124, %gather3A_2124 : vector<16xf32>
        %add3A_2127 = arith.addf %add3A_2120, %mul3A_2126 : vector<16xf32>
        %add3A_2128 = arith.constant 19 : i32
        %add3A_2129 = vector.broadcast %add3A_2128 : i32 to vector<16xi32>
        %add3A_2130 = arith.addi %add3A_47, %add3A_2129 : vector<16xi32>
        %gather3A_2131 = tpu.vector_load_idx %arg9[%add3A_2130, %broadcast_in_dim3A_1999] : memref<3328x16xf32, #tpu.memory_space<vmem>>[vector<16xi32>, vector<16xi32>], vector<16xf32>,
        %add3A_2132 = arith.addf %add3A_2125, %gather3A_2131 : vector<16xf32>
        %mul3A_2133 = arith.mulf %gather3A_2131, %gather3A_2131 : vector<16xf32>
        %add3A_2134 = arith.addf %add3A_2127, %mul3A_2133 : vector<16xf32>
        %add3A_2135 = arith.constant 20 : i32
        %add3A_2136 = vector.broadcast %add3A_2135 : i32 to vector<16xi32>
        %add3A_2137 = arith.addi %add3A_47, %add3A_2136 : vector<16xi32>
        %gather3A_2138 = tpu.vector_load_idx %arg9[%add3A_2137, %broadcast_in_dim3A_1999] : memref<3328x16xf32, #tpu.memory_space<vmem>>[vector<16xi32>, vector<16xi32>], vector<16xf32>,
        %add3A_2139 = arith.addf %add3A_2132, %gather3A_2138 : vector<16xf32>
        %mul3A_2140 = arith.mulf %gather3A_2138, %gather3A_2138 : vector<16xf32>
        %add3A_2141 = arith.addf %add3A_2134, %mul3A_2140 : vector<16xf32>
        %add3A_2142 = arith.constant 21 : i32
        %add3A_2143 = vector.broadcast %add3A_2142 : i32 to vector<16xi32>
        %add3A_2144 = arith.addi %add3A_47, %add3A_2143 : vector<16xi32>
        %gather3A_2145 = tpu.vector_load_idx %arg9[%add3A_2144, %broadcast_in_dim3A_1999] : memref<3328x16xf32, #tpu.memory_space<vmem>>[vector<16xi32>, vector<16xi32>], vector<16xf32>,
        %add3A_2146 = arith.addf %add3A_2139, %gather3A_2145 : vector<16xf32>
        %mul3A_2147 = arith.mulf %gather3A_2145, %gather3A_2145 : vector<16xf32>
        %add3A_2148 = arith.addf %add3A_2141, %mul3A_2147 : vector<16xf32>
        %add3A_2149 = arith.constant 22 : i32
        %add3A_2150 = vector.broadcast %add3A_2149 : i32 to vector<16xi32>
        %add3A_2151 = arith.addi %add3A_47, %add3A_2150 : vector<16xi32>
        %gather3A_2152 = tpu.vector_load_idx %arg9[%add3A_2151, %broadcast_in_dim3A_1999] : memref<3328x16xf32, #tpu.memory_space<vmem>>[vector<16xi32>, vector<16xi32>], vector<16xf32>,
        %add3A_2153 = arith.addf %add3A_2146, %gather3A_2152 : vector<16xf32>
        %mul3A_2154 = arith.mulf %gather3A_2152, %gather3A_2152 : vector<16xf32>
        %add3A_2155 = arith.addf %add3A_2148, %mul3A_2154 : vector<16xf32>
        %add3A_2156 = arith.constant 23 : i32
        %add3A_2157 = vector.broadcast %add3A_2156 : i32 to vector<16xi32>
        %add3A_2158 = arith.addi %add3A_47, %add3A_2157 : vector<16xi32>
        %gather3A_2159 = tpu.vector_load_idx %arg9[%add3A_2158, %broadcast_in_dim3A_1999] : memref<3328x16xf32, #tpu.memory_space<vmem>>[vector<16xi32>, vector<16xi32>], vector<16xf32>,
        %add3A_2160 = arith.addf %add3A_2153, %gather3A_2159 : vector<16xf32>
        %mul3A_2161 = arith.mulf %gather3A_2159, %gather3A_2159 : vector<16xf32>
        %add3A_2162 = arith.addf %add3A_2155, %mul3A_2161 : vector<16xf32>
        %add3A_2163 = arith.constant 24 : i32
        %add3A_2164 = vector.broadcast %add3A_2163 : i32 to vector<16xi32>
        %add3A_2165 = arith.addi %add3A_47, %add3A_2164 : vector<16xi32>
        %gather3A_2166 = tpu.vector_load_idx %arg9[%add3A_2165, %broadcast_in_dim3A_1999] : memref<3328x16xf32, #tpu.memory_space<vmem>>[vector<16xi32>, vector<16xi32>], vector<16xf32>,
        %add3A_2167 = arith.addf %add3A_2160, %gather3A_2166 : vector<16xf32>
        %mul3A_2168 = arith.mulf %gather3A_2166, %gather3A_2166 : vector<16xf32>
        %add3A_2169 = arith.addf %add3A_2162, %mul3A_2168 : vector<16xf32>
        %add3A_2170 = arith.constant 25 : i32
        %add3A_2171 = vector.broadcast %add3A_2170 : i32 to vector<16xi32>
        %add3A_2172 = arith.addi %add3A_47, %add3A_2171 : vector<16xi32>
        %gather3A_2173 = tpu.vector_load_idx %arg9[%add3A_2172, %broadcast_in_dim3A_1999] : memref<3328x16xf32, #tpu.memory_space<vmem>>[vector<16xi32>, vector<16xi32>], vector<16xf32>,
        %add3A_2174 = arith.addf %add3A_2167, %gather3A_2173 : vector<16xf32>
        %mul3A_2175 = arith.mulf %gather3A_2173, %gather3A_2173 : vector<16xf32>
        %add3A_2176 = arith.addf %add3A_2169, %mul3A_2175 : vector<16xf32>
        %mul3A_2177 = arith.mulf %add3A_2174, %add3A_2174 : vector<16xf32>
        %sub3A_2178 = arith.subf %mul3A_2177, %add3A_2176 : vector<16xf32>
        %add3A_2179 = arith.addf %add3A_1997, %sub3A_2178 : vector<16xf32>
        %broadcast_in_dim3A_2180 = arith.constant 10 : i32
        %broadcast_in_dim3A_2181 = vector.broadcast %broadcast_in_dim3A_2180 : i32 to vector<16xi32>
        %gather3A_2182 = tpu.vector_load_idx %arg9[%add3A_47, %broadcast_in_dim3A_2181] : memref<3328x16xf32, #tpu.memory_space<vmem>>[vector<16xi32>, vector<16xi32>], vector<16xf32>,
        %mul3A_2183 = arith.mulf %gather3A_2182, %gather3A_2182 : vector<16xf32>
        %add3A_2184 = arith.constant 1 : i32
        %add3A_2185 = vector.broadcast %add3A_2184 : i32 to vector<16xi32>
        %add3A_2186 = arith.addi %add3A_47, %add3A_2185 : vector<16xi32>
        %gather3A_2187 = tpu.vector_load_idx %arg9[%add3A_2186, %broadcast_in_dim3A_2181] : memref<3328x16xf32, #tpu.memory_space<vmem>>[vector<16xi32>, vector<16xi32>], vector<16xf32>,
        %add3A_2188 = arith.addf %gather3A_2182, %gather3A_2187 : vector<16xf32>
        %mul3A_2189 = arith.mulf %gather3A_2187, %gather3A_2187 : vector<16xf32>
        %add3A_2190 = arith.addf %mul3A_2183, %mul3A_2189 : vector<16xf32>
        %add3A_2191 = arith.constant 2 : i32
        %add3A_2192 = vector.broadcast %add3A_2191 : i32 to vector<16xi32>
        %add3A_2193 = arith.addi %add3A_47, %add3A_2192 : vector<16xi32>
        %gather3A_2194 = tpu.vector_load_idx %arg9[%add3A_2193, %broadcast_in_dim3A_2181] : memref<3328x16xf32, #tpu.memory_space<vmem>>[vector<16xi32>, vector<16xi32>], vector<16xf32>,
        %add3A_2195 = arith.addf %add3A_2188, %gather3A_2194 : vector<16xf32>
        %mul3A_2196 = arith.mulf %gather3A_2194, %gather3A_2194 : vector<16xf32>
        %add3A_2197 = arith.addf %add3A_2190, %mul3A_2196 : vector<16xf32>
        %add3A_2198 = arith.constant 3 : i32
        %add3A_2199 = vector.broadcast %add3A_2198 : i32 to vector<16xi32>
        %add3A_2200 = arith.addi %add3A_47, %add3A_2199 : vector<16xi32>
        %gather3A_2201 = tpu.vector_load_idx %arg9[%add3A_2200, %broadcast_in_dim3A_2181] : memref<3328x16xf32, #tpu.memory_space<vmem>>[vector<16xi32>, vector<16xi32>], vector<16xf32>,
        %add3A_2202 = arith.addf %add3A_2195, %gather3A_2201 : vector<16xf32>
        %mul3A_2203 = arith.mulf %gather3A_2201, %gather3A_2201 : vector<16xf32>
        %add3A_2204 = arith.addf %add3A_2197, %mul3A_2203 : vector<16xf32>
        %add3A_2205 = arith.constant 4 : i32
        %add3A_2206 = vector.broadcast %add3A_2205 : i32 to vector<16xi32>
        %add3A_2207 = arith.addi %add3A_47, %add3A_2206 : vector<16xi32>
        %gather3A_2208 = tpu.vector_load_idx %arg9[%add3A_2207, %broadcast_in_dim3A_2181] : memref<3328x16xf32, #tpu.memory_space<vmem>>[vector<16xi32>, vector<16xi32>], vector<16xf32>,
        %add3A_2209 = arith.addf %add3A_2202, %gather3A_2208 : vector<16xf32>
        %mul3A_2210 = arith.mulf %gather3A_2208, %gather3A_2208 : vector<16xf32>
        %add3A_2211 = arith.addf %add3A_2204, %mul3A_2210 : vector<16xf32>
        %add3A_2212 = arith.constant 5 : i32
        %add3A_2213 = vector.broadcast %add3A_2212 : i32 to vector<16xi32>
        %add3A_2214 = arith.addi %add3A_47, %add3A_2213 : vector<16xi32>
        %gather3A_2215 = tpu.vector_load_idx %arg9[%add3A_2214, %broadcast_in_dim3A_2181] : memref<3328x16xf32, #tpu.memory_space<vmem>>[vector<16xi32>, vector<16xi32>], vector<16xf32>,
        %add3A_2216 = arith.addf %add3A_2209, %gather3A_2215 : vector<16xf32>
        %mul3A_2217 = arith.mulf %gather3A_2215, %gather3A_2215 : vector<16xf32>
        %add3A_2218 = arith.addf %add3A_2211, %mul3A_2217 : vector<16xf32>
        %add3A_2219 = arith.constant 6 : i32
        %add3A_2220 = vector.broadcast %add3A_2219 : i32 to vector<16xi32>
        %add3A_2221 = arith.addi %add3A_47, %add3A_2220 : vector<16xi32>
        %gather3A_2222 = tpu.vector_load_idx %arg9[%add3A_2221, %broadcast_in_dim3A_2181] : memref<3328x16xf32, #tpu.memory_space<vmem>>[vector<16xi32>, vector<16xi32>], vector<16xf32>,
        %add3A_2223 = arith.addf %add3A_2216, %gather3A_2222 : vector<16xf32>
        %mul3A_2224 = arith.mulf %gather3A_2222, %gather3A_2222 : vector<16xf32>
        %add3A_2225 = arith.addf %add3A_2218, %mul3A_2224 : vector<16xf32>
        %add3A_2226 = arith.constant 7 : i32
        %add3A_2227 = vector.broadcast %add3A_2226 : i32 to vector<16xi32>
        %add3A_2228 = arith.addi %add3A_47, %add3A_2227 : vector<16xi32>
        %gather3A_2229 = tpu.vector_load_idx %arg9[%add3A_2228, %broadcast_in_dim3A_2181] : memref<3328x16xf32, #tpu.memory_space<vmem>>[vector<16xi32>, vector<16xi32>], vector<16xf32>,
        %add3A_2230 = arith.addf %add3A_2223, %gather3A_2229 : vector<16xf32>
        %mul3A_2231 = arith.mulf %gather3A_2229, %gather3A_2229 : vector<16xf32>
        %add3A_2232 = arith.addf %add3A_2225, %mul3A_2231 : vector<16xf32>
        %add3A_2233 = arith.constant 8 : i32
        %add3A_2234 = vector.broadcast %add3A_2233 : i32 to vector<16xi32>
        %add3A_2235 = arith.addi %add3A_47, %add3A_2234 : vector<16xi32>
        %gather3A_2236 = tpu.vector_load_idx %arg9[%add3A_2235, %broadcast_in_dim3A_2181] : memref<3328x16xf32, #tpu.memory_space<vmem>>[vector<16xi32>, vector<16xi32>], vector<16xf32>,
        %add3A_2237 = arith.addf %add3A_2230, %gather3A_2236 : vector<16xf32>
        %mul3A_2238 = arith.mulf %gather3A_2236, %gather3A_2236 : vector<16xf32>
        %add3A_2239 = arith.addf %add3A_2232, %mul3A_2238 : vector<16xf32>
        %add3A_2240 = arith.constant 9 : i32
        %add3A_2241 = vector.broadcast %add3A_2240 : i32 to vector<16xi32>
        %add3A_2242 = arith.addi %add3A_47, %add3A_2241 : vector<16xi32>
        %gather3A_2243 = tpu.vector_load_idx %arg9[%add3A_2242, %broadcast_in_dim3A_2181] : memref<3328x16xf32, #tpu.memory_space<vmem>>[vector<16xi32>, vector<16xi32>], vector<16xf32>,
        %add3A_2244 = arith.addf %add3A_2237, %gather3A_2243 : vector<16xf32>
        %mul3A_2245 = arith.mulf %gather3A_2243, %gather3A_2243 : vector<16xf32>
        %add3A_2246 = arith.addf %add3A_2239, %mul3A_2245 : vector<16xf32>
        %add3A_2247 = arith.constant 10 : i32
        %add3A_2248 = vector.broadcast %add3A_2247 : i32 to vector<16xi32>
        %add3A_2249 = arith.addi %add3A_47, %add3A_2248 : vector<16xi32>
        %gather3A_2250 = tpu.vector_load_idx %arg9[%add3A_2249, %broadcast_in_dim3A_2181] : memref<3328x16xf32, #tpu.memory_space<vmem>>[vector<16xi32>, vector<16xi32>], vector<16xf32>,
        %add3A_2251 = arith.addf %add3A_2244, %gather3A_2250 : vector<16xf32>
        %mul3A_2252 = arith.mulf %gather3A_2250, %gather3A_2250 : vector<16xf32>
        %add3A_2253 = arith.addf %add3A_2246, %mul3A_2252 : vector<16xf32>
        %add3A_2254 = arith.constant 11 : i32
        %add3A_2255 = vector.broadcast %add3A_2254 : i32 to vector<16xi32>
        %add3A_2256 = arith.addi %add3A_47, %add3A_2255 : vector<16xi32>
        %gather3A_2257 = tpu.vector_load_idx %arg9[%add3A_2256, %broadcast_in_dim3A_2181] : memref<3328x16xf32, #tpu.memory_space<vmem>>[vector<16xi32>, vector<16xi32>], vector<16xf32>,
        %add3A_2258 = arith.addf %add3A_2251, %gather3A_2257 : vector<16xf32>
        %mul3A_2259 = arith.mulf %gather3A_2257, %gather3A_2257 : vector<16xf32>
        %add3A_2260 = arith.addf %add3A_2253, %mul3A_2259 : vector<16xf32>
        %add3A_2261 = arith.constant 12 : i32
        %add3A_2262 = vector.broadcast %add3A_2261 : i32 to vector<16xi32>
        %add3A_2263 = arith.addi %add3A_47, %add3A_2262 : vector<16xi32>
        %gather3A_2264 = tpu.vector_load_idx %arg9[%add3A_2263, %broadcast_in_dim3A_2181] : memref<3328x16xf32, #tpu.memory_space<vmem>>[vector<16xi32>, vector<16xi32>], vector<16xf32>,
        %add3A_2265 = arith.addf %add3A_2258, %gather3A_2264 : vector<16xf32>
        %mul3A_2266 = arith.mulf %gather3A_2264, %gather3A_2264 : vector<16xf32>
        %add3A_2267 = arith.addf %add3A_2260, %mul3A_2266 : vector<16xf32>
        %add3A_2268 = arith.constant 13 : i32
        %add3A_2269 = vector.broadcast %add3A_2268 : i32 to vector<16xi32>
        %add3A_2270 = arith.addi %add3A_47, %add3A_2269 : vector<16xi32>
        %gather3A_2271 = tpu.vector_load_idx %arg9[%add3A_2270, %broadcast_in_dim3A_2181] : memref<3328x16xf32, #tpu.memory_space<vmem>>[vector<16xi32>, vector<16xi32>], vector<16xf32>,
        %add3A_2272 = arith.addf %add3A_2265, %gather3A_2271 : vector<16xf32>
        %mul3A_2273 = arith.mulf %gather3A_2271, %gather3A_2271 : vector<16xf32>
        %add3A_2274 = arith.addf %add3A_2267, %mul3A_2273 : vector<16xf32>
        %add3A_2275 = arith.constant 14 : i32
        %add3A_2276 = vector.broadcast %add3A_2275 : i32 to vector<16xi32>
        %add3A_2277 = arith.addi %add3A_47, %add3A_2276 : vector<16xi32>
        %gather3A_2278 = tpu.vector_load_idx %arg9[%add3A_2277, %broadcast_in_dim3A_2181] : memref<3328x16xf32, #tpu.memory_space<vmem>>[vector<16xi32>, vector<16xi32>], vector<16xf32>,
        %add3A_2279 = arith.addf %add3A_2272, %gather3A_2278 : vector<16xf32>
        %mul3A_2280 = arith.mulf %gather3A_2278, %gather3A_2278 : vector<16xf32>
        %add3A_2281 = arith.addf %add3A_2274, %mul3A_2280 : vector<16xf32>
        %add3A_2282 = arith.constant 15 : i32
        %add3A_2283 = vector.broadcast %add3A_2282 : i32 to vector<16xi32>
        %add3A_2284 = arith.addi %add3A_47, %add3A_2283 : vector<16xi32>
        %gather3A_2285 = tpu.vector_load_idx %arg9[%add3A_2284, %broadcast_in_dim3A_2181] : memref<3328x16xf32, #tpu.memory_space<vmem>>[vector<16xi32>, vector<16xi32>], vector<16xf32>,
        %add3A_2286 = arith.addf %add3A_2279, %gather3A_2285 : vector<16xf32>
        %mul3A_2287 = arith.mulf %gather3A_2285, %gather3A_2285 : vector<16xf32>
        %add3A_2288 = arith.addf %add3A_2281, %mul3A_2287 : vector<16xf32>
        %add3A_2289 = arith.constant 16 : i32
        %add3A_2290 = vector.broadcast %add3A_2289 : i32 to vector<16xi32>
        %add3A_2291 = arith.addi %add3A_47, %add3A_2290 : vector<16xi32>
        %gather3A_2292 = tpu.vector_load_idx %arg9[%add3A_2291, %broadcast_in_dim3A_2181] : memref<3328x16xf32, #tpu.memory_space<vmem>>[vector<16xi32>, vector<16xi32>], vector<16xf32>,
        %add3A_2293 = arith.addf %add3A_2286, %gather3A_2292 : vector<16xf32>
        %mul3A_2294 = arith.mulf %gather3A_2292, %gather3A_2292 : vector<16xf32>
        %add3A_2295 = arith.addf %add3A_2288, %mul3A_2294 : vector<16xf32>
        %add3A_2296 = arith.constant 17 : i32
        %add3A_2297 = vector.broadcast %add3A_2296 : i32 to vector<16xi32>
        %add3A_2298 = arith.addi %add3A_47, %add3A_2297 : vector<16xi32>
        %gather3A_2299 = tpu.vector_load_idx %arg9[%add3A_2298, %broadcast_in_dim3A_2181] : memref<3328x16xf32, #tpu.memory_space<vmem>>[vector<16xi32>, vector<16xi32>], vector<16xf32>,
        %add3A_2300 = arith.addf %add3A_2293, %gather3A_2299 : vector<16xf32>
        %mul3A_2301 = arith.mulf %gather3A_2299, %gather3A_2299 : vector<16xf32>
        %add3A_2302 = arith.addf %add3A_2295, %mul3A_2301 : vector<16xf32>
        %add3A_2303 = arith.constant 18 : i32
        %add3A_2304 = vector.broadcast %add3A_2303 : i32 to vector<16xi32>
        %add3A_2305 = arith.addi %add3A_47, %add3A_2304 : vector<16xi32>
        %gather3A_2306 = tpu.vector_load_idx %arg9[%add3A_2305, %broadcast_in_dim3A_2181] : memref<3328x16xf32, #tpu.memory_space<vmem>>[vector<16xi32>, vector<16xi32>], vector<16xf32>,
        %add3A_2307 = arith.addf %add3A_2300, %gather3A_2306 : vector<16xf32>
        %mul3A_2308 = arith.mulf %gather3A_2306, %gather3A_2306 : vector<16xf32>
        %add3A_2309 = arith.addf %add3A_2302, %mul3A_2308 : vector<16xf32>
        %add3A_2310 = arith.constant 19 : i32
        %add3A_2311 = vector.broadcast %add3A_2310 : i32 to vector<16xi32>
        %add3A_2312 = arith.addi %add3A_47, %add3A_2311 : vector<16xi32>
        %gather3A_2313 = tpu.vector_load_idx %arg9[%add3A_2312, %broadcast_in_dim3A_2181] : memref<3328x16xf32, #tpu.memory_space<vmem>>[vector<16xi32>, vector<16xi32>], vector<16xf32>,
        %add3A_2314 = arith.addf %add3A_2307, %gather3A_2313 : vector<16xf32>
        %mul3A_2315 = arith.mulf %gather3A_2313, %gather3A_2313 : vector<16xf32>
        %add3A_2316 = arith.addf %add3A_2309, %mul3A_2315 : vector<16xf32>
        %add3A_2317 = arith.constant 20 : i32
        %add3A_2318 = vector.broadcast %add3A_2317 : i32 to vector<16xi32>
        %add3A_2319 = arith.addi %add3A_47, %add3A_2318 : vector<16xi32>
        %gather3A_2320 = tpu.vector_load_idx %arg9[%add3A_2319, %broadcast_in_dim3A_2181] : memref<3328x16xf32, #tpu.memory_space<vmem>>[vector<16xi32>, vector<16xi32>], vector<16xf32>,
        %add3A_2321 = arith.addf %add3A_2314, %gather3A_2320 : vector<16xf32>
        %mul3A_2322 = arith.mulf %gather3A_2320, %gather3A_2320 : vector<16xf32>
        %add3A_2323 = arith.addf %add3A_2316, %mul3A_2322 : vector<16xf32>
        %add3A_2324 = arith.constant 21 : i32
        %add3A_2325 = vector.broadcast %add3A_2324 : i32 to vector<16xi32>
        %add3A_2326 = arith.addi %add3A_47, %add3A_2325 : vector<16xi32>
        %gather3A_2327 = tpu.vector_load_idx %arg9[%add3A_2326, %broadcast_in_dim3A_2181] : memref<3328x16xf32, #tpu.memory_space<vmem>>[vector<16xi32>, vector<16xi32>], vector<16xf32>,
        %add3A_2328 = arith.addf %add3A_2321, %gather3A_2327 : vector<16xf32>
        %mul3A_2329 = arith.mulf %gather3A_2327, %gather3A_2327 : vector<16xf32>
        %add3A_2330 = arith.addf %add3A_2323, %mul3A_2329 : vector<16xf32>
        %add3A_2331 = arith.constant 22 : i32
        %add3A_2332 = vector.broadcast %add3A_2331 : i32 to vector<16xi32>
        %add3A_2333 = arith.addi %add3A_47, %add3A_2332 : vector<16xi32>
        %gather3A_2334 = tpu.vector_load_idx %arg9[%add3A_2333, %broadcast_in_dim3A_2181] : memref<3328x16xf32, #tpu.memory_space<vmem>>[vector<16xi32>, vector<16xi32>], vector<16xf32>,
        %add3A_2335 = arith.addf %add3A_2328, %gather3A_2334 : vector<16xf32>
        %mul3A_2336 = arith.mulf %gather3A_2334, %gather3A_2334 : vector<16xf32>
        %add3A_2337 = arith.addf %add3A_2330, %mul3A_2336 : vector<16xf32>
        %add3A_2338 = arith.constant 23 : i32
        %add3A_2339 = vector.broadcast %add3A_2338 : i32 to vector<16xi32>
        %add3A_2340 = arith.addi %add3A_47, %add3A_2339 : vector<16xi32>
        %gather3A_2341 = tpu.vector_load_idx %arg9[%add3A_2340, %broadcast_in_dim3A_2181] : memref<3328x16xf32, #tpu.memory_space<vmem>>[vector<16xi32>, vector<16xi32>], vector<16xf32>,
        %add3A_2342 = arith.addf %add3A_2335, %gather3A_2341 : vector<16xf32>
        %mul3A_2343 = arith.mulf %gather3A_2341, %gather3A_2341 : vector<16xf32>
        %add3A_2344 = arith.addf %add3A_2337, %mul3A_2343 : vector<16xf32>
        %add3A_2345 = arith.constant 24 : i32
        %add3A_2346 = vector.broadcast %add3A_2345 : i32 to vector<16xi32>
        %add3A_2347 = arith.addi %add3A_47, %add3A_2346 : vector<16xi32>
        %gather3A_2348 = tpu.vector_load_idx %arg9[%add3A_2347, %broadcast_in_dim3A_2181] : memref<3328x16xf32, #tpu.memory_space<vmem>>[vector<16xi32>, vector<16xi32>], vector<16xf32>,
        %add3A_2349 = arith.addf %add3A_2342, %gather3A_2348 : vector<16xf32>
        %mul3A_2350 = arith.mulf %gather3A_2348, %gather3A_2348 : vector<16xf32>
        %add3A_2351 = arith.addf %add3A_2344, %mul3A_2350 : vector<16xf32>
        %add3A_2352 = arith.constant 25 : i32
        %add3A_2353 = vector.broadcast %add3A_2352 : i32 to vector<16xi32>
        %add3A_2354 = arith.addi %add3A_47, %add3A_2353 : vector<16xi32>
        %gather3A_2355 = tpu.vector_load_idx %arg9[%add3A_2354, %broadcast_in_dim3A_2181] : memref<3328x16xf32, #tpu.memory_space<vmem>>[vector<16xi32>, vector<16xi32>], vector<16xf32>,
        %add3A_2356 = arith.addf %add3A_2349, %gather3A_2355 : vector<16xf32>
        %mul3A_2357 = arith.mulf %gather3A_2355, %gather3A_2355 : vector<16xf32>
        %add3A_2358 = arith.addf %add3A_2351, %mul3A_2357 : vector<16xf32>
        %mul3A_2359 = arith.mulf %add3A_2356, %add3A_2356 : vector<16xf32>
        %sub3A_2360 = arith.subf %mul3A_2359, %add3A_2358 : vector<16xf32>
        %add3A_2361 = arith.addf %add3A_2179, %sub3A_2360 : vector<16xf32>
        %broadcast_in_dim3A_2362 = arith.constant 11 : i32
        %broadcast_in_dim3A_2363 = vector.broadcast %broadcast_in_dim3A_2362 : i32 to vector<16xi32>
        %gather3A_2364 = tpu.vector_load_idx %arg9[%add3A_47, %broadcast_in_dim3A_2363] : memref<3328x16xf32, #tpu.memory_space<vmem>>[vector<16xi32>, vector<16xi32>], vector<16xf32>,
        %mul3A_2365 = arith.mulf %gather3A_2364, %gather3A_2364 : vector<16xf32>
        %add3A_2366 = arith.constant 1 : i32
        %add3A_2367 = vector.broadcast %add3A_2366 : i32 to vector<16xi32>
        %add3A_2368 = arith.addi %add3A_47, %add3A_2367 : vector<16xi32>
        %gather3A_2369 = tpu.vector_load_idx %arg9[%add3A_2368, %broadcast_in_dim3A_2363] : memref<3328x16xf32, #tpu.memory_space<vmem>>[vector<16xi32>, vector<16xi32>], vector<16xf32>,
        %add3A_2370 = arith.addf %gather3A_2364, %gather3A_2369 : vector<16xf32>
        %mul3A_2371 = arith.mulf %gather3A_2369, %gather3A_2369 : vector<16xf32>
        %add3A_2372 = arith.addf %mul3A_2365, %mul3A_2371 : vector<16xf32>
        %add3A_2373 = arith.constant 2 : i32
        %add3A_2374 = vector.broadcast %add3A_2373 : i32 to vector<16xi32>
        %add3A_2375 = arith.addi %add3A_47, %add3A_2374 : vector<16xi32>
        %gather3A_2376 = tpu.vector_load_idx %arg9[%add3A_2375, %broadcast_in_dim3A_2363] : memref<3328x16xf32, #tpu.memory_space<vmem>>[vector<16xi32>, vector<16xi32>], vector<16xf32>,
        %add3A_2377 = arith.addf %add3A_2370, %gather3A_2376 : vector<16xf32>
        %mul3A_2378 = arith.mulf %gather3A_2376, %gather3A_2376 : vector<16xf32>
        %add3A_2379 = arith.addf %add3A_2372, %mul3A_2378 : vector<16xf32>
        %add3A_2380 = arith.constant 3 : i32
        %add3A_2381 = vector.broadcast %add3A_2380 : i32 to vector<16xi32>
        %add3A_2382 = arith.addi %add3A_47, %add3A_2381 : vector<16xi32>
        %gather3A_2383 = tpu.vector_load_idx %arg9[%add3A_2382, %broadcast_in_dim3A_2363] : memref<3328x16xf32, #tpu.memory_space<vmem>>[vector<16xi32>, vector<16xi32>], vector<16xf32>,
        %add3A_2384 = arith.addf %add3A_2377, %gather3A_2383 : vector<16xf32>
        %mul3A_2385 = arith.mulf %gather3A_2383, %gather3A_2383 : vector<16xf32>
        %add3A_2386 = arith.addf %add3A_2379, %mul3A_2385 : vector<16xf32>
        %add3A_2387 = arith.constant 4 : i32
        %add3A_2388 = vector.broadcast %add3A_2387 : i32 to vector<16xi32>
        %add3A_2389 = arith.addi %add3A_47, %add3A_2388 : vector<16xi32>
        %gather3A_2390 = tpu.vector_load_idx %arg9[%add3A_2389, %broadcast_in_dim3A_2363] : memref<3328x16xf32, #tpu.memory_space<vmem>>[vector<16xi32>, vector<16xi32>], vector<16xf32>,
        %add3A_2391 = arith.addf %add3A_2384, %gather3A_2390 : vector<16xf32>
        %mul3A_2392 = arith.mulf %gather3A_2390, %gather3A_2390 : vector<16xf32>
        %add3A_2393 = arith.addf %add3A_2386, %mul3A_2392 : vector<16xf32>
        %add3A_2394 = arith.constant 5 : i32
        %add3A_2395 = vector.broadcast %add3A_2394 : i32 to vector<16xi32>
        %add3A_2396 = arith.addi %add3A_47, %add3A_2395 : vector<16xi32>
        %gather3A_2397 = tpu.vector_load_idx %arg9[%add3A_2396, %broadcast_in_dim3A_2363] : memref<3328x16xf32, #tpu.memory_space<vmem>>[vector<16xi32>, vector<16xi32>], vector<16xf32>,
        %add3A_2398 = arith.addf %add3A_2391, %gather3A_2397 : vector<16xf32>
        %mul3A_2399 = arith.mulf %gather3A_2397, %gather3A_2397 : vector<16xf32>
        %add3A_2400 = arith.addf %add3A_2393, %mul3A_2399 : vector<16xf32>
        %add3A_2401 = arith.constant 6 : i32
        %add3A_2402 = vector.broadcast %add3A_2401 : i32 to vector<16xi32>
        %add3A_2403 = arith.addi %add3A_47, %add3A_2402 : vector<16xi32>
        %gather3A_2404 = tpu.vector_load_idx %arg9[%add3A_2403, %broadcast_in_dim3A_2363] : memref<3328x16xf32, #tpu.memory_space<vmem>>[vector<16xi32>, vector<16xi32>], vector<16xf32>,
        %add3A_2405 = arith.addf %add3A_2398, %gather3A_2404 : vector<16xf32>
        %mul3A_2406 = arith.mulf %gather3A_2404, %gather3A_2404 : vector<16xf32>
        %add3A_2407 = arith.addf %add3A_2400, %mul3A_2406 : vector<16xf32>
        %add3A_2408 = arith.constant 7 : i32
        %add3A_2409 = vector.broadcast %add3A_2408 : i32 to vector<16xi32>
        %add3A_2410 = arith.addi %add3A_47, %add3A_2409 : vector<16xi32>
        %gather3A_2411 = tpu.vector_load_idx %arg9[%add3A_2410, %broadcast_in_dim3A_2363] : memref<3328x16xf32, #tpu.memory_space<vmem>>[vector<16xi32>, vector<16xi32>], vector<16xf32>,
        %add3A_2412 = arith.addf %add3A_2405, %gather3A_2411 : vector<16xf32>
        %mul3A_2413 = arith.mulf %gather3A_2411, %gather3A_2411 : vector<16xf32>
        %add3A_2414 = arith.addf %add3A_2407, %mul3A_2413 : vector<16xf32>
        %add3A_2415 = arith.constant 8 : i32
        %add3A_2416 = vector.broadcast %add3A_2415 : i32 to vector<16xi32>
        %add3A_2417 = arith.addi %add3A_47, %add3A_2416 : vector<16xi32>
        %gather3A_2418 = tpu.vector_load_idx %arg9[%add3A_2417, %broadcast_in_dim3A_2363] : memref<3328x16xf32, #tpu.memory_space<vmem>>[vector<16xi32>, vector<16xi32>], vector<16xf32>,
        %add3A_2419 = arith.addf %add3A_2412, %gather3A_2418 : vector<16xf32>
        %mul3A_2420 = arith.mulf %gather3A_2418, %gather3A_2418 : vector<16xf32>
        %add3A_2421 = arith.addf %add3A_2414, %mul3A_2420 : vector<16xf32>
        %add3A_2422 = arith.constant 9 : i32
        %add3A_2423 = vector.broadcast %add3A_2422 : i32 to vector<16xi32>
        %add3A_2424 = arith.addi %add3A_47, %add3A_2423 : vector<16xi32>
        %gather3A_2425 = tpu.vector_load_idx %arg9[%add3A_2424, %broadcast_in_dim3A_2363] : memref<3328x16xf32, #tpu.memory_space<vmem>>[vector<16xi32>, vector<16xi32>], vector<16xf32>,
        %add3A_2426 = arith.addf %add3A_2419, %gather3A_2425 : vector<16xf32>
        %mul3A_2427 = arith.mulf %gather3A_2425, %gather3A_2425 : vector<16xf32>
        %add3A_2428 = arith.addf %add3A_2421, %mul3A_2427 : vector<16xf32>
        %add3A_2429 = arith.constant 10 : i32
        %add3A_2430 = vector.broadcast %add3A_2429 : i32 to vector<16xi32>
        %add3A_2431 = arith.addi %add3A_47, %add3A_2430 : vector<16xi32>
        %gather3A_2432 = tpu.vector_load_idx %arg9[%add3A_2431, %broadcast_in_dim3A_2363] : memref<3328x16xf32, #tpu.memory_space<vmem>>[vector<16xi32>, vector<16xi32>], vector<16xf32>,
        %add3A_2433 = arith.addf %add3A_2426, %gather3A_2432 : vector<16xf32>
        %mul3A_2434 = arith.mulf %gather3A_2432, %gather3A_2432 : vector<16xf32>
        %add3A_2435 = arith.addf %add3A_2428, %mul3A_2434 : vector<16xf32>
        %add3A_2436 = arith.constant 11 : i32
        %add3A_2437 = vector.broadcast %add3A_2436 : i32 to vector<16xi32>
        %add3A_2438 = arith.addi %add3A_47, %add3A_2437 : vector<16xi32>
        %gather3A_2439 = tpu.vector_load_idx %arg9[%add3A_2438, %broadcast_in_dim3A_2363] : memref<3328x16xf32, #tpu.memory_space<vmem>>[vector<16xi32>, vector<16xi32>], vector<16xf32>,
        %add3A_2440 = arith.addf %add3A_2433, %gather3A_2439 : vector<16xf32>
        %mul3A_2441 = arith.mulf %gather3A_2439, %gather3A_2439 : vector<16xf32>
        %add3A_2442 = arith.addf %add3A_2435, %mul3A_2441 : vector<16xf32>
        %add3A_2443 = arith.constant 12 : i32
        %add3A_2444 = vector.broadcast %add3A_2443 : i32 to vector<16xi32>
        %add3A_2445 = arith.addi %add3A_47, %add3A_2444 : vector<16xi32>
        %gather3A_2446 = tpu.vector_load_idx %arg9[%add3A_2445, %broadcast_in_dim3A_2363] : memref<3328x16xf32, #tpu.memory_space<vmem>>[vector<16xi32>, vector<16xi32>], vector<16xf32>,
        %add3A_2447 = arith.addf %add3A_2440, %gather3A_2446 : vector<16xf32>
        %mul3A_2448 = arith.mulf %gather3A_2446, %gather3A_2446 : vector<16xf32>
        %add3A_2449 = arith.addf %add3A_2442, %mul3A_2448 : vector<16xf32>
        %add3A_2450 = arith.constant 13 : i32
        %add3A_2451 = vector.broadcast %add3A_2450 : i32 to vector<16xi32>
        %add3A_2452 = arith.addi %add3A_47, %add3A_2451 : vector<16xi32>
        %gather3A_2453 = tpu.vector_load_idx %arg9[%add3A_2452, %broadcast_in_dim3A_2363] : memref<3328x16xf32, #tpu.memory_space<vmem>>[vector<16xi32>, vector<16xi32>], vector<16xf32>,
        %add3A_2454 = arith.addf %add3A_2447, %gather3A_2453 : vector<16xf32>
        %mul3A_2455 = arith.mulf %gather3A_2453, %gather3A_2453 : vector<16xf32>
        %add3A_2456 = arith.addf %add3A_2449, %mul3A_2455 : vector<16xf32>
        %add3A_2457 = arith.constant 14 : i32
        %add3A_2458 = vector.broadcast %add3A_2457 : i32 to vector<16xi32>
        %add3A_2459 = arith.addi %add3A_47, %add3A_2458 : vector<16xi32>
        %gather3A_2460 = tpu.vector_load_idx %arg9[%add3A_2459, %broadcast_in_dim3A_2363] : memref<3328x16xf32, #tpu.memory_space<vmem>>[vector<16xi32>, vector<16xi32>], vector<16xf32>,
        %add3A_2461 = arith.addf %add3A_2454, %gather3A_2460 : vector<16xf32>
        %mul3A_2462 = arith.mulf %gather3A_2460, %gather3A_2460 : vector<16xf32>
        %add3A_2463 = arith.addf %add3A_2456, %mul3A_2462 : vector<16xf32>
        %add3A_2464 = arith.constant 15 : i32
        %add3A_2465 = vector.broadcast %add3A_2464 : i32 to vector<16xi32>
        %add3A_2466 = arith.addi %add3A_47, %add3A_2465 : vector<16xi32>
        %gather3A_2467 = tpu.vector_load_idx %arg9[%add3A_2466, %broadcast_in_dim3A_2363] : memref<3328x16xf32, #tpu.memory_space<vmem>>[vector<16xi32>, vector<16xi32>], vector<16xf32>,
        %add3A_2468 = arith.addf %add3A_2461, %gather3A_2467 : vector<16xf32>
        %mul3A_2469 = arith.mulf %gather3A_2467, %gather3A_2467 : vector<16xf32>
        %add3A_2470 = arith.addf %add3A_2463, %mul3A_2469 : vector<16xf32>
        %add3A_2471 = arith.constant 16 : i32
        %add3A_2472 = vector.broadcast %add3A_2471 : i32 to vector<16xi32>
        %add3A_2473 = arith.addi %add3A_47, %add3A_2472 : vector<16xi32>
        %gather3A_2474 = tpu.vector_load_idx %arg9[%add3A_2473, %broadcast_in_dim3A_2363] : memref<3328x16xf32, #tpu.memory_space<vmem>>[vector<16xi32>, vector<16xi32>], vector<16xf32>,
        %add3A_2475 = arith.addf %add3A_2468, %gather3A_2474 : vector<16xf32>
        %mul3A_2476 = arith.mulf %gather3A_2474, %gather3A_2474 : vector<16xf32>
        %add3A_2477 = arith.addf %add3A_2470, %mul3A_2476 : vector<16xf32>
        %add3A_2478 = arith.constant 17 : i32
        %add3A_2479 = vector.broadcast %add3A_2478 : i32 to vector<16xi32>
        %add3A_2480 = arith.addi %add3A_47, %add3A_2479 : vector<16xi32>
        %gather3A_2481 = tpu.vector_load_idx %arg9[%add3A_2480, %broadcast_in_dim3A_2363] : memref<3328x16xf32, #tpu.memory_space<vmem>>[vector<16xi32>, vector<16xi32>], vector<16xf32>,
        %add3A_2482 = arith.addf %add3A_2475, %gather3A_2481 : vector<16xf32>
        %mul3A_2483 = arith.mulf %gather3A_2481, %gather3A_2481 : vector<16xf32>
        %add3A_2484 = arith.addf %add3A_2477, %mul3A_2483 : vector<16xf32>
        %add3A_2485 = arith.constant 18 : i32
        %add3A_2486 = vector.broadcast %add3A_2485 : i32 to vector<16xi32>
        %add3A_2487 = arith.addi %add3A_47, %add3A_2486 : vector<16xi32>
        %gather3A_2488 = tpu.vector_load_idx %arg9[%add3A_2487, %broadcast_in_dim3A_2363] : memref<3328x16xf32, #tpu.memory_space<vmem>>[vector<16xi32>, vector<16xi32>], vector<16xf32>,
        %add3A_2489 = arith.addf %add3A_2482, %gather3A_2488 : vector<16xf32>
        %mul3A_2490 = arith.mulf %gather3A_2488, %gather3A_2488 : vector<16xf32>
        %add3A_2491 = arith.addf %add3A_2484, %mul3A_2490 : vector<16xf32>
        %add3A_2492 = arith.constant 19 : i32
        %add3A_2493 = vector.broadcast %add3A_2492 : i32 to vector<16xi32>
        %add3A_2494 = arith.addi %add3A_47, %add3A_2493 : vector<16xi32>
        %gather3A_2495 = tpu.vector_load_idx %arg9[%add3A_2494, %broadcast_in_dim3A_2363] : memref<3328x16xf32, #tpu.memory_space<vmem>>[vector<16xi32>, vector<16xi32>], vector<16xf32>,
        %add3A_2496 = arith.addf %add3A_2489, %gather3A_2495 : vector<16xf32>
        %mul3A_2497 = arith.mulf %gather3A_2495, %gather3A_2495 : vector<16xf32>
        %add3A_2498 = arith.addf %add3A_2491, %mul3A_2497 : vector<16xf32>
        %add3A_2499 = arith.constant 20 : i32
        %add3A_2500 = vector.broadcast %add3A_2499 : i32 to vector<16xi32>
        %add3A_2501 = arith.addi %add3A_47, %add3A_2500 : vector<16xi32>
        %gather3A_2502 = tpu.vector_load_idx %arg9[%add3A_2501, %broadcast_in_dim3A_2363] : memref<3328x16xf32, #tpu.memory_space<vmem>>[vector<16xi32>, vector<16xi32>], vector<16xf32>,
        %add3A_2503 = arith.addf %add3A_2496, %gather3A_2502 : vector<16xf32>
        %mul3A_2504 = arith.mulf %gather3A_2502, %gather3A_2502 : vector<16xf32>
        %add3A_2505 = arith.addf %add3A_2498, %mul3A_2504 : vector<16xf32>
        %add3A_2506 = arith.constant 21 : i32
        %add3A_2507 = vector.broadcast %add3A_2506 : i32 to vector<16xi32>
        %add3A_2508 = arith.addi %add3A_47, %add3A_2507 : vector<16xi32>
        %gather3A_2509 = tpu.vector_load_idx %arg9[%add3A_2508, %broadcast_in_dim3A_2363] : memref<3328x16xf32, #tpu.memory_space<vmem>>[vector<16xi32>, vector<16xi32>], vector<16xf32>,
        %add3A_2510 = arith.addf %add3A_2503, %gather3A_2509 : vector<16xf32>
        %mul3A_2511 = arith.mulf %gather3A_2509, %gather3A_2509 : vector<16xf32>
        %add3A_2512 = arith.addf %add3A_2505, %mul3A_2511 : vector<16xf32>
        %add3A_2513 = arith.constant 22 : i32
        %add3A_2514 = vector.broadcast %add3A_2513 : i32 to vector<16xi32>
        %add3A_2515 = arith.addi %add3A_47, %add3A_2514 : vector<16xi32>
        %gather3A_2516 = tpu.vector_load_idx %arg9[%add3A_2515, %broadcast_in_dim3A_2363] : memref<3328x16xf32, #tpu.memory_space<vmem>>[vector<16xi32>, vector<16xi32>], vector<16xf32>,
        %add3A_2517 = arith.addf %add3A_2510, %gather3A_2516 : vector<16xf32>
        %mul3A_2518 = arith.mulf %gather3A_2516, %gather3A_2516 : vector<16xf32>
        %add3A_2519 = arith.addf %add3A_2512, %mul3A_2518 : vector<16xf32>
        %add3A_2520 = arith.constant 23 : i32
        %add3A_2521 = vector.broadcast %add3A_2520 : i32 to vector<16xi32>
        %add3A_2522 = arith.addi %add3A_47, %add3A_2521 : vector<16xi32>
        %gather3A_2523 = tpu.vector_load_idx %arg9[%add3A_2522, %broadcast_in_dim3A_2363] : memref<3328x16xf32, #tpu.memory_space<vmem>>[vector<16xi32>, vector<16xi32>], vector<16xf32>,
        %add3A_2524 = arith.addf %add3A_2517, %gather3A_2523 : vector<16xf32>
        %mul3A_2525 = arith.mulf %gather3A_2523, %gather3A_2523 : vector<16xf32>
        %add3A_2526 = arith.addf %add3A_2519, %mul3A_2525 : vector<16xf32>
        %add3A_2527 = arith.constant 24 : i32
        %add3A_2528 = vector.broadcast %add3A_2527 : i32 to vector<16xi32>
        %add3A_2529 = arith.addi %add3A_47, %add3A_2528 : vector<16xi32>
        %gather3A_2530 = tpu.vector_load_idx %arg9[%add3A_2529, %broadcast_in_dim3A_2363] : memref<3328x16xf32, #tpu.memory_space<vmem>>[vector<16xi32>, vector<16xi32>], vector<16xf32>,
        %add3A_2531 = arith.addf %add3A_2524, %gather3A_2530 : vector<16xf32>
        %mul3A_2532 = arith.mulf %gather3A_2530, %gather3A_2530 : vector<16xf32>
        %add3A_2533 = arith.addf %add3A_2526, %mul3A_2532 : vector<16xf32>
        %add3A_2534 = arith.constant 25 : i32
        %add3A_2535 = vector.broadcast %add3A_2534 : i32 to vector<16xi32>
        %add3A_2536 = arith.addi %add3A_47, %add3A_2535 : vector<16xi32>
        %gather3A_2537 = tpu.vector_load_idx %arg9[%add3A_2536, %broadcast_in_dim3A_2363] : memref<3328x16xf32, #tpu.memory_space<vmem>>[vector<16xi32>, vector<16xi32>], vector<16xf32>,
        %add3A_2538 = arith.addf %add3A_2531, %gather3A_2537 : vector<16xf32>
        %mul3A_2539 = arith.mulf %gather3A_2537, %gather3A_2537 : vector<16xf32>
        %add3A_2540 = arith.addf %add3A_2533, %mul3A_2539 : vector<16xf32>
        %mul3A_2541 = arith.mulf %add3A_2538, %add3A_2538 : vector<16xf32>
        %sub3A_2542 = arith.subf %mul3A_2541, %add3A_2540 : vector<16xf32>
        %add3A_2543 = arith.addf %add3A_2361, %sub3A_2542 : vector<16xf32>
        %broadcast_in_dim3A_2544 = arith.constant 12 : i32
        %broadcast_in_dim3A_2545 = vector.broadcast %broadcast_in_dim3A_2544 : i32 to vector<16xi32>
        %gather3A_2546 = tpu.vector_load_idx %arg9[%add3A_47, %broadcast_in_dim3A_2545] : memref<3328x16xf32, #tpu.memory_space<vmem>>[vector<16xi32>, vector<16xi32>], vector<16xf32>,
        %mul3A_2547 = arith.mulf %gather3A_2546, %gather3A_2546 : vector<16xf32>
        %add3A_2548 = arith.constant 1 : i32
        %add3A_2549 = vector.broadcast %add3A_2548 : i32 to vector<16xi32>
        %add3A_2550 = arith.addi %add3A_47, %add3A_2549 : vector<16xi32>
        %gather3A_2551 = tpu.vector_load_idx %arg9[%add3A_2550, %broadcast_in_dim3A_2545] : memref<3328x16xf32, #tpu.memory_space<vmem>>[vector<16xi32>, vector<16xi32>], vector<16xf32>,
        %add3A_2552 = arith.addf %gather3A_2546, %gather3A_2551 : vector<16xf32>
        %mul3A_2553 = arith.mulf %gather3A_2551, %gather3A_2551 : vector<16xf32>
        %add3A_2554 = arith.addf %mul3A_2547, %mul3A_2553 : vector<16xf32>
        %add3A_2555 = arith.constant 2 : i32
        %add3A_2556 = vector.broadcast %add3A_2555 : i32 to vector<16xi32>
        %add3A_2557 = arith.addi %add3A_47, %add3A_2556 : vector<16xi32>
        %gather3A_2558 = tpu.vector_load_idx %arg9[%add3A_2557, %broadcast_in_dim3A_2545] : memref<3328x16xf32, #tpu.memory_space<vmem>>[vector<16xi32>, vector<16xi32>], vector<16xf32>,
        %add3A_2559 = arith.addf %add3A_2552, %gather3A_2558 : vector<16xf32>
        %mul3A_2560 = arith.mulf %gather3A_2558, %gather3A_2558 : vector<16xf32>
        %add3A_2561 = arith.addf %add3A_2554, %mul3A_2560 : vector<16xf32>
        %add3A_2562 = arith.constant 3 : i32
        %add3A_2563 = vector.broadcast %add3A_2562 : i32 to vector<16xi32>
        %add3A_2564 = arith.addi %add3A_47, %add3A_2563 : vector<16xi32>
        %gather3A_2565 = tpu.vector_load_idx %arg9[%add3A_2564, %broadcast_in_dim3A_2545] : memref<3328x16xf32, #tpu.memory_space<vmem>>[vector<16xi32>, vector<16xi32>], vector<16xf32>,
        %add3A_2566 = arith.addf %add3A_2559, %gather3A_2565 : vector<16xf32>
        %mul3A_2567 = arith.mulf %gather3A_2565, %gather3A_2565 : vector<16xf32>
        %add3A_2568 = arith.addf %add3A_2561, %mul3A_2567 : vector<16xf32>
        %add3A_2569 = arith.constant 4 : i32
        %add3A_2570 = vector.broadcast %add3A_2569 : i32 to vector<16xi32>
        %add3A_2571 = arith.addi %add3A_47, %add3A_2570 : vector<16xi32>
        %gather3A_2572 = tpu.vector_load_idx %arg9[%add3A_2571, %broadcast_in_dim3A_2545] : memref<3328x16xf32, #tpu.memory_space<vmem>>[vector<16xi32>, vector<16xi32>], vector<16xf32>,
        %add3A_2573 = arith.addf %add3A_2566, %gather3A_2572 : vector<16xf32>
        %mul3A_2574 = arith.mulf %gather3A_2572, %gather3A_2572 : vector<16xf32>
        %add3A_2575 = arith.addf %add3A_2568, %mul3A_2574 : vector<16xf32>
        %add3A_2576 = arith.constant 5 : i32
        %add3A_2577 = vector.broadcast %add3A_2576 : i32 to vector<16xi32>
        %add3A_2578 = arith.addi %add3A_47, %add3A_2577 : vector<16xi32>
        %gather3A_2579 = tpu.vector_load_idx %arg9[%add3A_2578, %broadcast_in_dim3A_2545] : memref<3328x16xf32, #tpu.memory_space<vmem>>[vector<16xi32>, vector<16xi32>], vector<16xf32>,
        %add3A_2580 = arith.addf %add3A_2573, %gather3A_2579 : vector<16xf32>
        %mul3A_2581 = arith.mulf %gather3A_2579, %gather3A_2579 : vector<16xf32>
        %add3A_2582 = arith.addf %add3A_2575, %mul3A_2581 : vector<16xf32>
        %add3A_2583 = arith.constant 6 : i32
        %add3A_2584 = vector.broadcast %add3A_2583 : i32 to vector<16xi32>
        %add3A_2585 = arith.addi %add3A_47, %add3A_2584 : vector<16xi32>
        %gather3A_2586 = tpu.vector_load_idx %arg9[%add3A_2585, %broadcast_in_dim3A_2545] : memref<3328x16xf32, #tpu.memory_space<vmem>>[vector<16xi32>, vector<16xi32>], vector<16xf32>,
        %add3A_2587 = arith.addf %add3A_2580, %gather3A_2586 : vector<16xf32>
        %mul3A_2588 = arith.mulf %gather3A_2586, %gather3A_2586 : vector<16xf32>
        %add3A_2589 = arith.addf %add3A_2582, %mul3A_2588 : vector<16xf32>
        %add3A_2590 = arith.constant 7 : i32
        %add3A_2591 = vector.broadcast %add3A_2590 : i32 to vector<16xi32>
        %add3A_2592 = arith.addi %add3A_47, %add3A_2591 : vector<16xi32>
        %gather3A_2593 = tpu.vector_load_idx %arg9[%add3A_2592, %broadcast_in_dim3A_2545] : memref<3328x16xf32, #tpu.memory_space<vmem>>[vector<16xi32>, vector<16xi32>], vector<16xf32>,
        %add3A_2594 = arith.addf %add3A_2587, %gather3A_2593 : vector<16xf32>
        %mul3A_2595 = arith.mulf %gather3A_2593, %gather3A_2593 : vector<16xf32>
        %add3A_2596 = arith.addf %add3A_2589, %mul3A_2595 : vector<16xf32>
        %add3A_2597 = arith.constant 8 : i32
        %add3A_2598 = vector.broadcast %add3A_2597 : i32 to vector<16xi32>
        %add3A_2599 = arith.addi %add3A_47, %add3A_2598 : vector<16xi32>
        %gather3A_2600 = tpu.vector_load_idx %arg9[%add3A_2599, %broadcast_in_dim3A_2545] : memref<3328x16xf32, #tpu.memory_space<vmem>>[vector<16xi32>, vector<16xi32>], vector<16xf32>,
        %add3A_2601 = arith.addf %add3A_2594, %gather3A_2600 : vector<16xf32>
        %mul3A_2602 = arith.mulf %gather3A_2600, %gather3A_2600 : vector<16xf32>
        %add3A_2603 = arith.addf %add3A_2596, %mul3A_2602 : vector<16xf32>
        %add3A_2604 = arith.constant 9 : i32
        %add3A_2605 = vector.broadcast %add3A_2604 : i32 to vector<16xi32>
        %add3A_2606 = arith.addi %add3A_47, %add3A_2605 : vector<16xi32>
        %gather3A_2607 = tpu.vector_load_idx %arg9[%add3A_2606, %broadcast_in_dim3A_2545] : memref<3328x16xf32, #tpu.memory_space<vmem>>[vector<16xi32>, vector<16xi32>], vector<16xf32>,
        %add3A_2608 = arith.addf %add3A_2601, %gather3A_2607 : vector<16xf32>
        %mul3A_2609 = arith.mulf %gather3A_2607, %gather3A_2607 : vector<16xf32>
        %add3A_2610 = arith.addf %add3A_2603, %mul3A_2609 : vector<16xf32>
        %add3A_2611 = arith.constant 10 : i32
        %add3A_2612 = vector.broadcast %add3A_2611 : i32 to vector<16xi32>
        %add3A_2613 = arith.addi %add3A_47, %add3A_2612 : vector<16xi32>
        %gather3A_2614 = tpu.vector_load_idx %arg9[%add3A_2613, %broadcast_in_dim3A_2545] : memref<3328x16xf32, #tpu.memory_space<vmem>>[vector<16xi32>, vector<16xi32>], vector<16xf32>,
        %add3A_2615 = arith.addf %add3A_2608, %gather3A_2614 : vector<16xf32>
        %mul3A_2616 = arith.mulf %gather3A_2614, %gather3A_2614 : vector<16xf32>
        %add3A_2617 = arith.addf %add3A_2610, %mul3A_2616 : vector<16xf32>
        %add3A_2618 = arith.constant 11 : i32
        %add3A_2619 = vector.broadcast %add3A_2618 : i32 to vector<16xi32>
        %add3A_2620 = arith.addi %add3A_47, %add3A_2619 : vector<16xi32>
        %gather3A_2621 = tpu.vector_load_idx %arg9[%add3A_2620, %broadcast_in_dim3A_2545] : memref<3328x16xf32, #tpu.memory_space<vmem>>[vector<16xi32>, vector<16xi32>], vector<16xf32>,
        %add3A_2622 = arith.addf %add3A_2615, %gather3A_2621 : vector<16xf32>
        %mul3A_2623 = arith.mulf %gather3A_2621, %gather3A_2621 : vector<16xf32>
        %add3A_2624 = arith.addf %add3A_2617, %mul3A_2623 : vector<16xf32>
        %add3A_2625 = arith.constant 12 : i32
        %add3A_2626 = vector.broadcast %add3A_2625 : i32 to vector<16xi32>
        %add3A_2627 = arith.addi %add3A_47, %add3A_2626 : vector<16xi32>
        %gather3A_2628 = tpu.vector_load_idx %arg9[%add3A_2627, %broadcast_in_dim3A_2545] : memref<3328x16xf32, #tpu.memory_space<vmem>>[vector<16xi32>, vector<16xi32>], vector<16xf32>,
        %add3A_2629 = arith.addf %add3A_2622, %gather3A_2628 : vector<16xf32>
        %mul3A_2630 = arith.mulf %gather3A_2628, %gather3A_2628 : vector<16xf32>
        %add3A_2631 = arith.addf %add3A_2624, %mul3A_2630 : vector<16xf32>
        %add3A_2632 = arith.constant 13 : i32
        %add3A_2633 = vector.broadcast %add3A_2632 : i32 to vector<16xi32>
        %add3A_2634 = arith.addi %add3A_47, %add3A_2633 : vector<16xi32>
        %gather3A_2635 = tpu.vector_load_idx %arg9[%add3A_2634, %broadcast_in_dim3A_2545] : memref<3328x16xf32, #tpu.memory_space<vmem>>[vector<16xi32>, vector<16xi32>], vector<16xf32>,
        %add3A_2636 = arith.addf %add3A_2629, %gather3A_2635 : vector<16xf32>
        %mul3A_2637 = arith.mulf %gather3A_2635, %gather3A_2635 : vector<16xf32>
        %add3A_2638 = arith.addf %add3A_2631, %mul3A_2637 : vector<16xf32>
        %add3A_2639 = arith.constant 14 : i32
        %add3A_2640 = vector.broadcast %add3A_2639 : i32 to vector<16xi32>
        %add3A_2641 = arith.addi %add3A_47, %add3A_2640 : vector<16xi32>
        %gather3A_2642 = tpu.vector_load_idx %arg9[%add3A_2641, %broadcast_in_dim3A_2545] : memref<3328x16xf32, #tpu.memory_space<vmem>>[vector<16xi32>, vector<16xi32>], vector<16xf32>,
        %add3A_2643 = arith.addf %add3A_2636, %gather3A_2642 : vector<16xf32>
        %mul3A_2644 = arith.mulf %gather3A_2642, %gather3A_2642 : vector<16xf32>
        %add3A_2645 = arith.addf %add3A_2638, %mul3A_2644 : vector<16xf32>
        %add3A_2646 = arith.constant 15 : i32
        %add3A_2647 = vector.broadcast %add3A_2646 : i32 to vector<16xi32>
        %add3A_2648 = arith.addi %add3A_47, %add3A_2647 : vector<16xi32>
        %gather3A_2649 = tpu.vector_load_idx %arg9[%add3A_2648, %broadcast_in_dim3A_2545] : memref<3328x16xf32, #tpu.memory_space<vmem>>[vector<16xi32>, vector<16xi32>], vector<16xf32>,
        %add3A_2650 = arith.addf %add3A_2643, %gather3A_2649 : vector<16xf32>
        %mul3A_2651 = arith.mulf %gather3A_2649, %gather3A_2649 : vector<16xf32>
        %add3A_2652 = arith.addf %add3A_2645, %mul3A_2651 : vector<16xf32>
        %add3A_2653 = arith.constant 16 : i32
        %add3A_2654 = vector.broadcast %add3A_2653 : i32 to vector<16xi32>
        %add3A_2655 = arith.addi %add3A_47, %add3A_2654 : vector<16xi32>
        %gather3A_2656 = tpu.vector_load_idx %arg9[%add3A_2655, %broadcast_in_dim3A_2545] : memref<3328x16xf32, #tpu.memory_space<vmem>>[vector<16xi32>, vector<16xi32>], vector<16xf32>,
        %add3A_2657 = arith.addf %add3A_2650, %gather3A_2656 : vector<16xf32>
        %mul3A_2658 = arith.mulf %gather3A_2656, %gather3A_2656 : vector<16xf32>
        %add3A_2659 = arith.addf %add3A_2652, %mul3A_2658 : vector<16xf32>
        %add3A_2660 = arith.constant 17 : i32
        %add3A_2661 = vector.broadcast %add3A_2660 : i32 to vector<16xi32>
        %add3A_2662 = arith.addi %add3A_47, %add3A_2661 : vector<16xi32>
        %gather3A_2663 = tpu.vector_load_idx %arg9[%add3A_2662, %broadcast_in_dim3A_2545] : memref<3328x16xf32, #tpu.memory_space<vmem>>[vector<16xi32>, vector<16xi32>], vector<16xf32>,
        %add3A_2664 = arith.addf %add3A_2657, %gather3A_2663 : vector<16xf32>
        %mul3A_2665 = arith.mulf %gather3A_2663, %gather3A_2663 : vector<16xf32>
        %add3A_2666 = arith.addf %add3A_2659, %mul3A_2665 : vector<16xf32>
        %add3A_2667 = arith.constant 18 : i32
        %add3A_2668 = vector.broadcast %add3A_2667 : i32 to vector<16xi32>
        %add3A_2669 = arith.addi %add3A_47, %add3A_2668 : vector<16xi32>
        %gather3A_2670 = tpu.vector_load_idx %arg9[%add3A_2669, %broadcast_in_dim3A_2545] : memref<3328x16xf32, #tpu.memory_space<vmem>>[vector<16xi32>, vector<16xi32>], vector<16xf32>,
        %add3A_2671 = arith.addf %add3A_2664, %gather3A_2670 : vector<16xf32>
        %mul3A_2672 = arith.mulf %gather3A_2670, %gather3A_2670 : vector<16xf32>
        %add3A_2673 = arith.addf %add3A_2666, %mul3A_2672 : vector<16xf32>
        %add3A_2674 = arith.constant 19 : i32
        %add3A_2675 = vector.broadcast %add3A_2674 : i32 to vector<16xi32>
        %add3A_2676 = arith.addi %add3A_47, %add3A_2675 : vector<16xi32>
        %gather3A_2677 = tpu.vector_load_idx %arg9[%add3A_2676, %broadcast_in_dim3A_2545] : memref<3328x16xf32, #tpu.memory_space<vmem>>[vector<16xi32>, vector<16xi32>], vector<16xf32>,
        %add3A_2678 = arith.addf %add3A_2671, %gather3A_2677 : vector<16xf32>
        %mul3A_2679 = arith.mulf %gather3A_2677, %gather3A_2677 : vector<16xf32>
        %add3A_2680 = arith.addf %add3A_2673, %mul3A_2679 : vector<16xf32>
        %add3A_2681 = arith.constant 20 : i32
        %add3A_2682 = vector.broadcast %add3A_2681 : i32 to vector<16xi32>
        %add3A_2683 = arith.addi %add3A_47, %add3A_2682 : vector<16xi32>
        %gather3A_2684 = tpu.vector_load_idx %arg9[%add3A_2683, %broadcast_in_dim3A_2545] : memref<3328x16xf32, #tpu.memory_space<vmem>>[vector<16xi32>, vector<16xi32>], vector<16xf32>,
        %add3A_2685 = arith.addf %add3A_2678, %gather3A_2684 : vector<16xf32>
        %mul3A_2686 = arith.mulf %gather3A_2684, %gather3A_2684 : vector<16xf32>
        %add3A_2687 = arith.addf %add3A_2680, %mul3A_2686 : vector<16xf32>
        %add3A_2688 = arith.constant 21 : i32
        %add3A_2689 = vector.broadcast %add3A_2688 : i32 to vector<16xi32>
        %add3A_2690 = arith.addi %add3A_47, %add3A_2689 : vector<16xi32>
        %gather3A_2691 = tpu.vector_load_idx %arg9[%add3A_2690, %broadcast_in_dim3A_2545] : memref<3328x16xf32, #tpu.memory_space<vmem>>[vector<16xi32>, vector<16xi32>], vector<16xf32>,
        %add3A_2692 = arith.addf %add3A_2685, %gather3A_2691 : vector<16xf32>
        %mul3A_2693 = arith.mulf %gather3A_2691, %gather3A_2691 : vector<16xf32>
        %add3A_2694 = arith.addf %add3A_2687, %mul3A_2693 : vector<16xf32>
        %add3A_2695 = arith.constant 22 : i32
        %add3A_2696 = vector.broadcast %add3A_2695 : i32 to vector<16xi32>
        %add3A_2697 = arith.addi %add3A_47, %add3A_2696 : vector<16xi32>
        %gather3A_2698 = tpu.vector_load_idx %arg9[%add3A_2697, %broadcast_in_dim3A_2545] : memref<3328x16xf32, #tpu.memory_space<vmem>>[vector<16xi32>, vector<16xi32>], vector<16xf32>,
        %add3A_2699 = arith.addf %add3A_2692, %gather3A_2698 : vector<16xf32>
        %mul3A_2700 = arith.mulf %gather3A_2698, %gather3A_2698 : vector<16xf32>
        %add3A_2701 = arith.addf %add3A_2694, %mul3A_2700 : vector<16xf32>
        %add3A_2702 = arith.constant 23 : i32
        %add3A_2703 = vector.broadcast %add3A_2702 : i32 to vector<16xi32>
        %add3A_2704 = arith.addi %add3A_47, %add3A_2703 : vector<16xi32>
        %gather3A_2705 = tpu.vector_load_idx %arg9[%add3A_2704, %broadcast_in_dim3A_2545] : memref<3328x16xf32, #tpu.memory_space<vmem>>[vector<16xi32>, vector<16xi32>], vector<16xf32>,
        %add3A_2706 = arith.addf %add3A_2699, %gather3A_2705 : vector<16xf32>
        %mul3A_2707 = arith.mulf %gather3A_2705, %gather3A_2705 : vector<16xf32>
        %add3A_2708 = arith.addf %add3A_2701, %mul3A_2707 : vector<16xf32>
        %add3A_2709 = arith.constant 24 : i32
        %add3A_2710 = vector.broadcast %add3A_2709 : i32 to vector<16xi32>
        %add3A_2711 = arith.addi %add3A_47, %add3A_2710 : vector<16xi32>
        %gather3A_2712 = tpu.vector_load_idx %arg9[%add3A_2711, %broadcast_in_dim3A_2545] : memref<3328x16xf32, #tpu.memory_space<vmem>>[vector<16xi32>, vector<16xi32>], vector<16xf32>,
        %add3A_2713 = arith.addf %add3A_2706, %gather3A_2712 : vector<16xf32>
        %mul3A_2714 = arith.mulf %gather3A_2712, %gather3A_2712 : vector<16xf32>
        %add3A_2715 = arith.addf %add3A_2708, %mul3A_2714 : vector<16xf32>
        %add3A_2716 = arith.constant 25 : i32
        %add3A_2717 = vector.broadcast %add3A_2716 : i32 to vector<16xi32>
        %add3A_2718 = arith.addi %add3A_47, %add3A_2717 : vector<16xi32>
        %gather3A_2719 = tpu.vector_load_idx %arg9[%add3A_2718, %broadcast_in_dim3A_2545] : memref<3328x16xf32, #tpu.memory_space<vmem>>[vector<16xi32>, vector<16xi32>], vector<16xf32>,
        %add3A_2720 = arith.addf %add3A_2713, %gather3A_2719 : vector<16xf32>
        %mul3A_2721 = arith.mulf %gather3A_2719, %gather3A_2719 : vector<16xf32>
        %add3A_2722 = arith.addf %add3A_2715, %mul3A_2721 : vector<16xf32>
        %mul3A_2723 = arith.mulf %add3A_2720, %add3A_2720 : vector<16xf32>
        %sub3A_2724 = arith.subf %mul3A_2723, %add3A_2722 : vector<16xf32>
        %add3A_2725 = arith.addf %add3A_2543, %sub3A_2724 : vector<16xf32>
        %broadcast_in_dim3A_2726 = arith.constant 13 : i32
        %broadcast_in_dim3A_2727 = vector.broadcast %broadcast_in_dim3A_2726 : i32 to vector<16xi32>
        %gather3A_2728 = tpu.vector_load_idx %arg9[%add3A_47, %broadcast_in_dim3A_2727] : memref<3328x16xf32, #tpu.memory_space<vmem>>[vector<16xi32>, vector<16xi32>], vector<16xf32>,
        %mul3A_2729 = arith.mulf %gather3A_2728, %gather3A_2728 : vector<16xf32>
        %add3A_2730 = arith.constant 1 : i32
        %add3A_2731 = vector.broadcast %add3A_2730 : i32 to vector<16xi32>
        %add3A_2732 = arith.addi %add3A_47, %add3A_2731 : vector<16xi32>
        %gather3A_2733 = tpu.vector_load_idx %arg9[%add3A_2732, %broadcast_in_dim3A_2727] : memref<3328x16xf32, #tpu.memory_space<vmem>>[vector<16xi32>, vector<16xi32>], vector<16xf32>,
        %add3A_2734 = arith.addf %gather3A_2728, %gather3A_2733 : vector<16xf32>
        %mul3A_2735 = arith.mulf %gather3A_2733, %gather3A_2733 : vector<16xf32>
        %add3A_2736 = arith.addf %mul3A_2729, %mul3A_2735 : vector<16xf32>
        %add3A_2737 = arith.constant 2 : i32
        %add3A_2738 = vector.broadcast %add3A_2737 : i32 to vector<16xi32>
        %add3A_2739 = arith.addi %add3A_47, %add3A_2738 : vector<16xi32>
        %gather3A_2740 = tpu.vector_load_idx %arg9[%add3A_2739, %broadcast_in_dim3A_2727] : memref<3328x16xf32, #tpu.memory_space<vmem>>[vector<16xi32>, vector<16xi32>], vector<16xf32>,
        %add3A_2741 = arith.addf %add3A_2734, %gather3A_2740 : vector<16xf32>
        %mul3A_2742 = arith.mulf %gather3A_2740, %gather3A_2740 : vector<16xf32>
        %add3A_2743 = arith.addf %add3A_2736, %mul3A_2742 : vector<16xf32>
        %add3A_2744 = arith.constant 3 : i32
        %add3A_2745 = vector.broadcast %add3A_2744 : i32 to vector<16xi32>
        %add3A_2746 = arith.addi %add3A_47, %add3A_2745 : vector<16xi32>
        %gather3A_2747 = tpu.vector_load_idx %arg9[%add3A_2746, %broadcast_in_dim3A_2727] : memref<3328x16xf32, #tpu.memory_space<vmem>>[vector<16xi32>, vector<16xi32>], vector<16xf32>,
        %add3A_2748 = arith.addf %add3A_2741, %gather3A_2747 : vector<16xf32>
        %mul3A_2749 = arith.mulf %gather3A_2747, %gather3A_2747 : vector<16xf32>
        %add3A_2750 = arith.addf %add3A_2743, %mul3A_2749 : vector<16xf32>
        %add3A_2751 = arith.constant 4 : i32
        %add3A_2752 = vector.broadcast %add3A_2751 : i32 to vector<16xi32>
        %add3A_2753 = arith.addi %add3A_47, %add3A_2752 : vector<16xi32>
        %gather3A_2754 = tpu.vector_load_idx %arg9[%add3A_2753, %broadcast_in_dim3A_2727] : memref<3328x16xf32, #tpu.memory_space<vmem>>[vector<16xi32>, vector<16xi32>], vector<16xf32>,
        %add3A_2755 = arith.addf %add3A_2748, %gather3A_2754 : vector<16xf32>
        %mul3A_2756 = arith.mulf %gather3A_2754, %gather3A_2754 : vector<16xf32>
        %add3A_2757 = arith.addf %add3A_2750, %mul3A_2756 : vector<16xf32>
        %add3A_2758 = arith.constant 5 : i32
        %add3A_2759 = vector.broadcast %add3A_2758 : i32 to vector<16xi32>
        %add3A_2760 = arith.addi %add3A_47, %add3A_2759 : vector<16xi32>
        %gather3A_2761 = tpu.vector_load_idx %arg9[%add3A_2760, %broadcast_in_dim3A_2727] : memref<3328x16xf32, #tpu.memory_space<vmem>>[vector<16xi32>, vector<16xi32>], vector<16xf32>,
        %add3A_2762 = arith.addf %add3A_2755, %gather3A_2761 : vector<16xf32>
        %mul3A_2763 = arith.mulf %gather3A_2761, %gather3A_2761 : vector<16xf32>
        %add3A_2764 = arith.addf %add3A_2757, %mul3A_2763 : vector<16xf32>
        %add3A_2765 = arith.constant 6 : i32
        %add3A_2766 = vector.broadcast %add3A_2765 : i32 to vector<16xi32>
        %add3A_2767 = arith.addi %add3A_47, %add3A_2766 : vector<16xi32>
        %gather3A_2768 = tpu.vector_load_idx %arg9[%add3A_2767, %broadcast_in_dim3A_2727] : memref<3328x16xf32, #tpu.memory_space<vmem>>[vector<16xi32>, vector<16xi32>], vector<16xf32>,
        %add3A_2769 = arith.addf %add3A_2762, %gather3A_2768 : vector<16xf32>
        %mul3A_2770 = arith.mulf %gather3A_2768, %gather3A_2768 : vector<16xf32>
        %add3A_2771 = arith.addf %add3A_2764, %mul3A_2770 : vector<16xf32>
        %add3A_2772 = arith.constant 7 : i32
        %add3A_2773 = vector.broadcast %add3A_2772 : i32 to vector<16xi32>
        %add3A_2774 = arith.addi %add3A_47, %add3A_2773 : vector<16xi32>
        %gather3A_2775 = tpu.vector_load_idx %arg9[%add3A_2774, %broadcast_in_dim3A_2727] : memref<3328x16xf32, #tpu.memory_space<vmem>>[vector<16xi32>, vector<16xi32>], vector<16xf32>,
        %add3A_2776 = arith.addf %add3A_2769, %gather3A_2775 : vector<16xf32>
        %mul3A_2777 = arith.mulf %gather3A_2775, %gather3A_2775 : vector<16xf32>
        %add3A_2778 = arith.addf %add3A_2771, %mul3A_2777 : vector<16xf32>
        %add3A_2779 = arith.constant 8 : i32
        %add3A_2780 = vector.broadcast %add3A_2779 : i32 to vector<16xi32>
        %add3A_2781 = arith.addi %add3A_47, %add3A_2780 : vector<16xi32>
        %gather3A_2782 = tpu.vector_load_idx %arg9[%add3A_2781, %broadcast_in_dim3A_2727] : memref<3328x16xf32, #tpu.memory_space<vmem>>[vector<16xi32>, vector<16xi32>], vector<16xf32>,
        %add3A_2783 = arith.addf %add3A_2776, %gather3A_2782 : vector<16xf32>
        %mul3A_2784 = arith.mulf %gather3A_2782, %gather3A_2782 : vector<16xf32>
        %add3A_2785 = arith.addf %add3A_2778, %mul3A_2784 : vector<16xf32>
        %add3A_2786 = arith.constant 9 : i32
        %add3A_2787 = vector.broadcast %add3A_2786 : i32 to vector<16xi32>
        %add3A_2788 = arith.addi %add3A_47, %add3A_2787 : vector<16xi32>
        %gather3A_2789 = tpu.vector_load_idx %arg9[%add3A_2788, %broadcast_in_dim3A_2727] : memref<3328x16xf32, #tpu.memory_space<vmem>>[vector<16xi32>, vector<16xi32>], vector<16xf32>,
        %add3A_2790 = arith.addf %add3A_2783, %gather3A_2789 : vector<16xf32>
        %mul3A_2791 = arith.mulf %gather3A_2789, %gather3A_2789 : vector<16xf32>
        %add3A_2792 = arith.addf %add3A_2785, %mul3A_2791 : vector<16xf32>
        %add3A_2793 = arith.constant 10 : i32
        %add3A_2794 = vector.broadcast %add3A_2793 : i32 to vector<16xi32>
        %add3A_2795 = arith.addi %add3A_47, %add3A_2794 : vector<16xi32>
        %gather3A_2796 = tpu.vector_load_idx %arg9[%add3A_2795, %broadcast_in_dim3A_2727] : memref<3328x16xf32, #tpu.memory_space<vmem>>[vector<16xi32>, vector<16xi32>], vector<16xf32>,
        %add3A_2797 = arith.addf %add3A_2790, %gather3A_2796 : vector<16xf32>
        %mul3A_2798 = arith.mulf %gather3A_2796, %gather3A_2796 : vector<16xf32>
        %add3A_2799 = arith.addf %add3A_2792, %mul3A_2798 : vector<16xf32>
        %add3A_2800 = arith.constant 11 : i32
        %add3A_2801 = vector.broadcast %add3A_2800 : i32 to vector<16xi32>
        %add3A_2802 = arith.addi %add3A_47, %add3A_2801 : vector<16xi32>
        %gather3A_2803 = tpu.vector_load_idx %arg9[%add3A_2802, %broadcast_in_dim3A_2727] : memref<3328x16xf32, #tpu.memory_space<vmem>>[vector<16xi32>, vector<16xi32>], vector<16xf32>,
        %add3A_2804 = arith.addf %add3A_2797, %gather3A_2803 : vector<16xf32>
        %mul3A_2805 = arith.mulf %gather3A_2803, %gather3A_2803 : vector<16xf32>
        %add3A_2806 = arith.addf %add3A_2799, %mul3A_2805 : vector<16xf32>
        %add3A_2807 = arith.constant 12 : i32
        %add3A_2808 = vector.broadcast %add3A_2807 : i32 to vector<16xi32>
        %add3A_2809 = arith.addi %add3A_47, %add3A_2808 : vector<16xi32>
        %gather3A_2810 = tpu.vector_load_idx %arg9[%add3A_2809, %broadcast_in_dim3A_2727] : memref<3328x16xf32, #tpu.memory_space<vmem>>[vector<16xi32>, vector<16xi32>], vector<16xf32>,
        %add3A_2811 = arith.addf %add3A_2804, %gather3A_2810 : vector<16xf32>
        %mul3A_2812 = arith.mulf %gather3A_2810, %gather3A_2810 : vector<16xf32>
        %add3A_2813 = arith.addf %add3A_2806, %mul3A_2812 : vector<16xf32>
        %add3A_2814 = arith.constant 13 : i32
        %add3A_2815 = vector.broadcast %add3A_2814 : i32 to vector<16xi32>
        %add3A_2816 = arith.addi %add3A_47, %add3A_2815 : vector<16xi32>
        %gather3A_2817 = tpu.vector_load_idx %arg9[%add3A_2816, %broadcast_in_dim3A_2727] : memref<3328x16xf32, #tpu.memory_space<vmem>>[vector<16xi32>, vector<16xi32>], vector<16xf32>,
        %add3A_2818 = arith.addf %add3A_2811, %gather3A_2817 : vector<16xf32>
        %mul3A_2819 = arith.mulf %gather3A_2817, %gather3A_2817 : vector<16xf32>
        %add3A_2820 = arith.addf %add3A_2813, %mul3A_2819 : vector<16xf32>
        %add3A_2821 = arith.constant 14 : i32
        %add3A_2822 = vector.broadcast %add3A_2821 : i32 to vector<16xi32>
        %add3A_2823 = arith.addi %add3A_47, %add3A_2822 : vector<16xi32>
        %gather3A_2824 = tpu.vector_load_idx %arg9[%add3A_2823, %broadcast_in_dim3A_2727] : memref<3328x16xf32, #tpu.memory_space<vmem>>[vector<16xi32>, vector<16xi32>], vector<16xf32>,
        %add3A_2825 = arith.addf %add3A_2818, %gather3A_2824 : vector<16xf32>
        %mul3A_2826 = arith.mulf %gather3A_2824, %gather3A_2824 : vector<16xf32>
        %add3A_2827 = arith.addf %add3A_2820, %mul3A_2826 : vector<16xf32>
        %add3A_2828 = arith.constant 15 : i32
        %add3A_2829 = vector.broadcast %add3A_2828 : i32 to vector<16xi32>
        %add3A_2830 = arith.addi %add3A_47, %add3A_2829 : vector<16xi32>
        %gather3A_2831 = tpu.vector_load_idx %arg9[%add3A_2830, %broadcast_in_dim3A_2727] : memref<3328x16xf32, #tpu.memory_space<vmem>>[vector<16xi32>, vector<16xi32>], vector<16xf32>,
        %add3A_2832 = arith.addf %add3A_2825, %gather3A_2831 : vector<16xf32>
        %mul3A_2833 = arith.mulf %gather3A_2831, %gather3A_2831 : vector<16xf32>
        %add3A_2834 = arith.addf %add3A_2827, %mul3A_2833 : vector<16xf32>
        %add3A_2835 = arith.constant 16 : i32
        %add3A_2836 = vector.broadcast %add3A_2835 : i32 to vector<16xi32>
        %add3A_2837 = arith.addi %add3A_47, %add3A_2836 : vector<16xi32>
        %gather3A_2838 = tpu.vector_load_idx %arg9[%add3A_2837, %broadcast_in_dim3A_2727] : memref<3328x16xf32, #tpu.memory_space<vmem>>[vector<16xi32>, vector<16xi32>], vector<16xf32>,
        %add3A_2839 = arith.addf %add3A_2832, %gather3A_2838 : vector<16xf32>
        %mul3A_2840 = arith.mulf %gather3A_2838, %gather3A_2838 : vector<16xf32>
        %add3A_2841 = arith.addf %add3A_2834, %mul3A_2840 : vector<16xf32>
        %add3A_2842 = arith.constant 17 : i32
        %add3A_2843 = vector.broadcast %add3A_2842 : i32 to vector<16xi32>
        %add3A_2844 = arith.addi %add3A_47, %add3A_2843 : vector<16xi32>
        %gather3A_2845 = tpu.vector_load_idx %arg9[%add3A_2844, %broadcast_in_dim3A_2727] : memref<3328x16xf32, #tpu.memory_space<vmem>>[vector<16xi32>, vector<16xi32>], vector<16xf32>,
        %add3A_2846 = arith.addf %add3A_2839, %gather3A_2845 : vector<16xf32>
        %mul3A_2847 = arith.mulf %gather3A_2845, %gather3A_2845 : vector<16xf32>
        %add3A_2848 = arith.addf %add3A_2841, %mul3A_2847 : vector<16xf32>
        %add3A_2849 = arith.constant 18 : i32
        %add3A_2850 = vector.broadcast %add3A_2849 : i32 to vector<16xi32>
        %add3A_2851 = arith.addi %add3A_47, %add3A_2850 : vector<16xi32>
        %gather3A_2852 = tpu.vector_load_idx %arg9[%add3A_2851, %broadcast_in_dim3A_2727] : memref<3328x16xf32, #tpu.memory_space<vmem>>[vector<16xi32>, vector<16xi32>], vector<16xf32>,
        %add3A_2853 = arith.addf %add3A_2846, %gather3A_2852 : vector<16xf32>
        %mul3A_2854 = arith.mulf %gather3A_2852, %gather3A_2852 : vector<16xf32>
        %add3A_2855 = arith.addf %add3A_2848, %mul3A_2854 : vector<16xf32>
        %add3A_2856 = arith.constant 19 : i32
        %add3A_2857 = vector.broadcast %add3A_2856 : i32 to vector<16xi32>
        %add3A_2858 = arith.addi %add3A_47, %add3A_2857 : vector<16xi32>
        %gather3A_2859 = tpu.vector_load_idx %arg9[%add3A_2858, %broadcast_in_dim3A_2727] : memref<3328x16xf32, #tpu.memory_space<vmem>>[vector<16xi32>, vector<16xi32>], vector<16xf32>,
        %add3A_2860 = arith.addf %add3A_2853, %gather3A_2859 : vector<16xf32>
        %mul3A_2861 = arith.mulf %gather3A_2859, %gather3A_2859 : vector<16xf32>
        %add3A_2862 = arith.addf %add3A_2855, %mul3A_2861 : vector<16xf32>
        %add3A_2863 = arith.constant 20 : i32
        %add3A_2864 = vector.broadcast %add3A_2863 : i32 to vector<16xi32>
        %add3A_2865 = arith.addi %add3A_47, %add3A_2864 : vector<16xi32>
        %gather3A_2866 = tpu.vector_load_idx %arg9[%add3A_2865, %broadcast_in_dim3A_2727] : memref<3328x16xf32, #tpu.memory_space<vmem>>[vector<16xi32>, vector<16xi32>], vector<16xf32>,
        %add3A_2867 = arith.addf %add3A_2860, %gather3A_2866 : vector<16xf32>
        %mul3A_2868 = arith.mulf %gather3A_2866, %gather3A_2866 : vector<16xf32>
        %add3A_2869 = arith.addf %add3A_2862, %mul3A_2868 : vector<16xf32>
        %add3A_2870 = arith.constant 21 : i32
        %add3A_2871 = vector.broadcast %add3A_2870 : i32 to vector<16xi32>
        %add3A_2872 = arith.addi %add3A_47, %add3A_2871 : vector<16xi32>
        %gather3A_2873 = tpu.vector_load_idx %arg9[%add3A_2872, %broadcast_in_dim3A_2727] : memref<3328x16xf32, #tpu.memory_space<vmem>>[vector<16xi32>, vector<16xi32>], vector<16xf32>,
        %add3A_2874 = arith.addf %add3A_2867, %gather3A_2873 : vector<16xf32>
        %mul3A_2875 = arith.mulf %gather3A_2873, %gather3A_2873 : vector<16xf32>
        %add3A_2876 = arith.addf %add3A_2869, %mul3A_2875 : vector<16xf32>
        %add3A_2877 = arith.constant 22 : i32
        %add3A_2878 = vector.broadcast %add3A_2877 : i32 to vector<16xi32>
        %add3A_2879 = arith.addi %add3A_47, %add3A_2878 : vector<16xi32>
        %gather3A_2880 = tpu.vector_load_idx %arg9[%add3A_2879, %broadcast_in_dim3A_2727] : memref<3328x16xf32, #tpu.memory_space<vmem>>[vector<16xi32>, vector<16xi32>], vector<16xf32>,
        %add3A_2881 = arith.addf %add3A_2874, %gather3A_2880 : vector<16xf32>
        %mul3A_2882 = arith.mulf %gather3A_2880, %gather3A_2880 : vector<16xf32>
        %add3A_2883 = arith.addf %add3A_2876, %mul3A_2882 : vector<16xf32>
        %add3A_2884 = arith.constant 23 : i32
        %add3A_2885 = vector.broadcast %add3A_2884 : i32 to vector<16xi32>
        %add3A_2886 = arith.addi %add3A_47, %add3A_2885 : vector<16xi32>
        %gather3A_2887 = tpu.vector_load_idx %arg9[%add3A_2886, %broadcast_in_dim3A_2727] : memref<3328x16xf32, #tpu.memory_space<vmem>>[vector<16xi32>, vector<16xi32>], vector<16xf32>,
        %add3A_2888 = arith.addf %add3A_2881, %gather3A_2887 : vector<16xf32>
        %mul3A_2889 = arith.mulf %gather3A_2887, %gather3A_2887 : vector<16xf32>
        %add3A_2890 = arith.addf %add3A_2883, %mul3A_2889 : vector<16xf32>
        %add3A_2891 = arith.constant 24 : i32
        %add3A_2892 = vector.broadcast %add3A_2891 : i32 to vector<16xi32>
        %add3A_2893 = arith.addi %add3A_47, %add3A_2892 : vector<16xi32>
        %gather3A_2894 = tpu.vector_load_idx %arg9[%add3A_2893, %broadcast_in_dim3A_2727] : memref<3328x16xf32, #tpu.memory_space<vmem>>[vector<16xi32>, vector<16xi32>], vector<16xf32>,
        %add3A_2895 = arith.addf %add3A_2888, %gather3A_2894 : vector<16xf32>
        %mul3A_2896 = arith.mulf %gather3A_2894, %gather3A_2894 : vector<16xf32>
        %add3A_2897 = arith.addf %add3A_2890, %mul3A_2896 : vector<16xf32>
        %add3A_2898 = arith.constant 25 : i32
        %add3A_2899 = vector.broadcast %add3A_2898 : i32 to vector<16xi32>
        %add3A_2900 = arith.addi %add3A_47, %add3A_2899 : vector<16xi32>
        %gather3A_2901 = tpu.vector_load_idx %arg9[%add3A_2900, %broadcast_in_dim3A_2727] : memref<3328x16xf32, #tpu.memory_space<vmem>>[vector<16xi32>, vector<16xi32>], vector<16xf32>,
        %add3A_2902 = arith.addf %add3A_2895, %gather3A_2901 : vector<16xf32>
        %mul3A_2903 = arith.mulf %gather3A_2901, %gather3A_2901 : vector<16xf32>
        %add3A_2904 = arith.addf %add3A_2897, %mul3A_2903 : vector<16xf32>
        %mul3A_2905 = arith.mulf %add3A_2902, %add3A_2902 : vector<16xf32>
        %sub3A_2906 = arith.subf %mul3A_2905, %add3A_2904 : vector<16xf32>
        %add3A_2907 = arith.addf %add3A_2725, %sub3A_2906 : vector<16xf32>
        %broadcast_in_dim3A_2908 = arith.constant 14 : i32
        %broadcast_in_dim3A_2909 = vector.broadcast %broadcast_in_dim3A_2908 : i32 to vector<16xi32>
        %gather3A_2910 = tpu.vector_load_idx %arg9[%add3A_47, %broadcast_in_dim3A_2909] : memref<3328x16xf32, #tpu.memory_space<vmem>>[vector<16xi32>, vector<16xi32>], vector<16xf32>,
        %mul3A_2911 = arith.mulf %gather3A_2910, %gather3A_2910 : vector<16xf32>
        %add3A_2912 = arith.constant 1 : i32
        %add3A_2913 = vector.broadcast %add3A_2912 : i32 to vector<16xi32>
        %add3A_2914 = arith.addi %add3A_47, %add3A_2913 : vector<16xi32>
        %gather3A_2915 = tpu.vector_load_idx %arg9[%add3A_2914, %broadcast_in_dim3A_2909] : memref<3328x16xf32, #tpu.memory_space<vmem>>[vector<16xi32>, vector<16xi32>], vector<16xf32>,
        %add3A_2916 = arith.addf %gather3A_2910, %gather3A_2915 : vector<16xf32>
        %mul3A_2917 = arith.mulf %gather3A_2915, %gather3A_2915 : vector<16xf32>
        %add3A_2918 = arith.addf %mul3A_2911, %mul3A_2917 : vector<16xf32>
        %add3A_2919 = arith.constant 2 : i32
        %add3A_2920 = vector.broadcast %add3A_2919 : i32 to vector<16xi32>
        %add3A_2921 = arith.addi %add3A_47, %add3A_2920 : vector<16xi32>
        %gather3A_2922 = tpu.vector_load_idx %arg9[%add3A_2921, %broadcast_in_dim3A_2909] : memref<3328x16xf32, #tpu.memory_space<vmem>>[vector<16xi32>, vector<16xi32>], vector<16xf32>,
        %add3A_2923 = arith.addf %add3A_2916, %gather3A_2922 : vector<16xf32>
        %mul3A_2924 = arith.mulf %gather3A_2922, %gather3A_2922 : vector<16xf32>
        %add3A_2925 = arith.addf %add3A_2918, %mul3A_2924 : vector<16xf32>
        %add3A_2926 = arith.constant 3 : i32
        %add3A_2927 = vector.broadcast %add3A_2926 : i32 to vector<16xi32>
        %add3A_2928 = arith.addi %add3A_47, %add3A_2927 : vector<16xi32>
        %gather3A_2929 = tpu.vector_load_idx %arg9[%add3A_2928, %broadcast_in_dim3A_2909] : memref<3328x16xf32, #tpu.memory_space<vmem>>[vector<16xi32>, vector<16xi32>], vector<16xf32>,
        %add3A_2930 = arith.addf %add3A_2923, %gather3A_2929 : vector<16xf32>
        %mul3A_2931 = arith.mulf %gather3A_2929, %gather3A_2929 : vector<16xf32>
        %add3A_2932 = arith.addf %add3A_2925, %mul3A_2931 : vector<16xf32>
        %add3A_2933 = arith.constant 4 : i32
        %add3A_2934 = vector.broadcast %add3A_2933 : i32 to vector<16xi32>
        %add3A_2935 = arith.addi %add3A_47, %add3A_2934 : vector<16xi32>
        %gather3A_2936 = tpu.vector_load_idx %arg9[%add3A_2935, %broadcast_in_dim3A_2909] : memref<3328x16xf32, #tpu.memory_space<vmem>>[vector<16xi32>, vector<16xi32>], vector<16xf32>,
        %add3A_2937 = arith.addf %add3A_2930, %gather3A_2936 : vector<16xf32>
        %mul3A_2938 = arith.mulf %gather3A_2936, %gather3A_2936 : vector<16xf32>
        %add3A_2939 = arith.addf %add3A_2932, %mul3A_2938 : vector<16xf32>
        %add3A_2940 = arith.constant 5 : i32
        %add3A_2941 = vector.broadcast %add3A_2940 : i32 to vector<16xi32>
        %add3A_2942 = arith.addi %add3A_47, %add3A_2941 : vector<16xi32>
        %gather3A_2943 = tpu.vector_load_idx %arg9[%add3A_2942, %broadcast_in_dim3A_2909] : memref<3328x16xf32, #tpu.memory_space<vmem>>[vector<16xi32>, vector<16xi32>], vector<16xf32>,
        %add3A_2944 = arith.addf %add3A_2937, %gather3A_2943 : vector<16xf32>
        %mul3A_2945 = arith.mulf %gather3A_2943, %gather3A_2943 : vector<16xf32>
        %add3A_2946 = arith.addf %add3A_2939, %mul3A_2945 : vector<16xf32>
        %add3A_2947 = arith.constant 6 : i32
        %add3A_2948 = vector.broadcast %add3A_2947 : i32 to vector<16xi32>
        %add3A_2949 = arith.addi %add3A_47, %add3A_2948 : vector<16xi32>
        %gather3A_2950 = tpu.vector_load_idx %arg9[%add3A_2949, %broadcast_in_dim3A_2909] : memref<3328x16xf32, #tpu.memory_space<vmem>>[vector<16xi32>, vector<16xi32>], vector<16xf32>,
        %add3A_2951 = arith.addf %add3A_2944, %gather3A_2950 : vector<16xf32>
        %mul3A_2952 = arith.mulf %gather3A_2950, %gather3A_2950 : vector<16xf32>
        %add3A_2953 = arith.addf %add3A_2946, %mul3A_2952 : vector<16xf32>
        %add3A_2954 = arith.constant 7 : i32
        %add3A_2955 = vector.broadcast %add3A_2954 : i32 to vector<16xi32>
        %add3A_2956 = arith.addi %add3A_47, %add3A_2955 : vector<16xi32>
        %gather3A_2957 = tpu.vector_load_idx %arg9[%add3A_2956, %broadcast_in_dim3A_2909] : memref<3328x16xf32, #tpu.memory_space<vmem>>[vector<16xi32>, vector<16xi32>], vector<16xf32>,
        %add3A_2958 = arith.addf %add3A_2951, %gather3A_2957 : vector<16xf32>
        %mul3A_2959 = arith.mulf %gather3A_2957, %gather3A_2957 : vector<16xf32>
        %add3A_2960 = arith.addf %add3A_2953, %mul3A_2959 : vector<16xf32>
        %add3A_2961 = arith.constant 8 : i32
        %add3A_2962 = vector.broadcast %add3A_2961 : i32 to vector<16xi32>
        %add3A_2963 = arith.addi %add3A_47, %add3A_2962 : vector<16xi32>
        %gather3A_2964 = tpu.vector_load_idx %arg9[%add3A_2963, %broadcast_in_dim3A_2909] : memref<3328x16xf32, #tpu.memory_space<vmem>>[vector<16xi32>, vector<16xi32>], vector<16xf32>,
        %add3A_2965 = arith.addf %add3A_2958, %gather3A_2964 : vector<16xf32>
        %mul3A_2966 = arith.mulf %gather3A_2964, %gather3A_2964 : vector<16xf32>
        %add3A_2967 = arith.addf %add3A_2960, %mul3A_2966 : vector<16xf32>
        %add3A_2968 = arith.constant 9 : i32
        %add3A_2969 = vector.broadcast %add3A_2968 : i32 to vector<16xi32>
        %add3A_2970 = arith.addi %add3A_47, %add3A_2969 : vector<16xi32>
        %gather3A_2971 = tpu.vector_load_idx %arg9[%add3A_2970, %broadcast_in_dim3A_2909] : memref<3328x16xf32, #tpu.memory_space<vmem>>[vector<16xi32>, vector<16xi32>], vector<16xf32>,
        %add3A_2972 = arith.addf %add3A_2965, %gather3A_2971 : vector<16xf32>
        %mul3A_2973 = arith.mulf %gather3A_2971, %gather3A_2971 : vector<16xf32>
        %add3A_2974 = arith.addf %add3A_2967, %mul3A_2973 : vector<16xf32>
        %add3A_2975 = arith.constant 10 : i32
        %add3A_2976 = vector.broadcast %add3A_2975 : i32 to vector<16xi32>
        %add3A_2977 = arith.addi %add3A_47, %add3A_2976 : vector<16xi32>
        %gather3A_2978 = tpu.vector_load_idx %arg9[%add3A_2977, %broadcast_in_dim3A_2909] : memref<3328x16xf32, #tpu.memory_space<vmem>>[vector<16xi32>, vector<16xi32>], vector<16xf32>,
        %add3A_2979 = arith.addf %add3A_2972, %gather3A_2978 : vector<16xf32>
        %mul3A_2980 = arith.mulf %gather3A_2978, %gather3A_2978 : vector<16xf32>
        %add3A_2981 = arith.addf %add3A_2974, %mul3A_2980 : vector<16xf32>
        %add3A_2982 = arith.constant 11 : i32
        %add3A_2983 = vector.broadcast %add3A_2982 : i32 to vector<16xi32>
        %add3A_2984 = arith.addi %add3A_47, %add3A_2983 : vector<16xi32>
        %gather3A_2985 = tpu.vector_load_idx %arg9[%add3A_2984, %broadcast_in_dim3A_2909] : memref<3328x16xf32, #tpu.memory_space<vmem>>[vector<16xi32>, vector<16xi32>], vector<16xf32>,
        %add3A_2986 = arith.addf %add3A_2979, %gather3A_2985 : vector<16xf32>
        %mul3A_2987 = arith.mulf %gather3A_2985, %gather3A_2985 : vector<16xf32>
        %add3A_2988 = arith.addf %add3A_2981, %mul3A_2987 : vector<16xf32>
        %add3A_2989 = arith.constant 12 : i32
        %add3A_2990 = vector.broadcast %add3A_2989 : i32 to vector<16xi32>
        %add3A_2991 = arith.addi %add3A_47, %add3A_2990 : vector<16xi32>
        %gather3A_2992 = tpu.vector_load_idx %arg9[%add3A_2991, %broadcast_in_dim3A_2909] : memref<3328x16xf32, #tpu.memory_space<vmem>>[vector<16xi32>, vector<16xi32>], vector<16xf32>,
        %add3A_2993 = arith.addf %add3A_2986, %gather3A_2992 : vector<16xf32>
        %mul3A_2994 = arith.mulf %gather3A_2992, %gather3A_2992 : vector<16xf32>
        %add3A_2995 = arith.addf %add3A_2988, %mul3A_2994 : vector<16xf32>
        %add3A_2996 = arith.constant 13 : i32
        %add3A_2997 = vector.broadcast %add3A_2996 : i32 to vector<16xi32>
        %add3A_2998 = arith.addi %add3A_47, %add3A_2997 : vector<16xi32>
        %gather3A_2999 = tpu.vector_load_idx %arg9[%add3A_2998, %broadcast_in_dim3A_2909] : memref<3328x16xf32, #tpu.memory_space<vmem>>[vector<16xi32>, vector<16xi32>], vector<16xf32>,
        %add3A_3000 = arith.addf %add3A_2993, %gather3A_2999 : vector<16xf32>
        %mul3A_3001 = arith.mulf %gather3A_2999, %gather3A_2999 : vector<16xf32>
        %add3A_3002 = arith.addf %add3A_2995, %mul3A_3001 : vector<16xf32>
        %add3A_3003 = arith.constant 14 : i32
        %add3A_3004 = vector.broadcast %add3A_3003 : i32 to vector<16xi32>
        %add3A_3005 = arith.addi %add3A_47, %add3A_3004 : vector<16xi32>
        %gather3A_3006 = tpu.vector_load_idx %arg9[%add3A_3005, %broadcast_in_dim3A_2909] : memref<3328x16xf32, #tpu.memory_space<vmem>>[vector<16xi32>, vector<16xi32>], vector<16xf32>,
        %add3A_3007 = arith.addf %add3A_3000, %gather3A_3006 : vector<16xf32>
        %mul3A_3008 = arith.mulf %gather3A_3006, %gather3A_3006 : vector<16xf32>
        %add3A_3009 = arith.addf %add3A_3002, %mul3A_3008 : vector<16xf32>
        %add3A_3010 = arith.constant 15 : i32
        %add3A_3011 = vector.broadcast %add3A_3010 : i32 to vector<16xi32>
        %add3A_3012 = arith.addi %add3A_47, %add3A_3011 : vector<16xi32>
        %gather3A_3013 = tpu.vector_load_idx %arg9[%add3A_3012, %broadcast_in_dim3A_2909] : memref<3328x16xf32, #tpu.memory_space<vmem>>[vector<16xi32>, vector<16xi32>], vector<16xf32>,
        %add3A_3014 = arith.addf %add3A_3007, %gather3A_3013 : vector<16xf32>
        %mul3A_3015 = arith.mulf %gather3A_3013, %gather3A_3013 : vector<16xf32>
        %add3A_3016 = arith.addf %add3A_3009, %mul3A_3015 : vector<16xf32>
        %add3A_3017 = arith.constant 16 : i32
        %add3A_3018 = vector.broadcast %add3A_3017 : i32 to vector<16xi32>
        %add3A_3019 = arith.addi %add3A_47, %add3A_3018 : vector<16xi32>
        %gather3A_3020 = tpu.vector_load_idx %arg9[%add3A_3019, %broadcast_in_dim3A_2909] : memref<3328x16xf32, #tpu.memory_space<vmem>>[vector<16xi32>, vector<16xi32>], vector<16xf32>,
        %add3A_3021 = arith.addf %add3A_3014, %gather3A_3020 : vector<16xf32>
        %mul3A_3022 = arith.mulf %gather3A_3020, %gather3A_3020 : vector<16xf32>
        %add3A_3023 = arith.addf %add3A_3016, %mul3A_3022 : vector<16xf32>
        %add3A_3024 = arith.constant 17 : i32
        %add3A_3025 = vector.broadcast %add3A_3024 : i32 to vector<16xi32>
        %add3A_3026 = arith.addi %add3A_47, %add3A_3025 : vector<16xi32>
        %gather3A_3027 = tpu.vector_load_idx %arg9[%add3A_3026, %broadcast_in_dim3A_2909] : memref<3328x16xf32, #tpu.memory_space<vmem>>[vector<16xi32>, vector<16xi32>], vector<16xf32>,
        %add3A_3028 = arith.addf %add3A_3021, %gather3A_3027 : vector<16xf32>
        %mul3A_3029 = arith.mulf %gather3A_3027, %gather3A_3027 : vector<16xf32>
        %add3A_3030 = arith.addf %add3A_3023, %mul3A_3029 : vector<16xf32>
        %add3A_3031 = arith.constant 18 : i32
        %add3A_3032 = vector.broadcast %add3A_3031 : i32 to vector<16xi32>
        %add3A_3033 = arith.addi %add3A_47, %add3A_3032 : vector<16xi32>
        %gather3A_3034 = tpu.vector_load_idx %arg9[%add3A_3033, %broadcast_in_dim3A_2909] : memref<3328x16xf32, #tpu.memory_space<vmem>>[vector<16xi32>, vector<16xi32>], vector<16xf32>,
        %add3A_3035 = arith.addf %add3A_3028, %gather3A_3034 : vector<16xf32>
        %mul3A_3036 = arith.mulf %gather3A_3034, %gather3A_3034 : vector<16xf32>
        %add3A_3037 = arith.addf %add3A_3030, %mul3A_3036 : vector<16xf32>
        %add3A_3038 = arith.constant 19 : i32
        %add3A_3039 = vector.broadcast %add3A_3038 : i32 to vector<16xi32>
        %add3A_3040 = arith.addi %add3A_47, %add3A_3039 : vector<16xi32>
        %gather3A_3041 = tpu.vector_load_idx %arg9[%add3A_3040, %broadcast_in_dim3A_2909] : memref<3328x16xf32, #tpu.memory_space<vmem>>[vector<16xi32>, vector<16xi32>], vector<16xf32>,
        %add3A_3042 = arith.addf %add3A_3035, %gather3A_3041 : vector<16xf32>
        %mul3A_3043 = arith.mulf %gather3A_3041, %gather3A_3041 : vector<16xf32>
        %add3A_3044 = arith.addf %add3A_3037, %mul3A_3043 : vector<16xf32>
        %add3A_3045 = arith.constant 20 : i32
        %add3A_3046 = vector.broadcast %add3A_3045 : i32 to vector<16xi32>
        %add3A_3047 = arith.addi %add3A_47, %add3A_3046 : vector<16xi32>
        %gather3A_3048 = tpu.vector_load_idx %arg9[%add3A_3047, %broadcast_in_dim3A_2909] : memref<3328x16xf32, #tpu.memory_space<vmem>>[vector<16xi32>, vector<16xi32>], vector<16xf32>,
        %add3A_3049 = arith.addf %add3A_3042, %gather3A_3048 : vector<16xf32>
        %mul3A_3050 = arith.mulf %gather3A_3048, %gather3A_3048 : vector<16xf32>
        %add3A_3051 = arith.addf %add3A_3044, %mul3A_3050 : vector<16xf32>
        %add3A_3052 = arith.constant 21 : i32
        %add3A_3053 = vector.broadcast %add3A_3052 : i32 to vector<16xi32>
        %add3A_3054 = arith.addi %add3A_47, %add3A_3053 : vector<16xi32>
        %gather3A_3055 = tpu.vector_load_idx %arg9[%add3A_3054, %broadcast_in_dim3A_2909] : memref<3328x16xf32, #tpu.memory_space<vmem>>[vector<16xi32>, vector<16xi32>], vector<16xf32>,
        %add3A_3056 = arith.addf %add3A_3049, %gather3A_3055 : vector<16xf32>
        %mul3A_3057 = arith.mulf %gather3A_3055, %gather3A_3055 : vector<16xf32>
        %add3A_3058 = arith.addf %add3A_3051, %mul3A_3057 : vector<16xf32>
        %add3A_3059 = arith.constant 22 : i32
        %add3A_3060 = vector.broadcast %add3A_3059 : i32 to vector<16xi32>
        %add3A_3061 = arith.addi %add3A_47, %add3A_3060 : vector<16xi32>
        %gather3A_3062 = tpu.vector_load_idx %arg9[%add3A_3061, %broadcast_in_dim3A_2909] : memref<3328x16xf32, #tpu.memory_space<vmem>>[vector<16xi32>, vector<16xi32>], vector<16xf32>,
        %add3A_3063 = arith.addf %add3A_3056, %gather3A_3062 : vector<16xf32>
        %mul3A_3064 = arith.mulf %gather3A_3062, %gather3A_3062 : vector<16xf32>
        %add3A_3065 = arith.addf %add3A_3058, %mul3A_3064 : vector<16xf32>
        %add3A_3066 = arith.constant 23 : i32
        %add3A_3067 = vector.broadcast %add3A_3066 : i32 to vector<16xi32>
        %add3A_3068 = arith.addi %add3A_47, %add3A_3067 : vector<16xi32>
        %gather3A_3069 = tpu.vector_load_idx %arg9[%add3A_3068, %broadcast_in_dim3A_2909] : memref<3328x16xf32, #tpu.memory_space<vmem>>[vector<16xi32>, vector<16xi32>], vector<16xf32>,
        %add3A_3070 = arith.addf %add3A_3063, %gather3A_3069 : vector<16xf32>
        %mul3A_3071 = arith.mulf %gather3A_3069, %gather3A_3069 : vector<16xf32>
        %add3A_3072 = arith.addf %add3A_3065, %mul3A_3071 : vector<16xf32>
        %add3A_3073 = arith.constant 24 : i32
        %add3A_3074 = vector.broadcast %add3A_3073 : i32 to vector<16xi32>
        %add3A_3075 = arith.addi %add3A_47, %add3A_3074 : vector<16xi32>
        %gather3A_3076 = tpu.vector_load_idx %arg9[%add3A_3075, %broadcast_in_dim3A_2909] : memref<3328x16xf32, #tpu.memory_space<vmem>>[vector<16xi32>, vector<16xi32>], vector<16xf32>,
        %add3A_3077 = arith.addf %add3A_3070, %gather3A_3076 : vector<16xf32>
        %mul3A_3078 = arith.mulf %gather3A_3076, %gather3A_3076 : vector<16xf32>
        %add3A_3079 = arith.addf %add3A_3072, %mul3A_3078 : vector<16xf32>
        %add3A_3080 = arith.constant 25 : i32
        %add3A_3081 = vector.broadcast %add3A_3080 : i32 to vector<16xi32>
        %add3A_3082 = arith.addi %add3A_47, %add3A_3081 : vector<16xi32>
        %gather3A_3083 = tpu.vector_load_idx %arg9[%add3A_3082, %broadcast_in_dim3A_2909] : memref<3328x16xf32, #tpu.memory_space<vmem>>[vector<16xi32>, vector<16xi32>], vector<16xf32>,
        %add3A_3084 = arith.addf %add3A_3077, %gather3A_3083 : vector<16xf32>
        %mul3A_3085 = arith.mulf %gather3A_3083, %gather3A_3083 : vector<16xf32>
        %add3A_3086 = arith.addf %add3A_3079, %mul3A_3085 : vector<16xf32>
        %mul3A_3087 = arith.mulf %add3A_3084, %add3A_3084 : vector<16xf32>
        %sub3A_3088 = arith.subf %mul3A_3087, %add3A_3086 : vector<16xf32>
        %add3A_3089 = arith.addf %add3A_2907, %sub3A_3088 : vector<16xf32>
        %broadcast_in_dim3A_3090 = arith.constant 15 : i32
        %broadcast_in_dim3A_3091 = vector.broadcast %broadcast_in_dim3A_3090 : i32 to vector<16xi32>
        %gather3A_3092 = tpu.vector_load_idx %arg9[%add3A_47, %broadcast_in_dim3A_3091] : memref<3328x16xf32, #tpu.memory_space<vmem>>[vector<16xi32>, vector<16xi32>], vector<16xf32>,
        %mul3A_3093 = arith.mulf %gather3A_3092, %gather3A_3092 : vector<16xf32>
        %add3A_3094 = arith.constant 1 : i32
        %add3A_3095 = vector.broadcast %add3A_3094 : i32 to vector<16xi32>
        %add3A_3096 = arith.addi %add3A_47, %add3A_3095 : vector<16xi32>
        %gather3A_3097 = tpu.vector_load_idx %arg9[%add3A_3096, %broadcast_in_dim3A_3091] : memref<3328x16xf32, #tpu.memory_space<vmem>>[vector<16xi32>, vector<16xi32>], vector<16xf32>,
        %add3A_3098 = arith.addf %gather3A_3092, %gather3A_3097 : vector<16xf32>
        %mul3A_3099 = arith.mulf %gather3A_3097, %gather3A_3097 : vector<16xf32>
        %add3A_3100 = arith.addf %mul3A_3093, %mul3A_3099 : vector<16xf32>
        %add3A_3101 = arith.constant 2 : i32
        %add3A_3102 = vector.broadcast %add3A_3101 : i32 to vector<16xi32>
        %add3A_3103 = arith.addi %add3A_47, %add3A_3102 : vector<16xi32>
        %gather3A_3104 = tpu.vector_load_idx %arg9[%add3A_3103, %broadcast_in_dim3A_3091] : memref<3328x16xf32, #tpu.memory_space<vmem>>[vector<16xi32>, vector<16xi32>], vector<16xf32>,
        %add3A_3105 = arith.addf %add3A_3098, %gather3A_3104 : vector<16xf32>
        %mul3A_3106 = arith.mulf %gather3A_3104, %gather3A_3104 : vector<16xf32>
        %add3A_3107 = arith.addf %add3A_3100, %mul3A_3106 : vector<16xf32>
        %add3A_3108 = arith.constant 3 : i32
        %add3A_3109 = vector.broadcast %add3A_3108 : i32 to vector<16xi32>
        %add3A_3110 = arith.addi %add3A_47, %add3A_3109 : vector<16xi32>
        %gather3A_3111 = tpu.vector_load_idx %arg9[%add3A_3110, %broadcast_in_dim3A_3091] : memref<3328x16xf32, #tpu.memory_space<vmem>>[vector<16xi32>, vector<16xi32>], vector<16xf32>,
        %add3A_3112 = arith.addf %add3A_3105, %gather3A_3111 : vector<16xf32>
        %mul3A_3113 = arith.mulf %gather3A_3111, %gather3A_3111 : vector<16xf32>
        %add3A_3114 = arith.addf %add3A_3107, %mul3A_3113 : vector<16xf32>
        %add3A_3115 = arith.constant 4 : i32
        %add3A_3116 = vector.broadcast %add3A_3115 : i32 to vector<16xi32>
        %add3A_3117 = arith.addi %add3A_47, %add3A_3116 : vector<16xi32>
        %gather3A_3118 = tpu.vector_load_idx %arg9[%add3A_3117, %broadcast_in_dim3A_3091] : memref<3328x16xf32, #tpu.memory_space<vmem>>[vector<16xi32>, vector<16xi32>], vector<16xf32>,
        %add3A_3119 = arith.addf %add3A_3112, %gather3A_3118 : vector<16xf32>
        %mul3A_3120 = arith.mulf %gather3A_3118, %gather3A_3118 : vector<16xf32>
        %add3A_3121 = arith.addf %add3A_3114, %mul3A_3120 : vector<16xf32>
        %add3A_3122 = arith.constant 5 : i32
        %add3A_3123 = vector.broadcast %add3A_3122 : i32 to vector<16xi32>
        %add3A_3124 = arith.addi %add3A_47, %add3A_3123 : vector<16xi32>
        %gather3A_3125 = tpu.vector_load_idx %arg9[%add3A_3124, %broadcast_in_dim3A_3091] : memref<3328x16xf32, #tpu.memory_space<vmem>>[vector<16xi32>, vector<16xi32>], vector<16xf32>,
        %add3A_3126 = arith.addf %add3A_3119, %gather3A_3125 : vector<16xf32>
        %mul3A_3127 = arith.mulf %gather3A_3125, %gather3A_3125 : vector<16xf32>
        %add3A_3128 = arith.addf %add3A_3121, %mul3A_3127 : vector<16xf32>
        %add3A_3129 = arith.constant 6 : i32
        %add3A_3130 = vector.broadcast %add3A_3129 : i32 to vector<16xi32>
        %add3A_3131 = arith.addi %add3A_47, %add3A_3130 : vector<16xi32>
        %gather3A_3132 = tpu.vector_load_idx %arg9[%add3A_3131, %broadcast_in_dim3A_3091] : memref<3328x16xf32, #tpu.memory_space<vmem>>[vector<16xi32>, vector<16xi32>], vector<16xf32>,
        %add3A_3133 = arith.addf %add3A_3126, %gather3A_3132 : vector<16xf32>
        %mul3A_3134 = arith.mulf %gather3A_3132, %gather3A_3132 : vector<16xf32>
        %add3A_3135 = arith.addf %add3A_3128, %mul3A_3134 : vector<16xf32>
        %add3A_3136 = arith.constant 7 : i32
        %add3A_3137 = vector.broadcast %add3A_3136 : i32 to vector<16xi32>
        %add3A_3138 = arith.addi %add3A_47, %add3A_3137 : vector<16xi32>
        %gather3A_3139 = tpu.vector_load_idx %arg9[%add3A_3138, %broadcast_in_dim3A_3091] : memref<3328x16xf32, #tpu.memory_space<vmem>>[vector<16xi32>, vector<16xi32>], vector<16xf32>,
        %add3A_3140 = arith.addf %add3A_3133, %gather3A_3139 : vector<16xf32>
        %mul3A_3141 = arith.mulf %gather3A_3139, %gather3A_3139 : vector<16xf32>
        %add3A_3142 = arith.addf %add3A_3135, %mul3A_3141 : vector<16xf32>
        %add3A_3143 = arith.constant 8 : i32
        %add3A_3144 = vector.broadcast %add3A_3143 : i32 to vector<16xi32>
        %add3A_3145 = arith.addi %add3A_47, %add3A_3144 : vector<16xi32>
        %gather3A_3146 = tpu.vector_load_idx %arg9[%add3A_3145, %broadcast_in_dim3A_3091] : memref<3328x16xf32, #tpu.memory_space<vmem>>[vector<16xi32>, vector<16xi32>], vector<16xf32>,
        %add3A_3147 = arith.addf %add3A_3140, %gather3A_3146 : vector<16xf32>
        %mul3A_3148 = arith.mulf %gather3A_3146, %gather3A_3146 : vector<16xf32>
        %add3A_3149 = arith.addf %add3A_3142, %mul3A_3148 : vector<16xf32>
        %add3A_3150 = arith.constant 9 : i32
        %add3A_3151 = vector.broadcast %add3A_3150 : i32 to vector<16xi32>
        %add3A_3152 = arith.addi %add3A_47, %add3A_3151 : vector<16xi32>
        %gather3A_3153 = tpu.vector_load_idx %arg9[%add3A_3152, %broadcast_in_dim3A_3091] : memref<3328x16xf32, #tpu.memory_space<vmem>>[vector<16xi32>, vector<16xi32>], vector<16xf32>,
        %add3A_3154 = arith.addf %add3A_3147, %gather3A_3153 : vector<16xf32>
        %mul3A_3155 = arith.mulf %gather3A_3153, %gather3A_3153 : vector<16xf32>
        %add3A_3156 = arith.addf %add3A_3149, %mul3A_3155 : vector<16xf32>
        %add3A_3157 = arith.constant 10 : i32
        %add3A_3158 = vector.broadcast %add3A_3157 : i32 to vector<16xi32>
        %add3A_3159 = arith.addi %add3A_47, %add3A_3158 : vector<16xi32>
        %gather3A_3160 = tpu.vector_load_idx %arg9[%add3A_3159, %broadcast_in_dim3A_3091] : memref<3328x16xf32, #tpu.memory_space<vmem>>[vector<16xi32>, vector<16xi32>], vector<16xf32>,
        %add3A_3161 = arith.addf %add3A_3154, %gather3A_3160 : vector<16xf32>
        %mul3A_3162 = arith.mulf %gather3A_3160, %gather3A_3160 : vector<16xf32>
        %add3A_3163 = arith.addf %add3A_3156, %mul3A_3162 : vector<16xf32>
        %add3A_3164 = arith.constant 11 : i32
        %add3A_3165 = vector.broadcast %add3A_3164 : i32 to vector<16xi32>
        %add3A_3166 = arith.addi %add3A_47, %add3A_3165 : vector<16xi32>
        %gather3A_3167 = tpu.vector_load_idx %arg9[%add3A_3166, %broadcast_in_dim3A_3091] : memref<3328x16xf32, #tpu.memory_space<vmem>>[vector<16xi32>, vector<16xi32>], vector<16xf32>,
        %add3A_3168 = arith.addf %add3A_3161, %gather3A_3167 : vector<16xf32>
        %mul3A_3169 = arith.mulf %gather3A_3167, %gather3A_3167 : vector<16xf32>
        %add3A_3170 = arith.addf %add3A_3163, %mul3A_3169 : vector<16xf32>
        %add3A_3171 = arith.constant 12 : i32
        %add3A_3172 = vector.broadcast %add3A_3171 : i32 to vector<16xi32>
        %add3A_3173 = arith.addi %add3A_47, %add3A_3172 : vector<16xi32>
        %gather3A_3174 = tpu.vector_load_idx %arg9[%add3A_3173, %broadcast_in_dim3A_3091] : memref<3328x16xf32, #tpu.memory_space<vmem>>[vector<16xi32>, vector<16xi32>], vector<16xf32>,
        %add3A_3175 = arith.addf %add3A_3168, %gather3A_3174 : vector<16xf32>
        %mul3A_3176 = arith.mulf %gather3A_3174, %gather3A_3174 : vector<16xf32>
        %add3A_3177 = arith.addf %add3A_3170, %mul3A_3176 : vector<16xf32>
        %add3A_3178 = arith.constant 13 : i32
        %add3A_3179 = vector.broadcast %add3A_3178 : i32 to vector<16xi32>
        %add3A_3180 = arith.addi %add3A_47, %add3A_3179 : vector<16xi32>
        %gather3A_3181 = tpu.vector_load_idx %arg9[%add3A_3180, %broadcast_in_dim3A_3091] : memref<3328x16xf32, #tpu.memory_space<vmem>>[vector<16xi32>, vector<16xi32>], vector<16xf32>,
        %add3A_3182 = arith.addf %add3A_3175, %gather3A_3181 : vector<16xf32>
        %mul3A_3183 = arith.mulf %gather3A_3181, %gather3A_3181 : vector<16xf32>
        %add3A_3184 = arith.addf %add3A_3177, %mul3A_3183 : vector<16xf32>
        %add3A_3185 = arith.constant 14 : i32
        %add3A_3186 = vector.broadcast %add3A_3185 : i32 to vector<16xi32>
        %add3A_3187 = arith.addi %add3A_47, %add3A_3186 : vector<16xi32>
        %gather3A_3188 = tpu.vector_load_idx %arg9[%add3A_3187, %broadcast_in_dim3A_3091] : memref<3328x16xf32, #tpu.memory_space<vmem>>[vector<16xi32>, vector<16xi32>], vector<16xf32>,
        %add3A_3189 = arith.addf %add3A_3182, %gather3A_3188 : vector<16xf32>
        %mul3A_3190 = arith.mulf %gather3A_3188, %gather3A_3188 : vector<16xf32>
        %add3A_3191 = arith.addf %add3A_3184, %mul3A_3190 : vector<16xf32>
        %add3A_3192 = arith.constant 15 : i32
        %add3A_3193 = vector.broadcast %add3A_3192 : i32 to vector<16xi32>
        %add3A_3194 = arith.addi %add3A_47, %add3A_3193 : vector<16xi32>
        %gather3A_3195 = tpu.vector_load_idx %arg9[%add3A_3194, %broadcast_in_dim3A_3091] : memref<3328x16xf32, #tpu.memory_space<vmem>>[vector<16xi32>, vector<16xi32>], vector<16xf32>,
        %add3A_3196 = arith.addf %add3A_3189, %gather3A_3195 : vector<16xf32>
        %mul3A_3197 = arith.mulf %gather3A_3195, %gather3A_3195 : vector<16xf32>
        %add3A_3198 = arith.addf %add3A_3191, %mul3A_3197 : vector<16xf32>
        %add3A_3199 = arith.constant 16 : i32
        %add3A_3200 = vector.broadcast %add3A_3199 : i32 to vector<16xi32>
        %add3A_3201 = arith.addi %add3A_47, %add3A_3200 : vector<16xi32>
        %gather3A_3202 = tpu.vector_load_idx %arg9[%add3A_3201, %broadcast_in_dim3A_3091] : memref<3328x16xf32, #tpu.memory_space<vmem>>[vector<16xi32>, vector<16xi32>], vector<16xf32>,
        %add3A_3203 = arith.addf %add3A_3196, %gather3A_3202 : vector<16xf32>
        %mul3A_3204 = arith.mulf %gather3A_3202, %gather3A_3202 : vector<16xf32>
        %add3A_3205 = arith.addf %add3A_3198, %mul3A_3204 : vector<16xf32>
        %add3A_3206 = arith.constant 17 : i32
        %add3A_3207 = vector.broadcast %add3A_3206 : i32 to vector<16xi32>
        %add3A_3208 = arith.addi %add3A_47, %add3A_3207 : vector<16xi32>
        %gather3A_3209 = tpu.vector_load_idx %arg9[%add3A_3208, %broadcast_in_dim3A_3091] : memref<3328x16xf32, #tpu.memory_space<vmem>>[vector<16xi32>, vector<16xi32>], vector<16xf32>,
        %add3A_3210 = arith.addf %add3A_3203, %gather3A_3209 : vector<16xf32>
        %mul3A_3211 = arith.mulf %gather3A_3209, %gather3A_3209 : vector<16xf32>
        %add3A_3212 = arith.addf %add3A_3205, %mul3A_3211 : vector<16xf32>
        %add3A_3213 = arith.constant 18 : i32
        %add3A_3214 = vector.broadcast %add3A_3213 : i32 to vector<16xi32>
        %add3A_3215 = arith.addi %add3A_47, %add3A_3214 : vector<16xi32>
        %gather3A_3216 = tpu.vector_load_idx %arg9[%add3A_3215, %broadcast_in_dim3A_3091] : memref<3328x16xf32, #tpu.memory_space<vmem>>[vector<16xi32>, vector<16xi32>], vector<16xf32>,
        %add3A_3217 = arith.addf %add3A_3210, %gather3A_3216 : vector<16xf32>
        %mul3A_3218 = arith.mulf %gather3A_3216, %gather3A_3216 : vector<16xf32>
        %add3A_3219 = arith.addf %add3A_3212, %mul3A_3218 : vector<16xf32>
        %add3A_3220 = arith.constant 19 : i32
        %add3A_3221 = vector.broadcast %add3A_3220 : i32 to vector<16xi32>
        %add3A_3222 = arith.addi %add3A_47, %add3A_3221 : vector<16xi32>
        %gather3A_3223 = tpu.vector_load_idx %arg9[%add3A_3222, %broadcast_in_dim3A_3091] : memref<3328x16xf32, #tpu.memory_space<vmem>>[vector<16xi32>, vector<16xi32>], vector<16xf32>,
        %add3A_3224 = arith.addf %add3A_3217, %gather3A_3223 : vector<16xf32>
        %mul3A_3225 = arith.mulf %gather3A_3223, %gather3A_3223 : vector<16xf32>
        %add3A_3226 = arith.addf %add3A_3219, %mul3A_3225 : vector<16xf32>
        %add3A_3227 = arith.constant 20 : i32
        %add3A_3228 = vector.broadcast %add3A_3227 : i32 to vector<16xi32>
        %add3A_3229 = arith.addi %add3A_47, %add3A_3228 : vector<16xi32>
        %gather3A_3230 = tpu.vector_load_idx %arg9[%add3A_3229, %broadcast_in_dim3A_3091] : memref<3328x16xf32, #tpu.memory_space<vmem>>[vector<16xi32>, vector<16xi32>], vector<16xf32>,
        %add3A_3231 = arith.addf %add3A_3224, %gather3A_3230 : vector<16xf32>
        %mul3A_3232 = arith.mulf %gather3A_3230, %gather3A_3230 : vector<16xf32>
        %add3A_3233 = arith.addf %add3A_3226, %mul3A_3232 : vector<16xf32>
        %add3A_3234 = arith.constant 21 : i32
        %add3A_3235 = vector.broadcast %add3A_3234 : i32 to vector<16xi32>
        %add3A_3236 = arith.addi %add3A_47, %add3A_3235 : vector<16xi32>
        %gather3A_3237 = tpu.vector_load_idx %arg9[%add3A_3236, %broadcast_in_dim3A_3091] : memref<3328x16xf32, #tpu.memory_space<vmem>>[vector<16xi32>, vector<16xi32>], vector<16xf32>,
        %add3A_3238 = arith.addf %add3A_3231, %gather3A_3237 : vector<16xf32>
        %mul3A_3239 = arith.mulf %gather3A_3237, %gather3A_3237 : vector<16xf32>
        %add3A_3240 = arith.addf %add3A_3233, %mul3A_3239 : vector<16xf32>
        %add3A_3241 = arith.constant 22 : i32
        %add3A_3242 = vector.broadcast %add3A_3241 : i32 to vector<16xi32>
        %add3A_3243 = arith.addi %add3A_47, %add3A_3242 : vector<16xi32>
        %gather3A_3244 = tpu.vector_load_idx %arg9[%add3A_3243, %broadcast_in_dim3A_3091] : memref<3328x16xf32, #tpu.memory_space<vmem>>[vector<16xi32>, vector<16xi32>], vector<16xf32>,
        %add3A_3245 = arith.addf %add3A_3238, %gather3A_3244 : vector<16xf32>
        %mul3A_3246 = arith.mulf %gather3A_3244, %gather3A_3244 : vector<16xf32>
        %add3A_3247 = arith.addf %add3A_3240, %mul3A_3246 : vector<16xf32>
        %add3A_3248 = arith.constant 23 : i32
        %add3A_3249 = vector.broadcast %add3A_3248 : i32 to vector<16xi32>
        %add3A_3250 = arith.addi %add3A_47, %add3A_3249 : vector<16xi32>
        %gather3A_3251 = tpu.vector_load_idx %arg9[%add3A_3250, %broadcast_in_dim3A_3091] : memref<3328x16xf32, #tpu.memory_space<vmem>>[vector<16xi32>, vector<16xi32>], vector<16xf32>,
        %add3A_3252 = arith.addf %add3A_3245, %gather3A_3251 : vector<16xf32>
        %mul3A_3253 = arith.mulf %gather3A_3251, %gather3A_3251 : vector<16xf32>
        %add3A_3254 = arith.addf %add3A_3247, %mul3A_3253 : vector<16xf32>
        %add3A_3255 = arith.constant 24 : i32
        %add3A_3256 = vector.broadcast %add3A_3255 : i32 to vector<16xi32>
        %add3A_3257 = arith.addi %add3A_47, %add3A_3256 : vector<16xi32>
        %gather3A_3258 = tpu.vector_load_idx %arg9[%add3A_3257, %broadcast_in_dim3A_3091] : memref<3328x16xf32, #tpu.memory_space<vmem>>[vector<16xi32>, vector<16xi32>], vector<16xf32>,
        %add3A_3259 = arith.addf %add3A_3252, %gather3A_3258 : vector<16xf32>
        %mul3A_3260 = arith.mulf %gather3A_3258, %gather3A_3258 : vector<16xf32>
        %add3A_3261 = arith.addf %add3A_3254, %mul3A_3260 : vector<16xf32>
        %add3A_3262 = arith.constant 25 : i32
        %add3A_3263 = vector.broadcast %add3A_3262 : i32 to vector<16xi32>
        %add3A_3264 = arith.addi %add3A_47, %add3A_3263 : vector<16xi32>
        %gather3A_3265 = tpu.vector_load_idx %arg9[%add3A_3264, %broadcast_in_dim3A_3091] : memref<3328x16xf32, #tpu.memory_space<vmem>>[vector<16xi32>, vector<16xi32>], vector<16xf32>,
        %add3A_3266 = arith.addf %add3A_3259, %gather3A_3265 : vector<16xf32>
        %mul3A_3267 = arith.mulf %gather3A_3265, %gather3A_3265 : vector<16xf32>
        %add3A_3268 = arith.addf %add3A_3261, %mul3A_3267 : vector<16xf32>
        %mul3A_3269 = arith.mulf %add3A_3266, %add3A_3266 : vector<16xf32>
        %sub3A_3270 = arith.subf %mul3A_3269, %add3A_3268 : vector<16xf32>
        %add3A_3271 = arith.addf %add3A_3089, %sub3A_3270 : vector<16xf32>
        %mul3A_3272 = arith.constant 5.000000e-01 : f32
        %mul3A_3273 = vector.broadcast %mul3A_3272 : f32 to vector<16xf32>
        %mul3A_3274 = arith.mulf %mul3A_3273, %add3A_3271 : vector<16xf32>
        %add3A_3275 = arith.addf %mul3A_3274, %add3A_358 : vector<16xf32>
        %mul3A_3276 = arith.constant 16 : i32
        %mul3A_3277 = arith.muli %scan3A_40, %mul3A_3276 : i32
        %swap3A = arith.index_cast %mul3A_3277 : i32 to index
        %swap3A_3278 = tpu.vector_load %arg11[%swap3A] {strides = array<i32>} : memref<128xf32, #tpu.memory_space<vmem>>, vector<16xf32>,
        tpu.vector_store %arg11[%swap3A], %add3A_3275 {strides = array<i32>} : memref<128xf32, #tpu.memory_space<vmem>>, vector<16xf32>,
      }
      %scan3A_39 = arith.constant 8 : i32
      "tpu.region"() ({
        %run_scoped3A = tpu.sem_alloc : memref<!tpu.dma_semaphore, #tpu.memory_space<semaphore_mem>>
        %dma_start3A_40 = tpu.memref_slice %arg5[%add3A_19] : memref<16384xf32, #tpu.memory_space<hbm>> -> memref<128xf32, #tpu.memory_space<hbm>>
        %dma_start3A_41 = tpu.memref_slice %arg5[%add3A_19] : memref<16384xf32, #tpu.memory_space<hbm>> -> memref<128xf32, #tpu.memory_space<hbm>>
        tpu.enqueue_dma source(%arg11 : memref<128xf32, #tpu.memory_space<vmem>>) target(%dma_start3A_41 : memref<128xf32, #tpu.memory_space<hbm>>) target_semaphore(%run_scoped3A : memref<!tpu.dma_semaphore, #tpu.memory_space<semaphore_mem>>)
        %dma_wait3A_42 = tpu.memref_slice %arg5[%add3A_19] : memref<16384xf32, #tpu.memory_space<hbm>> -> memref<128xf32, #tpu.memory_space<hbm>>
        %dma_wait3A_43 = tpu.memref_slice %arg5[%add3A_19] : memref<16384xf32, #tpu.memory_space<hbm>> -> memref<128xf32, #tpu.memory_space<hbm>>
        tpu.wait_dma2 semaphore(%run_scoped3A : memref<!tpu.dma_semaphore, #tpu.memory_space<semaphore_mem>>) src(%arg11 : memref<128xf32, #tpu.memory_space<vmem>>) dst(%dma_wait3A_43 : memref<128xf32, #tpu.memory_space<hbm>>)
        tpu.yield
      }) : () -> ()
    }
    %scan3A_13 = arith.constant 4 : i32
    return
  }
}

</mosaic_0001>

<sc_bundles>
// kernel: _fm.3.cloned.1.call-start
scs
__scs_entry_jumppad:
0x0: {  	(pc) =	sbr.rel $0x88, $3  }
0x1: {  	(tag) =	ssettag $0x0;
	lr =	simm.s32 $0x1  }
0x2: {  	[smem:$0x3F9E] =	sst lr;
	_ =	strace $0xD0000000  }
0x3: {  	_ = 	snop  }
0x4: {  	_ = 	snop  }
0x5: {  	_ = 	snop  }
0x6: {  	_ = 	snop  }
0x7: {  	_ = 	snop  }
__scs_overlays_trampoline_lowered:
0x8: {  	[smem:$0x3FAD] =	sst s0  }
0x9: {  	[smem:$0x3FAE] =	sst s1  }
0xa: {  	[smem:$0x3FAF] =	sst s2  }
0xb: {  	[smem:$0x3FB0] =	sst s3  }
0xc: {  	[smem:$0x3FB1] =	sst s4  }
0xd: {  	[smem:$0x3FB2] =	sst s5  }
0xe: {  	[smem:$0x3FB3] =	sst s6  }
0xf: {  	[smem:$0x3FB4] =	sst s7  }
0x10: {  	[smem:$0x3FB5] =	sst s8  }
0x11: {  	[smem:$0x3FB6] =	sst s9;
	s0 =	simm.s32 @!p0 $0x0  }
0x12: {  	s1 =	sld [smem:$0x3F9C];
	s0 =	simm.s32 @p0 $0x1  }
0x13: {  	[smem:$0x3FB7] =	sst s0;
	s0 =	simm.s32 @!p1 $0x0  }
0x14: {  	s2 =	sld [smem:$0x3F9B];
	s0 =	simm.s32 @p1 $0x1  }
0x15: {  	[smem:$0x3FB8] =	sst s0;
	s0 =	simm.s32 @!p2 $0x0  }
0x16: {  	s3 =	sld [smem:$0x3FDB];
	s0 =	simm.s32 @p2 $0x1  }
0x17: {  	s4 =	simm.s32 $0x1BF5;
	[smem:$0x3FBA] =	sst s0  }
0x18: {  	s0 =	sld [smem:$0x3F9D];
	_ =	swait.ge [sflag:s4], $0x0  }
0x19: {  	s7 =	sld [smem:$0x3F9E]  }
0x1a: {  	s8 =	sadd.s32 $0xFFFFE003, lr  }
0x1b: {  	s9 =	sadd.s32 $0xFFFFFEF7, lr;
	s5 =	simm.s32 $0xFFFFFFFF;
	p2 =	slt.u32 s8, $0xFFFFF086  }
0x1c: {  	p1 =	slt.u32 s9, $0xF7A;
	s5 =	simm.s32 @!p2 $0x0  }
0x1d: {  	s5 =	simm.s32 @p1 $0x1;
	p0 =	seq.s32 s7, s2  }
0x1e: {  	s7 =	smul.u32 @!p0 $0xF7A, s2;
	p2 =	seq.s32 @!p0 s5, $0x0  }
0x1f: {  	s9 =	smul.u32 $0xF7A, s1;
	s8 =	simm.s32 @!p0 $0x1BF5;
	p2 =	por !p2, p0  }
0x20: {  	[sflag:s8] =	ssyncset.s32 @!p0 $0xFFFFF086;
	s6 =	sadd.s32 @!p0 s3, s7;
	s7 =	simm.s32 @!p0 $0x108  }
0x21: {  	s3 =	sadd.s32 s3, s9;
	s6 =	sadd.s32 @!p0 $0x88, s6;
	s7 =	simm.s32 @p2 $0x1082  }
0x22: {  	[simem:s7], [sflag:s8] =	dma.local @!p0 [hbm:s6], $0xF7A  }
0x23: {  	s9 =	sor.u32 $0xD0000000, s2;
	s6 =	simm.s32 $0x108;
	_ =	swait.ge @!p0 [sflag:s8], $0x0  }
0x24: {  	s3 =	sadd.s32 $0x88, s3;
	s6 =	simm.s32 @!p1 $0x1082;
	[sflag:s4] =	ssyncset.s32 $0xFFFFF086  }
0x25: {  	[simem:s6], [sflag:s4] =	dma.local [hbm:s3], $0xF7A  }
0x26: {  	[smem:$0x3F9E] =	sst s1;
	(tag) =	ssettag s2;
	_ =	strace s9  }
0x27: {  	s1 =	sld [smem:$0x3FAE]  }
0x28: {  	s2 =	sld [smem:$0x3FAF]  }
0x29: {  	s4 =	sld [smem:$0x3FB1]  }
0x2a: {  	p0 =	seq.s32 s5, $0x0;
	s5 =	sld [smem:$0x3FB2]  }
0x2b: {  	s6 =	sld [smem:$0x3FB3]  }
0x2c: {  	s7 =	sld [smem:$0x3FB4]  }
0x2d: {  	s3 =	simm.s32 $0x108;
	s8 =	sld [smem:$0x3FB5]  }
0x2e: {  	s3 =	simm.s32 @!p0 $0x1082;
	s9 =	sld [smem:$0x3FB6]  }
0x2f: {  	lr =	sadd.s32 s0, s3;
	s0 =	sld [smem:$0x3FAD]  }
0x30: {  	s3 =	sld [smem:$0x3FB0]  }
0x31: {  	[smem:$0x3FB9] =	sst s10  }
0x32: {  	s10 =	sld [smem:$0x3FB7];
	_ =	sdelay $0x3  }
0x33: {  	p0 =	seq.s32 s10, $0x1;
	s10 =	sld [smem:$0x3FB9];
	_ =	sdelay $0x3  }
0x34: {  	[smem:$0x3FB9] =	sst s10  }
0x35: {  	s10 =	sld [smem:$0x3FB8];
	_ =	sdelay $0x3  }
0x36: {  	p1 =	seq.s32 s10, $0x1;
	s10 =	sld [smem:$0x3FB9];
	_ =	sdelay $0x3  }
0x37: {  	[smem:$0x3FB9] =	sst s10  }
0x38: {  	s10 =	sld [smem:$0x3FBA]  }
0x39: {  	_ = 	snop;
	(pc) =	sbr.ind lr, $3  }
0x3a: {  	_ = 	snop  }
0x3b: {  	_ = 	snop  }
0x3c: {  	p2 =	seq.s32 s10, $0x1;
	s10 =	sld [smem:$0x3FB9]  }
0x3d: {  	_ =	shalt  }
0x3e: {  	_ =	shalt  }
0x3f: {  	_ =	shalt  }
0x40: {  	_ =	shalt  }
0x41: {  	_ =	shalt  }
0x42: {  	_ =	shalt  }
0x43: {  	_ =	shalt  }
0x44: {  	_ =	shalt  }
0x45: {  	_ =	shalt  }
0x46: {  	_ =	shalt  }
0x47: {  	_ =	shalt  }
0x48: {  	_ =	shalt  }
0x49: {  	_ =	shalt  }
0x4a: {  	_ =	shalt  }
0x4b: {  	_ =	shalt  }
0x4c: {  	_ =	shalt  }
0x4d: {  	_ =	shalt  }
0x4e: {  	_ =	shalt  }
0x4f: {  	_ =	shalt  }
0x50: {  	_ =	shalt  }
0x51: {  	_ =	shalt  }
0x52: {  	_ =	shalt  }
0x53: {  	_ =	shalt  }
0x54: {  	_ =	shalt  }
0x55: {  	_ =	shalt  }
0x56: {  	_ =	shalt  }
0x57: {  	_ =	shalt  }
0x58: {  	_ =	shalt  }
0x59: {  	_ =	shalt  }
0x5a: {  	_ =	shalt  }
0x5b: {  	_ =	shalt  }
0x5c: {  	_ =	shalt  }
0x5d: {  	_ =	shalt  }
0x5e: {  	_ =	shalt  }
0x5f: {  	_ =	shalt  }
0x60: {  	_ =	shalt  }
0x61: {  	_ =	shalt  }
0x62: {  	_ =	shalt  }
0x63: {  	_ =	shalt  }
0x64: {  	_ =	shalt  }
0x65: {  	_ =	shalt  }
0x66: {  	_ =	shalt  }
0x67: {  	_ =	shalt  }
0x68: {  	_ =	shalt  }
0x69: {  	_ =	shalt  }
0x6a: {  	_ =	shalt  }
0x6b: {  	_ =	shalt  }
0x6c: {  	_ =	shalt  }
0x6d: {  	_ =	shalt  }
0x6e: {  	_ =	shalt  }
0x6f: {  	_ =	shalt  }
0x70: {  	_ =	shalt  }
0x71: {  	_ =	shalt  }
0x72: {  	_ =	shalt  }
0x73: {  	_ =	shalt  }
0x74: {  	_ =	shalt  }
0x75: {  	_ =	shalt  }
0x76: {  	_ =	shalt  }
0x77: {  	_ =	shalt  }
0x78: {  	_ =	shalt  }
0x79: {  	_ =	shalt  }
0x7a: {  	_ =	shalt  }
0x7b: {  	_ =	shalt  }
0x7c: {  	_ =	shalt  }
0x7d: {  	_ =	shalt  }
0x7e: {  	_ =	shalt  }
0x7f: {  	_ =	shalt  }
0x80: {  	_ =	shalt  }
0x81: {  	_ =	shalt  }
0x82: {  	_ =	shalt  }
0x83: {  	_ =	shalt  }
0x84: {  	_ =	shalt  }
0x85: {  	_ =	shalt  }
0x86: {  	_ =	shalt  }
0x87: {  	_ =	shalt  }
.Lfunc_end0:
.L_simem_size_0:
called_computation_lowered:
.L_overlay_start_0:
0x88: {  	s2 =	sld [smem:$0x3FD9]  }
0x89: {  	s3 =	sld [smem:$0x3FFE];
	_ =	sdelay $0x1  }
0x8a: {  	s1 =	srdreg.scid  }
0x8b: {  	s0 =	sand.u32 $0x1, s1  }
0x8c: {  	s17 =	sshll.u32 s0, $0xA;
	s2 =	sadd.s32 s3, s2  }
0x8d: {  	s2 =	sadd.s32 s2, s17  }
0x8e: {  	[smem:$0x3FC5] =	sst s2  }
0x8f: {  	_ = 	snop  }
0x90: {  	s2 =	sld [smem:$0x3FD0];
	(tm) =	ssettm $0x1  }
0x91: {  	s18 =	sld [smem:$0x3FFB];
	_ =	sdelay $0x3  }
0x92: {  	_ =	strace s18  }
0x93: {  	s3 =	sld [smem:$0x3FFC];
	_ =	sdelay $0x3  }
0x94: {  	_ =	strace s3  }
0x95: {  	s3 =	sld [smem:$0x3FFD];
	_ =	sdelay $0x3  }
0x96: {  	_ =	strace s3  }
0x97: {  	_ =	strace $0x8FFFFFFF  }
0x98: {  	s19 =	sld [smem:$0x3FDB];
	_ =	sdelay $0x1  }
0x99: {  	s4 =	simm.s32 $_scs_section_size  }
0x9a: {  	s5 =	simm.s32 $_size__tile_overlayer_lowered;
	s6 =	simm.s32 $_tile_overlayer_lowered  }
0x9b: {  	s22 =	simm.s32 $0x1BFF;
	s21 =	sshll.u32 s6, $0x1;
	s3 =	sadd.s32 s4, s19  }
0x9c: {  	s7 =	simm.s32 $0x0;
	s20 =	sshll.u32 s5, $0x1;
	s5 =	sadd.s32 s21, s3  }
0x9d: {  	[timem:s7], [sflag:s22] =	dma.local [hbm:s5], s20  }
0x9e: {  	_ =	swait.ge [sflag:s22], s20  }
0x9f: {  	s4 =	ssub.s32 $0x0, s20;
	[sflag:s22] =	ssyncset.done $0x0  }
0xa0: {  	[sflag:s22] =	ssyncadd.s32 s4;
	_ =	sdelay $0x1  }
0xa1: {  	s23 =	simm.s32 $0x1B8B  }
0xa2: {  	_ =	swait.ge [sflag:s23], $0x1  }
0xa3: {  	[sflag:s23] =	ssyncset.done $0x0  }
0xa4: {  	s25 =	simm.s32 $0x1B8E;
	s24 =	sld [smem:$0x3FFE];
	[sflag:s23] =	ssyncadd.s32 $0xFFFFFFFF  }
0xa5: {  	s26 =	simm.s32 $execute0_lowered;
	[smem:$0x3FD2] =	sst s25  }
0xa6: {  	s5 =	sshll.u32 s26, $0x1;
	_ =	strace $0x80000046;
	[dreg:$0x1] =	wrdreg $0xFFFFFFFF  }
0xa7: {  	s28 =	simm.s32 $_size_execute0_lowered;
	s3 =	sadd.s32 s3, s5;
	[dreg:$0x0] =	wrdreg $0x0  }
0xa8: {  	s5 =	sshll.u32 s28, $0x1;
	[dreg:$0x2] =	wrdreg s3  }
0xa9: {  	[dreg:$0x3] =	wrdreg s5  }
0xaa: {  	[dreg:$0x4] =	wrdreg $0xC0  }
0xab: {  	_ =	task [dreg:s7], $0x5FFFF  }
0xac: {  	[dreg:$0x1] =	wrdreg $0xFFFFFFFF  }
0xad: {  	[dreg:$0x0] =	wrdreg $0x60  }
0xae: {  	[dreg:$0x2] =	wrdreg s24  }
0xaf: {  	[dreg:$0x3] =	wrdreg s2  }
0xb0: {  	[dreg:$0x4] =	wrdreg $0x9  }
0xb1: {  	_ =	task.clear_ibuf [dreg:s7], $0x5FFFF;
	_ =	strace $0x90000046  }
0xb2: {  	s29 =	simm.s32 $0x9;
	_ =	strace $0x80000048  }
0xb3: {  	_ =	swait.ge [sflag:s29], $0x1  }
0xb4: {  	[sflag:s29] =	ssyncadd.s32 $0xFFFFFFFF  }
0xb5: {  	_ =	strace $0x90000048  }
0xb6: {  	_ =	sfence  }
0xb7: {  	s30 =	sld [smem:$0x0];
	_ =	sdelay $0x2  }
0xb8: {  	s31 =	sshll.u32 s1, $0xD;
	s1 =	sshrl.u32 s1, $0x2  }
0xb9: {  	s3 =	sand.u32 $0x4000, s31;
	s1 =	sadd.s32 s1, s30  }
0xba: {  	s0 =	sor.u32 s3, s0;
	s1 =	sshll.u32 s1, $0x11  }
0xbb: {  	s0 =	sor.u32 s1, s0  }
0xbc: {  	s0 =	sadd.s32 $0x8F2B, s0  }
0xbd: {  	[sflag:s0] =	ssyncadd.remote.s32 $0x1  }
0xbe: {  	_ =	sfence.sel $0xFFFF  }
0xbf: {  	[dreg:$0x0] =	wrdreg $0xFFFFFFFF;
	(pc) =	sbr.abs _section_cstart, $3  }
0xc0: {  	[dreg:$0x1] =	wrdreg $0xFFFFFFFF  }
0xc1: {  	_ =	task.clear_ibuf [dreg:s7], $0x2FFFF;
	_ =	strace $0x9FFFFFFF  }
0xc2: {  	(tm) =	ssettm $0x7FFFFFFF  }
0xc3: {  	_ =	shalt  }
tec
execute0_lowered:
.L_overlay_start_1:
0x0: {  	(tag) =	ssettag $0x1  }
0x1: {  	v1 =	vlaneseq.u32;
	s5 =	rddreg [dreg:$0x0]  }
0x2: {  	s1 =	rddreg [dreg:$0x1];
	s2 =	simm.s32 $0x0;
	v6 =	vmul.u32 $0x1A, v1  }
0x3: {  	[smem:$0x7FF] =	sst s2  }
0x4: {  	s0 =	rddreg [dreg:$0x2];
	_ =	strace $0x80000047;
	v12 =	vadd.s32 $0x3, v6;
	[tilespmem:$0x1FF10] =	vst v6  }
0x5: {  	v18 =	vadd.s32 $0x4, v6;
	[tilespmem:$0x1FF20] =	vst v12  }
0x6: {  	v20 =	vadd.s32 $0x5, v6;
	[tilespmem:$0x1FF30] =	vst v18  }
0x7: {  	v21 =	vadd.s32 $0x6, v6;
	[tilespmem:$0x1FF40] =	vst v20  }
0x8: {  	v14 =	vadd.s32 $0x7, v6;
	[tilespmem:$0x1FF50] =	vst v21  }
0x9: {  	v16 =	vadd.s32 $0x8, v6;
	[tilespmem:$0x1FF60] =	vst v14  }
0xa: {  	v19 =	vadd.s32 $0x9, v6;
	[tilespmem:$0x1FF70] =	vst v16  }
0xb: {  	v4 =	vimm.s32 $0x1070503;
	v25 =	vadd.s32 $0xA, v6;
	[tilespmem:$0x1FF80] =	vst v19  }
0xc: {  	v2 =	vand.u32 $0x3, v1;
	v0 =	vmul.u32 $0x186A0, v1;
	v26 =	vadd.s32 $0xC, v6;
	[tilespmem:$0x1FF90] =	vst v25  }
0xd: {  	v1 =	vimm.s32 $0x60402;
	v9 =	vunpack.c.0.s8.s32 v4;
	v22 =	vadd.s32 $0xB, v6;
	[tilespmem:$0x1FFA0] =	vst v26  }
0xe: {  	v4 =	vimm.s32 $0x3010705;
	v2 =	vmul.u32 $0x2, v2;
	v23 =	vadd.s32 $0xD, v6;
	[tilespmem:$0x1FFB0] =	vst v22  }
0xf: {  	s10 =	simm.s32 $0xD00;
	s11 =	simm.s32 $0x1000;
	v7 =	vunpack.c.0.s8.s32 v1;
	v1 =	vimm.s32 $0x2000604;
	v33 =	vadd.s32 $0xF, v6;
	[tilespmem:$0x1FFC0] =	vst v23  }
0x10: {  	s3 =	srdreg.scid;
	s12 =	simm.s32 $0x2A00;
	s13 =	simm.s32 $0x1D00;
	v13 =	vunpack.c.0.s8.s32 v4;
	v4 =	vimm.s32 $0x5030107;
	v24 =	vadd.s32 $0xE, v6;
	[tilespmem:$0x1FFD0] =	vst v33  }
0x11: {  	s14 =	simm.s32 $0xFA00;
	s15 =	simm.s32 $0x1;
	s16 =	simm.s32 $0x2;
	v11 =	vunpack.c.0.s8.s32 v1;
	v1 =	vimm.s32 $0x4020006;
	v34 =	vadd.s32 $0x10, v6;
	[tilespmem:$0x1FFE0] =	vst v24  }
0x12: {  	s17 =	simm.s32 $0x1CA00;
	s18 =	simm.s32 $0x0;
	s7 =	sand.u32 $0x1, s3;
	v3 =	vadd.s32 $0xF4240, v0;
	v15 =	vunpack.c.0.s8.s32 v1;
	v1 =	vadd.s32 $0x16, v6;
	[tilespmem:$0x1FFF0] =	vst v34  }
0x13: {  	s3 =	sadd.s32 $0x800, s5;
	s4 =	sadd.s32 $0x27ACC00, s5;
	s8 =	ssub.s32 $0x2, s7;
	v31 =	vor.u32 $0x1, v6;
	v32 =	vadd.s32 $0x2, v6;
	[tilespmem:$0x1FED0] =	vst v1;
	v1 =	vadd.s32 $0x17, v6  }
0x14: {  	s6 =	sadd.s32 $0x27B600, s5;
	s5 =	stileid.u32;
	v17 =	vunpack.c.0.s8.s32 v4;
	s9 =	sshrl.u32 s8, $0x1;
	v27 =	vadd.s32 $0x11, v6;
	[tilespmem:$0x1FEE0] =	vst v1;
	v1 =	vadd.s32 $0x18, v6  }
0x15: {  	s31 =	sshll.u32 s5, $0xA;
	s7 =	sshll.u32 s7, $0x9;
	v28 =	vadd.s32 $0x12, v6;
	v29 =	vadd.s32 $0x13, v6;
	s8 =	ssub.s32 s8, s9;
	[tilespmem:$0x1FEF0] =	vst v1;
	v1 =	vadd.s32 $0x19, v6  }
0x16: {  	s7 =	sor.u32 s7, s31;
	v35 =	vadd.s32 $0x14, v6;
	v30 =	vadd.s32 $0x15, v6;
	v5 =	vor.u32 $0x1, v2;
	s9 =	simm.s32 $0x3;
	s8 =	smax.u32 s8, $0x1;
	[tilespmem:$0x1FF00] =	vst v1  }
.LBB2_1:
0x17: {  	s19 =	simm.s32 $0x0  }
.LBB2_2:
0x18: {  	s20 =	sshll.u32 s19, $0x7  }
0x19: {  	s20 =	sadd.s32 s7, s20  }
0x1a: {  	s21 =	sshll.u32 s20, $0x2  }
0x1b: {  	s22 =	sadd.s32 s3, s21;
	s21 =	simm.s32 $0x0  }
0x1c: {  	[tilespmem:s21], [sflag:$0x3] =	stream.linear.gather [hbm4b:s22+s21], $0x1000, $0x38;
	[tilespmem:$0x1CA80] =	vst v63  }
0x1d: {  	_ =	swait.ge [sflag:s9], $0x1000  }
0x1e: {  	[sflag:s9] =	ssyncset.done $0x0  }
0x1f: {  	[sflag:s9] =	ssyncadd.s32 $0xFFFFF000  }
0x20: {  	v4 =	vld [tilespmem:s21+$0x0]  }
0x21: {  	s23 =	simm.s32 $0x90;
	s22 =	simm.s32 $0x28;
	v1 =	vld [tilespmem:s21+$0xA]  }
.LBB2_3:
0x22: {  	p0 =	sne.s32 s23, $0x33C0;
	_ =	sdelay $0x2  }
0x23: {  	s24 =	sshra.s32 s22, $0x2;
	s22 =	smov.u32 s23;
	v4 =	vadd.s32 v0, v4  }
0x24: {  	v1 =	vadd.s32 v3, v1;
	[tilespmem:s24+$0xFF6] =	vst v4;
	v4 =	vshra.s32 v4, $0x4  }
.Ltmp0:
0x25: {  	[tilespmem:s24+$0x1CF6] =	vst v4;
	v4 =	vshra.s32 v1, $0x4;
	(pc) =	sbr.rel @p0 .LBB2_3-.Ltmp0, $4  }
0x26: {  	[tilespmem:s24+$0x1D00] =	vst v4  }
0x27: {  	s21 =	sadd.s32 $0x20, s21;
	[tilespmem:s24+$0x1000] =	vst v1  }
0x28: {  	v4 =	vld [tilespmem:s21+$0x0]  }
0x29: {  	s23 =	sadd.s32 $0x68, s23;
	v1 =	vld [tilespmem:s21+$0xA]  }
0x2a: {  	_ =	sdelay $0x2  }
0x2b: {  	s21 =	sshra.s32 s22, $0x2;
	v4 =	vadd.s32 v0, v4  }
0x2c: {  	[tilespmem:s21+$0xFF6] =	vst v4;
	v4 =	vshra.s32 v4, $0x4  }
0x2d: {  	v1 =	vadd.s32 v3, v1;
	[tilespmem:s21+$0x1CF6] =	vst v4  }
0x2e: {  	v4 =	vshra.s32 v1, $0x4;
	[tilespmem:s21+$0x1000] =	vst v1  }
0x2f: {  	[tilespmem:s21+$0x1D00] =	vst v4  }
0x30: {  	[tilespmem:s12], [sflag:$0x1] =	stream.indirect.gather [hbm4b:s4+s10], $0x10, s11, s10, $0xb8;
	[tilespmem:$0x1CA80] =	vst v63  }
0x31: {  	_ = 	snop  }
0x32: {  	[tilespmem:s14], [sflag:$0x2] =	stream.indirect.gather [hbm4b:s6+s10], $0x10, s13, s10, $0xb8;
	[tilespmem:$0x1CA80] =	vst v63  }
0x33: {  	_ =	swait.ge [sflag:s15], $0xD000  }
0x34: {  	[sflag:s15] =	ssyncset.done $0x0  }
0x35: {  	[sflag:s15] =	ssyncadd.s32 $0xFFFF3000  }
0x36: {  	_ =	swait.ge [sflag:s16], $0xD000  }
0x37: {  	[sflag:s16] =	ssyncset.done $0x0  }
0x38: {  	s22 =	simm.s32 $0x1CA00;
	s21 =	simm.s32 $0x0;
	[sflag:s16] =	ssyncadd.s32 $0xFFFF3000  }
.LBB2_5:
0x39: {  	_ =	sdelay $0x3  }
0x3a: {  	v1 =	vadd.s32 s21, v6  }
0x3b: {  	v4 =	vand.u32 $0x1FF8, v1  }
0x3c: {  	v6 =	vadd.s32 s21, v31;
	v4 =	vor.u32 v2, v4  }
0x3d: {  	v8 =	vand.u32 $0x1FF8, v6  }
0x3e: {  	v10 =	vadd.s32 s21, v32;
	v8 =	vor.u32 v5, v8  }
0x3f: {  	v36 =	vand.u32 $0x1FF8, v10  }
0x40: {  	v36 =	vor.u32 v7, v36;
	v40 =	vadd.s32 s21, v12  }
0x41: {  	v37 =	vand.u32 $0x1FF8, v40;
	v4 =	vld.idx.msk [tilespmem:v4+s11+$0x0], $0xffff  }
0x42: {  	v37 =	vor.u32 v9, v37  }
0x43: {  	v8 =	vld.idx.msk [tilespmem:v8+s11+$0x0], $0xffff;
	_ =	sdelay $0x1  }
0x44: {  	v36 =	vld.idx.msk [tilespmem:v36+s11+$0x0], $0xffff  }
0x45: {  	v38 =	vshll.u32 v1, $0x4;
	v1 =	vand.u32 $0xF, v4  }
0x46: {  	v4 =	vld.idx.msk [tilespmem:v37+s11+$0x0], $0xffff;
	v1 =	vor.u32 v38, v1  }
0x47: {  	v39 =	vshll.u32 v6, $0x4;
	v6 =	vand.u32 $0xF, v8  }
0x48: {  	v6 =	vor.u32 v39, v6  }
0x49: {  	v37 =	vshll.u32 v10, $0x4;
	v8 =	vand.u32 $0xF, v36  }
0x4a: {  	v8 =	vor.u32 v37, v8  }
0x4b: {  	v36 =	vshll.u32 v40, $0x4;
	v10 =	vadd.s32 s21, v18;
	v4 =	vand.u32 $0xF, v4;
	v1 =	vld.idx.msk [tilespmem:v1+s14+$0x0], $0xffff  }
0x4c: {  	v55 =	vand.u32 $0x1FF8, v10;
	v4 =	vor.u32 v36, v4  }
0x4d: {  	v41 =	vadd.s32 s21, v20;
	v40 =	vor.u32 v11, v55;
	v6 =	vld.idx.msk [tilespmem:v6+s14+$0x0], $0xffff  }
0x4e: {  	v42 =	vand.u32 $0x1FF8, v41  }
0x4f: {  	v43 =	vadd.s32 s21, v21;
	v42 =	vor.u32 v13, v42;
	v8 =	vld.idx.msk [tilespmem:v8+s14+$0x0], $0xffff  }
0x50: {  	v44 =	vand.u32 $0x1FF8, v43;
	v1 =	vadd.f32 $0.0e+00, v1  }
0x51: {  	v45 =	vadd.s32 s21, v14;
	v44 =	vor.u32 v15, v44;
	v4 =	vld.idx.msk [tilespmem:v4+s14+$0x0], $0xffff  }
0x52: {  	v56 =	vand.u32 $0x1FF8, v45;
	v1 =	vadd.f32 v6, v1;
	v6 =	vld.idx.msk [tilespmem:v40+s11+$0x0], $0xffff  }
0x53: {  	v46 =	vadd.s32 s21, v16;
	v40 =	vor.u32 v17, v56  }
0x54: {  	v57 =	vand.u32 $0x1FF8, v46;
	v1 =	vadd.f32 v8, v1;
	v8 =	vld.idx.msk [tilespmem:v42+s11+$0x0], $0xffff  }
0x55: {  	v47 =	vadd.s32 s21, v19;
	v42 =	vor.u32 v2, v57  }
0x56: {  	v49 =	vshll.u32 v10, $0x4;
	v10 =	vand.u32 $0x1FF8, v47;
	v1 =	vadd.f32 v4, v1;
	v4 =	vld.idx.msk [tilespmem:v44+s11+$0x0], $0xffff  }
0x57: {  	v48 =	vadd.s32 s21, v25;
	v10 =	vor.u32 v5, v10;
	v6 =	vand.u32 $0xF, v6  }
0x58: {  	v51 =	vadd.s32 s21, v22;
	v58 =	vand.u32 $0x1FF8, v48;
	v40 =	vld.idx.msk [tilespmem:v40+s11+$0x0], $0xffff;
	v6 =	vor.u32 v49, v6  }
0x59: {  	v50 =	vshll.u32 v41, $0x4;
	v41 =	vor.u32 v7, v58;
	v8 =	vand.u32 $0xF, v8  }
0x5a: {  	v53 =	vadd.s32 s21, v26;
	v59 =	vand.u32 $0x1FF8, v51;
	v42 =	vld.idx.msk [tilespmem:v42+s11+$0x0], $0xffff;
	v8 =	vor.u32 v50, v8  }
0x5b: {  	v43 =	vshll.u32 v43, $0x4;
	v52 =	vor.u32 v9, v59;
	v4 =	vand.u32 $0xF, v4  }
0x5c: {  	v54 =	vadd.s32 s21, v23;
	v60 =	vand.u32 $0x1FF8, v53;
	v10 =	vld.idx.msk [tilespmem:v10+s11+$0x0], $0xffff;
	v4 =	vor.u32 v43, v4  }
0x5d: {  	v44 =	vshll.u32 v45, $0x4;
	v45 =	vor.u32 v11, v60;
	v40 =	vand.u32 $0xF, v40;
	v6 =	vld.idx.msk [tilespmem:v6+s14+$0x0], $0xffff  }
0x5e: {  	v46 =	vshll.u32 v46, $0x4;
	v41 =	vld.idx.msk [tilespmem:v41+s11+$0x0], $0xffff;
	v55 =	vand.u32 $0x1FF8, v54;
	v40 =	vor.u32 v44, v40  }
0x5f: {  	v55 =	vor.u32 v13, v55;
	v56 =	vadd.s32 s21, v24;
	v42 =	vand.u32 $0xF, v42;
	v8 =	vld.idx.msk [tilespmem:v8+s14+$0x0], $0xffff  }
0x60: {  	v58 =	vadd.s32 s21, v33;
	v61 =	vld.idx.msk [tilespmem:v52+s11+$0x0], $0xffff;
	v62 =	vand.u32 $0x1FF8, v56;
	v57 =	vor.u32 v46, v42  }
0x61: {  	v10 =	vand.u32 $0xF, v10;
	v52 =	vor.u32 v15, v62;
	v42 =	vshll.u32 v47, $0x4;
	v4 =	vld.idx.msk [tilespmem:v4+s14+$0x0], $0xffff  }
0x62: {  	v63 =	vand.u32 $0x1FF8, v58;
	v1 =	vadd.f32 v6, v1;
	v6 =	vor.u32 v42, v10;
	v10 =	vld.idx.msk [tilespmem:v45+s11+$0x0], $0xffff  }
0x63: {  	v48 =	vshll.u32 v48, $0x4;
	v41 =	vand.u32 $0xF, v41;
	v40 =	vld.idx.msk [tilespmem:v40+s14+$0x0], $0xffff;
	v45 =	vor.u32 v17, v63  }
0x64: {  	v33 =	vld.idx.msk [tilespmem:v55+s11+$0x0], $0xffff;
	v1 =	vadd.f32 v8, v1;
	v8 =	vor.u32 v48, v41  }
0x65: {  	v51 =	vshll.u32 v51, $0x4;
	v47 =	vand.u32 $0xF, v61;
	v59 =	vld.idx.msk [tilespmem:v57+s14+$0x0], $0xffff  }
0x66: {  	v52 =	vld.idx.msk [tilespmem:v52+s11+$0x0], $0xffff;
	v1 =	vadd.f32 v4, v1;
	v4 =	vor.u32 v51, v47  }
0x67: {  	v47 =	vshll.u32 v53, $0x4;
	v6 =	vld.idx.msk [tilespmem:v6+s14+$0x0], $0xffff;
	v10 =	vand.u32 $0xF, v10  }
0x68: {  	v60 =	vld.idx.msk [tilespmem:v45+s11+$0x0], $0xffff;
	v1 =	vadd.f32 v40, v1;
	v10 =	vor.u32 v47, v10  }
0x69: {  	v61 =	vand.u32 $0xF, v33;
	v45 =	vshll.u32 v54, $0x4;
	v8 =	vld.idx.msk [tilespmem:v8+s14+$0x0], $0xffff  }
0x6a: {  	v54 =	vor.u32 v45, v61;
	v1 =	vadd.f32 v59, v1  }
0x6b: {  	v62 =	vand.u32 $0xF, v52;
	v41 =	vshll.u32 v56, $0x4;
	v4 =	vld.idx.msk [tilespmem:v4+s14+$0x0], $0xffff  }
0x6c: {  	v1 =	vadd.f32 v6, v1;
	v6 =	vor.u32 v41, v62  }
0x6d: {  	v40 =	vshll.u32 v58, $0x4;
	v63 =	vand.u32 $0xF, v60;
	v10 =	vld.idx.msk [tilespmem:v10+s14+$0x0], $0xffff  }
0x6e: {  	v1 =	vadd.f32 v8, v1;
	v8 =	vor.u32 v40, v63  }
0x6f: {  	v33 =	vld.idx.msk [tilespmem:v54+s14+$0x0], $0xffff  }
0x70: {  	v1 =	vadd.f32 v4, v1  }
0x71: {  	v4 =	vld.idx.msk [tilespmem:v6+s14+$0x0], $0xffff  }
0x72: {  	v1 =	vadd.f32 v10, v1  }
0x73: {  	v6 =	vld.idx.msk [tilespmem:v8+s14+$0x0], $0xffff  }
0x74: {  	v1 =	vadd.f32 v33, v1  }
0x75: {  	v10 =	vadd.s32 s21, v34;
	v34 =	vld.idx.msk [tilespmem:v39+s12+$0x0], $0xffff  }
0x76: {  	v8 =	vld.idx.msk [tilespmem:v38+s12+$0x0], $0xffff;
	v1 =	vadd.f32 v4, v1;
	v4 =	vand.u32 $0x1FF8, v10  }
0x77: {  	v12 =	vadd.s32 s21, v30;
	v55 =	vld.idx.msk [tilespmem:v37+s12+$0x0], $0xffff;
	v54 =	vadd.s32 s21, v27;
	v4 =	vor.u32 v2, v4  }
0x78: {  	v60 =	vadd.s32 s21, v29;
	v1 =	vadd.f32 v6, v1;
	v6 =	vand.u32 $0x1FF8, v54  }
0x79: {  	v52 =	vshll.u32 v10, $0x4;
	v10 =	vadd.s32 s21, v28;
	v6 =	vor.u32 v5, v6  }
0x7a: {  	v56 =	vld.idx.msk [tilespmem:v36+s12+$0x0], $0xffff;
	v61 =	vand.u32 $0x1FF8, v60;
	v63 =	vand.u32 $0x1FF8, v10;
	v59 =	vmul.f32 v34, v34  }
0x7b: {  	v53 =	vld.idx.msk [tilespmem:v49+s12+$0x0], $0xffff;
	v33 =	vmul.f32 v8, v8;
	v57 =	vor.u32 v7, v63;
	v8 =	vadd.f32 v34, v8  }
0x7c: {  	v62 =	vadd.s32 s21, v35;
	v61 =	vor.u32 v9, v61;
	v34 =	vmul.f32 v55, v55;
	v4 =	vld.idx.msk [tilespmem:v4+s11+$0x0], $0xffff  }
0x7d: {  	v63 =	vand.u32 $0x1FF8, v62;
	v58 =	vadd.f32 v59, v33;
	v8 =	vadd.f32 v55, v8;
	v55 =	vld.idx.msk [tilespmem:v50+s12+$0x0], $0xffff  }
0x7e: {  	v14 =	vand.u32 $0x1FF8, v12;
	v63 =	vor.u32 v11, v63;
	v6 =	vld.idx.msk [tilespmem:v6+s11+$0x0], $0xffff  }
0x7f: {  	v33 =	vmul.f32 v56, v56;
	v58 =	vadd.f32 v34, v58;
	v8 =	vadd.f32 v56, v8;
	v56 =	vld.idx.msk [tilespmem:v43+s12+$0x0], $0xffff  }
0x80: {  	v14 =	vor.u32 v13, v14;
	v57 =	vld.idx.msk [tilespmem:v57+s11+$0x0], $0xffff  }
0x81: {  	v61 =	vld.idx.msk [tilespmem:v61+s11+$0x0], $0xffff;
	v34 =	vmul.f32 v53, v53;
	v58 =	vadd.f32 v33, v58;
	v4 =	vand.u32 $0xF, v4  }
0x82: {  	v54 =	vshll.u32 v54, $0x4;
	v8 =	vadd.f32 v53, v8;
	v53 =	vld.idx.msk [tilespmem:v44+s12+$0x0], $0xffff;
	v4 =	vor.u32 v52, v4  }
0x83: {  	v16 =	vld.idx.msk [tilespmem:v46+s12+$0x0], $0xffff;
	v33 =	vmul.f32 v55, v55;
	v58 =	vadd.f32 v34, v58;
	v6 =	vand.u32 $0xF, v6  }
0x84: {  	v63 =	vld.idx.msk [tilespmem:v63+s11+$0x0], $0xffff;
	v8 =	vadd.f32 v55, v8;
	v55 =	vshll.u32 v10, $0x4;
	v6 =	vor.u32 v54, v6  }
0x85: {  	v14 =	vld.idx.msk [tilespmem:v14+s11+$0x0], $0xffff;
	v34 =	vmul.f32 v56, v56;
	v58 =	vadd.f32 v33, v58;
	v10 =	vand.u32 $0xF, v57  }
0x86: {  	v18 =	vld.idx.msk [tilespmem:v42+s12+$0x0], $0xffff;
	v61 =	vand.u32 $0xF, v61;
	v8 =	vadd.f32 v56, v8;
	v10 =	vor.u32 v55, v10  }
0x87: {  	v56 =	vshll.u32 v60, $0x4;
	v33 =	vadd.f32 v34, v58;
	v34 =	vmul.f32 v53, v53;
	v4 =	vld.idx.msk [tilespmem:v4+s14+$0x0], $0xffff  }
0x88: {  	v57 =	vshll.u32 v62, $0x4;
	v59 =	vor.u32 v56, v61;
	v8 =	vadd.f32 v53, v8;
	v53 =	vld.idx.msk [tilespmem:v48+s12+$0x0], $0xffff  }
0x89: {  	v58 =	vadd.f32 v34, v33;
	v33 =	vmul.f32 v16, v16;
	v34 =	vand.u32 $0xF, v63;
	v6 =	vld.idx.msk [tilespmem:v6+s14+$0x0], $0xffff  }
0x8a: {  	v8 =	vadd.f32 v16, v8;
	v16 =	vor.u32 v57, v34  }
0x8b: {  	v60 =	vadd.f32 v33, v58;
	v10 =	vld.idx.msk [tilespmem:v10+s14+$0x0], $0xffff;
	v58 =	vshll.u32 v12, $0x4;
	v12 =	vand.u32 $0xF, v14  }
0x8c: {  	v34 =	vld.idx.msk [tilespmem:v51+s12+$0x0], $0xffff;
	v33 =	vmul.f32 v18, v18;
	v12 =	vor.u32 v58, v12;
	v1 =	vadd.f32 v4, v1  }
0x8d: {  	v8 =	vadd.f32 v18, v8;
	v59 =	vld.idx.msk [tilespmem:v59+s14+$0x0], $0xffff  }
0x8e: {  	v18 =	vmul.f32 v53, v53;
	v14 =	vadd.f32 v33, v60;
	v33 =	vld.idx.msk [tilespmem:v47+s12+$0x0], $0xffff;
	v1 =	vadd.f32 v6, v1  }
0x8f: {  	v8 =	vadd.f32 v53, v8;
	v16 =	vld.idx.msk [tilespmem:v16+s14+$0x0], $0xffff  }
0x90: {  	v4 =	vadd.f32 v18, v14;
	v14 =	vld.idx.msk [tilespmem:v45+s12+$0x0], $0xffff;
	v1 =	vadd.f32 v10, v1  }
0x91: {  	v8 =	vadd.f32 v34, v8;
	v18 =	vmul.f32 v34, v34;
	v34 =	vor.u32 $0x1, v38;
	v12 =	vld.idx.msk [tilespmem:v12+s14+$0x0], $0xffff  }
0x92: {  	v61 =	vor.u32 $0x1, v39;
	v1 =	vadd.f32 v59, v1  }
0x93: {  	v6 =	vld.idx.msk [tilespmem:v41+s12+$0x0], $0xffff;
	v4 =	vadd.f32 v18, v4;
	v8 =	vadd.f32 v33, v8;
	v18 =	vmul.f32 v33, v33  }
0x94: {  	v33 =	vor.u32 $0x1, v37;
	v10 =	vld.idx.msk [tilespmem:v40+s12+$0x0], $0xffff;
	v1 =	vadd.f32 v16, v1  }
0x95: {  	v4 =	vadd.f32 v18, v4;
	v8 =	vadd.f32 v14, v8;
	v14 =	vmul.f32 v14, v14;
	v18 =	vld.idx.msk [tilespmem:v52+s12+$0x0], $0xffff  }
0x96: {  	v34 =	vld.idx.msk [tilespmem:v34+s12+$0x0], $0xffff;
	v1 =	vadd.f32 v12, v1  }
0x97: {  	v53 =	vor.u32 $0x1, v36;
	v4 =	vadd.f32 v14, v4;
	v14 =	vld.idx.msk [tilespmem:v61+s12+$0x0], $0xffff  }
0x98: {  	v8 =	vadd.f32 v6, v8;
	v6 =	vmul.f32 v6, v6;
	[tilespmem:$0x1FEC0] =	vst v1;
	v1 =	vld [tilespmem:$0x1FED0]  }
0x99: {  	v16 =	vor.u32 $0x1, v49  }
0x9a: {  	v4 =	vadd.f32 v6, v4;
	v6 =	vadd.f32 v10, v8;
	v8 =	vmul.f32 v10, v10;
	v10 =	vld.idx.msk [tilespmem:v33+s12+$0x0], $0xffff  }
0x9b: {  	v12 =	vor.u32 $0x1, v50  }
0x9c: {  	v4 =	vadd.f32 v8, v4;
	v6 =	vadd.f32 v18, v6;
	v8 =	vmul.f32 v18, v18;
	v18 =	vld.idx.msk [tilespmem:v53+s12+$0x0], $0xffff  }
0x9d: {  	v33 =	vmul.f32 v34, v34;
	v61 =	vmul.f32 v14, v14;
	v63 =	vadd.s32 s21, v1;
	v1 =	vld.idx.msk [tilespmem:v54+s12+$0x0], $0xffff  }
0x9e: {  	v4 =	vadd.f32 v8, v4;
	v8 =	vadd.f32 v14, v34  }
0x9f: {  	v19 =	vor.u32 $0x1, v43;
	v14 =	vld.idx.msk [tilespmem:v16+s12+$0x0], $0xffff;
	v60 =	vadd.f32 v61, v33;
	v34 =	vmul.f32 v10, v10  }
0xa0: {  	v16 =	vld.idx.msk [tilespmem:v55+s12+$0x0], $0xffff;
	v8 =	vadd.f32 v10, v8  }
0xa1: {  	v53 =	vor.u32 $0x1, v44;
	v10 =	vld.idx.msk [tilespmem:v12+s12+$0x0], $0xffff;
	v12 =	vadd.f32 v34, v60;
	v33 =	vmul.f32 v18, v18  }
0xa2: {  	v8 =	vadd.f32 v18, v8;
	v20 =	vmul.f32 v1, v1  }
0xa3: {  	v34 =	vor.u32 $0x1, v46;
	v12 =	vadd.f32 v33, v12;
	v6 =	vadd.f32 v1, v6  }
0xa4: {  	v21 =	vor.u32 $0x1, v42;
	v18 =	vld.idx.msk [tilespmem:v19+s12+$0x0], $0xffff;
	v8 =	vadd.f32 v14, v8;
	v4 =	vadd.f32 v20, v4  }
0xa5: {  	v19 =	vld.idx.msk [tilespmem:v56+s12+$0x0], $0xffff;
	v20 =	vmul.f32 v14, v14;
	v6 =	vadd.f32 v16, v6;
	v16 =	vmul.f32 v16, v16  }
0xa6: {  	v8 =	vadd.f32 v10, v8;
	v14 =	vld.idx.msk [tilespmem:v53+s12+$0x0], $0xffff;
	v53 =	vor.u32 $0x1, v48  }
0xa7: {  	v12 =	vadd.f32 v20, v12;
	v20 =	vmul.f32 v10, v10;
	v4 =	vadd.f32 v16, v4;
	v16 =	vld.idx.msk [tilespmem:v57+s12+$0x0], $0xffff  }
0xa8: {  	v23 =	vor.u32 $0x1, v45;
	v59 =	vshll.u32 v63, $0x4;
	v33 =	vor.u32 $0x1, v51;
	v10 =	vld.idx.msk [tilespmem:v34+s12+$0x0], $0xffff  }
0xa9: {  	v1 =	vld [tilespmem:$0x1FEE0];
	v8 =	vadd.f32 v18, v8;
	v12 =	vadd.f32 v20, v12;
	v20 =	vmul.f32 v18, v18  }
0xaa: {  	v22 =	vadd.f32 v19, v6;
	v19 =	vmul.f32 v19, v19;
	v18 =	vld.idx.msk [tilespmem:v21+s12+$0x0], $0xffff;
	v21 =	vor.u32 $0x1, v47  }
0xab: {  	v6 =	vld [tilespmem:$0x1FEF0];
	v8 =	vadd.f32 v14, v8;
	v12 =	vadd.f32 v20, v12;
	v20 =	vmul.f32 v14, v14  }
0xac: {  	v4 =	vadd.f32 v19, v4;
	v14 =	vld.idx.msk [tilespmem:v53+s12+$0x0], $0xffff;
	v22 =	vadd.f32 v16, v22;
	v16 =	vmul.f32 v16, v16  }
0xad: {  	v19 =	vld.idx.msk [tilespmem:v58+s12+$0x0], $0xffff;
	v8 =	vadd.f32 v10, v8;
	v12 =	vadd.f32 v20, v12;
	v20 =	vmul.f32 v10, v10  }
0xae: {  	v34 =	vor.u32 $0x1, v41;
	v1 =	vadd.s32 s21, v1;
	v10 =	vld.idx.msk [tilespmem:v33+s12+$0x0], $0xffff;
	v16 =	vadd.f32 v16, v4  }
0xaf: {  	v4 =	vadd.f32 v18, v8;
	v8 =	vld.idx.msk [tilespmem:v21+s12+$0x0], $0xffff;
	v12 =	vadd.f32 v20, v12;
	v20 =	vmul.f32 v18, v18  }
0xb0: {  	v24 =	vor.u32 $0x1, v52;
	v25 =	vor.u32 $0x1, v54;
	v60 =	vshll.u32 v1, $0x4;
	v18 =	vld.idx.msk [tilespmem:v59+s12+$0x0], $0xffff  }
0xb1: {  	v23 =	vld.idx.msk [tilespmem:v23+s12+$0x0], $0xffff;
	v21 =	vor.u32 $0x1, v40;
	v12 =	vadd.f32 v20, v12;
	v20 =	vmul.f32 v14, v14  }
0xb2: {  	v22 =	vadd.f32 v19, v22;
	v19 =	vmul.f32 v19, v19;
	v14 =	vadd.f32 v14, v4;
	v4 =	vld [tilespmem:$0x1FF00]  }
0xb3: {  	v6 =	vadd.s32 s21, v6;
	v12 =	vadd.f32 v20, v12;
	v20 =	vmul.f32 v10, v10  }
0xb4: {  	v62 =	vshll.u32 v6, $0x4;
	v16 =	vadd.f32 v19, v16;
	v10 =	vadd.f32 v10, v14;
	v14 =	vld.idx.msk [tilespmem:v34+s12+$0x0], $0xffff  }
0xb5: {  	v19 =	vld.idx.msk [tilespmem:v60+s12+$0x0], $0xffff;
	v22 =	vadd.f32 v18, v22;
	v12 =	vadd.f32 v20, v12;
	v20 =	vmul.f32 v8, v8  }
0xb6: {  	v18 =	vmul.f32 v18, v18;
	v8 =	vadd.f32 v8, v10;
	v10 =	vld.idx.msk [tilespmem:v21+s12+$0x0], $0xffff;
	v21 =	vor.u32 $0x1, v55  }
0xb7: {  	v4 =	vadd.s32 s21, v4;
	v12 =	vadd.f32 v20, v12;
	v20 =	vmul.f32 v23, v23  }
0xb8: {  	v16 =	vadd.f32 v18, v16;
	v18 =	vld.idx.msk [tilespmem:v24+s12+$0x0], $0xffff;
	v61 =	vshll.u32 v4, $0x4;
	v8 =	vadd.f32 v23, v8  }
0xb9: {  	v24 =	vor.u32 $0x1, v56;
	v23 =	vld.idx.msk [tilespmem:v62+s12+$0x0], $0xffff;
	v12 =	vadd.f32 v20, v12;
	v20 =	vmul.f32 v14, v14  }
0xba: {  	v22 =	vadd.f32 v19, v22;
	v19 =	vmul.f32 v19, v19;
	v8 =	vadd.f32 v14, v8;
	v14 =	vld.idx.msk [tilespmem:v25+s12+$0x0], $0xffff  }
0xbb: {  	v25 =	vor.u32 $0x2, v38;
	v12 =	vadd.f32 v20, v12;
	v20 =	vmul.f32 v10, v10  }
0xbc: {  	v16 =	vadd.f32 v19, v16;
	v8 =	vadd.f32 v10, v8;
	v10 =	vld.idx.msk [tilespmem:v21+s12+$0x0], $0xffff;
	v21 =	vor.u32 $0x2, v39  }
0xbd: {  	v19 =	vor.u32 $0x2, v37;
	v26 =	vld.idx.msk [tilespmem:v61+s12+$0x0], $0xffff;
	v12 =	vadd.f32 v20, v12;
	v20 =	vmul.f32 v18, v18  }
0xbe: {  	v34 =	vmov v27;
	v27 =	vor.u32 $0x1, v57;
	v8 =	vadd.f32 v18, v8  }
0xbf: {  	v22 =	vadd.f32 v23, v22;
	v18 =	vld.idx.msk [tilespmem:v24+s12+$0x0], $0xffff;
	v12 =	vadd.f32 v20, v12;
	v20 =	vmul.f32 v14, v14  }
0xc0: {  	v24 =	vmul.f32 v23, v23;
	v23 =	vor.u32 $0x2, v36;
	v8 =	vadd.f32 v14, v8;
	v14 =	vld.idx.msk [tilespmem:v25+s12+$0x0], $0xffff  }
0xc1: {  	v21 =	vld.idx.msk [tilespmem:v21+s12+$0x0], $0xffff;
	v12 =	vadd.f32 v20, v12;
	v20 =	vmul.f32 v10, v10  }
0xc2: {  	v19 =	vld.idx.msk [tilespmem:v19+s12+$0x0], $0xffff;
	v16 =	vadd.f32 v24, v16;
	v25 =	vor.u32 $0x2, v49;
	v24 =	vmul.f32 v26, v26  }
0xc3: {  	v8 =	vadd.f32 v10, v8;
	v10 =	vld.idx.msk [tilespmem:v27+s12+$0x0], $0xffff;
	v27 =	vor.u32 $0x1, v58;
	v12 =	vadd.f32 v20, v12  }
0xc4: {  	v20 =	vmul.f32 v18, v18;
	v16 =	vadd.f32 v24, v16;
	v24 =	vor.u32 $0x2, v50  }
0xc5: {  	v22 =	vadd.f32 v26, v22;
	v26 =	vor.u32 $0x2, v43;
	v8 =	vadd.f32 v18, v8;
	v18 =	vld.idx.msk [tilespmem:v23+s12+$0x0], $0xffff  }
0xc6: {  	v12 =	vadd.f32 v20, v12;
	v20 =	vmul.f32 v14, v14;
	v23 =	vmul.f32 v21, v21  }
0xc7: {  	v33 =	vmov v28;
	v28 =	vor.u32 $0x1, v59;
	v14 =	vadd.f32 v21, v14;
	v21 =	vld.idx.msk [tilespmem:v25+s12+$0x0], $0xffff  }
0xc8: {  	v25 =	vld.idx.msk [tilespmem:v27+s12+$0x0], $0xffff;
	v27 =	vor.u32 $0x2, v44;
	v20 =	vadd.f32 v23, v20;
	v23 =	vmul.f32 v19, v19  }
0xc9: {  	v8 =	vadd.f32 v10, v8;
	v10 =	vmul.f32 v10, v10;
	v14 =	vadd.f32 v19, v14;
	v19 =	vld.idx.msk [tilespmem:v24+s12+$0x0], $0xffff  }
0xca: {  	v24 =	vor.u32 $0x2, v46;
	v20 =	vadd.f32 v23, v20;
	v23 =	vmul.f32 v18, v18  }
0xcb: {  	v10 =	vadd.f32 v10, v12;
	v12 =	vadd.f32 v18, v14;
	v14 =	vld.idx.msk [tilespmem:v26+s12+$0x0], $0xffff  }
0xcc: {  	v53 =	vmovc v35;
	v18 =	vadd.f32 v23, v20;
	v20 =	vmul.f32 v21, v21;
	v23 =	vor.u32 $0x2, v42  }
0xcd: {  	v35 =	vmovc v30;
	v30 =	vmovc v29;
	v29 =	vor.u32 $0x1, v62;
	v26 =	vor.u32 $0x1, v60;
	v12 =	vadd.f32 v21, v12;
	v21 =	vld.idx.msk [tilespmem:v27+s12+$0x0], $0xffff  }
0xce: {  	v27 =	vld.idx.msk [tilespmem:v28+s12+$0x0], $0xffff;
	v28 =	vor.u32 $0x2, v48;
	v18 =	vadd.f32 v20, v18;
	v20 =	vmul.f32 v19, v19  }
0xcf: {  	v8 =	vadd.f32 v25, v8;
	v25 =	vmul.f32 v25, v25;
	v12 =	vadd.f32 v19, v12;
	v19 =	vld.idx.msk [tilespmem:v24+s12+$0x0], $0xffff  }
0xd0: {  	v24 =	vor.u32 $0x2, v51;
	v18 =	vadd.f32 v20, v18;
	v20 =	vmul.f32 v14, v14  }
0xd1: {  	v10 =	vadd.f32 v25, v10;
	v12 =	vadd.f32 v14, v12;
	v14 =	vld.idx.msk [tilespmem:v23+s12+$0x0], $0xffff  }
0xd2: {  	v25 =	vor.u32 $0x2, v47;
	v23 =	vld.idx.msk [tilespmem:v26+s12+$0x0], $0xffff;
	v18 =	vadd.f32 v20, v18;
	v20 =	vmul.f32 v21, v21  }
0xd3: {  	v8 =	vadd.f32 v27, v8;
	v26 =	vmul.f32 v27, v27;
	v12 =	vadd.f32 v21, v12;
	v21 =	vld.idx.msk [tilespmem:v28+s12+$0x0], $0xffff  }
0xd4: {  	v27 =	vld.idx.msk [tilespmem:v29+s12+$0x0], $0xffff;
	v28 =	vor.u32 $0x2, v45;
	v18 =	vadd.f32 v20, v18;
	v20 =	vmul.f32 v19, v19  }
0xd5: {  	v10 =	vadd.f32 v26, v10;
	v26 =	vor.u32 $0x1, v61;
	v12 =	vadd.f32 v19, v12;
	v19 =	vld.idx.msk [tilespmem:v24+s12+$0x0], $0xffff  }
0xd6: {  	v24 =	vor.u32 $0x2, v41;
	v18 =	vadd.f32 v20, v18;
	v20 =	vmul.f32 v14, v14  }
0xd7: {  	v8 =	vadd.f32 v23, v8;
	v23 =	vmul.f32 v23, v23;
	v12 =	vadd.f32 v14, v12;
	v14 =	vld.idx.msk [tilespmem:v25+s12+$0x0], $0xffff  }
0xd8: {  	v25 =	vor.u32 $0x2, v40;
	v18 =	vadd.f32 v20, v18;
	v20 =	vmul.f32 v21, v21  }
0xd9: {  	v10 =	vadd.f32 v23, v10;
	v12 =	vadd.f32 v21, v12;
	v21 =	vld.idx.msk [tilespmem:v28+s12+$0x0], $0xffff  }
0xda: {  	v8 =	vadd.f32 v27, v8;
	v23 =	vld.idx.msk [tilespmem:v26+s12+$0x0], $0xffff;
	v18 =	vadd.f32 v20, v18;
	v20 =	vmul.f32 v19, v19  }
0xdb: {  	v26 =	vmul.f32 v27, v27;
	v12 =	vadd.f32 v19, v12;
	v19 =	vld.idx.msk [tilespmem:v24+s12+$0x0], $0xffff;
	v24 =	vor.u32 $0x2, v52  }
0xdc: {  	v27 =	vor.u32 $0x2, v54;
	v18 =	vadd.f32 v20, v18;
	v20 =	vmul.f32 v14, v14  }
0xdd: {  	v10 =	vadd.f32 v26, v10;
	v12 =	vadd.f32 v14, v12;
	v14 =	vld.idx.msk [tilespmem:v25+s12+$0x0], $0xffff;
	v25 =	vor.u32 $0x3, v38  }
0xde: {  	v26 =	vor.u32 $0x3, v39;
	v18 =	vadd.f32 v20, v18;
	v20 =	vmul.f32 v21, v21  }
0xdf: {  	v8 =	vadd.f32 v23, v8;
	v12 =	vadd.f32 v21, v12  }
0xe0: {  	v21 =	vld.idx.msk [tilespmem:v24+s12+$0x0], $0xffff;
	v24 =	vor.u32 $0x3, v37;
	v18 =	vadd.f32 v20, v18;
	v20 =	vmul.f32 v19, v19  }
0xe1: {  	v23 =	vmul.f32 v23, v23;
	v12 =	vadd.f32 v19, v12;
	v19 =	vld.idx.msk [tilespmem:v27+s12+$0x0], $0xffff;
	v27 =	vor.u32 $0x2, v55  }
0xe2: {  	v28 =	vor.u32 $0x3, v36;
	v25 =	vld.idx.msk [tilespmem:v25+s12+$0x0], $0xffff;
	v18 =	vadd.f32 v20, v18;
	v20 =	vmul.f32 v14, v14  }
0xe3: {  	v22 =	vmul.f32 v22, v22;
	v10 =	vadd.f32 v23, v10;
	v12 =	vadd.f32 v14, v12;
	v14 =	vld.idx.msk [tilespmem:v26+s12+$0x0], $0xffff  }
0xe4: {  	v23 =	vmul.f32 v8, v8;
	v18 =	vadd.f32 v20, v18;
	v20 =	vor.u32 $0x3, v49  }
0xe5: {  	v26 =	vor.u32 $0x2, v56;
	v12 =	vadd.f32 v21, v12;
	v21 =	vmul.f32 v21, v21;
	v24 =	vld.idx.msk [tilespmem:v24+s12+$0x0], $0xffff  }
0xe6: {  	v8 =	vsub.f32 v22, v16;
	v22 =	vor.u32 $0x3, v50;
	v10 =	vsub.f32 v23, v10;
	v16 =	vld.idx.msk [tilespmem:v27+s12+$0x0], $0xffff  }
0xe7: {  	v18 =	vadd.f32 v21, v18;
	v12 =	vadd.f32 v19, v12;
	v19 =	vmul.f32 v19, v19;
	v21 =	vld.idx.msk [tilespmem:v28+s12+$0x0], $0xffff  }
0xe8: {  	v23 =	vmul.f32 v25, v25;
	v28 =	vor.u32 $0x3, v43;
	v27 =	vmul.f32 v14, v14  }
0xe9: {  	v14 =	vadd.f32 v14, v25;
	v18 =	vadd.f32 v19, v18;
	v19 =	vor.u32 $0x2, v57;
	v20 =	vld.idx.msk [tilespmem:v20+s12+$0x0], $0xffff  }
0xea: {  	v25 =	vld.idx.msk [tilespmem:v26+s12+$0x0], $0xffff;
	v23 =	vadd.f32 v27, v23;
	v26 =	vmul.f32 v24, v24;
	v27 =	vor.u32 $0x3, v44  }
0xeb: {  	v22 =	vld.idx.msk [tilespmem:v22+s12+$0x0], $0xffff;
	v14 =	vadd.f32 v24, v14;
	v12 =	vadd.f32 v16, v12;
	v16 =	vmul.f32 v16, v16  }
0xec: {  	v23 =	vadd.f32 v26, v23;
	v24 =	vmul.f32 v21, v21;
	v26 =	vor.u32 $0x3, v46  }
0xed: {  	v14 =	vadd.f32 v21, v14;
	v21 =	vld.idx.msk [tilespmem:v28+s12+$0x0], $0xffff;
	v16 =	vadd.f32 v16, v18;
	v18 =	vor.u32 $0x2, v58  }
0xee: {  	v28 =	vor.u32 $0x3, v42;
	v19 =	vld.idx.msk [tilespmem:v19+s12+$0x0], $0xffff;
	v23 =	vadd.f32 v24, v23;
	v24 =	vmul.f32 v20, v20  }
0xef: {  	v12 =	vadd.f32 v25, v12;
	v25 =	vmul.f32 v25, v25;
	v14 =	vadd.f32 v20, v14;
	v20 =	vld.idx.msk [tilespmem:v27+s12+$0x0], $0xffff  }
0xf0: {  	v27 =	vor.u32 $0x3, v48;
	v23 =	vadd.f32 v24, v23;
	v24 =	vmul.f32 v22, v22  }
0xf1: {  	v16 =	vadd.f32 v25, v16;
	v25 =	vor.u32 $0x2, v59;
	v14 =	vadd.f32 v22, v14;
	v22 =	vld.idx.msk [tilespmem:v26+s12+$0x0], $0xffff  }
0xf2: {  	v26 =	vor.u32 $0x3, v51;
	v18 =	vld.idx.msk [tilespmem:v18+s12+$0x0], $0xffff;
	v23 =	vadd.f32 v24, v23;
	v24 =	vmul.f32 v21, v21  }
0xf3: {  	v12 =	vadd.f32 v19, v12;
	v19 =	vmul.f32 v19, v19;
	v14 =	vadd.f32 v21, v14;
	v21 =	vld.idx.msk [tilespmem:v28+s12+$0x0], $0xffff  }
0xf4: {  	v28 =	vor.u32 $0x3, v47;
	v23 =	vadd.f32 v24, v23;
	v24 =	vmul.f32 v20, v20  }
0xf5: {  	v16 =	vadd.f32 v19, v16;
	v19 =	vor.u32 $0x2, v60;
	v14 =	vadd.f32 v20, v14;
	v20 =	vld.idx.msk [tilespmem:v27+s12+$0x0], $0xffff  }
0xf6: {  	v25 =	vld.idx.msk [tilespmem:v25+s12+$0x0], $0xffff;
	v27 =	vor.u32 $0x3, v45;
	v23 =	vadd.f32 v24, v23;
	v24 =	vmul.f32 v22, v22  }
0xf7: {  	v12 =	vadd.f32 v18, v12;
	v18 =	vmul.f32 v18, v18;
	v14 =	vadd.f32 v22, v14;
	v22 =	vld.idx.msk [tilespmem:v26+s12+$0x0], $0xffff  }
0xf8: {  	v26 =	vor.u32 $0x3, v41;
	v23 =	vadd.f32 v24, v23;
	v24 =	vmul.f32 v21, v21  }
0xf9: {  	v16 =	vadd.f32 v18, v16;
	v18 =	vor.u32 $0x2, v62;
	v14 =	vadd.f32 v21, v14;
	v21 =	vld.idx.msk [tilespmem:v28+s12+$0x0], $0xffff  }
0xfa: {  	v28 =	vor.u32 $0x3, v40;
	v19 =	vld.idx.msk [tilespmem:v19+s12+$0x0], $0xffff;
	v23 =	vadd.f32 v24, v23;
	v24 =	vmul.f32 v20, v20  }
0xfb: {  	v12 =	vadd.f32 v25, v12;
	v25 =	vmul.f32 v25, v25;
	v14 =	vadd.f32 v20, v14;
	v20 =	vld.idx.msk [tilespmem:v27+s12+$0x0], $0xffff  }
0xfc: {  	v27 =	vor.u32 $0x3, v52;
	v23 =	vadd.f32 v24, v23;
	v24 =	vmul.f32 v22, v22  }
0xfd: {  	v16 =	vadd.f32 v25, v16;
	v25 =	vor.u32 $0x2, v61;
	v14 =	vadd.f32 v22, v14;
	v22 =	vld.idx.msk [tilespmem:v26+s12+$0x0], $0xffff  }
0xfe: {  	v26 =	vor.u32 $0x3, v54;
	v23 =	vadd.f32 v24, v23;
	v24 =	vmul.f32 v21, v21  }
0xff: {  	v12 =	vadd.f32 v19, v12;
	v19 =	vmul.f32 v19, v19;
	v14 =	vadd.f32 v21, v14;
	v21 =	vld.idx.msk [tilespmem:v28+s12+$0x0], $0xffff  }
0x100: {  	v18 =	vld.idx.msk [tilespmem:v18+s12+$0x0], $0xffff;
	v23 =	vadd.f32 v24, v23;
	v24 =	vmul.f32 v20, v20  }
0x101: {  	v28 =	vor.u32 $0x3, v55;
	v16 =	vadd.f32 v19, v16;
	v14 =	vadd.f32 v20, v14;
	v19 =	vld.idx.msk [tilespmem:v27+s12+$0x0], $0xffff  }
0x102: {  	v23 =	vadd.f32 v24, v23;
	v24 =	vmul.f32 v22, v22  }
0x103: {  	v20 =	vld.idx.msk [tilespmem:v25+s12+$0x0], $0xffff;
	v25 =	vor.u32 $0x3, v56;
	v27 =	vor.u32 $0x4, v39;
	v14 =	vadd.f32 v22, v14  }
0x104: {  	v22 =	vld.idx.msk [tilespmem:v26+s12+$0x0], $0xffff;
	v26 =	vor.u32 $0x4, v38;
	v23 =	vadd.f32 v24, v23;
	v24 =	vmul.f32 v21, v21  }
0x105: {  	v12 =	vadd.f32 v18, v12;
	v18 =	vmul.f32 v18, v18;
	v14 =	vadd.f32 v21, v14  }
0x106: {  	v21 =	vld.idx.msk [tilespmem:v28+s12+$0x0], $0xffff;
	v28 =	vor.u32 $0x3, v57;
	v23 =	vadd.f32 v24, v23;
	v24 =	vmul.f32 v19, v19  }
0x107: {  	v16 =	vadd.f32 v18, v16;
	v14 =	vadd.f32 v19, v14;
	v19 =	vor.u32 $0x4, v37  }
0x108: {  	v18 =	vld.idx.msk [tilespmem:v25+s12+$0x0], $0xffff;
	v25 =	vmul.f32 v20, v20;
	v12 =	vadd.f32 v20, v12;
	v23 =	vadd.f32 v24, v23  }
0x109: {  	v20 =	vld.idx.msk [tilespmem:v26+s12+$0x0], $0xffff;
	v24 =	vmul.f32 v22, v22;
	v14 =	vadd.f32 v22, v14;
	v22 =	vor.u32 $0x4, v36  }
0x10a: {  	v8 =	vadd.f32 v10, v8;
	v16 =	vadd.f32 v25, v16;
	v25 =	vld.idx.msk [tilespmem:v27+s12+$0x0], $0xffff;
	v12 =	vmul.f32 v12, v12  }
0x10b: {  	v26 =	vor.u32 $0x4, v49;
	v23 =	vadd.f32 v24, v23;
	v24 =	vmul.f32 v21, v21  }
0x10c: {  	v27 =	vor.u32 $0x3, v58;
	v10 =	vsub.f32 v12, v16;
	v14 =	vadd.f32 v21, v14;
	v19 =	vld.idx.msk [tilespmem:v19+s12+$0x0], $0xffff  }
0x10d: {  	v12 =	vor.u32 $0x4, v50;
	v21 =	vld.idx.msk [tilespmem:v28+s12+$0x0], $0xffff;
	v23 =	vadd.f32 v24, v23;
	v24 =	vmul.f32 v18, v18  }
0x10e: {  	v14 =	vadd.f32 v18, v14;
	v18 =	vld.idx.msk [tilespmem:v22+s12+$0x0], $0xffff;
	v22 =	vmul.f32 v20, v20  }
0x10f: {  	v16 =	vadd.f32 v24, v23;
	v23 =	vmul.f32 v25, v25;
	v24 =	vor.u32 $0x4, v43  }
0x110: {  	v28 =	vor.u32 $0x3, v59;
	v20 =	vadd.f32 v25, v20;
	v25 =	vld.idx.msk [tilespmem:v26+s12+$0x0], $0xffff  }
0x111: {  	v26 =	vld.idx.msk [tilespmem:v27+s12+$0x0], $0xffff;
	v27 =	vor.u32 $0x4, v44;
	v22 =	vadd.f32 v23, v22;
	v23 =	vmul.f32 v19, v19  }
0x112: {  	v12 =	vld.idx.msk [tilespmem:v12+s12+$0x0], $0xffff;
	v14 =	vadd.f32 v21, v14;
	v21 =	vmul.f32 v21, v21;
	v19 =	vadd.f32 v19, v20  }
0x113: {  	v20 =	vadd.f32 v23, v22;
	v22 =	vmul.f32 v18, v18;
	v23 =	vor.u32 $0x4, v46  }
0x114: {  	v16 =	vadd.f32 v21, v16;
	v18 =	vadd.f32 v18, v19;
	v19 =	vld.idx.msk [tilespmem:v24+s12+$0x0], $0xffff  }
0x115: {  	v21 =	vmul.f32 v25, v25;
	v20 =	vadd.f32 v22, v20;
	v22 =	vor.u32 $0x4, v42  }
0x116: {  	v29 =	vor.u32 $0x3, v62;
	v24 =	vor.u32 $0x3, v60;
	v18 =	vadd.f32 v25, v18;
	v25 =	vld.idx.msk [tilespmem:v27+s12+$0x0], $0xffff  }
0x117: {  	v27 =	vld.idx.msk [tilespmem:v28+s12+$0x0], $0xffff;
	v28 =	vor.u32 $0x4, v48;
	v20 =	vadd.f32 v21, v20;
	v21 =	vmul.f32 v12, v12  }
0x118: {  	v14 =	vadd.f32 v26, v14;
	v26 =	vmul.f32 v26, v26;
	v12 =	vadd.f32 v12, v18;
	v18 =	vld.idx.msk [tilespmem:v23+s12+$0x0], $0xffff  }
0x119: {  	v23 =	vor.u32 $0x4, v51;
	v20 =	vadd.f32 v21, v20;
	v21 =	vmul.f32 v19, v19  }
0x11a: {  	v16 =	vadd.f32 v26, v16;
	v12 =	vadd.f32 v19, v12;
	v19 =	vld.idx.msk [tilespmem:v22+s12+$0x0], $0xffff  }
0x11b: {  	v22 =	vld.idx.msk [tilespmem:v24+s12+$0x0], $0xffff;
	v24 =	vor.u32 $0x4, v47;
	v20 =	vadd.f32 v21, v20;
	v21 =	vmul.f32 v25, v25  }
0x11c: {  	v14 =	vadd.f32 v27, v14;
	v26 =	vmul.f32 v27, v27;
	v12 =	vadd.f32 v25, v12;
	v25 =	vld.idx.msk [tilespmem:v28+s12+$0x0], $0xffff  }
0x11d: {  	v27 =	vld.idx.msk [tilespmem:v29+s12+$0x0], $0xffff;
	v28 =	vor.u32 $0x4, v45;
	v20 =	vadd.f32 v21, v20;
	v21 =	vmul.f32 v18, v18  }
0x11e: {  	v16 =	vadd.f32 v26, v16;
	v26 =	vor.u32 $0x3, v61;
	v12 =	vadd.f32 v18, v12;
	v18 =	vld.idx.msk [tilespmem:v23+s12+$0x0], $0xffff  }
0x11f: {  	v23 =	vor.u32 $0x4, v41;
	v20 =	vadd.f32 v21, v20;
	v21 =	vmul.f32 v19, v19  }
0x120: {  	v14 =	vadd.f32 v22, v14;
	v22 =	vmul.f32 v22, v22;
	v12 =	vadd.f32 v19, v12;
	v19 =	vld.idx.msk [tilespmem:v24+s12+$0x0], $0xffff  }
0x121: {  	v24 =	vor.u32 $0x4, v40;
	v20 =	vadd.f32 v21, v20;
	v21 =	vmul.f32 v25, v25  }
0x122: {  	v16 =	vadd.f32 v22, v16;
	v12 =	vadd.f32 v25, v12;
	v22 =	vld.idx.msk [tilespmem:v28+s12+$0x0], $0xffff  }
0x123: {  	v14 =	vadd.f32 v27, v14;
	v25 =	vld.idx.msk [tilespmem:v26+s12+$0x0], $0xffff;
	v20 =	vadd.f32 v21, v20;
	v21 =	vmul.f32 v18, v18  }
0x124: {  	v26 =	vmul.f32 v27, v27;
	v12 =	vadd.f32 v18, v12;
	v18 =	vld.idx.msk [tilespmem:v23+s12+$0x0], $0xffff;
	v23 =	vor.u32 $0x4, v52  }
0x125: {  	v27 =	vor.u32 $0x4, v54;
	v20 =	vadd.f32 v21, v20;
	v21 =	vmul.f32 v19, v19  }
0x126: {  	v16 =	vadd.f32 v26, v16;
	v12 =	vadd.f32 v19, v12;
	v19 =	vld.idx.msk [tilespmem:v24+s12+$0x0], $0xffff;
	v24 =	vor.u32 $0x5, v38  }
0x127: {  	v26 =	vor.u32 $0x5, v39;
	v20 =	vadd.f32 v21, v20;
	v21 =	vmul.f32 v22, v22  }
0x128: {  	v14 =	vadd.f32 v25, v14;
	v12 =	vadd.f32 v22, v12  }
0x129: {  	v22 =	vld.idx.msk [tilespmem:v23+s12+$0x0], $0xffff;
	v23 =	vor.u32 $0x5, v37;
	v20 =	vadd.f32 v21, v20;
	v21 =	vmul.f32 v18, v18  }
0x12a: {  	v25 =	vmul.f32 v25, v25;
	v12 =	vadd.f32 v18, v12;
	v18 =	vld.idx.msk [tilespmem:v27+s12+$0x0], $0xffff;
	v27 =	vor.u32 $0x4, v55  }
0x12b: {  	v28 =	vor.u32 $0x5, v36;
	v24 =	vld.idx.msk [tilespmem:v24+s12+$0x0], $0xffff;
	v20 =	vadd.f32 v21, v20;
	v21 =	vmul.f32 v19, v19  }
0x12c: {  	v16 =	vadd.f32 v25, v16;
	v12 =	vadd.f32 v19, v12;
	v19 =	vld.idx.msk [tilespmem:v26+s12+$0x0], $0xffff  }
0x12d: {  	v14 =	vmul.f32 v14, v14;
	v20 =	vadd.f32 v21, v20;
	v21 =	vor.u32 $0x5, v49  }
0x12e: {  	v25 =	vor.u32 $0x4, v56;
	v12 =	vadd.f32 v22, v12;
	v22 =	vmul.f32 v22, v22;
	v23 =	vld.idx.msk [tilespmem:v23+s12+$0x0], $0xffff  }
0x12f: {  	v8 =	vadd.f32 v10, v8;
	v10 =	vsub.f32 v14, v16;
	v16 =	vor.u32 $0x5, v50;
	v14 =	vld.idx.msk [tilespmem:v27+s12+$0x0], $0xffff  }
0x130: {  	v20 =	vadd.f32 v22, v20;
	v12 =	vadd.f32 v18, v12;
	v18 =	vmul.f32 v18, v18;
	v22 =	vld.idx.msk [tilespmem:v28+s12+$0x0], $0xffff  }
0x131: {  	v26 =	vmul.f32 v24, v24;
	v28 =	vor.u32 $0x5, v43;
	v27 =	vmul.f32 v19, v19  }
0x132: {  	v19 =	vadd.f32 v19, v24;
	v18 =	vadd.f32 v18, v20;
	v20 =	vor.u32 $0x4, v57;
	v21 =	vld.idx.msk [tilespmem:v21+s12+$0x0], $0xffff  }
0x133: {  	v24 =	vld.idx.msk [tilespmem:v25+s12+$0x0], $0xffff;
	v25 =	vadd.f32 v27, v26;
	v26 =	vmul.f32 v23, v23;
	v27 =	vor.u32 $0x5, v44  }
0x134: {  	v16 =	vld.idx.msk [tilespmem:v16+s12+$0x0], $0xffff;
	v19 =	vadd.f32 v23, v19;
	v12 =	vadd.f32 v14, v12;
	v14 =	vmul.f32 v14, v14  }
0x135: {  	v23 =	vadd.f32 v26, v25;
	v25 =	vmul.f32 v22, v22;
	v26 =	vor.u32 $0x5, v46  }
0x136: {  	v19 =	vadd.f32 v22, v19;
	v22 =	vld.idx.msk [tilespmem:v28+s12+$0x0], $0xffff;
	v14 =	vadd.f32 v14, v18;
	v18 =	vor.u32 $0x4, v58  }
0x137: {  	v28 =	vor.u32 $0x5, v42;
	v20 =	vld.idx.msk [tilespmem:v20+s12+$0x0], $0xffff;
	v23 =	vadd.f32 v25, v23;
	v25 =	vmul.f32 v21, v21  }
0x138: {  	v12 =	vadd.f32 v24, v12;
	v24 =	vmul.f32 v24, v24;
	v19 =	vadd.f32 v21, v19;
	v21 =	vld.idx.msk [tilespmem:v27+s12+$0x0], $0xffff  }
0x139: {  	v27 =	vor.u32 $0x5, v48;
	v23 =	vadd.f32 v25, v23;
	v25 =	vmul.f32 v16, v16  }
0x13a: {  	v14 =	vadd.f32 v24, v14;
	v24 =	vor.u32 $0x4, v59;
	v16 =	vadd.f32 v16, v19;
	v19 =	vld.idx.msk [tilespmem:v26+s12+$0x0], $0xffff  }
0x13b: {  	v26 =	vor.u32 $0x5, v51;
	v18 =	vld.idx.msk [tilespmem:v18+s12+$0x0], $0xffff;
	v23 =	vadd.f32 v25, v23;
	v25 =	vmul.f32 v22, v22  }
0x13c: {  	v12 =	vadd.f32 v20, v12;
	v20 =	vmul.f32 v20, v20;
	v16 =	vadd.f32 v22, v16;
	v22 =	vld.idx.msk [tilespmem:v28+s12+$0x0], $0xffff  }
0x13d: {  	v28 =	vor.u32 $0x5, v47;
	v23 =	vadd.f32 v25, v23;
	v25 =	vmul.f32 v21, v21  }
0x13e: {  	v14 =	vadd.f32 v20, v14;
	v20 =	vor.u32 $0x4, v60;
	v16 =	vadd.f32 v21, v16;
	v21 =	vld.idx.msk [tilespmem:v27+s12+$0x0], $0xffff  }
0x13f: {  	v24 =	vld.idx.msk [tilespmem:v24+s12+$0x0], $0xffff;
	v27 =	vor.u32 $0x5, v45;
	v23 =	vadd.f32 v25, v23;
	v25 =	vmul.f32 v19, v19  }
0x140: {  	v12 =	vadd.f32 v18, v12;
	v18 =	vmul.f32 v18, v18;
	v16 =	vadd.f32 v19, v16;
	v19 =	vld.idx.msk [tilespmem:v26+s12+$0x0], $0xffff  }
0x141: {  	v26 =	vor.u32 $0x5, v41;
	v23 =	vadd.f32 v25, v23;
	v25 =	vmul.f32 v22, v22  }
0x142: {  	v14 =	vadd.f32 v18, v14;
	v18 =	vor.u32 $0x4, v62;
	v16 =	vadd.f32 v22, v16;
	v22 =	vld.idx.msk [tilespmem:v28+s12+$0x0], $0xffff  }
0x143: {  	v28 =	vor.u32 $0x5, v40;
	v20 =	vld.idx.msk [tilespmem:v20+s12+$0x0], $0xffff;
	v23 =	vadd.f32 v25, v23;
	v25 =	vmul.f32 v21, v21  }
0x144: {  	v12 =	vadd.f32 v24, v12;
	v24 =	vmul.f32 v24, v24;
	v16 =	vadd.f32 v21, v16;
	v21 =	vld.idx.msk [tilespmem:v27+s12+$0x0], $0xffff  }
0x145: {  	v27 =	vor.u32 $0x5, v52;
	v23 =	vadd.f32 v25, v23;
	v25 =	vmul.f32 v19, v19  }
0x146: {  	v14 =	vadd.f32 v24, v14;
	v24 =	vor.u32 $0x4, v61;
	v16 =	vadd.f32 v19, v16;
	v19 =	vld.idx.msk [tilespmem:v26+s12+$0x0], $0xffff  }
0x147: {  	v26 =	vor.u32 $0x5, v54;
	v18 =	vld.idx.msk [tilespmem:v18+s12+$0x0], $0xffff;
	v23 =	vadd.f32 v25, v23;
	v25 =	vmul.f32 v22, v22  }
0x148: {  	v12 =	vadd.f32 v20, v12;
	v20 =	vmul.f32 v20, v20;
	v16 =	vadd.f32 v22, v16;
	v22 =	vld.idx.msk [tilespmem:v28+s12+$0x0], $0xffff  }
0x149: {  	v23 =	vadd.f32 v25, v23;
	v25 =	vmul.f32 v21, v21  }
0x14a: {  	v28 =	vor.u32 $0x5, v55;
	v14 =	vadd.f32 v20, v14;
	v16 =	vadd.f32 v21, v16;
	v20 =	vld.idx.msk [tilespmem:v27+s12+$0x0], $0xffff  }
0x14b: {  	v21 =	vld.idx.msk [tilespmem:v24+s12+$0x0], $0xffff;
	v24 =	vmul.f32 v19, v19;
	v23 =	vadd.f32 v25, v23;
	v25 =	vor.u32 $0x5, v56  }
0x14c: {  	v12 =	vadd.f32 v18, v12;
	v16 =	vadd.f32 v19, v16;
	v19 =	vld.idx.msk [tilespmem:v26+s12+$0x0], $0xffff;
	v26 =	vor.u32 $0x6, v38  }
0x14d: {  	v18 =	vmul.f32 v18, v18;
	v23 =	vadd.f32 v24, v23;
	v24 =	vmul.f32 v22, v22  }
0x14e: {  	v27 =	vor.u32 $0x6, v39;
	v16 =	vadd.f32 v22, v16  }
0x14f: {  	v22 =	vld.idx.msk [tilespmem:v28+s12+$0x0], $0xffff;
	v28 =	vor.u32 $0x5, v57;
	v14 =	vadd.f32 v18, v14;
	v23 =	vadd.f32 v24, v23  }
0x150: {  	v24 =	vmul.f32 v20, v20;
	v16 =	vadd.f32 v20, v16;
	v20 =	vor.u32 $0x6, v37  }
0x151: {  	v12 =	vadd.f32 v21, v12;
	v18 =	vld.idx.msk [tilespmem:v25+s12+$0x0], $0xffff;
	v25 =	vmul.f32 v21, v21;
	v21 =	vor.u32 $0x6, v36  }
0x152: {  	v23 =	vadd.f32 v24, v23;
	v24 =	vmul.f32 v19, v19;
	v16 =	vadd.f32 v19, v16;
	v19 =	vld.idx.msk [tilespmem:v26+s12+$0x0], $0xffff  }
0x153: {  	v8 =	vadd.f32 v10, v8;
	v12 =	vmul.f32 v12, v12;
	v14 =	vadd.f32 v25, v14;
	v25 =	vld.idx.msk [tilespmem:v27+s12+$0x0], $0xffff  }
0x154: {  	v26 =	vor.u32 $0x6, v49;
	v23 =	vadd.f32 v24, v23;
	v24 =	vmul.f32 v22, v22  }
0x155: {  	v27 =	vor.u32 $0x5, v58;
	v16 =	vadd.f32 v22, v16;
	v20 =	vld.idx.msk [tilespmem:v20+s12+$0x0], $0xffff;
	v10 =	vsub.f32 v12, v14  }
0x156: {  	v22 =	vld.idx.msk [tilespmem:v28+s12+$0x0], $0xffff;
	v12 =	vor.u32 $0x6, v50;
	v23 =	vadd.f32 v24, v23;
	v24 =	vmul.f32 v18, v18  }
0x157: {  	v14 =	vadd.f32 v18, v16;
	v18 =	vld.idx.msk [tilespmem:v21+s12+$0x0], $0xffff;
	v21 =	vmul.f32 v19, v19  }
0x158: {  	v16 =	vadd.f32 v24, v23;
	v23 =	vmul.f32 v25, v25;
	v24 =	vor.u32 $0x6, v43  }
0x159: {  	v28 =	vor.u32 $0x5, v59;
	v19 =	vadd.f32 v25, v19;
	v25 =	vld.idx.msk [tilespmem:v26+s12+$0x0], $0xffff  }
0x15a: {  	v26 =	vld.idx.msk [tilespmem:v27+s12+$0x0], $0xffff;
	v27 =	vor.u32 $0x6, v44;
	v21 =	vadd.f32 v23, v21;
	v23 =	vmul.f32 v20, v20  }
0x15b: {  	v14 =	vadd.f32 v22, v14;
	v22 =	vmul.f32 v22, v22;
	v19 =	vadd.f32 v20, v19;
	v12 =	vld.idx.msk [tilespmem:v12+s12+$0x0], $0xffff  }
0x15c: {  	v20 =	vadd.f32 v23, v21;
	v21 =	vmul.f32 v18, v18;
	v23 =	vor.u32 $0x6, v46  }
0x15d: {  	v16 =	vadd.f32 v22, v16;
	v18 =	vadd.f32 v18, v19;
	v19 =	vld.idx.msk [tilespmem:v24+s12+$0x0], $0xffff  }
0x15e: {  	v22 =	vor.u32 $0x6, v42;
	v20 =	vadd.f32 v21, v20;
	v21 =	vmul.f32 v25, v25  }
0x15f: {  	v29 =	vor.u32 $0x5, v62;
	v24 =	vor.u32 $0x5, v60;
	v18 =	vadd.f32 v25, v18;
	v25 =	vld.idx.msk [tilespmem:v27+s12+$0x0], $0xffff  }
0x160: {  	v27 =	vld.idx.msk [tilespmem:v28+s12+$0x0], $0xffff;
	v28 =	vor.u32 $0x6, v48;
	v20 =	vadd.f32 v21, v20;
	v21 =	vmul.f32 v12, v12  }
0x161: {  	v14 =	vadd.f32 v26, v14;
	v26 =	vmul.f32 v26, v26;
	v12 =	vadd.f32 v12, v18;
	v18 =	vld.idx.msk [tilespmem:v23+s12+$0x0], $0xffff  }
0x162: {  	v23 =	vor.u32 $0x6, v51;
	v20 =	vadd.f32 v21, v20;
	v21 =	vmul.f32 v19, v19  }
0x163: {  	v16 =	vadd.f32 v26, v16;
	v12 =	vadd.f32 v19, v12;
	v19 =	vld.idx.msk [tilespmem:v22+s12+$0x0], $0xffff  }
0x164: {  	v22 =	vld.idx.msk [tilespmem:v24+s12+$0x0], $0xffff;
	v24 =	vor.u32 $0x6, v47;
	v20 =	vadd.f32 v21, v20;
	v21 =	vmul.f32 v25, v25  }
0x165: {  	v14 =	vadd.f32 v27, v14;
	v26 =	vmul.f32 v27, v27;
	v12 =	vadd.f32 v25, v12;
	v25 =	vld.idx.msk [tilespmem:v28+s12+$0x0], $0xffff  }
0x166: {  	v27 =	vld.idx.msk [tilespmem:v29+s12+$0x0], $0xffff;
	v28 =	vor.u32 $0x6, v45;
	v20 =	vadd.f32 v21, v20;
	v21 =	vmul.f32 v18, v18  }
0x167: {  	v16 =	vadd.f32 v26, v16;
	v26 =	vor.u32 $0x5, v61;
	v12 =	vadd.f32 v18, v12;
	v18 =	vld.idx.msk [tilespmem:v23+s12+$0x0], $0xffff  }
0x168: {  	v23 =	vor.u32 $0x6, v41;
	v20 =	vadd.f32 v21, v20;
	v21 =	vmul.f32 v19, v19  }
0x169: {  	v14 =	vadd.f32 v22, v14;
	v22 =	vmul.f32 v22, v22;
	v12 =	vadd.f32 v19, v12;
	v19 =	vld.idx.msk [tilespmem:v24+s12+$0x0], $0xffff  }
0x16a: {  	v24 =	vor.u32 $0x6, v40;
	v20 =	vadd.f32 v21, v20;
	v21 =	vmul.f32 v25, v25  }
0x16b: {  	v16 =	vadd.f32 v22, v16;
	v22 =	vld.idx.msk [tilespmem:v28+s12+$0x0], $0xffff;
	v12 =	vadd.f32 v25, v12  }
0x16c: {  	v14 =	vadd.f32 v27, v14;
	v25 =	vld.idx.msk [tilespmem:v26+s12+$0x0], $0xffff;
	v20 =	vadd.f32 v21, v20;
	v21 =	vmul.f32 v18, v18  }
0x16d: {  	v26 =	vmul.f32 v27, v27;
	v12 =	vadd.f32 v18, v12;
	v18 =	vld.idx.msk [tilespmem:v23+s12+$0x0], $0xffff;
	v23 =	vor.u32 $0x6, v52  }
0x16e: {  	v27 =	vor.u32 $0x6, v54;
	v20 =	vadd.f32 v21, v20;
	v21 =	vmul.f32 v19, v19  }
0x16f: {  	v16 =	vadd.f32 v26, v16;
	v12 =	vadd.f32 v19, v12;
	v19 =	vld.idx.msk [tilespmem:v24+s12+$0x0], $0xffff;
	v24 =	vor.u32 $0x7, v38  }
0x170: {  	v26 =	vor.u32 $0x7, v39;
	v20 =	vadd.f32 v21, v20;
	v21 =	vmul.f32 v22, v22  }
0x171: {  	v14 =	vadd.f32 v25, v14;
	v12 =	vadd.f32 v22, v12  }
0x172: {  	v22 =	vld.idx.msk [tilespmem:v23+s12+$0x0], $0xffff;
	v23 =	vor.u32 $0x7, v37;
	v20 =	vadd.f32 v21, v20;
	v21 =	vmul.f32 v18, v18  }
0x173: {  	v25 =	vmul.f32 v25, v25;
	v12 =	vadd.f32 v18, v12;
	v18 =	vld.idx.msk [tilespmem:v27+s12+$0x0], $0xffff;
	v27 =	vor.u32 $0x6, v55  }
0x174: {  	v28 =	vor.u32 $0x7, v36;
	v24 =	vld.idx.msk [tilespmem:v24+s12+$0x0], $0xffff;
	v20 =	vadd.f32 v21, v20;
	v21 =	vmul.f32 v19, v19  }
0x175: {  	v16 =	vadd.f32 v25, v16;
	v12 =	vadd.f32 v19, v12;
	v19 =	vld.idx.msk [tilespmem:v26+s12+$0x0], $0xffff  }
0x176: {  	v14 =	vmul.f32 v14, v14;
	v20 =	vadd.f32 v21, v20;
	v21 =	vor.u32 $0x7, v49  }
0x177: {  	v25 =	vor.u32 $0x6, v56;
	v12 =	vadd.f32 v22, v12;
	v22 =	vmul.f32 v22, v22;
	v23 =	vld.idx.msk [tilespmem:v23+s12+$0x0], $0xffff  }
0x178: {  	v8 =	vadd.f32 v10, v8;
	v10 =	vsub.f32 v14, v16;
	v16 =	vor.u32 $0x7, v50;
	v14 =	vld.idx.msk [tilespmem:v27+s12+$0x0], $0xffff  }
0x179: {  	v20 =	vadd.f32 v22, v20;
	v12 =	vadd.f32 v18, v12;
	v18 =	vmul.f32 v18, v18;
	v22 =	vld.idx.msk [tilespmem:v28+s12+$0x0], $0xffff  }
0x17a: {  	v26 =	vmul.f32 v24, v24;
	v28 =	vor.u32 $0x7, v43;
	v27 =	vmul.f32 v19, v19  }
0x17b: {  	v19 =	vadd.f32 v19, v24;
	v18 =	vadd.f32 v18, v20;
	v20 =	vor.u32 $0x6, v57;
	v21 =	vld.idx.msk [tilespmem:v21+s12+$0x0], $0xffff  }
0x17c: {  	v24 =	vld.idx.msk [tilespmem:v25+s12+$0x0], $0xffff;
	v25 =	vadd.f32 v27, v26;
	v26 =	vmul.f32 v23, v23;
	v27 =	vor.u32 $0x7, v44  }
0x17d: {  	v16 =	vld.idx.msk [tilespmem:v16+s12+$0x0], $0xffff;
	v19 =	vadd.f32 v23, v19;
	v12 =	vadd.f32 v14, v12;
	v14 =	vmul.f32 v14, v14  }
0x17e: {  	v23 =	vadd.f32 v26, v25;
	v25 =	vmul.f32 v22, v22;
	v26 =	vor.u32 $0x7, v46  }
0x17f: {  	v19 =	vadd.f32 v22, v19;
	v22 =	vld.idx.msk [tilespmem:v28+s12+$0x0], $0xffff;
	v14 =	vadd.f32 v14, v18;
	v18 =	vor.u32 $0x6, v58  }
0x180: {  	v28 =	vor.u32 $0x7, v42;
	v20 =	vld.idx.msk [tilespmem:v20+s12+$0x0], $0xffff;
	v23 =	vadd.f32 v25, v23;
	v25 =	vmul.f32 v21, v21  }
0x181: {  	v12 =	vadd.f32 v24, v12;
	v24 =	vmul.f32 v24, v24;
	v19 =	vadd.f32 v21, v19;
	v21 =	vld.idx.msk [tilespmem:v27+s12+$0x0], $0xffff  }
0x182: {  	v27 =	vor.u32 $0x7, v48;
	v23 =	vadd.f32 v25, v23;
	v25 =	vmul.f32 v16, v16  }
0x183: {  	v14 =	vadd.f32 v24, v14;
	v24 =	vor.u32 $0x6, v59;
	v16 =	vadd.f32 v16, v19;
	v19 =	vld.idx.msk [tilespmem:v26+s12+$0x0], $0xffff  }
0x184: {  	v26 =	vor.u32 $0x7, v51;
	v18 =	vld.idx.msk [tilespmem:v18+s12+$0x0], $0xffff;
	v23 =	vadd.f32 v25, v23;
	v25 =	vmul.f32 v22, v22  }
0x185: {  	v12 =	vadd.f32 v20, v12;
	v20 =	vmul.f32 v20, v20;
	v16 =	vadd.f32 v22, v16;
	v22 =	vld.idx.msk [tilespmem:v28+s12+$0x0], $0xffff  }
0x186: {  	v28 =	vor.u32 $0x7, v47;
	v23 =	vadd.f32 v25, v23;
	v25 =	vmul.f32 v21, v21  }
0x187: {  	v14 =	vadd.f32 v20, v14;
	v20 =	vor.u32 $0x6, v60;
	v16 =	vadd.f32 v21, v16;
	v21 =	vld.idx.msk [tilespmem:v27+s12+$0x0], $0xffff  }
0x188: {  	v24 =	vld.idx.msk [tilespmem:v24+s12+$0x0], $0xffff;
	v27 =	vor.u32 $0x7, v45;
	v23 =	vadd.f32 v25, v23;
	v25 =	vmul.f32 v19, v19  }
0x189: {  	v12 =	vadd.f32 v18, v12;
	v18 =	vmul.f32 v18, v18;
	v16 =	vadd.f32 v19, v16;
	v19 =	vld.idx.msk [tilespmem:v26+s12+$0x0], $0xffff  }
0x18a: {  	v26 =	vor.u32 $0x7, v41;
	v23 =	vadd.f32 v25, v23;
	v25 =	vmul.f32 v22, v22  }
0x18b: {  	v14 =	vadd.f32 v18, v14;
	v18 =	vor.u32 $0x6, v62;
	v16 =	vadd.f32 v22, v16;
	v22 =	vld.idx.msk [tilespmem:v28+s12+$0x0], $0xffff  }
0x18c: {  	v28 =	vor.u32 $0x7, v40;
	v20 =	vld.idx.msk [tilespmem:v20+s12+$0x0], $0xffff;
	v23 =	vadd.f32 v25, v23;
	v25 =	vmul.f32 v21, v21  }
0x18d: {  	v12 =	vadd.f32 v24, v12;
	v24 =	vmul.f32 v24, v24;
	v16 =	vadd.f32 v21, v16;
	v21 =	vld.idx.msk [tilespmem:v27+s12+$0x0], $0xffff  }
0x18e: {  	v27 =	vor.u32 $0x7, v52;
	v23 =	vadd.f32 v25, v23;
	v25 =	vmul.f32 v19, v19  }
0x18f: {  	v14 =	vadd.f32 v24, v14;
	v24 =	vor.u32 $0x6, v61;
	v16 =	vadd.f32 v19, v16;
	v19 =	vld.idx.msk [tilespmem:v26+s12+$0x0], $0xffff  }
0x190: {  	v26 =	vor.u32 $0x7, v54;
	v18 =	vld.idx.msk [tilespmem:v18+s12+$0x0], $0xffff;
	v23 =	vadd.f32 v25, v23;
	v25 =	vmul.f32 v22, v22  }
0x191: {  	v12 =	vadd.f32 v20, v12;
	v20 =	vmul.f32 v20, v20;
	v16 =	vadd.f32 v22, v16;
	v22 =	vld.idx.msk [tilespmem:v28+s12+$0x0], $0xffff  }
0x192: {  	v23 =	vadd.f32 v25, v23;
	v25 =	vmul.f32 v21, v21  }
0x193: {  	v28 =	vor.u32 $0x7, v55;
	v14 =	vadd.f32 v20, v14;
	v16 =	vadd.f32 v21, v16;
	v20 =	vld.idx.msk [tilespmem:v27+s12+$0x0], $0xffff  }
0x194: {  	v21 =	vld.idx.msk [tilespmem:v24+s12+$0x0], $0xffff;
	v24 =	vmul.f32 v19, v19;
	v23 =	vadd.f32 v25, v23;
	v25 =	vor.u32 $0x7, v56  }
0x195: {  	v12 =	vadd.f32 v18, v12;
	v16 =	vadd.f32 v19, v16;
	v19 =	vld.idx.msk [tilespmem:v26+s12+$0x0], $0xffff;
	v26 =	vor.u32 $0x8, v38  }
0x196: {  	v18 =	vmul.f32 v18, v18;
	v23 =	vadd.f32 v24, v23;
	v24 =	vmul.f32 v22, v22  }
0x197: {  	v27 =	vor.u32 $0x8, v39;
	v16 =	vadd.f32 v22, v16  }
0x198: {  	v22 =	vld.idx.msk [tilespmem:v28+s12+$0x0], $0xffff;
	v28 =	vor.u32 $0x7, v57;
	v14 =	vadd.f32 v18, v14;
	v23 =	vadd.f32 v24, v23  }
0x199: {  	v24 =	vmul.f32 v20, v20;
	v16 =	vadd.f32 v20, v16;
	v20 =	vor.u32 $0x8, v37  }
0x19a: {  	v12 =	vadd.f32 v21, v12;
	v18 =	vld.idx.msk [tilespmem:v25+s12+$0x0], $0xffff;
	v25 =	vmul.f32 v21, v21;
	v21 =	vor.u32 $0x8, v36  }
0x19b: {  	v23 =	vadd.f32 v24, v23;
	v24 =	vmul.f32 v19, v19;
	v16 =	vadd.f32 v19, v16;
	v19 =	vld.idx.msk [tilespmem:v26+s12+$0x0], $0xffff  }
0x19c: {  	v8 =	vadd.f32 v10, v8;
	v12 =	vmul.f32 v12, v12;
	v14 =	vadd.f32 v25, v14;
	v25 =	vld.idx.msk [tilespmem:v27+s12+$0x0], $0xffff  }
0x19d: {  	v26 =	vor.u32 $0x8, v49;
	v23 =	vadd.f32 v24, v23;
	v24 =	vmul.f32 v22, v22  }
0x19e: {  	v27 =	vor.u32 $0x7, v58;
	v16 =	vadd.f32 v22, v16;
	v20 =	vld.idx.msk [tilespmem:v20+s12+$0x0], $0xffff;
	v10 =	vsub.f32 v12, v14  }
0x19f: {  	v22 =	vld.idx.msk [tilespmem:v28+s12+$0x0], $0xffff;
	v12 =	vor.u32 $0x8, v50;
	v23 =	vadd.f32 v24, v23;
	v24 =	vmul.f32 v18, v18  }
0x1a0: {  	v14 =	vadd.f32 v18, v16;
	v18 =	vld.idx.msk [tilespmem:v21+s12+$0x0], $0xffff;
	v21 =	vmul.f32 v19, v19  }
0x1a1: {  	v16 =	vadd.f32 v24, v23;
	v23 =	vmul.f32 v25, v25;
	v24 =	vor.u32 $0x8, v43  }
0x1a2: {  	v28 =	vor.u32 $0x7, v59;
	v19 =	vadd.f32 v25, v19;
	v25 =	vld.idx.msk [tilespmem:v26+s12+$0x0], $0xffff  }
0x1a3: {  	v26 =	vld.idx.msk [tilespmem:v27+s12+$0x0], $0xffff;
	v27 =	vor.u32 $0x8, v44;
	v21 =	vadd.f32 v23, v21;
	v23 =	vmul.f32 v20, v20  }
0x1a4: {  	v14 =	vadd.f32 v22, v14;
	v22 =	vmul.f32 v22, v22;
	v19 =	vadd.f32 v20, v19;
	v12 =	vld.idx.msk [tilespmem:v12+s12+$0x0], $0xffff  }
0x1a5: {  	v20 =	vadd.f32 v23, v21;
	v21 =	vmul.f32 v18, v18;
	v23 =	vor.u32 $0x8, v46  }
0x1a6: {  	v16 =	vadd.f32 v22, v16;
	v18 =	vadd.f32 v18, v19;
	v19 =	vld.idx.msk [tilespmem:v24+s12+$0x0], $0xffff  }
0x1a7: {  	v22 =	vor.u32 $0x8, v42;
	v20 =	vadd.f32 v21, v20;
	v21 =	vmul.f32 v25, v25  }
0x1a8: {  	v29 =	vor.u32 $0x7, v62;
	v24 =	vor.u32 $0x7, v60;
	v18 =	vadd.f32 v25, v18;
	v25 =	vld.idx.msk [tilespmem:v27+s12+$0x0], $0xffff  }
0x1a9: {  	v27 =	vld.idx.msk [tilespmem:v28+s12+$0x0], $0xffff;
	v28 =	vor.u32 $0x8, v48;
	v20 =	vadd.f32 v21, v20;
	v21 =	vmul.f32 v12, v12  }
0x1aa: {  	v14 =	vadd.f32 v26, v14;
	v26 =	vmul.f32 v26, v26;
	v12 =	vadd.f32 v12, v18;
	v18 =	vld.idx.msk [tilespmem:v23+s12+$0x0], $0xffff  }
0x1ab: {  	v23 =	vor.u32 $0x8, v51;
	v20 =	vadd.f32 v21, v20;
	v21 =	vmul.f32 v19, v19  }
0x1ac: {  	v16 =	vadd.f32 v26, v16;
	v12 =	vadd.f32 v19, v12;
	v19 =	vld.idx.msk [tilespmem:v22+s12+$0x0], $0xffff  }
0x1ad: {  	v22 =	vld.idx.msk [tilespmem:v24+s12+$0x0], $0xffff;
	v24 =	vor.u32 $0x8, v47;
	v20 =	vadd.f32 v21, v20;
	v21 =	vmul.f32 v25, v25  }
0x1ae: {  	v14 =	vadd.f32 v27, v14;
	v26 =	vmul.f32 v27, v27;
	v12 =	vadd.f32 v25, v12;
	v25 =	vld.idx.msk [tilespmem:v28+s12+$0x0], $0xffff  }
0x1af: {  	v27 =	vld.idx.msk [tilespmem:v29+s12+$0x0], $0xffff;
	v28 =	vor.u32 $0x8, v45;
	v20 =	vadd.f32 v21, v20;
	v21 =	vmul.f32 v18, v18  }
0x1b0: {  	v16 =	vadd.f32 v26, v16;
	v26 =	vor.u32 $0x7, v61;
	v12 =	vadd.f32 v18, v12;
	v18 =	vld.idx.msk [tilespmem:v23+s12+$0x0], $0xffff  }
0x1b1: {  	v23 =	vor.u32 $0x8, v41;
	v20 =	vadd.f32 v21, v20;
	v21 =	vmul.f32 v19, v19  }
0x1b2: {  	v14 =	vadd.f32 v22, v14;
	v22 =	vmul.f32 v22, v22;
	v12 =	vadd.f32 v19, v12;
	v19 =	vld.idx.msk [tilespmem:v24+s12+$0x0], $0xffff  }
0x1b3: {  	v24 =	vor.u32 $0x8, v40;
	v20 =	vadd.f32 v21, v20;
	v21 =	vmul.f32 v25, v25  }
0x1b4: {  	v16 =	vadd.f32 v22, v16;
	v22 =	vld.idx.msk [tilespmem:v28+s12+$0x0], $0xffff;
	v12 =	vadd.f32 v25, v12  }
0x1b5: {  	v14 =	vadd.f32 v27, v14;
	v25 =	vld.idx.msk [tilespmem:v26+s12+$0x0], $0xffff;
	v20 =	vadd.f32 v21, v20;
	v21 =	vmul.f32 v18, v18  }
0x1b6: {  	v26 =	vmul.f32 v27, v27;
	v12 =	vadd.f32 v18, v12;
	v18 =	vld.idx.msk [tilespmem:v23+s12+$0x0], $0xffff;
	v23 =	vor.u32 $0x8, v52  }
0x1b7: {  	v27 =	vor.u32 $0x8, v54;
	v20 =	vadd.f32 v21, v20;
	v21 =	vmul.f32 v19, v19  }
0x1b8: {  	v16 =	vadd.f32 v26, v16;
	v12 =	vadd.f32 v19, v12;
	v19 =	vld.idx.msk [tilespmem:v24+s12+$0x0], $0xffff;
	v24 =	vor.u32 $0x9, v38  }
0x1b9: {  	v26 =	vor.u32 $0x9, v39;
	v20 =	vadd.f32 v21, v20;
	v21 =	vmul.f32 v22, v22  }
0x1ba: {  	v14 =	vadd.f32 v25, v14;
	v12 =	vadd.f32 v22, v12  }
0x1bb: {  	v22 =	vld.idx.msk [tilespmem:v23+s12+$0x0], $0xffff;
	v23 =	vor.u32 $0x9, v37;
	v20 =	vadd.f32 v21, v20;
	v21 =	vmul.f32 v18, v18  }
0x1bc: {  	v25 =	vmul.f32 v25, v25;
	v12 =	vadd.f32 v18, v12;
	v18 =	vld.idx.msk [tilespmem:v27+s12+$0x0], $0xffff;
	v27 =	vor.u32 $0x8, v55  }
0x1bd: {  	v28 =	vor.u32 $0x9, v36;
	v24 =	vld.idx.msk [tilespmem:v24+s12+$0x0], $0xffff;
	v20 =	vadd.f32 v21, v20;
	v21 =	vmul.f32 v19, v19  }
0x1be: {  	v16 =	vadd.f32 v25, v16;
	v12 =	vadd.f32 v19, v12;
	v19 =	vld.idx.msk [tilespmem:v26+s12+$0x0], $0xffff  }
0x1bf: {  	v14 =	vmul.f32 v14, v14;
	v20 =	vadd.f32 v21, v20;
	v21 =	vor.u32 $0x9, v49  }
0x1c0: {  	v25 =	vor.u32 $0x8, v56;
	v12 =	vadd.f32 v22, v12;
	v22 =	vmul.f32 v22, v22;
	v23 =	vld.idx.msk [tilespmem:v23+s12+$0x0], $0xffff  }
0x1c1: {  	v8 =	vadd.f32 v10, v8;
	v10 =	vsub.f32 v14, v16;
	v16 =	vor.u32 $0x9, v50;
	v14 =	vld.idx.msk [tilespmem:v27+s12+$0x0], $0xffff  }
0x1c2: {  	v20 =	vadd.f32 v22, v20;
	v12 =	vadd.f32 v18, v12;
	v18 =	vmul.f32 v18, v18;
	v22 =	vld.idx.msk [tilespmem:v28+s12+$0x0], $0xffff  }
0x1c3: {  	v26 =	vmul.f32 v24, v24;
	v28 =	vor.u32 $0x9, v43;
	v27 =	vmul.f32 v19, v19  }
0x1c4: {  	v19 =	vadd.f32 v19, v24;
	v18 =	vadd.f32 v18, v20;
	v20 =	vor.u32 $0x8, v57;
	v21 =	vld.idx.msk [tilespmem:v21+s12+$0x0], $0xffff  }
0x1c5: {  	v24 =	vld.idx.msk [tilespmem:v25+s12+$0x0], $0xffff;
	v25 =	vadd.f32 v27, v26;
	v26 =	vmul.f32 v23, v23;
	v27 =	vor.u32 $0x9, v44  }
0x1c6: {  	v16 =	vld.idx.msk [tilespmem:v16+s12+$0x0], $0xffff;
	v19 =	vadd.f32 v23, v19;
	v12 =	vadd.f32 v14, v12;
	v14 =	vmul.f32 v14, v14  }
0x1c7: {  	v23 =	vadd.f32 v26, v25;
	v25 =	vmul.f32 v22, v22;
	v26 =	vor.u32 $0x9, v46  }
0x1c8: {  	v19 =	vadd.f32 v22, v19;
	v22 =	vld.idx.msk [tilespmem:v28+s12+$0x0], $0xffff;
	v14 =	vadd.f32 v14, v18;
	v18 =	vor.u32 $0x8, v58  }
0x1c9: {  	v28 =	vor.u32 $0x9, v42;
	v20 =	vld.idx.msk [tilespmem:v20+s12+$0x0], $0xffff;
	v23 =	vadd.f32 v25, v23;
	v25 =	vmul.f32 v21, v21  }
0x1ca: {  	v12 =	vadd.f32 v24, v12;
	v24 =	vmul.f32 v24, v24;
	v19 =	vadd.f32 v21, v19;
	v21 =	vld.idx.msk [tilespmem:v27+s12+$0x0], $0xffff  }
0x1cb: {  	v27 =	vor.u32 $0x9, v48;
	v23 =	vadd.f32 v25, v23;
	v25 =	vmul.f32 v16, v16  }
0x1cc: {  	v14 =	vadd.f32 v24, v14;
	v24 =	vor.u32 $0x8, v59;
	v16 =	vadd.f32 v16, v19;
	v19 =	vld.idx.msk [tilespmem:v26+s12+$0x0], $0xffff  }
0x1cd: {  	v26 =	vor.u32 $0x9, v51;
	v18 =	vld.idx.msk [tilespmem:v18+s12+$0x0], $0xffff;
	v23 =	vadd.f32 v25, v23;
	v25 =	vmul.f32 v22, v22  }
0x1ce: {  	v12 =	vadd.f32 v20, v12;
	v20 =	vmul.f32 v20, v20;
	v16 =	vadd.f32 v22, v16;
	v22 =	vld.idx.msk [tilespmem:v28+s12+$0x0], $0xffff  }
0x1cf: {  	v28 =	vor.u32 $0x9, v47;
	v23 =	vadd.f32 v25, v23;
	v25 =	vmul.f32 v21, v21  }
0x1d0: {  	v14 =	vadd.f32 v20, v14;
	v20 =	vor.u32 $0x8, v60;
	v16 =	vadd.f32 v21, v16;
	v21 =	vld.idx.msk [tilespmem:v27+s12+$0x0], $0xffff  }
0x1d1: {  	v24 =	vld.idx.msk [tilespmem:v24+s12+$0x0], $0xffff;
	v27 =	vor.u32 $0x9, v45;
	v23 =	vadd.f32 v25, v23;
	v25 =	vmul.f32 v19, v19  }
0x1d2: {  	v12 =	vadd.f32 v18, v12;
	v18 =	vmul.f32 v18, v18;
	v16 =	vadd.f32 v19, v16;
	v19 =	vld.idx.msk [tilespmem:v26+s12+$0x0], $0xffff  }
0x1d3: {  	v26 =	vor.u32 $0x9, v41;
	v23 =	vadd.f32 v25, v23;
	v25 =	vmul.f32 v22, v22  }
0x1d4: {  	v14 =	vadd.f32 v18, v14;
	v18 =	vor.u32 $0x8, v62;
	v16 =	vadd.f32 v22, v16;
	v22 =	vld.idx.msk [tilespmem:v28+s12+$0x0], $0xffff  }
0x1d5: {  	v28 =	vor.u32 $0x9, v40;
	v20 =	vld.idx.msk [tilespmem:v20+s12+$0x0], $0xffff;
	v23 =	vadd.f32 v25, v23;
	v25 =	vmul.f32 v21, v21  }
0x1d6: {  	v12 =	vadd.f32 v24, v12;
	v24 =	vmul.f32 v24, v24;
	v16 =	vadd.f32 v21, v16;
	v21 =	vld.idx.msk [tilespmem:v27+s12+$0x0], $0xffff  }
0x1d7: {  	v27 =	vor.u32 $0x9, v52;
	v23 =	vadd.f32 v25, v23;
	v25 =	vmul.f32 v19, v19  }
0x1d8: {  	v14 =	vadd.f32 v24, v14;
	v24 =	vor.u32 $0x8, v61;
	v16 =	vadd.f32 v19, v16;
	v19 =	vld.idx.msk [tilespmem:v26+s12+$0x0], $0xffff  }
0x1d9: {  	v26 =	vor.u32 $0x9, v54;
	v18 =	vld.idx.msk [tilespmem:v18+s12+$0x0], $0xffff;
	v23 =	vadd.f32 v25, v23;
	v25 =	vmul.f32 v22, v22  }
0x1da: {  	v12 =	vadd.f32 v20, v12;
	v20 =	vmul.f32 v20, v20;
	v16 =	vadd.f32 v22, v16;
	v22 =	vld.idx.msk [tilespmem:v28+s12+$0x0], $0xffff  }
0x1db: {  	v23 =	vadd.f32 v25, v23;
	v25 =	vmul.f32 v21, v21  }
0x1dc: {  	v28 =	vor.u32 $0x9, v55;
	v14 =	vadd.f32 v20, v14;
	v16 =	vadd.f32 v21, v16;
	v20 =	vld.idx.msk [tilespmem:v27+s12+$0x0], $0xffff  }
0x1dd: {  	v21 =	vld.idx.msk [tilespmem:v24+s12+$0x0], $0xffff;
	v24 =	vmul.f32 v19, v19;
	v23 =	vadd.f32 v25, v23;
	v25 =	vor.u32 $0x9, v56  }
0x1de: {  	v12 =	vadd.f32 v18, v12;
	v16 =	vadd.f32 v19, v16;
	v19 =	vld.idx.msk [tilespmem:v26+s12+$0x0], $0xffff;
	v26 =	vor.u32 $0xA, v38  }
0x1df: {  	v18 =	vmul.f32 v18, v18;
	v23 =	vadd.f32 v24, v23;
	v24 =	vmul.f32 v22, v22  }
0x1e0: {  	v27 =	vor.u32 $0xA, v39;
	v16 =	vadd.f32 v22, v16  }
0x1e1: {  	v22 =	vld.idx.msk [tilespmem:v28+s12+$0x0], $0xffff;
	v28 =	vor.u32 $0x9, v57;
	v14 =	vadd.f32 v18, v14;
	v23 =	vadd.f32 v24, v23  }
0x1e2: {  	v24 =	vmul.f32 v20, v20;
	v16 =	vadd.f32 v20, v16;
	v20 =	vor.u32 $0xA, v37  }
0x1e3: {  	v12 =	vadd.f32 v21, v12;
	v18 =	vld.idx.msk [tilespmem:v25+s12+$0x0], $0xffff;
	v25 =	vmul.f32 v21, v21;
	v21 =	vor.u32 $0xA, v36  }
0x1e4: {  	v23 =	vadd.f32 v24, v23;
	v24 =	vmul.f32 v19, v19;
	v16 =	vadd.f32 v19, v16;
	v19 =	vld.idx.msk [tilespmem:v26+s12+$0x0], $0xffff  }
0x1e5: {  	v8 =	vadd.f32 v10, v8;
	v12 =	vmul.f32 v12, v12;
	v14 =	vadd.f32 v25, v14;
	v25 =	vld.idx.msk [tilespmem:v27+s12+$0x0], $0xffff  }
0x1e6: {  	v26 =	vor.u32 $0xA, v49;
	v23 =	vadd.f32 v24, v23;
	v24 =	vmul.f32 v22, v22  }
0x1e7: {  	v27 =	vor.u32 $0x9, v58;
	v16 =	vadd.f32 v22, v16;
	v20 =	vld.idx.msk [tilespmem:v20+s12+$0x0], $0xffff;
	v10 =	vsub.f32 v12, v14  }
0x1e8: {  	v22 =	vld.idx.msk [tilespmem:v28+s12+$0x0], $0xffff;
	v12 =	vor.u32 $0xA, v50;
	v23 =	vadd.f32 v24, v23;
	v24 =	vmul.f32 v18, v18  }
0x1e9: {  	v14 =	vadd.f32 v18, v16;
	v18 =	vld.idx.msk [tilespmem:v21+s12+$0x0], $0xffff;
	v21 =	vmul.f32 v19, v19  }
0x1ea: {  	v16 =	vadd.f32 v24, v23;
	v23 =	vmul.f32 v25, v25;
	v24 =	vor.u32 $0xA, v43  }
0x1eb: {  	v28 =	vor.u32 $0x9, v59;
	v19 =	vadd.f32 v25, v19;
	v25 =	vld.idx.msk [tilespmem:v26+s12+$0x0], $0xffff  }
0x1ec: {  	v26 =	vld.idx.msk [tilespmem:v27+s12+$0x0], $0xffff;
	v27 =	vor.u32 $0xA, v44;
	v21 =	vadd.f32 v23, v21;
	v23 =	vmul.f32 v20, v20  }
0x1ed: {  	v14 =	vadd.f32 v22, v14;
	v22 =	vmul.f32 v22, v22;
	v19 =	vadd.f32 v20, v19;
	v12 =	vld.idx.msk [tilespmem:v12+s12+$0x0], $0xffff  }
0x1ee: {  	v20 =	vadd.f32 v23, v21;
	v21 =	vmul.f32 v18, v18;
	v23 =	vor.u32 $0xA, v46  }
0x1ef: {  	v16 =	vadd.f32 v22, v16;
	v18 =	vadd.f32 v18, v19;
	v19 =	vld.idx.msk [tilespmem:v24+s12+$0x0], $0xffff  }
0x1f0: {  	v22 =	vor.u32 $0xA, v42;
	v20 =	vadd.f32 v21, v20;
	v21 =	vmul.f32 v25, v25  }
0x1f1: {  	v29 =	vor.u32 $0x9, v62;
	v24 =	vor.u32 $0x9, v60;
	v18 =	vadd.f32 v25, v18;
	v25 =	vld.idx.msk [tilespmem:v27+s12+$0x0], $0xffff  }
0x1f2: {  	v27 =	vld.idx.msk [tilespmem:v28+s12+$0x0], $0xffff;
	v28 =	vor.u32 $0xA, v48;
	v20 =	vadd.f32 v21, v20;
	v21 =	vmul.f32 v12, v12  }
0x1f3: {  	v14 =	vadd.f32 v26, v14;
	v26 =	vmul.f32 v26, v26;
	v12 =	vadd.f32 v12, v18;
	v18 =	vld.idx.msk [tilespmem:v23+s12+$0x0], $0xffff  }
0x1f4: {  	v23 =	vor.u32 $0xA, v51;
	v20 =	vadd.f32 v21, v20;
	v21 =	vmul.f32 v19, v19  }
0x1f5: {  	v16 =	vadd.f32 v26, v16;
	v12 =	vadd.f32 v19, v12;
	v19 =	vld.idx.msk [tilespmem:v22+s12+$0x0], $0xffff  }
0x1f6: {  	v22 =	vld.idx.msk [tilespmem:v24+s12+$0x0], $0xffff;
	v24 =	vor.u32 $0xA, v47;
	v20 =	vadd.f32 v21, v20;
	v21 =	vmul.f32 v25, v25  }
0x1f7: {  	v14 =	vadd.f32 v27, v14;
	v26 =	vmul.f32 v27, v27;
	v12 =	vadd.f32 v25, v12;
	v25 =	vld.idx.msk [tilespmem:v28+s12+$0x0], $0xffff  }
0x1f8: {  	v27 =	vld.idx.msk [tilespmem:v29+s12+$0x0], $0xffff;
	v28 =	vor.u32 $0xA, v45;
	v20 =	vadd.f32 v21, v20;
	v21 =	vmul.f32 v18, v18  }
0x1f9: {  	v16 =	vadd.f32 v26, v16;
	v26 =	vor.u32 $0x9, v61;
	v12 =	vadd.f32 v18, v12;
	v18 =	vld.idx.msk [tilespmem:v23+s12+$0x0], $0xffff  }
0x1fa: {  	v23 =	vor.u32 $0xA, v41;
	v20 =	vadd.f32 v21, v20;
	v21 =	vmul.f32 v19, v19  }
0x1fb: {  	v14 =	vadd.f32 v22, v14;
	v22 =	vmul.f32 v22, v22;
	v12 =	vadd.f32 v19, v12;
	v19 =	vld.idx.msk [tilespmem:v24+s12+$0x0], $0xffff  }
0x1fc: {  	v24 =	vor.u32 $0xA, v40;
	v20 =	vadd.f32 v21, v20;
	v21 =	vmul.f32 v25, v25  }
0x1fd: {  	v16 =	vadd.f32 v22, v16;
	v22 =	vld.idx.msk [tilespmem:v28+s12+$0x0], $0xffff;
	v12 =	vadd.f32 v25, v12  }
0x1fe: {  	v14 =	vadd.f32 v27, v14;
	v25 =	vld.idx.msk [tilespmem:v26+s12+$0x0], $0xffff;
	v20 =	vadd.f32 v21, v20;
	v21 =	vmul.f32 v18, v18  }
0x1ff: {  	v26 =	vmul.f32 v27, v27;
	v12 =	vadd.f32 v18, v12;
	v18 =	vld.idx.msk [tilespmem:v23+s12+$0x0], $0xffff;
	v23 =	vor.u32 $0xA, v52  }
0x200: {  	v27 =	vor.u32 $0xA, v54;
	v20 =	vadd.f32 v21, v20;
	v21 =	vmul.f32 v19, v19  }
0x201: {  	v16 =	vadd.f32 v26, v16;
	v12 =	vadd.f32 v19, v12;
	v19 =	vld.idx.msk [tilespmem:v24+s12+$0x0], $0xffff;
	v24 =	vor.u32 $0xB, v38  }
0x202: {  	v26 =	vor.u32 $0xB, v39;
	v20 =	vadd.f32 v21, v20;
	v21 =	vmul.f32 v22, v22  }
0x203: {  	v14 =	vadd.f32 v25, v14;
	v12 =	vadd.f32 v22, v12  }
0x204: {  	v22 =	vld.idx.msk [tilespmem:v23+s12+$0x0], $0xffff;
	v23 =	vor.u32 $0xB, v37;
	v20 =	vadd.f32 v21, v20;
	v21 =	vmul.f32 v18, v18  }
0x205: {  	v25 =	vmul.f32 v25, v25;
	v12 =	vadd.f32 v18, v12;
	v18 =	vld.idx.msk [tilespmem:v27+s12+$0x0], $0xffff;
	v27 =	vor.u32 $0xA, v55  }
0x206: {  	v28 =	vor.u32 $0xB, v36;
	v24 =	vld.idx.msk [tilespmem:v24+s12+$0x0], $0xffff;
	v20 =	vadd.f32 v21, v20;
	v21 =	vmul.f32 v19, v19  }
0x207: {  	v16 =	vadd.f32 v25, v16;
	v12 =	vadd.f32 v19, v12;
	v19 =	vld.idx.msk [tilespmem:v26+s12+$0x0], $0xffff  }
0x208: {  	v14 =	vmul.f32 v14, v14;
	v20 =	vadd.f32 v21, v20;
	v21 =	vor.u32 $0xB, v49  }
0x209: {  	v25 =	vor.u32 $0xA, v56;
	v12 =	vadd.f32 v22, v12;
	v22 =	vmul.f32 v22, v22;
	v23 =	vld.idx.msk [tilespmem:v23+s12+$0x0], $0xffff  }
0x20a: {  	v8 =	vadd.f32 v10, v8;
	v10 =	vsub.f32 v14, v16;
	v16 =	vor.u32 $0xB, v50;
	v14 =	vld.idx.msk [tilespmem:v27+s12+$0x0], $0xffff  }
0x20b: {  	v20 =	vadd.f32 v22, v20;
	v12 =	vadd.f32 v18, v12;
	v18 =	vmul.f32 v18, v18;
	v22 =	vld.idx.msk [tilespmem:v28+s12+$0x0], $0xffff  }
0x20c: {  	v26 =	vmul.f32 v24, v24;
	v28 =	vor.u32 $0xB, v43;
	v27 =	vmul.f32 v19, v19  }
0x20d: {  	v19 =	vadd.f32 v19, v24;
	v18 =	vadd.f32 v18, v20;
	v20 =	vor.u32 $0xA, v57;
	v21 =	vld.idx.msk [tilespmem:v21+s12+$0x0], $0xffff  }
0x20e: {  	v24 =	vld.idx.msk [tilespmem:v25+s12+$0x0], $0xffff;
	v25 =	vadd.f32 v27, v26;
	v26 =	vmul.f32 v23, v23;
	v27 =	vor.u32 $0xB, v44  }
0x20f: {  	v16 =	vld.idx.msk [tilespmem:v16+s12+$0x0], $0xffff;
	v19 =	vadd.f32 v23, v19;
	v12 =	vadd.f32 v14, v12;
	v14 =	vmul.f32 v14, v14  }
0x210: {  	v23 =	vadd.f32 v26, v25;
	v25 =	vmul.f32 v22, v22;
	v26 =	vor.u32 $0xB, v46  }
0x211: {  	v19 =	vadd.f32 v22, v19;
	v22 =	vld.idx.msk [tilespmem:v28+s12+$0x0], $0xffff;
	v14 =	vadd.f32 v14, v18;
	v18 =	vor.u32 $0xA, v58  }
0x212: {  	v28 =	vor.u32 $0xB, v42;
	v20 =	vld.idx.msk [tilespmem:v20+s12+$0x0], $0xffff;
	v23 =	vadd.f32 v25, v23;
	v25 =	vmul.f32 v21, v21  }
0x213: {  	v12 =	vadd.f32 v24, v12;
	v24 =	vmul.f32 v24, v24;
	v19 =	vadd.f32 v21, v19;
	v21 =	vld.idx.msk [tilespmem:v27+s12+$0x0], $0xffff  }
0x214: {  	v27 =	vor.u32 $0xB, v48;
	v23 =	vadd.f32 v25, v23;
	v25 =	vmul.f32 v16, v16  }
0x215: {  	v14 =	vadd.f32 v24, v14;
	v24 =	vor.u32 $0xA, v59;
	v16 =	vadd.f32 v16, v19;
	v19 =	vld.idx.msk [tilespmem:v26+s12+$0x0], $0xffff  }
0x216: {  	v26 =	vor.u32 $0xB, v51;
	v18 =	vld.idx.msk [tilespmem:v18+s12+$0x0], $0xffff;
	v23 =	vadd.f32 v25, v23;
	v25 =	vmul.f32 v22, v22  }
0x217: {  	v12 =	vadd.f32 v20, v12;
	v20 =	vmul.f32 v20, v20;
	v16 =	vadd.f32 v22, v16;
	v22 =	vld.idx.msk [tilespmem:v28+s12+$0x0], $0xffff  }
0x218: {  	v28 =	vor.u32 $0xB, v47;
	v23 =	vadd.f32 v25, v23;
	v25 =	vmul.f32 v21, v21  }
0x219: {  	v14 =	vadd.f32 v20, v14;
	v20 =	vor.u32 $0xA, v60;
	v16 =	vadd.f32 v21, v16;
	v21 =	vld.idx.msk [tilespmem:v27+s12+$0x0], $0xffff  }
0x21a: {  	v24 =	vld.idx.msk [tilespmem:v24+s12+$0x0], $0xffff;
	v27 =	vor.u32 $0xB, v45;
	v23 =	vadd.f32 v25, v23;
	v25 =	vmul.f32 v19, v19  }
0x21b: {  	v12 =	vadd.f32 v18, v12;
	v18 =	vmul.f32 v18, v18;
	v16 =	vadd.f32 v19, v16;
	v19 =	vld.idx.msk [tilespmem:v26+s12+$0x0], $0xffff  }
0x21c: {  	v26 =	vor.u32 $0xB, v41;
	v23 =	vadd.f32 v25, v23;
	v25 =	vmul.f32 v22, v22  }
0x21d: {  	v14 =	vadd.f32 v18, v14;
	v18 =	vor.u32 $0xA, v62;
	v16 =	vadd.f32 v22, v16;
	v22 =	vld.idx.msk [tilespmem:v28+s12+$0x0], $0xffff  }
0x21e: {  	v28 =	vor.u32 $0xB, v40;
	v20 =	vld.idx.msk [tilespmem:v20+s12+$0x0], $0xffff;
	v23 =	vadd.f32 v25, v23;
	v25 =	vmul.f32 v21, v21  }
0x21f: {  	v12 =	vadd.f32 v24, v12;
	v24 =	vmul.f32 v24, v24;
	v16 =	vadd.f32 v21, v16;
	v21 =	vld.idx.msk [tilespmem:v27+s12+$0x0], $0xffff  }
0x220: {  	v27 =	vor.u32 $0xB, v52;
	v23 =	vadd.f32 v25, v23;
	v25 =	vmul.f32 v19, v19  }
0x221: {  	v14 =	vadd.f32 v24, v14;
	v24 =	vor.u32 $0xA, v61;
	v16 =	vadd.f32 v19, v16;
	v19 =	vld.idx.msk [tilespmem:v26+s12+$0x0], $0xffff  }
0x222: {  	v26 =	vor.u32 $0xB, v54;
	v18 =	vld.idx.msk [tilespmem:v18+s12+$0x0], $0xffff;
	v23 =	vadd.f32 v25, v23;
	v25 =	vmul.f32 v22, v22  }
0x223: {  	v12 =	vadd.f32 v20, v12;
	v20 =	vmul.f32 v20, v20;
	v16 =	vadd.f32 v22, v16;
	v22 =	vld.idx.msk [tilespmem:v28+s12+$0x0], $0xffff  }
0x224: {  	v23 =	vadd.f32 v25, v23;
	v25 =	vmul.f32 v21, v21  }
0x225: {  	v28 =	vor.u32 $0xB, v55;
	v14 =	vadd.f32 v20, v14;
	v16 =	vadd.f32 v21, v16;
	v20 =	vld.idx.msk [tilespmem:v27+s12+$0x0], $0xffff  }
0x226: {  	v21 =	vld.idx.msk [tilespmem:v24+s12+$0x0], $0xffff;
	v24 =	vmul.f32 v19, v19;
	v23 =	vadd.f32 v25, v23;
	v25 =	vor.u32 $0xB, v56  }
0x227: {  	v12 =	vadd.f32 v18, v12;
	v16 =	vadd.f32 v19, v16;
	v19 =	vld.idx.msk [tilespmem:v26+s12+$0x0], $0xffff;
	v26 =	vor.u32 $0xC, v38  }
0x228: {  	v18 =	vmul.f32 v18, v18;
	v23 =	vadd.f32 v24, v23;
	v24 =	vmul.f32 v22, v22  }
0x229: {  	v27 =	vor.u32 $0xC, v39;
	v16 =	vadd.f32 v22, v16  }
0x22a: {  	v22 =	vld.idx.msk [tilespmem:v28+s12+$0x0], $0xffff;
	v28 =	vor.u32 $0xB, v57;
	v14 =	vadd.f32 v18, v14;
	v23 =	vadd.f32 v24, v23  }
0x22b: {  	v24 =	vmul.f32 v20, v20;
	v16 =	vadd.f32 v20, v16;
	v20 =	vor.u32 $0xC, v37  }
0x22c: {  	v12 =	vadd.f32 v21, v12;
	v18 =	vld.idx.msk [tilespmem:v25+s12+$0x0], $0xffff;
	v25 =	vmul.f32 v21, v21;
	v21 =	vor.u32 $0xC, v36  }
0x22d: {  	v23 =	vadd.f32 v24, v23;
	v24 =	vmul.f32 v19, v19;
	v16 =	vadd.f32 v19, v16;
	v19 =	vld.idx.msk [tilespmem:v26+s12+$0x0], $0xffff  }
0x22e: {  	v8 =	vadd.f32 v10, v8;
	v12 =	vmul.f32 v12, v12;
	v14 =	vadd.f32 v25, v14;
	v25 =	vld.idx.msk [tilespmem:v27+s12+$0x0], $0xffff  }
0x22f: {  	v26 =	vor.u32 $0xC, v49;
	v23 =	vadd.f32 v24, v23;
	v24 =	vmul.f32 v22, v22  }
0x230: {  	v27 =	vor.u32 $0xB, v58;
	v16 =	vadd.f32 v22, v16;
	v20 =	vld.idx.msk [tilespmem:v20+s12+$0x0], $0xffff;
	v10 =	vsub.f32 v12, v14  }
0x231: {  	v22 =	vld.idx.msk [tilespmem:v28+s12+$0x0], $0xffff;
	v12 =	vor.u32 $0xC, v50;
	v23 =	vadd.f32 v24, v23;
	v24 =	vmul.f32 v18, v18  }
0x232: {  	v14 =	vadd.f32 v18, v16;
	v18 =	vld.idx.msk [tilespmem:v21+s12+$0x0], $0xffff;
	v21 =	vmul.f32 v19, v19  }
0x233: {  	v16 =	vadd.f32 v24, v23;
	v23 =	vmul.f32 v25, v25;
	v24 =	vor.u32 $0xC, v43  }
0x234: {  	v28 =	vor.u32 $0xB, v59;
	v19 =	vadd.f32 v25, v19;
	v25 =	vld.idx.msk [tilespmem:v26+s12+$0x0], $0xffff  }
0x235: {  	v26 =	vld.idx.msk [tilespmem:v27+s12+$0x0], $0xffff;
	v27 =	vor.u32 $0xC, v44;
	v21 =	vadd.f32 v23, v21;
	v23 =	vmul.f32 v20, v20  }
0x236: {  	v14 =	vadd.f32 v22, v14;
	v22 =	vmul.f32 v22, v22;
	v19 =	vadd.f32 v20, v19;
	v12 =	vld.idx.msk [tilespmem:v12+s12+$0x0], $0xffff  }
0x237: {  	v20 =	vadd.f32 v23, v21;
	v21 =	vmul.f32 v18, v18;
	v23 =	vor.u32 $0xC, v46  }
0x238: {  	v16 =	vadd.f32 v22, v16;
	v18 =	vadd.f32 v18, v19;
	v19 =	vld.idx.msk [tilespmem:v24+s12+$0x0], $0xffff  }
0x239: {  	v22 =	vor.u32 $0xC, v42;
	v20 =	vadd.f32 v21, v20;
	v21 =	vmul.f32 v25, v25  }
0x23a: {  	v29 =	vor.u32 $0xB, v62;
	v24 =	vor.u32 $0xB, v60;
	v18 =	vadd.f32 v25, v18;
	v25 =	vld.idx.msk [tilespmem:v27+s12+$0x0], $0xffff  }
0x23b: {  	v27 =	vld.idx.msk [tilespmem:v28+s12+$0x0], $0xffff;
	v28 =	vor.u32 $0xC, v48;
	v20 =	vadd.f32 v21, v20;
	v21 =	vmul.f32 v12, v12  }
0x23c: {  	v14 =	vadd.f32 v26, v14;
	v26 =	vmul.f32 v26, v26;
	v12 =	vadd.f32 v12, v18;
	v18 =	vld.idx.msk [tilespmem:v23+s12+$0x0], $0xffff  }
0x23d: {  	v23 =	vor.u32 $0xC, v51;
	v20 =	vadd.f32 v21, v20;
	v21 =	vmul.f32 v19, v19  }
0x23e: {  	v16 =	vadd.f32 v26, v16;
	v12 =	vadd.f32 v19, v12;
	v19 =	vld.idx.msk [tilespmem:v22+s12+$0x0], $0xffff  }
0x23f: {  	v22 =	vld.idx.msk [tilespmem:v24+s12+$0x0], $0xffff;
	v24 =	vor.u32 $0xC, v47;
	v20 =	vadd.f32 v21, v20;
	v21 =	vmul.f32 v25, v25  }
0x240: {  	v14 =	vadd.f32 v27, v14;
	v26 =	vmul.f32 v27, v27;
	v12 =	vadd.f32 v25, v12;
	v25 =	vld.idx.msk [tilespmem:v28+s12+$0x0], $0xffff  }
0x241: {  	v27 =	vld.idx.msk [tilespmem:v29+s12+$0x0], $0xffff;
	v28 =	vor.u32 $0xC, v45;
	v20 =	vadd.f32 v21, v20;
	v21 =	vmul.f32 v18, v18  }
0x242: {  	v16 =	vadd.f32 v26, v16;
	v26 =	vor.u32 $0xB, v61;
	v12 =	vadd.f32 v18, v12;
	v18 =	vld.idx.msk [tilespmem:v23+s12+$0x0], $0xffff  }
0x243: {  	v23 =	vor.u32 $0xC, v41;
	v20 =	vadd.f32 v21, v20;
	v21 =	vmul.f32 v19, v19  }
0x244: {  	v14 =	vadd.f32 v22, v14;
	v22 =	vmul.f32 v22, v22;
	v12 =	vadd.f32 v19, v12;
	v19 =	vld.idx.msk [tilespmem:v24+s12+$0x0], $0xffff  }
0x245: {  	v24 =	vor.u32 $0xC, v40;
	v20 =	vadd.f32 v21, v20;
	v21 =	vmul.f32 v25, v25  }
0x246: {  	v16 =	vadd.f32 v22, v16;
	v22 =	vld.idx.msk [tilespmem:v28+s12+$0x0], $0xffff;
	v12 =	vadd.f32 v25, v12  }
0x247: {  	v14 =	vadd.f32 v27, v14;
	v25 =	vld.idx.msk [tilespmem:v26+s12+$0x0], $0xffff;
	v20 =	vadd.f32 v21, v20;
	v21 =	vmul.f32 v18, v18  }
0x248: {  	v26 =	vmul.f32 v27, v27;
	v12 =	vadd.f32 v18, v12;
	v18 =	vld.idx.msk [tilespmem:v23+s12+$0x0], $0xffff;
	v23 =	vor.u32 $0xC, v52  }
0x249: {  	v27 =	vor.u32 $0xC, v54;
	v20 =	vadd.f32 v21, v20;
	v21 =	vmul.f32 v19, v19  }
0x24a: {  	v16 =	vadd.f32 v26, v16;
	v12 =	vadd.f32 v19, v12;
	v19 =	vld.idx.msk [tilespmem:v24+s12+$0x0], $0xffff;
	v24 =	vor.u32 $0xD, v38  }
0x24b: {  	v26 =	vor.u32 $0xD, v39;
	v20 =	vadd.f32 v21, v20;
	v21 =	vmul.f32 v22, v22  }
0x24c: {  	v14 =	vadd.f32 v25, v14;
	v12 =	vadd.f32 v22, v12  }
0x24d: {  	v22 =	vld.idx.msk [tilespmem:v23+s12+$0x0], $0xffff;
	v23 =	vor.u32 $0xD, v37;
	v20 =	vadd.f32 v21, v20;
	v21 =	vmul.f32 v18, v18  }
0x24e: {  	v25 =	vmul.f32 v25, v25;
	v12 =	vadd.f32 v18, v12;
	v18 =	vld.idx.msk [tilespmem:v27+s12+$0x0], $0xffff;
	v27 =	vor.u32 $0xC, v55  }
0x24f: {  	v28 =	vor.u32 $0xD, v36;
	v24 =	vld.idx.msk [tilespmem:v24+s12+$0x0], $0xffff;
	v20 =	vadd.f32 v21, v20;
	v21 =	vmul.f32 v19, v19  }
0x250: {  	v16 =	vadd.f32 v25, v16;
	v12 =	vadd.f32 v19, v12;
	v19 =	vld.idx.msk [tilespmem:v26+s12+$0x0], $0xffff  }
0x251: {  	v14 =	vmul.f32 v14, v14;
	v20 =	vadd.f32 v21, v20;
	v21 =	vor.u32 $0xD, v49  }
0x252: {  	v25 =	vor.u32 $0xC, v56;
	v12 =	vadd.f32 v22, v12;
	v22 =	vmul.f32 v22, v22;
	v23 =	vld.idx.msk [tilespmem:v23+s12+$0x0], $0xffff  }
0x253: {  	v8 =	vadd.f32 v10, v8;
	v10 =	vsub.f32 v14, v16;
	v16 =	vor.u32 $0xD, v50;
	v14 =	vld.idx.msk [tilespmem:v27+s12+$0x0], $0xffff  }
0x254: {  	v20 =	vadd.f32 v22, v20;
	v12 =	vadd.f32 v18, v12;
	v18 =	vmul.f32 v18, v18;
	v22 =	vld.idx.msk [tilespmem:v28+s12+$0x0], $0xffff  }
0x255: {  	v26 =	vmul.f32 v24, v24;
	v28 =	vor.u32 $0xD, v43;
	v27 =	vmul.f32 v19, v19  }
0x256: {  	v19 =	vadd.f32 v19, v24;
	v18 =	vadd.f32 v18, v20;
	v20 =	vor.u32 $0xC, v57;
	v21 =	vld.idx.msk [tilespmem:v21+s12+$0x0], $0xffff  }
0x257: {  	v24 =	vld.idx.msk [tilespmem:v25+s12+$0x0], $0xffff;
	v25 =	vadd.f32 v27, v26;
	v26 =	vmul.f32 v23, v23;
	v27 =	vor.u32 $0xD, v44  }
0x258: {  	v16 =	vld.idx.msk [tilespmem:v16+s12+$0x0], $0xffff;
	v19 =	vadd.f32 v23, v19;
	v12 =	vadd.f32 v14, v12;
	v14 =	vmul.f32 v14, v14  }
0x259: {  	v23 =	vadd.f32 v26, v25;
	v25 =	vmul.f32 v22, v22;
	v26 =	vor.u32 $0xD, v46  }
0x25a: {  	v19 =	vadd.f32 v22, v19;
	v22 =	vld.idx.msk [tilespmem:v28+s12+$0x0], $0xffff;
	v14 =	vadd.f32 v14, v18;
	v18 =	vor.u32 $0xC, v58  }
0x25b: {  	v28 =	vor.u32 $0xD, v42;
	v20 =	vld.idx.msk [tilespmem:v20+s12+$0x0], $0xffff;
	v23 =	vadd.f32 v25, v23;
	v25 =	vmul.f32 v21, v21  }
0x25c: {  	v12 =	vadd.f32 v24, v12;
	v24 =	vmul.f32 v24, v24;
	v19 =	vadd.f32 v21, v19;
	v21 =	vld.idx.msk [tilespmem:v27+s12+$0x0], $0xffff  }
0x25d: {  	v27 =	vor.u32 $0xD, v48;
	v23 =	vadd.f32 v25, v23;
	v25 =	vmul.f32 v16, v16  }
0x25e: {  	v14 =	vadd.f32 v24, v14;
	v24 =	vor.u32 $0xC, v59;
	v16 =	vadd.f32 v16, v19;
	v19 =	vld.idx.msk [tilespmem:v26+s12+$0x0], $0xffff  }
0x25f: {  	v26 =	vor.u32 $0xD, v51;
	v18 =	vld.idx.msk [tilespmem:v18+s12+$0x0], $0xffff;
	v23 =	vadd.f32 v25, v23;
	v25 =	vmul.f32 v22, v22  }
0x260: {  	v12 =	vadd.f32 v20, v12;
	v20 =	vmul.f32 v20, v20;
	v16 =	vadd.f32 v22, v16;
	v22 =	vld.idx.msk [tilespmem:v28+s12+$0x0], $0xffff  }
0x261: {  	v28 =	vor.u32 $0xD, v47;
	v23 =	vadd.f32 v25, v23;
	v25 =	vmul.f32 v21, v21  }
0x262: {  	v14 =	vadd.f32 v20, v14;
	v20 =	vor.u32 $0xC, v60;
	v16 =	vadd.f32 v21, v16;
	v21 =	vld.idx.msk [tilespmem:v27+s12+$0x0], $0xffff  }
0x263: {  	v24 =	vld.idx.msk [tilespmem:v24+s12+$0x0], $0xffff;
	v27 =	vor.u32 $0xD, v45;
	v23 =	vadd.f32 v25, v23;
	v25 =	vmul.f32 v19, v19  }
0x264: {  	v12 =	vadd.f32 v18, v12;
	v18 =	vmul.f32 v18, v18;
	v16 =	vadd.f32 v19, v16;
	v19 =	vld.idx.msk [tilespmem:v26+s12+$0x0], $0xffff  }
0x265: {  	v26 =	vor.u32 $0xD, v41;
	v23 =	vadd.f32 v25, v23;
	v25 =	vmul.f32 v22, v22  }
0x266: {  	v14 =	vadd.f32 v18, v14;
	v18 =	vor.u32 $0xC, v62;
	v16 =	vadd.f32 v22, v16;
	v22 =	vld.idx.msk [tilespmem:v28+s12+$0x0], $0xffff  }
0x267: {  	v28 =	vor.u32 $0xD, v40;
	v20 =	vld.idx.msk [tilespmem:v20+s12+$0x0], $0xffff;
	v23 =	vadd.f32 v25, v23;
	v25 =	vmul.f32 v21, v21  }
0x268: {  	v12 =	vadd.f32 v24, v12;
	v24 =	vmul.f32 v24, v24;
	v16 =	vadd.f32 v21, v16;
	v21 =	vld.idx.msk [tilespmem:v27+s12+$0x0], $0xffff  }
0x269: {  	v27 =	vor.u32 $0xD, v52;
	v23 =	vadd.f32 v25, v23;
	v25 =	vmul.f32 v19, v19  }
0x26a: {  	v14 =	vadd.f32 v24, v14;
	v24 =	vor.u32 $0xC, v61;
	v16 =	vadd.f32 v19, v16;
	v19 =	vld.idx.msk [tilespmem:v26+s12+$0x0], $0xffff  }
0x26b: {  	v26 =	vor.u32 $0xD, v54;
	v18 =	vld.idx.msk [tilespmem:v18+s12+$0x0], $0xffff;
	v23 =	vadd.f32 v25, v23;
	v25 =	vmul.f32 v22, v22  }
0x26c: {  	v12 =	vadd.f32 v20, v12;
	v20 =	vmul.f32 v20, v20;
	v16 =	vadd.f32 v22, v16;
	v22 =	vld.idx.msk [tilespmem:v28+s12+$0x0], $0xffff  }
0x26d: {  	v28 =	vor.u32 $0xD, v55;
	v23 =	vadd.f32 v25, v23;
	v25 =	vmul.f32 v21, v21  }
0x26e: {  	v14 =	vadd.f32 v20, v14;
	v16 =	vadd.f32 v21, v16;
	v20 =	vld.idx.msk [tilespmem:v27+s12+$0x0], $0xffff  }
0x26f: {  	v21 =	vld.idx.msk [tilespmem:v24+s12+$0x0], $0xffff;
	v24 =	vmul.f32 v19, v19;
	v23 =	vadd.f32 v25, v23;
	v25 =	vor.u32 $0xD, v56  }
0x270: {  	v12 =	vadd.f32 v18, v12;
	v18 =	vmul.f32 v18, v18;
	v16 =	vadd.f32 v19, v16;
	v19 =	vld.idx.msk [tilespmem:v26+s12+$0x0], $0xffff  }
0x271: {  	v26 =	vor.u32 $0xD, v57;
	v23 =	vadd.f32 v24, v23;
	v24 =	vmul.f32 v22, v22  }
0x272: {  	v14 =	vadd.f32 v18, v14;
	v16 =	vadd.f32 v22, v16;
	v18 =	vld.idx.msk [tilespmem:v28+s12+$0x0], $0xffff;
	v22 =	vor.u32 $0xE, v38  }
0x273: {  	v27 =	vor.u32 $0xE, v39;
	v23 =	vadd.f32 v24, v23;
	v24 =	vmul.f32 v20, v20  }
0x274: {  	v12 =	vadd.f32 v21, v12;
	v21 =	vmul.f32 v21, v21;
	v16 =	vadd.f32 v20, v16;
	v20 =	vld.idx.msk [tilespmem:v25+s12+$0x0], $0xffff  }
0x275: {  	v25 =	vor.u32 $0xE, v37;
	v23 =	vadd.f32 v24, v23;
	v24 =	vmul.f32 v19, v19  }
0x276: {  	v28 =	vor.u32 $0xE, v36;
	v16 =	vadd.f32 v19, v16;
	v19 =	vld.idx.msk [tilespmem:v26+s12+$0x0], $0xffff  }
0x277: {  	v14 =	vadd.f32 v21, v14;
	v22 =	vld.idx.msk [tilespmem:v22+s12+$0x0], $0xffff;
	v23 =	vadd.f32 v24, v23;
	v24 =	vmul.f32 v18, v18  }
0x278: {  	v12 =	vmul.f32 v12, v12;
	v26 =	vor.u32 $0xD, v58;
	v16 =	vadd.f32 v18, v16;
	v18 =	vld.idx.msk [tilespmem:v27+s12+$0x0], $0xffff  }
0x279: {  	v21 =	vadd.f32 v24, v23;
	v23 =	vmul.f32 v20, v20;
	v24 =	vor.u32 $0xE, v49  }
0x27a: {  	v8 =	vadd.f32 v10, v8;
	v10 =	vadd.f32 v20, v16;
	v16 =	vld.idx.msk [tilespmem:v25+s12+$0x0], $0xffff  }
0x27b: {  	v12 =	vsub.f32 v12, v14;
	v14 =	vadd.f32 v23, v21;
	v21 =	vor.u32 $0xE, v50  }
0x27c: {  	v25 =	vld.idx.msk [tilespmem:v28+s12+$0x0], $0xffff;
	v10 =	vadd.f32 v19, v10;
	v19 =	vmul.f32 v19, v19;
	v23 =	vor.u32 $0xD, v59  }
0x27d: {  	v28 =	vor.u32 $0xE, v43;
	v20 =	vld.idx.msk [tilespmem:v26+s12+$0x0], $0xffff;
	v26 =	vmul.f32 v22, v22;
	v27 =	vmul.f32 v18, v18  }
0x27e: {  	v18 =	vadd.f32 v18, v22;
	v14 =	vadd.f32 v19, v14;
	v19 =	vld.idx.msk [tilespmem:v24+s12+$0x0], $0xffff  }
0x27f: {  	v22 =	vadd.f32 v27, v26;
	v24 =	vmul.f32 v16, v16;
	v26 =	vor.u32 $0xE, v44  }
0x280: {  	v16 =	vadd.f32 v16, v18;
	v27 =	vor.u32 $0xD, v60;
	v18 =	vld.idx.msk [tilespmem:v21+s12+$0x0], $0xffff  }
0x281: {  	v21 =	vld.idx.msk [tilespmem:v23+s12+$0x0], $0xffff;
	v22 =	vadd.f32 v24, v22;
	v23 =	vmul.f32 v25, v25;
	v24 =	vor.u32 $0xE, v46  }
0x282: {  	v10 =	vadd.f32 v20, v10;
	v20 =	vmul.f32 v20, v20;
	v16 =	vadd.f32 v25, v16;
	v25 =	vld.idx.msk [tilespmem:v28+s12+$0x0], $0xffff  }
0x283: {  	v28 =	vor.u32 $0xE, v42;
	v22 =	vadd.f32 v23, v22;
	v23 =	vmul.f32 v19, v19  }
0x284: {  	v14 =	vadd.f32 v20, v14;
	v16 =	vadd.f32 v19, v16;
	v19 =	vld.idx.msk [tilespmem:v26+s12+$0x0], $0xffff  }
0x285: {  	v20 =	vadd.f32 v23, v22;
	v22 =	vmul.f32 v18, v18;
	v23 =	vor.u32 $0xE, v48  }
0x286: {  	v29 =	vor.u32 $0xD, v61;
	v26 =	vor.u32 $0xD, v62;
	v16 =	vadd.f32 v18, v16;
	v18 =	vld.idx.msk [tilespmem:v24+s12+$0x0], $0xffff  }
0x287: {  	v24 =	vld.idx.msk [tilespmem:v27+s12+$0x0], $0xffff;
	v27 =	vor.u32 $0xE, v51;
	v20 =	vadd.f32 v22, v20;
	v22 =	vmul.f32 v25, v25  }
0x288: {  	v10 =	vadd.f32 v21, v10;
	v21 =	vmul.f32 v21, v21;
	v16 =	vadd.f32 v25, v16;
	v25 =	vld.idx.msk [tilespmem:v28+s12+$0x0], $0xffff  }
0x289: {  	v28 =	vor.u32 $0xE, v47;
	v20 =	vadd.f32 v22, v20;
	v22 =	vmul.f32 v19, v19  }
0x28a: {  	v14 =	vadd.f32 v21, v14;
	v16 =	vadd.f32 v19, v16;
	v19 =	vld.idx.msk [tilespmem:v23+s12+$0x0], $0xffff  }
0x28b: {  	v21 =	vld.idx.msk [tilespmem:v26+s12+$0x0], $0xffff;
	v23 =	vor.u32 $0xE, v45;
	v20 =	vadd.f32 v22, v20;
	v22 =	vmul.f32 v18, v18  }
0x28c: {  	v10 =	vadd.f32 v24, v10;
	v24 =	vmul.f32 v24, v24;
	v16 =	vadd.f32 v18, v16;
	v18 =	vld.idx.msk [tilespmem:v27+s12+$0x0], $0xffff  }
0x28d: {  	v26 =	vld.idx.msk [tilespmem:v29+s12+$0x0], $0xffff;
	v27 =	vor.u32 $0xE, v41;
	v20 =	vadd.f32 v22, v20;
	v22 =	vmul.f32 v25, v25  }
0x28e: {  	v14 =	vadd.f32 v24, v14;
	v24 =	vld.idx.msk [tilespmem:v28+s12+$0x0], $0xffff;
	v16 =	vadd.f32 v25, v16;
	v25 =	vor.u32 $0xE, v40  }
0x28f: {  	v28 =	vor.u32 $0xF, v38;
	v20 =	vadd.f32 v22, v20;
	v22 =	vmul.f32 v19, v19  }
0x290: {  	v29 =	vor.u32 $0xF, v39;
	v16 =	vadd.f32 v19, v16;
	v19 =	vmul.f32 v21, v21  }
0x291: {  	v10 =	vadd.f32 v21, v10;
	v23 =	vld.idx.msk [tilespmem:v23+s12+$0x0], $0xffff;
	v21 =	vmul.f32 v18, v18;
	v20 =	vadd.f32 v22, v20  }
0x292: {  	v14 =	vadd.f32 v19, v14;
	v16 =	vadd.f32 v18, v16;
	v18 =	vld.idx.msk [tilespmem:v27+s12+$0x0], $0xffff;
	v19 =	vor.u32 $0xF, v37  }
0x293: {  	v10 =	vadd.f32 v26, v10;
	v22 =	vld.idx.msk [tilespmem:v25+s12+$0x0], $0xffff;
	v20 =	vadd.f32 v21, v20;
	v21 =	vmul.f32 v24, v24  }
0x294: {  	v25 =	vmul.f32 v26, v26;
	v26 =	vor.u32 $0xF, v36;
	v16 =	vadd.f32 v24, v16;
	v24 =	vld.idx.msk [tilespmem:v28+s12+$0x0], $0xffff  }
0x295: {  	v27 =	vor.u32 $0xE, v52;
	v10 =	vmul.f32 v10, v10;
	v28 =	vld.idx.msk [tilespmem:v29+s12+$0x0], $0xffff;
	v20 =	vadd.f32 v21, v20  }
0x296: {  	v21 =	vmul.f32 v23, v23;
	v16 =	vadd.f32 v23, v16;
	v23 =	vor.u32 $0xF, v49  }
0x297: {  	v14 =	vadd.f32 v25, v14;
	v49 =	vadd.f32 v12, v8;
	v12 =	vor.u32 $0xF, v50;
	v19 =	vld.idx.msk [tilespmem:v19+s12+$0x0], $0xffff  }
0x298: {  	v20 =	vadd.f32 v21, v20;
	v21 =	vmul.f32 v18, v18;
	v8 =	vadd.f32 v18, v16  }
0x299: {  	v50 =	vsub.f32 v10, v14;
	v14 =	vld.idx.msk [tilespmem:v26+s12+$0x0], $0xffff;
	v18 =	vmul.f32 v24, v24  }
0x29a: {  	v16 =	vld.idx.msk [tilespmem:v27+s12+$0x0], $0xffff;
	v10 =	vadd.f32 v21, v20;
	v8 =	vadd.f32 v22, v8;
	v20 =	vmul.f32 v28, v28  }
0x29b: {  	v21 =	vmul.f32 v22, v22;
	v22 =	vadd.f32 v28, v24;
	v24 =	vor.u32 $0xF, v43;
	v23 =	vld.idx.msk [tilespmem:v23+s12+$0x0], $0xffff  }
0x29c: {  	v25 =	vor.u32 $0xE, v54;
	v18 =	vadd.f32 v20, v18;
	v20 =	vmul.f32 v19, v19  }
0x29d: {  	v12 =	vld.idx.msk [tilespmem:v12+s12+$0x0], $0xffff;
	v10 =	vadd.f32 v21, v10;
	v19 =	vadd.f32 v19, v22;
	v21 =	vor.u32 $0xF, v44  }
0x29e: {  	v22 =	vor.u32 $0xE, v55;
	v18 =	vadd.f32 v20, v18;
	v20 =	vmul.f32 v14, v14  }
0x29f: {  	v26 =	vor.u32 $0xF, v46;
	v14 =	vadd.f32 v14, v19;
	v19 =	vmul.f32 v16, v16  }
0x2a0: {  	v8 =	vadd.f32 v16, v8;
	v16 =	vadd.f32 v20, v18;
	v18 =	vmul.f32 v23, v23;
	v20 =	vld.idx.msk [tilespmem:v24+s12+$0x0], $0xffff  }
0x2a1: {  	v1 =	vand.u32 $0x1FF8, v1;
	v10 =	vadd.f32 v19, v10;
	v14 =	vadd.f32 v23, v14;
	v19 =	vld.idx.msk [tilespmem:v25+s12+$0x0], $0xffff  }
0x2a2: {  	v23 =	vor.u32 $0xF, v42;
	v21 =	vld.idx.msk [tilespmem:v21+s12+$0x0], $0xffff;
	v16 =	vadd.f32 v18, v16;
	v18 =	vmul.f32 v12, v12  }
0x2a3: {  	v1 =	vor.u32 v17, v1;
	v24 =	vand.u32 $0x1FF8, v63;
	v22 =	vld.idx.msk [tilespmem:v22+s12+$0x0], $0xffff;
	v12 =	vadd.f32 v12, v14  }
0x2a4: {  	v25 =	vor.u32 $0xF, v48;
	v16 =	vadd.f32 v18, v16;
	v18 =	vor.u32 v15, v24;
	v24 =	vld.idx.msk [tilespmem:v26+s12+$0x0], $0xffff  }
0x2a5: {  	v14 =	vor.u32 $0xE, v56;
	v12 =	vadd.f32 v20, v12;
	v20 =	vmul.f32 v20, v20  }
0x2a6: {  	v26 =	vor.u32 $0xF, v51;
	v8 =	vadd.f32 v19, v8;
	v19 =	vmul.f32 v19, v19  }
0x2a7: {  	v6 =	vand.u32 $0x1FF8, v6;
	v23 =	vld.idx.msk [tilespmem:v23+s12+$0x0], $0xffff;
	v16 =	vadd.f32 v20, v16;
	v20 =	vmul.f32 v21, v21  }
0x2a8: {  	v1 =	vld.idx.msk [tilespmem:v1+s11+$0x0], $0xffff;
	v10 =	vadd.f32 v19, v10;
	v12 =	vadd.f32 v21, v12;
	v19 =	vor.u32 $0xF, v47  }
0x2a9: {  	v25 =	vld.idx.msk [tilespmem:v25+s12+$0x0], $0xffff;
	v21 =	vmul.f32 v22, v22;
	v16 =	vadd.f32 v20, v16;
	v20 =	vmul.f32 v24, v24  }
0x2aa: {  	v14 =	vld.idx.msk [tilespmem:v14+s12+$0x0], $0xffff;
	v8 =	vadd.f32 v22, v8;
	v22 =	vor.u32 $0xF, v45;
	v12 =	vadd.f32 v24, v12  }
0x2ab: {  	v6 =	vor.u32 v2, v6;
	v10 =	vadd.f32 v21, v10;
	v16 =	vadd.f32 v20, v16;
	v20 =	vld.idx.msk [tilespmem:v26+s12+$0x0], $0xffff  }
0x2ac: {  	v21 =	vmul.f32 v23, v23;
	v12 =	vadd.f32 v23, v12;
	v23 =	vor.u32 $0xF, v41  }
0x2ad: {  	v1 =	vand.u32 $0xF, v1;
	v24 =	vor.u32 $0xF, v40;
	v19 =	vld.idx.msk [tilespmem:v19+s12+$0x0], $0xffff  }
0x2ae: {  	v16 =	vadd.f32 v21, v16;
	v21 =	vmul.f32 v25, v25;
	v12 =	vadd.f32 v25, v12  }
0x2af: {  	v8 =	vadd.f32 v14, v8;
	v14 =	vmul.f32 v14, v14;
	v22 =	vld.idx.msk [tilespmem:v22+s12+$0x0], $0xffff;
	v25 =	vor.u32 $0xF, v52  }
0x2b0: {  	v6 =	vld.idx.msk [tilespmem:v6+s11+$0x0], $0xffff;
	v16 =	vadd.f32 v21, v16;
	v21 =	vmul.f32 v20, v20;
	v12 =	vadd.f32 v20, v12  }
0x2b1: {  	v10 =	vadd.f32 v14, v10;
	v14 =	vor.u32 $0xE, v57;
	v20 =	vld.idx.msk [tilespmem:v23+s12+$0x0], $0xffff;
	v23 =	vor.u32 $0xF, v54  }
0x2b2: {  	v16 =	vadd.f32 v21, v16;
	v21 =	vmul.f32 v19, v19;
	v12 =	vadd.f32 v19, v12  }
0x2b3: {  	v1 =	vor.u32 v60, v1;
	v4 =	vand.u32 $0x1FF8, v4;
	v19 =	vld.idx.msk [tilespmem:v24+s12+$0x0], $0xffff;
	v24 =	vor.u32 $0xF, v55  }
0x2b4: {  	v16 =	vadd.f32 v21, v16;
	v21 =	vmul.f32 v22, v22;
	v12 =	vadd.f32 v22, v12  }
0x2b5: {  	v6 =	vand.u32 $0xF, v6;
	v26 =	vor.u32 $0xF, v56;
	v25 =	vld.idx.msk [tilespmem:v25+s12+$0x0], $0xffff;
	v22 =	vor.u32 $0xE, v58  }
0x2b6: {  	v14 =	vld.idx.msk [tilespmem:v14+s12+$0x0], $0xffff;
	v16 =	vadd.f32 v21, v16;
	v21 =	vmul.f32 v20, v20;
	v12 =	vadd.f32 v20, v12  }
0x2b7: {  	v4 =	vor.u32 v5, v4;
	v27 =	vor.u32 $0xE, v59;
	v20 =	vld.idx.msk [tilespmem:v23+s12+$0x0], $0xffff;
	v23 =	vor.u32 $0xF, v57  }
0x2b8: {  	v18 =	vld.idx.msk [tilespmem:v18+s11+$0x0], $0xffff;
	v16 =	vadd.f32 v21, v16;
	v21 =	vmul.f32 v19, v19;
	v12 =	vadd.f32 v19, v12  }
0x2b9: {  	v6 =	vor.u32 v62, v6;
	v28 =	vor.u32 $0xE, v60;
	v19 =	vld.idx.msk [tilespmem:v24+s12+$0x0], $0xffff;
	v24 =	vor.u32 $0xF, v58  }
0x2ba: {  	v22 =	vld.idx.msk [tilespmem:v22+s12+$0x0], $0xffff;
	v16 =	vadd.f32 v21, v16;
	v21 =	vmul.f32 v25, v25;
	v12 =	vadd.f32 v25, v12  }
0x2bb: {  	v63 =	vor.u32 $0xE, v61;
	v8 =	vadd.f32 v14, v8;
	v14 =	vmul.f32 v14, v14;
	v25 =	vld.idx.msk [tilespmem:v26+s12+$0x0], $0xffff  }
0x2bc: {  	v16 =	vadd.f32 v21, v16;
	v21 =	vmul.f32 v20, v20;
	v12 =	vadd.f32 v20, v12;
	v20 =	vld.idx.msk [tilespmem:v23+s12+$0x0], $0xffff  }
0x2bd: {  	v18 =	vand.u32 $0xF, v18;
	v10 =	vadd.f32 v14, v10;
	v14 =	vor.u32 $0xE, v62;
	v23 =	vld.idx.msk [tilespmem:v27+s12+$0x0], $0xffff  }
0x2be: {  	v26 =	vor.u32 $0xF, v59;
	v16 =	vadd.f32 v21, v16;
	v21 =	vmul.f32 v19, v19  }
0x2bf: {  	v18 =	vor.u32 v59, v18;
	v29 =	vmul.f32 v22, v22;
	v12 =	vadd.f32 v19, v12;
	v19 =	vld.idx.msk [tilespmem:v24+s12+$0x0], $0xffff  }
0x2c0: {  	v24 =	vld.idx.msk [tilespmem:v28+s12+$0x0], $0xffff;
	v8 =	vadd.f32 v22, v8;
	v16 =	vadd.f32 v21, v16;
	v21 =	vmul.f32 v25, v25  }
0x2c1: {  	v4 =	vld.idx.msk [tilespmem:v4+s11+$0x0], $0xffff;
	v27 =	vor.u32 $0xF, v60;
	v12 =	vadd.f32 v25, v12;
	v10 =	vadd.f32 v29, v10  }
0x2c2: {  	v14 =	vld.idx.msk [tilespmem:v14+s12+$0x0], $0xffff;
	v25 =	vmul.f32 v23, v23;
	v16 =	vadd.f32 v21, v16;
	v21 =	vmul.f32 v20, v20  }
0x2c3: {  	v28 =	vor.u32 $0xF, v62;
	v22 =	vld.idx.msk [tilespmem:v26+s12+$0x0], $0xffff;
	v8 =	vadd.f32 v23, v8;
	v12 =	vadd.f32 v20, v12  }
0x2c4: {  	v26 =	vor.u32 $0xF, v61;
	v23 =	vld.idx.msk [tilespmem:v63+s12+$0x0], $0xffff;
	v10 =	vadd.f32 v25, v10;
	v16 =	vadd.f32 v21, v16  }
0x2c5: {  	v1 =	vld.idx.msk [tilespmem:v1+s14+$0x0], $0xffff;
	v21 =	vmul.f32 v19, v19;
	v12 =	vadd.f32 v19, v12;
	v19 =	vmul.f32 v24, v24  }
0x2c6: {  	v4 =	vand.u32 $0xF, v4;
	v20 =	vld.idx.msk [tilespmem:v27+s12+$0x0], $0xffff  }
0x2c7: {  	v6 =	vld.idx.msk [tilespmem:v6+s14+$0x0], $0xffff;
	v4 =	vor.u32 v61, v4;
	v10 =	vadd.f32 v19, v10;
	v19 =	vmul.f32 v14, v14  }
0x2c8: {  	v25 =	vld.idx.msk [tilespmem:v28+s12+$0x0], $0xffff;
	v8 =	vadd.f32 v24, v8;
	v16 =	vadd.f32 v21, v16;
	v21 =	vmul.f32 v22, v22  }
0x2c9: {  	v18 =	vld.idx.msk [tilespmem:v18+s14+$0x0], $0xffff;
	v12 =	vadd.f32 v22, v12;
	v10 =	vadd.f32 v19, v10;
	v19 =	vmul.f32 v23, v23  }
0x2ca: {  	v8 =	vadd.f32 v14, v8;
	v14 =	vadd.f32 v21, v16;
	v21 =	vld.idx.msk [tilespmem:v26+s12+$0x0], $0xffff  }
0x2cb: {  	v16 =	vmul.f32 v20, v20;
	v12 =	vadd.f32 v20, v12;
	v10 =	vadd.f32 v19, v10;
	v19 =	vld [tilespmem:$0x1FEC0]  }
0x2cc: {  	v4 =	vld.idx.msk [tilespmem:v4+s14+$0x0], $0xffff;
	v8 =	vadd.f32 v23, v8  }
0x2cd: {  	v27 =	vmovc v34;
	v34 =	vld [tilespmem:$0x1FFF0];
	v14 =	vadd.f32 v16, v14;
	v16 =	vmul.f32 v25, v25;
	v12 =	vadd.f32 v25, v12  }
0x2ce: {  	v28 =	vmov v33;
	v33 =	vld [tilespmem:$0x1FFD0];
	v8 =	vmul.f32 v8, v8  }
0x2cf: {  	v24 =	vld [tilespmem:$0x1FFE0];
	v14 =	vadd.f32 v16, v14;
	v12 =	vadd.f32 v21, v12;
	v16 =	vmul.f32 v21, v21  }
0x2d0: {  	v22 =	vld [tilespmem:$0x1FFB0];
	v8 =	vsub.f32 v8, v10;
	v18 =	vadd.f32 v18, v19  }
0x2d1: {  	v23 =	vld [tilespmem:$0x1FFC0];
	v19 =	vadd.f32 v50, v49;
	v10 =	vadd.f32 v16, v14;
	v12 =	vmul.f32 v12, v12  }
0x2d2: {  	v26 =	vld [tilespmem:$0x1FFA0];
	v1 =	vadd.f32 v1, v18  }
0x2d3: {  	v20 =	vld [tilespmem:$0x1FF40];
	v8 =	vadd.f32 v8, v19;
	v10 =	vsub.f32 v12, v10  }
0x2d4: {  	v25 =	vld [tilespmem:$0x1FF90]  }
0x2d5: {  	v21 =	vld [tilespmem:$0x1FF50];
	v1 =	vadd.f32 v6, v1;
	v6 =	vadd.f32 v10, v8  }
0x2d6: {  	p0 =	sne.s32 s21, $0xB60;
	v16 =	vld [tilespmem:$0x1FF70]  }
.Ltmp1:
0x2d7: {  	v14 =	vld [tilespmem:$0x1FF60];
	v1 =	vadd.f32 v4, v1;
	v4 =	vmul.f32 $5.000000000e-01, v6;
	(pc) =	sbr.rel @p0 .LBB2_5-.Ltmp1, $4  }
0x2d8: {  	v19 =	vld [tilespmem:$0x1FF80]  }
0x2d9: {  	v18 =	vld [tilespmem:$0x1FF30];
	v1 =	vadd.f32 v4, v1  }
0x2da: {  	v12 =	vld [tilespmem:$0x1FF20]  }
0x2db: {  	s21 =	sadd.s32 $0x1A0, s21;
	v29 =	vmov v30;
	v30 =	vmov v35;
	v35 =	vmov v53;
	v6 =	vld [tilespmem:$0x1FF10];
	[tilespmem:s22+$0x0] =	vst v1;
	s22 =	sadd.s32 $0x10, s22  }
0x2dc: {  	s19 =	sadd.s32 $0x1, s19  }
0x2dd: {  	s20 =	sshrl.u32 s20, $0x3;
	p0 =	sne.s32 s19, $0x4  }
.Ltmp2:
0x2de: {  	s20 =	sadd.s32 s1, s20;
	(pc) =	sbr.rel @p0 .LBB2_2-.Ltmp2, $4  }
0x2df: {  	[hbm4b:s20+s2] =	stream.linear.scatter [tilespmem:s17], [sflag:$0x3], $0x80, $0x38;
	[tilespmem:$0x1CA80] =	vst v63  }
0x2e0: {  	_ =	swait.ge [sflag:s9], $0x80  }
0x2e1: {  	[sflag:s9] =	ssyncset.done $0x0  }
0x2e2: {  	[sflag:s9] =	ssyncadd.s32 $0xFFFFFF80  }
0x2e3: {  	s18 =	sadd.s32 $0x1, s18  }
0x2e4: {  	p0 =	sne.s32 s18, s8  }
.Ltmp3:
0x2e5: {  	_ = 	snop;
	(pc) =	sbr.rel @p0 .LBB2_1-.Ltmp3, $1  }
0x2e6: {  	_ =	sdelay $0x3  }
0x2e7: {  	_ =	sfence.sel $0x180000  }
0x2e8: {  	[bflag:$0x0] =	sbarrier.arrive $0xFFFF  }
0x2e9: {  	p0 =	sne.s32 s5, $0x0;
	_ =	strace $0x90000047  }
0x2ea: {  	s0 =	sadd.s32 @!p0 $0x100000, s0;
	[bflag:$0x2] =	sbarrier.arrive $0xFFFF  }
0x2eb: {  	[sflag:s0] =	ssyncadd.tile.s32 @!p0 $0x1;
	_ =	shalt  }
.Lfunc_end2:
_tile_overlayer_lowered:
.L_overlay_start_2:
0x2ec: {  	(tag) =	ssettag $0x2  }
0x2ed: {  	s0 =	rddreg [dreg:$0x0];
	s2 =	stileid.u32  }
0x2ee: {  	s1 =	rddreg [dreg:$0x1];
	p0 =	sne.s32 s2, $0x0  }
0x2ef: {  	s3 =	rddreg [dreg:$0x2];
	[bflag:$0x3] =	sbarrier.arrive $0xFFFF;
	s2 =	simm.s32 @!p0 $0x1C03  }
0x2f0: {  	[timem:s3], [sflag:s2] =	dma.local @!p0 [hbm:s0], s1  }
0x2f1: {  	s0 =	simm.s32 @!p0 $0x3  }
0x2f2: {  	_ =	swait.ge @!p0 [sflag:s0], s1  }
0x2f3: {  	s1 =	ssub.s32 @!p0 $0x0, s1;
	[sflag:s0] =	ssyncset.done @!p0 $0x0  }
0x2f4: {  	[sflag:s0] =	ssyncadd.s32 @!p0 s1  }
0x2f5: {  	[bflag:$0x3] =	sbarrier.arrive $0xFFFF  }
0x2f6: {  	_ =	shalt  }

</sc_bundles>
